<compile_context>
chip_gen: v7x
topology: tpu7x:2x2x1
jax: 0.10.2.dev20260603
libtpu: 0.0.44.dev20260713+nightly
codegen_flags: <defaults>
</compile_context>

<pallas_src>
import functools

import jax
import jax.numpy as jnp
from jax import lax
from jax.experimental import pallas as pl
from jax.experimental.pallas import tpu as pltpu
from jax.experimental.pallas import tpu_sc as plsc

S = 7
NB = 2
NC = 80
LC = 5.0
LN = 0.5
BS = 128
CELLS = S * S
ROWS = BS * CELLS
NSLOT = float(BS * CELLS * NB)
NW = 8


def _tc1_body(pr_ref, bx_ref, lb_ref, tbl_ref, s0_ref, gb_ref):
    pr = pr_ref[...]
    bx = bx_ref[...]
    x1, y1, x2, y2 = bx[:, :, 0], bx[:, :, 1], bx[:, :, 2], bx[:, :, 3]
    cx = (x1 + x2) * 0.5
    cy = (y1 + y2) * 0.5
    sw = jnp.sqrt(jnp.maximum(x2 - x1, 1e-6))
    sh = jnp.sqrt(jnp.maximum(y2 - y1, 1e-6))
    gxf = cx * float(S)
    gyf = cy * float(S)
    gif = jnp.clip(jnp.floor(gxf), 0.0, float(S - 1))
    gjf = jnp.clip(jnp.floor(gyf), 0.0, float(S - 1))
    cellf = gjf * float(S) + gif
    labf = lb_ref[...].astype(jnp.float32)
    padgb = jnp.zeros((BS, 8), jnp.float32)
    gb_ref[...] = jnp.concatenate(
        [x1, y1, x2, y2, sw, sh, gif, gjf, gxf - gif, gyf - gjf, cellf,
         labf, padgb], axis=-1)
    logits = pr[:, NB * 5:]
    m = jnp.max(logits, axis=-1, keepdims=True)
    e = jnp.exp(logits - m)
    p = e / jnp.sum(e, axis=-1, keepdims=True)
    q = jnp.sum(p * p, axis=-1, keepdims=True)
    box = pr[:, :NB * 5]
    sig = 1.0 / (1.0 + jnp.exp(-box))
    col = lax.broadcasted_iota(jnp.int32, (ROWS, NB * 5), 1)
    is_raw = (col == 2) | (col == 3) | (col == 7) | (col == 8)
    mid = jnp.where(is_raw, box, sig)
    pad = jnp.zeros((ROWS, 37), jnp.float32)
    tbl_ref[...] = jnp.concatenate([p, mid, q, pad], axis=-1)
    s0 = jnp.sum(sig[:, 4] ** 2) + jnp.sum(sig[:, 9] ** 2)
    s0_ref[...] = jnp.broadcast_to(jnp.reshape(s0, (1, 1)), (1, 128))


def _iou16(ax1, ay1, ax2, ay2, bx1, by1, bx2, by2):
    ix1 = jnp.maximum(ax1, bx1)
    iy1 = jnp.maximum(ay1, by1)
    ix2 = jnp.minimum(ax2, bx2)
    iy2 = jnp.minimum(ay2, by2)
    inter = jnp.maximum(ix2 - ix1, 0.0) * jnp.maximum(iy2 - iy1, 0.0)
    aa = jnp.maximum(ax2 - ax1, 0.0) * jnp.maximum(ay2 - ay1, 0.0)
    ab = jnp.maximum(bx2 - bx1, 0.0) * jnp.maximum(by2 - by1, 0.0)
    return inter / (aa + ab - inter + 1e-9)


def _sc_body(tbl_hbm, gb_hbm, out_hbm,
             gb_v, idx0_v, idx1_v, rows0_v, rows1_v,
             outv, sem):
    w = lax.axis_index("s")

    @pl.when(w < NW)
    def _():
        b0 = w * 16
        pltpu.sync_copy(gb_hbm, gb_v)
        lane = lax.iota(jnp.int32, 16)
        bl = b0 + lane
        fc = lambda c: jnp.full((16,), c, jnp.int32)

        geom = []
        labs = []
        for i in range(10):
            gbg = lambda q: plsc.load_gather(gb_v, [bl, fc(q * 10 + i)])
            x1, y1, x2, y2 = gbg(0), gbg(1), gbg(2), gbg(3)
            sw, sh = gbg(4), gbg(5)
            gif, gjf = gbg(6), gbg(7)
            txh, tyh = gbg(8), gbg(9)
            cell = gbg(10).astype(jnp.int32)
            row = bl * CELLS + cell
            if i < 5:
                idx0_v[pl.ds(i * 16, 16)] = row
            else:
                idx1_v[pl.ds((i - 5) * 16, 16)] = row
            geom.append((x1, y1, x2, y2, sw, sh, gif, gjf, txh, tyh, cell))
            labs.append(gbg(11).astype(jnp.int32))

        cp0 = pltpu.async_copy(tbl_hbm.at[idx0_v], rows0_v, sem)
        cp1 = pltpu.async_copy(tbl_hbm.at[idx1_v], rows1_v, sem)
        cp0.wait()
        cp1.wait()

        slotkeys, clskeys, cellkeys = [], [], []
        a_l, c_l, q_l, p_l = [], [], [], []
        for i in range(10):
            x1, y1, x2, y2, sw, sh, gif, gjf, txh, tyh, cell = geom[i]
            rv = rows0_v if i < 5 else rows1_v
            r = (i % 5) * 16 + lane

            def gat(ci, _rv=rv, _r=r):
                return plsc.load_gather(_rv, [_r, ci])

            stx0, sty0 = gat(fc(80)), gat(fc(81))
            tw0, th0, sto0 = gat(fc(82)), gat(fc(83)), gat(fc(84))
            stx1, sty1 = gat(fc(85)), gat(fc(86))
            tw1, th1, sto1 = gat(fc(87)), gat(fc(88)), gat(fc(89))
            qv = gat(fc(90))
            pv = gat(labs[i])

            px0 = (stx0 + gif) / float(S)
            py0 = (sty0 + gjf) / float(S)
            pw0 = tw0 * tw0
            ph0 = th0 * th0
            iou0 = _iou16(px0 - 0.5 * pw0, py0 - 0.5 * ph0,
                          px0 + 0.5 * pw0, py0 + 0.5 * ph0, x1, y1, x2, y2)
            px1 = (stx1 + gif) / float(S)
            py1 = (sty1 + gjf) / float(S)
            pw1 = tw1 * tw1
            ph1 = th1 * th1
            iou1 = _iou16(px1 - 0.5 * pw1, py1 - 0.5 * ph1,
                          px1 + 0.5 * pw1, py1 + 0.5 * ph1, x1, y1, x2, y2)

            best = iou1 > iou0
            conf = jnp.where(best, iou1, iou0)
            stx = jnp.where(best, stx1, stx0)
            sty = jnp.where(best, sty1, sty0)
            tw = jnp.where(best, tw1, tw0)
            th = jnp.where(best, th1, th0)
            sto = jnp.where(best, sto1, sto0)

            slotkeys.append(cell * NB + best.astype(jnp.int32))
            clskeys.append(cell * NC + labs[i])
            cellkeys.append(cell)
            sq = lambda t: t * t
            a_l.append(sq(sto - conf)
                       + LC * (sq(stx - txh) + sq(sty - tyh)
                               + sq(tw - sw) + sq(th - sh)))
            c_l.append(sto * sto)
            q_l.append(qv)
            p_l.append(pv)

        ones = jnp.ones((16,), jnp.float32)
        zeros = jnp.zeros((16,), jnp.float32)

        def allmask(terms):
            if not terms:
                return ones
            m = terms[0]
            for t in terms[1:]:
                m = m & t
            return jnp.where(m, 1.0, 0.0)

        acc = [zeros] * 7
        for i in range(10):
            win = allmask([slotkeys[j] != slotkeys[i] for j in range(i + 1, 10)])
            fcls = allmask([clskeys[j] != clskeys[i] for j in range(i)])
            fcell = allmask([cellkeys[j] != cellkeys[i] for j in range(i)])
            acc[0] = acc[0] + win
            acc[1] = acc[1] + win * a_l[i]
            acc[2] = acc[2] + win * c_l[i]
            acc[3] = acc[3] + fcell
            acc[4] = acc[4] + fcell * q_l[i]
            acc[5] = acc[5] + fcls
            acc[6] = acc[6] + fcls * p_l[i]

        for k in range(7):
            outv[k, :] = acc[k]
        outv[7, :] = zeros
        pltpu.sync_copy(outv, out_hbm.at[w])


def _tc2_body(part_ref, s0_ref, out_ref):
    p = part_ref[...]
    rowq = lax.broadcasted_iota(jnp.int32, (NW, 8, 16), 1)

    def tot(qi):
        return jnp.sum(jnp.where(rowq == qi, p, 0.0))

    npos, a, c, ncell, qs, kcnt, ps = (tot(i) for i in range(7))
    s0 = s0_ref[0, 0]
    n_pos = jnp.maximum(npos, 1.0)
    n_neg = jnp.maximum(NSLOT - npos, 1.0)
    n_cell = jnp.maximum(ncell, 1.0)
    out_ref[...] = jnp.reshape(a / n_pos + LN * (s0 - c) / n_neg
                               + (qs + kcnt - 2.0 * ps) / n_cell, (1, 1))


def _make_sc():
    mesh = plsc.VectorSubcoreMesh(core_axis_name="c", subcore_axis_name="s",
                                  num_cores=1)
    return functools.partial(
        pl.kernel,
        mesh=mesh,
        compiler_params=pltpu.CompilerParams(needs_layout_passes=False),
        out_type=jax.ShapeDtypeStruct((NW, 8, 16), jnp.float32),
        scratch_types=[
            pltpu.VMEM((BS, 128), jnp.float32),
            pltpu.VMEM((80,), jnp.int32),
            pltpu.VMEM((80,), jnp.int32),
            pltpu.VMEM((80, 128), jnp.float32),
            pltpu.VMEM((80, 128), jnp.float32),
            pltpu.VMEM((8, 16), jnp.float32),
            pltpu.SemaphoreType.DMA,
        ],
    )(_sc_body)


def kernel(preds, boxes, labels):
    tbl, s0, gb = pl.pallas_call(
        _tc1_body,
        out_shape=(jax.ShapeDtypeStruct((ROWS, 128), jnp.float32),
                   jax.ShapeDtypeStruct((1, 128), jnp.float32),
                   jax.ShapeDtypeStruct((BS, 128), jnp.float32)),
    )(preds.reshape(ROWS, 90), boxes, labels)

    part = _make_sc()(tbl, gb)

    total = pl.pallas_call(
        _tc2_body,
        out_shape=jax.ShapeDtypeStruct((1, 1), jnp.float32),
    )(part, s0)
    return total.reshape(())

# --- scband reference (transcript-rebuilt; emitter-appended) ---
"""Pipeline reference for scband-yolov1-loss-26319559590103 (READ-ONLY COPY).

The authoritative reference and input builder live on the scoring server;
editing this copy changes nothing except your own understanding.
"""

import jax, jax.numpy as jnp
import numpy as np

S = 7
NB = 2
NC = 80
LC = 5.0
LN = 0.5


def _sigmoid(x):
    return 1.0 / (1.0 + jnp.exp(-x))


def _iou(a, b):
    # a: [bs,NB,4] xyxy, b: [bs,4] xyxy
    ix1 = jnp.maximum(a[..., 0], b[:, None, 0]); iy1 = jnp.maximum(a[..., 1], b[:, None, 1])
    ix2 = jnp.minimum(a[..., 2], b[:, None, 2]); iy2 = jnp.minimum(a[..., 3], b[:, None, 3])
    iw = jnp.clip(ix2 - ix1, 0.0, None); ih = jnp.clip(iy2 - iy1, 0.0, None)
    inter = iw * ih
    aa = jnp.clip(a[..., 2] - a[..., 0], 0.0, None) * jnp.clip(a[..., 3] - a[..., 1], 0.0, None)
    ab = jnp.clip(b[:, 2] - b[:, 0], 0.0, None) * jnp.clip(b[:, 3] - b[:, 1], 0.0, None)
    return inter / (aa + ab[:, None] - inter + 1e-9)


def _build_targets(preds, boxes, labels):
    # Target assignment is detached from the graph in the torch original
    # (argmax best-box selection, ious.detach()), so detach here.
    preds = jax.lax.stop_gradient(preds)
    boxes = jax.lax.stop_gradient(boxes)
    bs = preds.shape[0]
    pb = preds[..., :NB * 5].reshape(bs, S, S, NB, 5)
    coord_t = jnp.zeros((bs, S, S, NB, 4), jnp.float32)
    conf_t = jnp.zeros((bs, S, S, NB), jnp.float32)
    obj = jnp.zeros((bs, S, S, NB), bool)
    cls_t = jnp.zeros((bs, S, S, NC), jnp.float32)
    x1, y1, x2, y2 = boxes[..., 0], boxes[..., 1], boxes[..., 2], boxes[..., 3]
    cx = (x1 + x2) * 0.5; cy = (y1 + y2) * 0.5
    w = jnp.clip(x2 - x1, 1e-6, None); h = jnp.clip(y2 - y1, 1e-6, None)
    sw = jnp.sqrt(w); sh = jnp.sqrt(h)
    gx = jnp.clip(jnp.floor(cx * S), 0, S - 1).astype(jnp.int32)
    gy = jnp.clip(jnp.floor(cy * S), 0, S - 1).astype(jnp.int32)
    barange = jnp.arange(bs)
    for i in range(boxes.shape[1]):
        gi = gx[:, i]; gj = gy[:, i]
        cp = pb[barange, gj, gi]
        px = (_sigmoid(cp[..., 0]) + gi[:, None]) / S
        py = (_sigmoid(cp[..., 1]) + gj[:, None]) / S
        pw = cp[..., 2] ** 2; ph = cp[..., 3] ** 2
        pxyxy = jnp.stack([px - 0.5 * pw, py - 0.5 * ph, px + 0.5 * pw, py + 0.5 * ph], axis=-1)
        ious = _iou(pxyxy, boxes[:, i])
        best = jnp.argmax(ious, axis=-1)
        best_iou = jnp.take_along_axis(ious, best[:, None], axis=1)[:, 0]
        obj = obj.at[barange, gj, gi, best].set(True)
        conf_t = conf_t.at[barange, gj, gi, best].set(best_iou)
        coord_vals = jnp.stack([cx[:, i] * S - gi, cy[:, i] * S - gj, sw[:, i], sh[:, i]], axis=-1)
        coord_t = coord_t.at[barange, gj, gi, best].set(coord_vals)
        cls_t = cls_t.at[barange, gj, gi, labels[:, i]].set(1.0)
    return coord_t, conf_t, obj, cls_t


def _loss(preds, coord_t, conf_t, obj, cls_t):
    bs = preds.shape[0]
    pred_cls = preds[..., NB * 5:]
    pb = preds[..., :NB * 5].reshape(bs, S, S, NB, 5)
    tx, ty, tw, th, to = pb[..., 0], pb[..., 1], pb[..., 2], pb[..., 3], pb[..., 4]
    pos = jnp.asarray(obj, jnp.float32)
    neg = 1.0 - pos
    cell = jnp.any(jnp.asarray(obj), axis=-1).astype(jnp.float32)
    n_pos = jnp.maximum(jnp.sum(pos), 1.0)
    n_neg = jnp.maximum(jnp.sum(neg), 1.0)
    n_cell = jnp.maximum(jnp.sum(cell), 1.0)
    lx = jnp.sum(pos * (jax.nn.sigmoid(tx) - coord_t[..., 0]) ** 2)
    ly = jnp.sum(pos * (jax.nn.sigmoid(ty) - coord_t[..., 1]) ** 2)
    lw = jnp.sum(pos * (tw - coord_t[..., 2]) ** 2)
    lh = jnp.sum(pos * (th - coord_t[..., 3]) ** 2)
    loss_coord = LC * (lx + ly + lw + lh) / n_pos
    loss_obj = jnp.sum(pos * (jax.nn.sigmoid(to) - conf_t) ** 2) / n_pos
    loss_noobj = LN * jnp.sum(neg * (jax.nn.sigmoid(to) - conf_t) ** 2) / n_neg
    cls_pred = jax.nn.softmax(pred_cls, axis=-1)
    loss_cls = jnp.sum(cell[..., None] * (cls_pred - cls_t) ** 2) / n_cell
    return loss_coord + loss_obj + loss_noobj + loss_cls


def setup_inputs(seed: int = 0) -> dict:
    key = jax.random.key(seed)
    k1, k2, k3 = jax.random.split(key, 3)
    preds = jax.random.normal(k1, (128, 7, 7, 90), dtype=jnp.float32)
    p = jax.random.uniform(k2, (128, 10, 4), dtype=jnp.float32)
    p1 = jnp.minimum(p[..., :2], p[..., 2:])
    p2 = jnp.maximum(p[..., :2], p[..., 2:])
    boxes = jnp.concatenate([p1, p2], axis=-1)
    labels = jax.random.randint(k3, (128, 10), 0, 80)
    return {"preds": preds, "boxes": boxes, "labels": labels}


def reference(preds, boxes, labels):
    coord_t, conf_t, obj, cls_t = _build_targets(preds, boxes, labels)
    total = _loss(jnp.asarray(preds), jnp.asarray(coord_t), jnp.asarray(conf_t), obj, jnp.asarray(cls_t))
    return total

if __name__ == "__main__":
    import jax
    _d = setup_inputs()
    print(jax.jit(kernel)(*tuple(_d.values())))

</pallas_src>

<mosaic_0001>
#map = affine_map<(d0, d1) -> (0, 0)>
#map1 = affine_map<(d0, d1) -> (0, 0, 0)>
module attributes {stable_mosaic.version = 14 : i64} {
  func.func @_sc_body(%arg0: i32, %arg1: i32, %arg2: memref<6272x128xf32, #tpu.memory_space<hbm>>, %arg3: memref<128x128xf32, #tpu.memory_space<hbm>>, %arg4: memref<8x8x16xf32, #tpu.memory_space<hbm>>, %arg5: memref<128x128xf32, #tpu.memory_space<vmem>>, %arg6: memref<80xi32, #tpu.memory_space<vmem>>, %arg7: memref<80xi32, #tpu.memory_space<vmem>>, %arg8: memref<80x128xf32, #tpu.memory_space<vmem>>, %arg9: memref<80x128xf32, #tpu.memory_space<vmem>>, %arg10: memref<8x16xf32, #tpu.memory_space<vmem>>, %arg11: memref<!tpu.dma_semaphore, #tpu.memory_space<semaphore_mem>>) attributes {dimension_semantics = [#tpu.dimension_semantics<core_parallel>, #tpu.dimension_semantics<subcore_parallel>], iteration_bounds = array<i64: 1, 16>, scalar_prefetch = 0 : i64, scratch_operands = 7 : i64, tpu.core_type = #tpu.core_type<sc_vector_subcore>, window_params = [{transform_indices = #map}, {transform_indices = #map}, {transform_indices = #map1}]} {
    %lt3A = arith.constant 8 : i32
    %lt3A_0 = arith.cmpi slt, %arg1, %lt3A : i32
    %convert_element_type3A = arith.extui %lt3A_0 : i1 to i32
    %cond3A = arith.constant 0 : i32
    %cond3A_1 = arith.cmpi ne, %convert_element_type3A, %cond3A : i32
    scf.if %cond3A_1 {
      %mul3A = arith.constant 16 : i32
      %mul3A_2 = arith.muli %arg1, %mul3A : i32
      "tpu.region"() ({
        %run_scoped3A = tpu.sem_alloc : memref<!tpu.dma_semaphore, #tpu.memory_space<semaphore_mem>>
        tpu.enqueue_dma source(%arg3 : memref<128x128xf32, #tpu.memory_space<hbm>>) target(%arg5 : memref<128x128xf32, #tpu.memory_space<vmem>>) target_semaphore(%run_scoped3A : memref<!tpu.dma_semaphore, #tpu.memory_space<semaphore_mem>>)
        tpu.wait_dma2 semaphore(%run_scoped3A : memref<!tpu.dma_semaphore, #tpu.memory_space<semaphore_mem>>) src(%arg3 : memref<128x128xf32, #tpu.memory_space<hbm>>) dst(%arg5 : memref<128x128xf32, #tpu.memory_space<vmem>>)
        tpu.yield
      }) : () -> ()
      %iota3A = tpu.iota {dimensions = array<i32: 0>} : vector<16xi32>
      %add3A = vector.broadcast %mul3A_2 : i32 to vector<16xi32>
      %add3A_3 = arith.addi %add3A, %iota3A : vector<16xi32>
      %broadcast_in_dim3A = arith.constant 0 : i32
      %broadcast_in_dim3A_4 = vector.broadcast %broadcast_in_dim3A : i32 to vector<16xi32>
      %gather3A = tpu.vector_load_idx %arg5[%add3A_3, %broadcast_in_dim3A_4] : memref<128x128xf32, #tpu.memory_space<vmem>>[vector<16xi32>, vector<16xi32>], vector<16xf32>,
      %broadcast_in_dim3A_5 = arith.constant 10 : i32
      %broadcast_in_dim3A_6 = vector.broadcast %broadcast_in_dim3A_5 : i32 to vector<16xi32>
      %gather3A_7 = tpu.vector_load_idx %arg5[%add3A_3, %broadcast_in_dim3A_6] : memref<128x128xf32, #tpu.memory_space<vmem>>[vector<16xi32>, vector<16xi32>], vector<16xf32>,
      %broadcast_in_dim3A_8 = arith.constant 20 : i32
      %broadcast_in_dim3A_9 = vector.broadcast %broadcast_in_dim3A_8 : i32 to vector<16xi32>
      %gather3A_10 = tpu.vector_load_idx %arg5[%add3A_3, %broadcast_in_dim3A_9] : memref<128x128xf32, #tpu.memory_space<vmem>>[vector<16xi32>, vector<16xi32>], vector<16xf32>,
      %broadcast_in_dim3A_11 = arith.constant 30 : i32
      %broadcast_in_dim3A_12 = vector.broadcast %broadcast_in_dim3A_11 : i32 to vector<16xi32>
      %gather3A_13 = tpu.vector_load_idx %arg5[%add3A_3, %broadcast_in_dim3A_12] : memref<128x128xf32, #tpu.memory_space<vmem>>[vector<16xi32>, vector<16xi32>], vector<16xf32>,
      %broadcast_in_dim3A_14 = arith.constant 40 : i32
      %broadcast_in_dim3A_15 = vector.broadcast %broadcast_in_dim3A_14 : i32 to vector<16xi32>
      %gather3A_16 = tpu.vector_load_idx %arg5[%add3A_3, %broadcast_in_dim3A_15] : memref<128x128xf32, #tpu.memory_space<vmem>>[vector<16xi32>, vector<16xi32>], vector<16xf32>,
      %broadcast_in_dim3A_17 = arith.constant 50 : i32
      %broadcast_in_dim3A_18 = vector.broadcast %broadcast_in_dim3A_17 : i32 to vector<16xi32>
      %gather3A_19 = tpu.vector_load_idx %arg5[%add3A_3, %broadcast_in_dim3A_18] : memref<128x128xf32, #tpu.memory_space<vmem>>[vector<16xi32>, vector<16xi32>], vector<16xf32>,
      %broadcast_in_dim3A_20 = arith.constant 60 : i32
      %broadcast_in_dim3A_21 = vector.broadcast %broadcast_in_dim3A_20 : i32 to vector<16xi32>
      %gather3A_22 = tpu.vector_load_idx %arg5[%add3A_3, %broadcast_in_dim3A_21] : memref<128x128xf32, #tpu.memory_space<vmem>>[vector<16xi32>, vector<16xi32>], vector<16xf32>,
      %broadcast_in_dim3A_23 = arith.constant 70 : i32
      %broadcast_in_dim3A_24 = vector.broadcast %broadcast_in_dim3A_23 : i32 to vector<16xi32>
      %gather3A_25 = tpu.vector_load_idx %arg5[%add3A_3, %broadcast_in_dim3A_24] : memref<128x128xf32, #tpu.memory_space<vmem>>[vector<16xi32>, vector<16xi32>], vector<16xf32>,
      %broadcast_in_dim3A_26 = arith.constant 80 : i32
      %broadcast_in_dim3A_27 = vector.broadcast %broadcast_in_dim3A_26 : i32 to vector<16xi32>
      %gather3A_28 = tpu.vector_load_idx %arg5[%add3A_3, %broadcast_in_dim3A_27] : memref<128x128xf32, #tpu.memory_space<vmem>>[vector<16xi32>, vector<16xi32>], vector<16xf32>,
      %broadcast_in_dim3A_29 = arith.constant 90 : i32
      %broadcast_in_dim3A_30 = vector.broadcast %broadcast_in_dim3A_29 : i32 to vector<16xi32>
      %gather3A_31 = tpu.vector_load_idx %arg5[%add3A_3, %broadcast_in_dim3A_30] : memref<128x128xf32, #tpu.memory_space<vmem>>[vector<16xi32>, vector<16xi32>], vector<16xf32>,
      %broadcast_in_dim3A_32 = arith.constant 100 : i32
      %broadcast_in_dim3A_33 = vector.broadcast %broadcast_in_dim3A_32 : i32 to vector<16xi32>
      %gather3A_34 = tpu.vector_load_idx %arg5[%add3A_3, %broadcast_in_dim3A_33] : memref<128x128xf32, #tpu.memory_space<vmem>>[vector<16xi32>, vector<16xi32>], vector<16xf32>,
      %convert_element_type3A_35 = arith.fptosi %gather3A_34 : vector<16xf32> to vector<16xi32>
      %mul3A_36 = arith.constant 49 : i32
      %mul3A_37 = vector.broadcast %mul3A_36 : i32 to vector<16xi32>
      %mul3A_38 = arith.muli %add3A_3, %mul3A_37 : vector<16xi32>
      %add3A_39 = arith.addi %mul3A_38, %convert_element_type3A_35 : vector<16xi32>
      %swap3A = arith.constant 0 : index
      %swap3A_40 = tpu.vector_load %arg6[%swap3A] {strides = array<i32>} : memref<80xi32, #tpu.memory_space<vmem>>, vector<16xi32>,
      tpu.vector_store %arg6[%swap3A], %add3A_39 {strides = array<i32>} : memref<80xi32, #tpu.memory_space<vmem>>, vector<16xi32>,
      %broadcast_in_dim3A_41 = arith.constant 110 : i32
      %broadcast_in_dim3A_42 = vector.broadcast %broadcast_in_dim3A_41 : i32 to vector<16xi32>
      %gather3A_43 = tpu.vector_load_idx %arg5[%add3A_3, %broadcast_in_dim3A_42] : memref<128x128xf32, #tpu.memory_space<vmem>>[vector<16xi32>, vector<16xi32>], vector<16xf32>,
      %convert_element_type3A_44 = arith.fptosi %gather3A_43 : vector<16xf32> to vector<16xi32>
      %broadcast_in_dim3A_45 = arith.constant 1 : i32
      %broadcast_in_dim3A_46 = vector.broadcast %broadcast_in_dim3A_45 : i32 to vector<16xi32>
      %gather3A_47 = tpu.vector_load_idx %arg5[%add3A_3, %broadcast_in_dim3A_46] : memref<128x128xf32, #tpu.memory_space<vmem>>[vector<16xi32>, vector<16xi32>], vector<16xf32>,
      %broadcast_in_dim3A_48 = arith.constant 11 : i32
      %broadcast_in_dim3A_49 = vector.broadcast %broadcast_in_dim3A_48 : i32 to vector<16xi32>
      %gather3A_50 = tpu.vector_load_idx %arg5[%add3A_3, %broadcast_in_dim3A_49] : memref<128x128xf32, #tpu.memory_space<vmem>>[vector<16xi32>, vector<16xi32>], vector<16xf32>,
      %broadcast_in_dim3A_51 = arith.constant 21 : i32
      %broadcast_in_dim3A_52 = vector.broadcast %broadcast_in_dim3A_51 : i32 to vector<16xi32>
      %gather3A_53 = tpu.vector_load_idx %arg5[%add3A_3, %broadcast_in_dim3A_52] : memref<128x128xf32, #tpu.memory_space<vmem>>[vector<16xi32>, vector<16xi32>], vector<16xf32>,
      %broadcast_in_dim3A_54 = arith.constant 31 : i32
      %broadcast_in_dim3A_55 = vector.broadcast %broadcast_in_dim3A_54 : i32 to vector<16xi32>
      %gather3A_56 = tpu.vector_load_idx %arg5[%add3A_3, %broadcast_in_dim3A_55] : memref<128x128xf32, #tpu.memory_space<vmem>>[vector<16xi32>, vector<16xi32>], vector<16xf32>,
      %broadcast_in_dim3A_57 = arith.constant 41 : i32
      %broadcast_in_dim3A_58 = vector.broadcast %broadcast_in_dim3A_57 : i32 to vector<16xi32>
      %gather3A_59 = tpu.vector_load_idx %arg5[%add3A_3, %broadcast_in_dim3A_58] : memref<128x128xf32, #tpu.memory_space<vmem>>[vector<16xi32>, vector<16xi32>], vector<16xf32>,
      %broadcast_in_dim3A_60 = arith.constant 51 : i32
      %broadcast_in_dim3A_61 = vector.broadcast %broadcast_in_dim3A_60 : i32 to vector<16xi32>
      %gather3A_62 = tpu.vector_load_idx %arg5[%add3A_3, %broadcast_in_dim3A_61] : memref<128x128xf32, #tpu.memory_space<vmem>>[vector<16xi32>, vector<16xi32>], vector<16xf32>,
      %broadcast_in_dim3A_63 = arith.constant 61 : i32
      %broadcast_in_dim3A_64 = vector.broadcast %broadcast_in_dim3A_63 : i32 to vector<16xi32>
      %gather3A_65 = tpu.vector_load_idx %arg5[%add3A_3, %broadcast_in_dim3A_64] : memref<128x128xf32, #tpu.memory_space<vmem>>[vector<16xi32>, vector<16xi32>], vector<16xf32>,
      %broadcast_in_dim3A_66 = arith.constant 71 : i32
      %broadcast_in_dim3A_67 = vector.broadcast %broadcast_in_dim3A_66 : i32 to vector<16xi32>
      %gather3A_68 = tpu.vector_load_idx %arg5[%add3A_3, %broadcast_in_dim3A_67] : memref<128x128xf32, #tpu.memory_space<vmem>>[vector<16xi32>, vector<16xi32>], vector<16xf32>,
      %broadcast_in_dim3A_69 = arith.constant 81 : i32
      %broadcast_in_dim3A_70 = vector.broadcast %broadcast_in_dim3A_69 : i32 to vector<16xi32>
      %gather3A_71 = tpu.vector_load_idx %arg5[%add3A_3, %broadcast_in_dim3A_70] : memref<128x128xf32, #tpu.memory_space<vmem>>[vector<16xi32>, vector<16xi32>], vector<16xf32>,
      %broadcast_in_dim3A_72 = arith.constant 91 : i32
      %broadcast_in_dim3A_73 = vector.broadcast %broadcast_in_dim3A_72 : i32 to vector<16xi32>
      %gather3A_74 = tpu.vector_load_idx %arg5[%add3A_3, %broadcast_in_dim3A_73] : memref<128x128xf32, #tpu.memory_space<vmem>>[vector<16xi32>, vector<16xi32>], vector<16xf32>,
      %broadcast_in_dim3A_75 = arith.constant 101 : i32
      %broadcast_in_dim3A_76 = vector.broadcast %broadcast_in_dim3A_75 : i32 to vector<16xi32>
      %gather3A_77 = tpu.vector_load_idx %arg5[%add3A_3, %broadcast_in_dim3A_76] : memref<128x128xf32, #tpu.memory_space<vmem>>[vector<16xi32>, vector<16xi32>], vector<16xf32>,
      %convert_element_type3A_78 = arith.fptosi %gather3A_77 : vector<16xf32> to vector<16xi32>
      %mul3A_79 = arith.constant 49 : i32
      %mul3A_80 = vector.broadcast %mul3A_79 : i32 to vector<16xi32>
      %mul3A_81 = arith.muli %add3A_3, %mul3A_80 : vector<16xi32>
      %add3A_82 = arith.addi %mul3A_81, %convert_element_type3A_78 : vector<16xi32>
      %swap3A_83 = arith.constant 16 : index
      %swap3A_84 = tpu.vector_load %arg6[%swap3A_83] {strides = array<i32>} : memref<80xi32, #tpu.memory_space<vmem>>, vector<16xi32>,
      tpu.vector_store %arg6[%swap3A_83], %add3A_82 {strides = array<i32>} : memref<80xi32, #tpu.memory_space<vmem>>, vector<16xi32>,
      %broadcast_in_dim3A_85 = arith.constant 111 : i32
      %broadcast_in_dim3A_86 = vector.broadcast %broadcast_in_dim3A_85 : i32 to vector<16xi32>
      %gather3A_87 = tpu.vector_load_idx %arg5[%add3A_3, %broadcast_in_dim3A_86] : memref<128x128xf32, #tpu.memory_space<vmem>>[vector<16xi32>, vector<16xi32>], vector<16xf32>,
      %convert_element_type3A_88 = arith.fptosi %gather3A_87 : vector<16xf32> to vector<16xi32>
      %broadcast_in_dim3A_89 = arith.constant 2 : i32
      %broadcast_in_dim3A_90 = vector.broadcast %broadcast_in_dim3A_89 : i32 to vector<16xi32>
      %gather3A_91 = tpu.vector_load_idx %arg5[%add3A_3, %broadcast_in_dim3A_90] : memref<128x128xf32, #tpu.memory_space<vmem>>[vector<16xi32>, vector<16xi32>], vector<16xf32>,
      %broadcast_in_dim3A_92 = arith.constant 12 : i32
      %broadcast_in_dim3A_93 = vector.broadcast %broadcast_in_dim3A_92 : i32 to vector<16xi32>
      %gather3A_94 = tpu.vector_load_idx %arg5[%add3A_3, %broadcast_in_dim3A_93] : memref<128x128xf32, #tpu.memory_space<vmem>>[vector<16xi32>, vector<16xi32>], vector<16xf32>,
      %broadcast_in_dim3A_95 = arith.constant 22 : i32
      %broadcast_in_dim3A_96 = vector.broadcast %broadcast_in_dim3A_95 : i32 to vector<16xi32>
      %gather3A_97 = tpu.vector_load_idx %arg5[%add3A_3, %broadcast_in_dim3A_96] : memref<128x128xf32, #tpu.memory_space<vmem>>[vector<16xi32>, vector<16xi32>], vector<16xf32>,
      %broadcast_in_dim3A_98 = arith.constant 32 : i32
      %broadcast_in_dim3A_99 = vector.broadcast %broadcast_in_dim3A_98 : i32 to vector<16xi32>
      %gather3A_100 = tpu.vector_load_idx %arg5[%add3A_3, %broadcast_in_dim3A_99] : memref<128x128xf32, #tpu.memory_space<vmem>>[vector<16xi32>, vector<16xi32>], vector<16xf32>,
      %broadcast_in_dim3A_101 = arith.constant 42 : i32
      %broadcast_in_dim3A_102 = vector.broadcast %broadcast_in_dim3A_101 : i32 to vector<16xi32>
      %gather3A_103 = tpu.vector_load_idx %arg5[%add3A_3, %broadcast_in_dim3A_102] : memref<128x128xf32, #tpu.memory_space<vmem>>[vector<16xi32>, vector<16xi32>], vector<16xf32>,
      %broadcast_in_dim3A_104 = arith.constant 52 : i32
      %broadcast_in_dim3A_105 = vector.broadcast %broadcast_in_dim3A_104 : i32 to vector<16xi32>
      %gather3A_106 = tpu.vector_load_idx %arg5[%add3A_3, %broadcast_in_dim3A_105] : memref<128x128xf32, #tpu.memory_space<vmem>>[vector<16xi32>, vector<16xi32>], vector<16xf32>,
      %broadcast_in_dim3A_107 = arith.constant 62 : i32
      %broadcast_in_dim3A_108 = vector.broadcast %broadcast_in_dim3A_107 : i32 to vector<16xi32>
      %gather3A_109 = tpu.vector_load_idx %arg5[%add3A_3, %broadcast_in_dim3A_108] : memref<128x128xf32, #tpu.memory_space<vmem>>[vector<16xi32>, vector<16xi32>], vector<16xf32>,
      %broadcast_in_dim3A_110 = arith.constant 72 : i32
      %broadcast_in_dim3A_111 = vector.broadcast %broadcast_in_dim3A_110 : i32 to vector<16xi32>
      %gather3A_112 = tpu.vector_load_idx %arg5[%add3A_3, %broadcast_in_dim3A_111] : memref<128x128xf32, #tpu.memory_space<vmem>>[vector<16xi32>, vector<16xi32>], vector<16xf32>,
      %broadcast_in_dim3A_113 = arith.constant 82 : i32
      %broadcast_in_dim3A_114 = vector.broadcast %broadcast_in_dim3A_113 : i32 to vector<16xi32>
      %gather3A_115 = tpu.vector_load_idx %arg5[%add3A_3, %broadcast_in_dim3A_114] : memref<128x128xf32, #tpu.memory_space<vmem>>[vector<16xi32>, vector<16xi32>], vector<16xf32>,
      %broadcast_in_dim3A_116 = arith.constant 92 : i32
      %broadcast_in_dim3A_117 = vector.broadcast %broadcast_in_dim3A_116 : i32 to vector<16xi32>
      %gather3A_118 = tpu.vector_load_idx %arg5[%add3A_3, %broadcast_in_dim3A_117] : memref<128x128xf32, #tpu.memory_space<vmem>>[vector<16xi32>, vector<16xi32>], vector<16xf32>,
      %broadcast_in_dim3A_119 = arith.constant 102 : i32
      %broadcast_in_dim3A_120 = vector.broadcast %broadcast_in_dim3A_119 : i32 to vector<16xi32>
      %gather3A_121 = tpu.vector_load_idx %arg5[%add3A_3, %broadcast_in_dim3A_120] : memref<128x128xf32, #tpu.memory_space<vmem>>[vector<16xi32>, vector<16xi32>], vector<16xf32>,
      %convert_element_type3A_122 = arith.fptosi %gather3A_121 : vector<16xf32> to vector<16xi32>
      %mul3A_123 = arith.constant 49 : i32
      %mul3A_124 = vector.broadcast %mul3A_123 : i32 to vector<16xi32>
      %mul3A_125 = arith.muli %add3A_3, %mul3A_124 : vector<16xi32>
      %add3A_126 = arith.addi %mul3A_125, %convert_element_type3A_122 : vector<16xi32>
      %swap3A_127 = arith.constant 32 : index
      %swap3A_128 = tpu.vector_load %arg6[%swap3A_127] {strides = array<i32>} : memref<80xi32, #tpu.memory_space<vmem>>, vector<16xi32>,
      tpu.vector_store %arg6[%swap3A_127], %add3A_126 {strides = array<i32>} : memref<80xi32, #tpu.memory_space<vmem>>, vector<16xi32>,
      %broadcast_in_dim3A_129 = arith.constant 112 : i32
      %broadcast_in_dim3A_130 = vector.broadcast %broadcast_in_dim3A_129 : i32 to vector<16xi32>
      %gather3A_131 = tpu.vector_load_idx %arg5[%add3A_3, %broadcast_in_dim3A_130] : memref<128x128xf32, #tpu.memory_space<vmem>>[vector<16xi32>, vector<16xi32>], vector<16xf32>,
      %convert_element_type3A_132 = arith.fptosi %gather3A_131 : vector<16xf32> to vector<16xi32>
      %broadcast_in_dim3A_133 = arith.constant 3 : i32
      %broadcast_in_dim3A_134 = vector.broadcast %broadcast_in_dim3A_133 : i32 to vector<16xi32>
      %gather3A_135 = tpu.vector_load_idx %arg5[%add3A_3, %broadcast_in_dim3A_134] : memref<128x128xf32, #tpu.memory_space<vmem>>[vector<16xi32>, vector<16xi32>], vector<16xf32>,
      %broadcast_in_dim3A_136 = arith.constant 13 : i32
      %broadcast_in_dim3A_137 = vector.broadcast %broadcast_in_dim3A_136 : i32 to vector<16xi32>
      %gather3A_138 = tpu.vector_load_idx %arg5[%add3A_3, %broadcast_in_dim3A_137] : memref<128x128xf32, #tpu.memory_space<vmem>>[vector<16xi32>, vector<16xi32>], vector<16xf32>,
      %broadcast_in_dim3A_139 = arith.constant 23 : i32
      %broadcast_in_dim3A_140 = vector.broadcast %broadcast_in_dim3A_139 : i32 to vector<16xi32>
      %gather3A_141 = tpu.vector_load_idx %arg5[%add3A_3, %broadcast_in_dim3A_140] : memref<128x128xf32, #tpu.memory_space<vmem>>[vector<16xi32>, vector<16xi32>], vector<16xf32>,
      %broadcast_in_dim3A_142 = arith.constant 33 : i32
      %broadcast_in_dim3A_143 = vector.broadcast %broadcast_in_dim3A_142 : i32 to vector<16xi32>
      %gather3A_144 = tpu.vector_load_idx %arg5[%add3A_3, %broadcast_in_dim3A_143] : memref<128x128xf32, #tpu.memory_space<vmem>>[vector<16xi32>, vector<16xi32>], vector<16xf32>,
      %broadcast_in_dim3A_145 = arith.constant 43 : i32
      %broadcast_in_dim3A_146 = vector.broadcast %broadcast_in_dim3A_145 : i32 to vector<16xi32>
      %gather3A_147 = tpu.vector_load_idx %arg5[%add3A_3, %broadcast_in_dim3A_146] : memref<128x128xf32, #tpu.memory_space<vmem>>[vector<16xi32>, vector<16xi32>], vector<16xf32>,
      %broadcast_in_dim3A_148 = arith.constant 53 : i32
      %broadcast_in_dim3A_149 = vector.broadcast %broadcast_in_dim3A_148 : i32 to vector<16xi32>
      %gather3A_150 = tpu.vector_load_idx %arg5[%add3A_3, %broadcast_in_dim3A_149] : memref<128x128xf32, #tpu.memory_space<vmem>>[vector<16xi32>, vector<16xi32>], vector<16xf32>,
      %broadcast_in_dim3A_151 = arith.constant 63 : i32
      %broadcast_in_dim3A_152 = vector.broadcast %broadcast_in_dim3A_151 : i32 to vector<16xi32>
      %gather3A_153 = tpu.vector_load_idx %arg5[%add3A_3, %broadcast_in_dim3A_152] : memref<128x128xf32, #tpu.memory_space<vmem>>[vector<16xi32>, vector<16xi32>], vector<16xf32>,
      %broadcast_in_dim3A_154 = arith.constant 73 : i32
      %broadcast_in_dim3A_155 = vector.broadcast %broadcast_in_dim3A_154 : i32 to vector<16xi32>
      %gather3A_156 = tpu.vector_load_idx %arg5[%add3A_3, %broadcast_in_dim3A_155] : memref<128x128xf32, #tpu.memory_space<vmem>>[vector<16xi32>, vector<16xi32>], vector<16xf32>,
      %broadcast_in_dim3A_157 = arith.constant 83 : i32
      %broadcast_in_dim3A_158 = vector.broadcast %broadcast_in_dim3A_157 : i32 to vector<16xi32>
      %gather3A_159 = tpu.vector_load_idx %arg5[%add3A_3, %broadcast_in_dim3A_158] : memref<128x128xf32, #tpu.memory_space<vmem>>[vector<16xi32>, vector<16xi32>], vector<16xf32>,
      %broadcast_in_dim3A_160 = arith.constant 93 : i32
      %broadcast_in_dim3A_161 = vector.broadcast %broadcast_in_dim3A_160 : i32 to vector<16xi32>
      %gather3A_162 = tpu.vector_load_idx %arg5[%add3A_3, %broadcast_in_dim3A_161] : memref<128x128xf32, #tpu.memory_space<vmem>>[vector<16xi32>, vector<16xi32>], vector<16xf32>,
      %broadcast_in_dim3A_163 = arith.constant 103 : i32
      %broadcast_in_dim3A_164 = vector.broadcast %broadcast_in_dim3A_163 : i32 to vector<16xi32>
      %gather3A_165 = tpu.vector_load_idx %arg5[%add3A_3, %broadcast_in_dim3A_164] : memref<128x128xf32, #tpu.memory_space<vmem>>[vector<16xi32>, vector<16xi32>], vector<16xf32>,
      %convert_element_type3A_166 = arith.fptosi %gather3A_165 : vector<16xf32> to vector<16xi32>
      %mul3A_167 = arith.constant 49 : i32
      %mul3A_168 = vector.broadcast %mul3A_167 : i32 to vector<16xi32>
      %mul3A_169 = arith.muli %add3A_3, %mul3A_168 : vector<16xi32>
      %add3A_170 = arith.addi %mul3A_169, %convert_element_type3A_166 : vector<16xi32>
      %swap3A_171 = arith.constant 48 : index
      %swap3A_172 = tpu.vector_load %arg6[%swap3A_171] {strides = array<i32>} : memref<80xi32, #tpu.memory_space<vmem>>, vector<16xi32>,
      tpu.vector_store %arg6[%swap3A_171], %add3A_170 {strides = array<i32>} : memref<80xi32, #tpu.memory_space<vmem>>, vector<16xi32>,
      %broadcast_in_dim3A_173 = arith.constant 113 : i32
      %broadcast_in_dim3A_174 = vector.broadcast %broadcast_in_dim3A_173 : i32 to vector<16xi32>
      %gather3A_175 = tpu.vector_load_idx %arg5[%add3A_3, %broadcast_in_dim3A_174] : memref<128x128xf32, #tpu.memory_space<vmem>>[vector<16xi32>, vector<16xi32>], vector<16xf32>,
      %convert_element_type3A_176 = arith.fptosi %gather3A_175 : vector<16xf32> to vector<16xi32>
      %broadcast_in_dim3A_177 = arith.constant 4 : i32
      %broadcast_in_dim3A_178 = vector.broadcast %broadcast_in_dim3A_177 : i32 to vector<16xi32>
      %gather3A_179 = tpu.vector_load_idx %arg5[%add3A_3, %broadcast_in_dim3A_178] : memref<128x128xf32, #tpu.memory_space<vmem>>[vector<16xi32>, vector<16xi32>], vector<16xf32>,
      %broadcast_in_dim3A_180 = arith.constant 14 : i32
      %broadcast_in_dim3A_181 = vector.broadcast %broadcast_in_dim3A_180 : i32 to vector<16xi32>
      %gather3A_182 = tpu.vector_load_idx %arg5[%add3A_3, %broadcast_in_dim3A_181] : memref<128x128xf32, #tpu.memory_space<vmem>>[vector<16xi32>, vector<16xi32>], vector<16xf32>,
      %broadcast_in_dim3A_183 = arith.constant 24 : i32
      %broadcast_in_dim3A_184 = vector.broadcast %broadcast_in_dim3A_183 : i32 to vector<16xi32>
      %gather3A_185 = tpu.vector_load_idx %arg5[%add3A_3, %broadcast_in_dim3A_184] : memref<128x128xf32, #tpu.memory_space<vmem>>[vector<16xi32>, vector<16xi32>], vector<16xf32>,
      %broadcast_in_dim3A_186 = arith.constant 34 : i32
      %broadcast_in_dim3A_187 = vector.broadcast %broadcast_in_dim3A_186 : i32 to vector<16xi32>
      %gather3A_188 = tpu.vector_load_idx %arg5[%add3A_3, %broadcast_in_dim3A_187] : memref<128x128xf32, #tpu.memory_space<vmem>>[vector<16xi32>, vector<16xi32>], vector<16xf32>,
      %broadcast_in_dim3A_189 = arith.constant 44 : i32
      %broadcast_in_dim3A_190 = vector.broadcast %broadcast_in_dim3A_189 : i32 to vector<16xi32>
      %gather3A_191 = tpu.vector_load_idx %arg5[%add3A_3, %broadcast_in_dim3A_190] : memref<128x128xf32, #tpu.memory_space<vmem>>[vector<16xi32>, vector<16xi32>], vector<16xf32>,
      %broadcast_in_dim3A_192 = arith.constant 54 : i32
      %broadcast_in_dim3A_193 = vector.broadcast %broadcast_in_dim3A_192 : i32 to vector<16xi32>
      %gather3A_194 = tpu.vector_load_idx %arg5[%add3A_3, %broadcast_in_dim3A_193] : memref<128x128xf32, #tpu.memory_space<vmem>>[vector<16xi32>, vector<16xi32>], vector<16xf32>,
      %broadcast_in_dim3A_195 = arith.constant 64 : i32
      %broadcast_in_dim3A_196 = vector.broadcast %broadcast_in_dim3A_195 : i32 to vector<16xi32>
      %gather3A_197 = tpu.vector_load_idx %arg5[%add3A_3, %broadcast_in_dim3A_196] : memref<128x128xf32, #tpu.memory_space<vmem>>[vector<16xi32>, vector<16xi32>], vector<16xf32>,
      %broadcast_in_dim3A_198 = arith.constant 74 : i32
      %broadcast_in_dim3A_199 = vector.broadcast %broadcast_in_dim3A_198 : i32 to vector<16xi32>
      %gather3A_200 = tpu.vector_load_idx %arg5[%add3A_3, %broadcast_in_dim3A_199] : memref<128x128xf32, #tpu.memory_space<vmem>>[vector<16xi32>, vector<16xi32>], vector<16xf32>,
      %broadcast_in_dim3A_201 = arith.constant 84 : i32
      %broadcast_in_dim3A_202 = vector.broadcast %broadcast_in_dim3A_201 : i32 to vector<16xi32>
      %gather3A_203 = tpu.vector_load_idx %arg5[%add3A_3, %broadcast_in_dim3A_202] : memref<128x128xf32, #tpu.memory_space<vmem>>[vector<16xi32>, vector<16xi32>], vector<16xf32>,
      %broadcast_in_dim3A_204 = arith.constant 94 : i32
      %broadcast_in_dim3A_205 = vector.broadcast %broadcast_in_dim3A_204 : i32 to vector<16xi32>
      %gather3A_206 = tpu.vector_load_idx %arg5[%add3A_3, %broadcast_in_dim3A_205] : memref<128x128xf32, #tpu.memory_space<vmem>>[vector<16xi32>, vector<16xi32>], vector<16xf32>,
      %broadcast_in_dim3A_207 = arith.constant 104 : i32
      %broadcast_in_dim3A_208 = vector.broadcast %broadcast_in_dim3A_207 : i32 to vector<16xi32>
      %gather3A_209 = tpu.vector_load_idx %arg5[%add3A_3, %broadcast_in_dim3A_208] : memref<128x128xf32, #tpu.memory_space<vmem>>[vector<16xi32>, vector<16xi32>], vector<16xf32>,
      %convert_element_type3A_210 = arith.fptosi %gather3A_209 : vector<16xf32> to vector<16xi32>
      %mul3A_211 = arith.constant 49 : i32
      %mul3A_212 = vector.broadcast %mul3A_211 : i32 to vector<16xi32>
      %mul3A_213 = arith.muli %add3A_3, %mul3A_212 : vector<16xi32>
      %add3A_214 = arith.addi %mul3A_213, %convert_element_type3A_210 : vector<16xi32>
      %swap3A_215 = arith.constant 64 : index
      %swap3A_216 = tpu.vector_load %arg6[%swap3A_215] {strides = array<i32>} : memref<80xi32, #tpu.memory_space<vmem>>, vector<16xi32>,
      tpu.vector_store %arg6[%swap3A_215], %add3A_214 {strides = array<i32>} : memref<80xi32, #tpu.memory_space<vmem>>, vector<16xi32>,
      %broadcast_in_dim3A_217 = arith.constant 114 : i32
      %broadcast_in_dim3A_218 = vector.broadcast %broadcast_in_dim3A_217 : i32 to vector<16xi32>
      %gather3A_219 = tpu.vector_load_idx %arg5[%add3A_3, %broadcast_in_dim3A_218] : memref<128x128xf32, #tpu.memory_space<vmem>>[vector<16xi32>, vector<16xi32>], vector<16xf32>,
      %convert_element_type3A_220 = arith.fptosi %gather3A_219 : vector<16xf32> to vector<16xi32>
      %broadcast_in_dim3A_221 = arith.constant 5 : i32
      %broadcast_in_dim3A_222 = vector.broadcast %broadcast_in_dim3A_221 : i32 to vector<16xi32>
      %gather3A_223 = tpu.vector_load_idx %arg5[%add3A_3, %broadcast_in_dim3A_222] : memref<128x128xf32, #tpu.memory_space<vmem>>[vector<16xi32>, vector<16xi32>], vector<16xf32>,
      %broadcast_in_dim3A_224 = arith.constant 15 : i32
      %broadcast_in_dim3A_225 = vector.broadcast %broadcast_in_dim3A_224 : i32 to vector<16xi32>
      %gather3A_226 = tpu.vector_load_idx %arg5[%add3A_3, %broadcast_in_dim3A_225] : memref<128x128xf32, #tpu.memory_space<vmem>>[vector<16xi32>, vector<16xi32>], vector<16xf32>,
      %broadcast_in_dim3A_227 = arith.constant 25 : i32
      %broadcast_in_dim3A_228 = vector.broadcast %broadcast_in_dim3A_227 : i32 to vector<16xi32>
      %gather3A_229 = tpu.vector_load_idx %arg5[%add3A_3, %broadcast_in_dim3A_228] : memref<128x128xf32, #tpu.memory_space<vmem>>[vector<16xi32>, vector<16xi32>], vector<16xf32>,
      %broadcast_in_dim3A_230 = arith.constant 35 : i32
      %broadcast_in_dim3A_231 = vector.broadcast %broadcast_in_dim3A_230 : i32 to vector<16xi32>
      %gather3A_232 = tpu.vector_load_idx %arg5[%add3A_3, %broadcast_in_dim3A_231] : memref<128x128xf32, #tpu.memory_space<vmem>>[vector<16xi32>, vector<16xi32>], vector<16xf32>,
      %broadcast_in_dim3A_233 = arith.constant 45 : i32
      %broadcast_in_dim3A_234 = vector.broadcast %broadcast_in_dim3A_233 : i32 to vector<16xi32>
      %gather3A_235 = tpu.vector_load_idx %arg5[%add3A_3, %broadcast_in_dim3A_234] : memref<128x128xf32, #tpu.memory_space<vmem>>[vector<16xi32>, vector<16xi32>], vector<16xf32>,
      %broadcast_in_dim3A_236 = arith.constant 55 : i32
      %broadcast_in_dim3A_237 = vector.broadcast %broadcast_in_dim3A_236 : i32 to vector<16xi32>
      %gather3A_238 = tpu.vector_load_idx %arg5[%add3A_3, %broadcast_in_dim3A_237] : memref<128x128xf32, #tpu.memory_space<vmem>>[vector<16xi32>, vector<16xi32>], vector<16xf32>,
      %broadcast_in_dim3A_239 = arith.constant 65 : i32
      %broadcast_in_dim3A_240 = vector.broadcast %broadcast_in_dim3A_239 : i32 to vector<16xi32>
      %gather3A_241 = tpu.vector_load_idx %arg5[%add3A_3, %broadcast_in_dim3A_240] : memref<128x128xf32, #tpu.memory_space<vmem>>[vector<16xi32>, vector<16xi32>], vector<16xf32>,
      %broadcast_in_dim3A_242 = arith.constant 75 : i32
      %broadcast_in_dim3A_243 = vector.broadcast %broadcast_in_dim3A_242 : i32 to vector<16xi32>
      %gather3A_244 = tpu.vector_load_idx %arg5[%add3A_3, %broadcast_in_dim3A_243] : memref<128x128xf32, #tpu.memory_space<vmem>>[vector<16xi32>, vector<16xi32>], vector<16xf32>,
      %broadcast_in_dim3A_245 = arith.constant 85 : i32
      %broadcast_in_dim3A_246 = vector.broadcast %broadcast_in_dim3A_245 : i32 to vector<16xi32>
      %gather3A_247 = tpu.vector_load_idx %arg5[%add3A_3, %broadcast_in_dim3A_246] : memref<128x128xf32, #tpu.memory_space<vmem>>[vector<16xi32>, vector<16xi32>], vector<16xf32>,
      %broadcast_in_dim3A_248 = arith.constant 95 : i32
      %broadcast_in_dim3A_249 = vector.broadcast %broadcast_in_dim3A_248 : i32 to vector<16xi32>
      %gather3A_250 = tpu.vector_load_idx %arg5[%add3A_3, %broadcast_in_dim3A_249] : memref<128x128xf32, #tpu.memory_space<vmem>>[vector<16xi32>, vector<16xi32>], vector<16xf32>,
      %broadcast_in_dim3A_251 = arith.constant 105 : i32
      %broadcast_in_dim3A_252 = vector.broadcast %broadcast_in_dim3A_251 : i32 to vector<16xi32>
      %gather3A_253 = tpu.vector_load_idx %arg5[%add3A_3, %broadcast_in_dim3A_252] : memref<128x128xf32, #tpu.memory_space<vmem>>[vector<16xi32>, vector<16xi32>], vector<16xf32>,
      %convert_element_type3A_254 = arith.fptosi %gather3A_253 : vector<16xf32> to vector<16xi32>
      %mul3A_255 = arith.constant 49 : i32
      %mul3A_256 = vector.broadcast %mul3A_255 : i32 to vector<16xi32>
      %mul3A_257 = arith.muli %add3A_3, %mul3A_256 : vector<16xi32>
      %add3A_258 = arith.addi %mul3A_257, %convert_element_type3A_254 : vector<16xi32>
      %swap3A_259 = arith.constant 0 : index
      %swap3A_260 = tpu.vector_load %arg7[%swap3A_259] {strides = array<i32>} : memref<80xi32, #tpu.memory_space<vmem>>, vector<16xi32>,
      tpu.vector_store %arg7[%swap3A_259], %add3A_258 {strides = array<i32>} : memref<80xi32, #tpu.memory_space<vmem>>, vector<16xi32>,
      %broadcast_in_dim3A_261 = arith.constant 115 : i32
      %broadcast_in_dim3A_262 = vector.broadcast %broadcast_in_dim3A_261 : i32 to vector<16xi32>
      %gather3A_263 = tpu.vector_load_idx %arg5[%add3A_3, %broadcast_in_dim3A_262] : memref<128x128xf32, #tpu.memory_space<vmem>>[vector<16xi32>, vector<16xi32>], vector<16xf32>,
      %convert_element_type3A_264 = arith.fptosi %gather3A_263 : vector<16xf32> to vector<16xi32>
      %broadcast_in_dim3A_265 = arith.constant 6 : i32
      %broadcast_in_dim3A_266 = vector.broadcast %broadcast_in_dim3A_265 : i32 to vector<16xi32>
      %gather3A_267 = tpu.vector_load_idx %arg5[%add3A_3, %broadcast_in_dim3A_266] : memref<128x128xf32, #tpu.memory_space<vmem>>[vector<16xi32>, vector<16xi32>], vector<16xf32>,
      %broadcast_in_dim3A_268 = arith.constant 16 : i32
      %broadcast_in_dim3A_269 = vector.broadcast %broadcast_in_dim3A_268 : i32 to vector<16xi32>
      %gather3A_270 = tpu.vector_load_idx %arg5[%add3A_3, %broadcast_in_dim3A_269] : memref<128x128xf32, #tpu.memory_space<vmem>>[vector<16xi32>, vector<16xi32>], vector<16xf32>,
      %broadcast_in_dim3A_271 = arith.constant 26 : i32
      %broadcast_in_dim3A_272 = vector.broadcast %broadcast_in_dim3A_271 : i32 to vector<16xi32>
      %gather3A_273 = tpu.vector_load_idx %arg5[%add3A_3, %broadcast_in_dim3A_272] : memref<128x128xf32, #tpu.memory_space<vmem>>[vector<16xi32>, vector<16xi32>], vector<16xf32>,
      %broadcast_in_dim3A_274 = arith.constant 36 : i32
      %broadcast_in_dim3A_275 = vector.broadcast %broadcast_in_dim3A_274 : i32 to vector<16xi32>
      %gather3A_276 = tpu.vector_load_idx %arg5[%add3A_3, %broadcast_in_dim3A_275] : memref<128x128xf32, #tpu.memory_space<vmem>>[vector<16xi32>, vector<16xi32>], vector<16xf32>,
      %broadcast_in_dim3A_277 = arith.constant 46 : i32
      %broadcast_in_dim3A_278 = vector.broadcast %broadcast_in_dim3A_277 : i32 to vector<16xi32>
      %gather3A_279 = tpu.vector_load_idx %arg5[%add3A_3, %broadcast_in_dim3A_278] : memref<128x128xf32, #tpu.memory_space<vmem>>[vector<16xi32>, vector<16xi32>], vector<16xf32>,
      %broadcast_in_dim3A_280 = arith.constant 56 : i32
      %broadcast_in_dim3A_281 = vector.broadcast %broadcast_in_dim3A_280 : i32 to vector<16xi32>
      %gather3A_282 = tpu.vector_load_idx %arg5[%add3A_3, %broadcast_in_dim3A_281] : memref<128x128xf32, #tpu.memory_space<vmem>>[vector<16xi32>, vector<16xi32>], vector<16xf32>,
      %broadcast_in_dim3A_283 = arith.constant 66 : i32
      %broadcast_in_dim3A_284 = vector.broadcast %broadcast_in_dim3A_283 : i32 to vector<16xi32>
      %gather3A_285 = tpu.vector_load_idx %arg5[%add3A_3, %broadcast_in_dim3A_284] : memref<128x128xf32, #tpu.memory_space<vmem>>[vector<16xi32>, vector<16xi32>], vector<16xf32>,
      %broadcast_in_dim3A_286 = arith.constant 76 : i32
      %broadcast_in_dim3A_287 = vector.broadcast %broadcast_in_dim3A_286 : i32 to vector<16xi32>
      %gather3A_288 = tpu.vector_load_idx %arg5[%add3A_3, %broadcast_in_dim3A_287] : memref<128x128xf32, #tpu.memory_space<vmem>>[vector<16xi32>, vector<16xi32>], vector<16xf32>,
      %broadcast_in_dim3A_289 = arith.constant 86 : i32
      %broadcast_in_dim3A_290 = vector.broadcast %broadcast_in_dim3A_289 : i32 to vector<16xi32>
      %gather3A_291 = tpu.vector_load_idx %arg5[%add3A_3, %broadcast_in_dim3A_290] : memref<128x128xf32, #tpu.memory_space<vmem>>[vector<16xi32>, vector<16xi32>], vector<16xf32>,
      %broadcast_in_dim3A_292 = arith.constant 96 : i32
      %broadcast_in_dim3A_293 = vector.broadcast %broadcast_in_dim3A_292 : i32 to vector<16xi32>
      %gather3A_294 = tpu.vector_load_idx %arg5[%add3A_3, %broadcast_in_dim3A_293] : memref<128x128xf32, #tpu.memory_space<vmem>>[vector<16xi32>, vector<16xi32>], vector<16xf32>,
      %broadcast_in_dim3A_295 = arith.constant 106 : i32
      %broadcast_in_dim3A_296 = vector.broadcast %broadcast_in_dim3A_295 : i32 to vector<16xi32>
      %gather3A_297 = tpu.vector_load_idx %arg5[%add3A_3, %broadcast_in_dim3A_296] : memref<128x128xf32, #tpu.memory_space<vmem>>[vector<16xi32>, vector<16xi32>], vector<16xf32>,
      %convert_element_type3A_298 = arith.fptosi %gather3A_297 : vector<16xf32> to vector<16xi32>
      %mul3A_299 = arith.constant 49 : i32
      %mul3A_300 = vector.broadcast %mul3A_299 : i32 to vector<16xi32>
      %mul3A_301 = arith.muli %add3A_3, %mul3A_300 : vector<16xi32>
      %add3A_302 = arith.addi %mul3A_301, %convert_element_type3A_298 : vector<16xi32>
      %swap3A_303 = arith.constant 16 : index
      %swap3A_304 = tpu.vector_load %arg7[%swap3A_303] {strides = array<i32>} : memref<80xi32, #tpu.memory_space<vmem>>, vector<16xi32>,
      tpu.vector_store %arg7[%swap3A_303], %add3A_302 {strides = array<i32>} : memref<80xi32, #tpu.memory_space<vmem>>, vector<16xi32>,
      %broadcast_in_dim3A_305 = arith.constant 116 : i32
      %broadcast_in_dim3A_306 = vector.broadcast %broadcast_in_dim3A_305 : i32 to vector<16xi32>
      %gather3A_307 = tpu.vector_load_idx %arg5[%add3A_3, %broadcast_in_dim3A_306] : memref<128x128xf32, #tpu.memory_space<vmem>>[vector<16xi32>, vector<16xi32>], vector<16xf32>,
      %convert_element_type3A_308 = arith.fptosi %gather3A_307 : vector<16xf32> to vector<16xi32>
      %broadcast_in_dim3A_309 = arith.constant 7 : i32
      %broadcast_in_dim3A_310 = vector.broadcast %broadcast_in_dim3A_309 : i32 to vector<16xi32>
      %gather3A_311 = tpu.vector_load_idx %arg5[%add3A_3, %broadcast_in_dim3A_310] : memref<128x128xf32, #tpu.memory_space<vmem>>[vector<16xi32>, vector<16xi32>], vector<16xf32>,
      %broadcast_in_dim3A_312 = arith.constant 17 : i32
      %broadcast_in_dim3A_313 = vector.broadcast %broadcast_in_dim3A_312 : i32 to vector<16xi32>
      %gather3A_314 = tpu.vector_load_idx %arg5[%add3A_3, %broadcast_in_dim3A_313] : memref<128x128xf32, #tpu.memory_space<vmem>>[vector<16xi32>, vector<16xi32>], vector<16xf32>,
      %broadcast_in_dim3A_315 = arith.constant 27 : i32
      %broadcast_in_dim3A_316 = vector.broadcast %broadcast_in_dim3A_315 : i32 to vector<16xi32>
      %gather3A_317 = tpu.vector_load_idx %arg5[%add3A_3, %broadcast_in_dim3A_316] : memref<128x128xf32, #tpu.memory_space<vmem>>[vector<16xi32>, vector<16xi32>], vector<16xf32>,
      %broadcast_in_dim3A_318 = arith.constant 37 : i32
      %broadcast_in_dim3A_319 = vector.broadcast %broadcast_in_dim3A_318 : i32 to vector<16xi32>
      %gather3A_320 = tpu.vector_load_idx %arg5[%add3A_3, %broadcast_in_dim3A_319] : memref<128x128xf32, #tpu.memory_space<vmem>>[vector<16xi32>, vector<16xi32>], vector<16xf32>,
      %broadcast_in_dim3A_321 = arith.constant 47 : i32
      %broadcast_in_dim3A_322 = vector.broadcast %broadcast_in_dim3A_321 : i32 to vector<16xi32>
      %gather3A_323 = tpu.vector_load_idx %arg5[%add3A_3, %broadcast_in_dim3A_322] : memref<128x128xf32, #tpu.memory_space<vmem>>[vector<16xi32>, vector<16xi32>], vector<16xf32>,
      %broadcast_in_dim3A_324 = arith.constant 57 : i32
      %broadcast_in_dim3A_325 = vector.broadcast %broadcast_in_dim3A_324 : i32 to vector<16xi32>
      %gather3A_326 = tpu.vector_load_idx %arg5[%add3A_3, %broadcast_in_dim3A_325] : memref<128x128xf32, #tpu.memory_space<vmem>>[vector<16xi32>, vector<16xi32>], vector<16xf32>,
      %broadcast_in_dim3A_327 = arith.constant 67 : i32
      %broadcast_in_dim3A_328 = vector.broadcast %broadcast_in_dim3A_327 : i32 to vector<16xi32>
      %gather3A_329 = tpu.vector_load_idx %arg5[%add3A_3, %broadcast_in_dim3A_328] : memref<128x128xf32, #tpu.memory_space<vmem>>[vector<16xi32>, vector<16xi32>], vector<16xf32>,
      %broadcast_in_dim3A_330 = arith.constant 77 : i32
      %broadcast_in_dim3A_331 = vector.broadcast %broadcast_in_dim3A_330 : i32 to vector<16xi32>
      %gather3A_332 = tpu.vector_load_idx %arg5[%add3A_3, %broadcast_in_dim3A_331] : memref<128x128xf32, #tpu.memory_space<vmem>>[vector<16xi32>, vector<16xi32>], vector<16xf32>,
      %broadcast_in_dim3A_333 = arith.constant 87 : i32
      %broadcast_in_dim3A_334 = vector.broadcast %broadcast_in_dim3A_333 : i32 to vector<16xi32>
      %gather3A_335 = tpu.vector_load_idx %arg5[%add3A_3, %broadcast_in_dim3A_334] : memref<128x128xf32, #tpu.memory_space<vmem>>[vector<16xi32>, vector<16xi32>], vector<16xf32>,
      %broadcast_in_dim3A_336 = arith.constant 97 : i32
      %broadcast_in_dim3A_337 = vector.broadcast %broadcast_in_dim3A_336 : i32 to vector<16xi32>
      %gather3A_338 = tpu.vector_load_idx %arg5[%add3A_3, %broadcast_in_dim3A_337] : memref<128x128xf32, #tpu.memory_space<vmem>>[vector<16xi32>, vector<16xi32>], vector<16xf32>,
      %broadcast_in_dim3A_339 = arith.constant 107 : i32
      %broadcast_in_dim3A_340 = vector.broadcast %broadcast_in_dim3A_339 : i32 to vector<16xi32>
      %gather3A_341 = tpu.vector_load_idx %arg5[%add3A_3, %broadcast_in_dim3A_340] : memref<128x128xf32, #tpu.memory_space<vmem>>[vector<16xi32>, vector<16xi32>], vector<16xf32>,
      %convert_element_type3A_342 = arith.fptosi %gather3A_341 : vector<16xf32> to vector<16xi32>
      %mul3A_343 = arith.constant 49 : i32
      %mul3A_344 = vector.broadcast %mul3A_343 : i32 to vector<16xi32>
      %mul3A_345 = arith.muli %add3A_3, %mul3A_344 : vector<16xi32>
      %add3A_346 = arith.addi %mul3A_345, %convert_element_type3A_342 : vector<16xi32>
      %swap3A_347 = arith.constant 32 : index
      %swap3A_348 = tpu.vector_load %arg7[%swap3A_347] {strides = array<i32>} : memref<80xi32, #tpu.memory_space<vmem>>, vector<16xi32>,
      tpu.vector_store %arg7[%swap3A_347], %add3A_346 {strides = array<i32>} : memref<80xi32, #tpu.memory_space<vmem>>, vector<16xi32>,
      %broadcast_in_dim3A_349 = arith.constant 117 : i32
      %broadcast_in_dim3A_350 = vector.broadcast %broadcast_in_dim3A_349 : i32 to vector<16xi32>
      %gather3A_351 = tpu.vector_load_idx %arg5[%add3A_3, %broadcast_in_dim3A_350] : memref<128x128xf32, #tpu.memory_space<vmem>>[vector<16xi32>, vector<16xi32>], vector<16xf32>,
      %convert_element_type3A_352 = arith.fptosi %gather3A_351 : vector<16xf32> to vector<16xi32>
      %broadcast_in_dim3A_353 = arith.constant 8 : i32
      %broadcast_in_dim3A_354 = vector.broadcast %broadcast_in_dim3A_353 : i32 to vector<16xi32>
      %gather3A_355 = tpu.vector_load_idx %arg5[%add3A_3, %broadcast_in_dim3A_354] : memref<128x128xf32, #tpu.memory_space<vmem>>[vector<16xi32>, vector<16xi32>], vector<16xf32>,
      %broadcast_in_dim3A_356 = arith.constant 18 : i32
      %broadcast_in_dim3A_357 = vector.broadcast %broadcast_in_dim3A_356 : i32 to vector<16xi32>
      %gather3A_358 = tpu.vector_load_idx %arg5[%add3A_3, %broadcast_in_dim3A_357] : memref<128x128xf32, #tpu.memory_space<vmem>>[vector<16xi32>, vector<16xi32>], vector<16xf32>,
      %broadcast_in_dim3A_359 = arith.constant 28 : i32
      %broadcast_in_dim3A_360 = vector.broadcast %broadcast_in_dim3A_359 : i32 to vector<16xi32>
      %gather3A_361 = tpu.vector_load_idx %arg5[%add3A_3, %broadcast_in_dim3A_360] : memref<128x128xf32, #tpu.memory_space<vmem>>[vector<16xi32>, vector<16xi32>], vector<16xf32>,
      %broadcast_in_dim3A_362 = arith.constant 38 : i32
      %broadcast_in_dim3A_363 = vector.broadcast %broadcast_in_dim3A_362 : i32 to vector<16xi32>
      %gather3A_364 = tpu.vector_load_idx %arg5[%add3A_3, %broadcast_in_dim3A_363] : memref<128x128xf32, #tpu.memory_space<vmem>>[vector<16xi32>, vector<16xi32>], vector<16xf32>,
      %broadcast_in_dim3A_365 = arith.constant 48 : i32
      %broadcast_in_dim3A_366 = vector.broadcast %broadcast_in_dim3A_365 : i32 to vector<16xi32>
      %gather3A_367 = tpu.vector_load_idx %arg5[%add3A_3, %broadcast_in_dim3A_366] : memref<128x128xf32, #tpu.memory_space<vmem>>[vector<16xi32>, vector<16xi32>], vector<16xf32>,
      %broadcast_in_dim3A_368 = arith.constant 58 : i32
      %broadcast_in_dim3A_369 = vector.broadcast %broadcast_in_dim3A_368 : i32 to vector<16xi32>
      %gather3A_370 = tpu.vector_load_idx %arg5[%add3A_3, %broadcast_in_dim3A_369] : memref<128x128xf32, #tpu.memory_space<vmem>>[vector<16xi32>, vector<16xi32>], vector<16xf32>,
      %broadcast_in_dim3A_371 = arith.constant 68 : i32
      %broadcast_in_dim3A_372 = vector.broadcast %broadcast_in_dim3A_371 : i32 to vector<16xi32>
      %gather3A_373 = tpu.vector_load_idx %arg5[%add3A_3, %broadcast_in_dim3A_372] : memref<128x128xf32, #tpu.memory_space<vmem>>[vector<16xi32>, vector<16xi32>], vector<16xf32>,
      %broadcast_in_dim3A_374 = arith.constant 78 : i32
      %broadcast_in_dim3A_375 = vector.broadcast %broadcast_in_dim3A_374 : i32 to vector<16xi32>
      %gather3A_376 = tpu.vector_load_idx %arg5[%add3A_3, %broadcast_in_dim3A_375] : memref<128x128xf32, #tpu.memory_space<vmem>>[vector<16xi32>, vector<16xi32>], vector<16xf32>,
      %broadcast_in_dim3A_377 = arith.constant 88 : i32
      %broadcast_in_dim3A_378 = vector.broadcast %broadcast_in_dim3A_377 : i32 to vector<16xi32>
      %gather3A_379 = tpu.vector_load_idx %arg5[%add3A_3, %broadcast_in_dim3A_378] : memref<128x128xf32, #tpu.memory_space<vmem>>[vector<16xi32>, vector<16xi32>], vector<16xf32>,
      %broadcast_in_dim3A_380 = arith.constant 98 : i32
      %broadcast_in_dim3A_381 = vector.broadcast %broadcast_in_dim3A_380 : i32 to vector<16xi32>
      %gather3A_382 = tpu.vector_load_idx %arg5[%add3A_3, %broadcast_in_dim3A_381] : memref<128x128xf32, #tpu.memory_space<vmem>>[vector<16xi32>, vector<16xi32>], vector<16xf32>,
      %broadcast_in_dim3A_383 = arith.constant 108 : i32
      %broadcast_in_dim3A_384 = vector.broadcast %broadcast_in_dim3A_383 : i32 to vector<16xi32>
      %gather3A_385 = tpu.vector_load_idx %arg5[%add3A_3, %broadcast_in_dim3A_384] : memref<128x128xf32, #tpu.memory_space<vmem>>[vector<16xi32>, vector<16xi32>], vector<16xf32>,
      %convert_element_type3A_386 = arith.fptosi %gather3A_385 : vector<16xf32> to vector<16xi32>
      %mul3A_387 = arith.constant 49 : i32
      %mul3A_388 = vector.broadcast %mul3A_387 : i32 to vector<16xi32>
      %mul3A_389 = arith.muli %add3A_3, %mul3A_388 : vector<16xi32>
      %add3A_390 = arith.addi %mul3A_389, %convert_element_type3A_386 : vector<16xi32>
      %swap3A_391 = arith.constant 48 : index
      %swap3A_392 = tpu.vector_load %arg7[%swap3A_391] {strides = array<i32>} : memref<80xi32, #tpu.memory_space<vmem>>, vector<16xi32>,
      tpu.vector_store %arg7[%swap3A_391], %add3A_390 {strides = array<i32>} : memref<80xi32, #tpu.memory_space<vmem>>, vector<16xi32>,
      %broadcast_in_dim3A_393 = arith.constant 118 : i32
      %broadcast_in_dim3A_394 = vector.broadcast %broadcast_in_dim3A_393 : i32 to vector<16xi32>
      %gather3A_395 = tpu.vector_load_idx %arg5[%add3A_3, %broadcast_in_dim3A_394] : memref<128x128xf32, #tpu.memory_space<vmem>>[vector<16xi32>, vector<16xi32>], vector<16xf32>,
      %convert_element_type3A_396 = arith.fptosi %gather3A_395 : vector<16xf32> to vector<16xi32>
      %broadcast_in_dim3A_397 = arith.constant 9 : i32
      %broadcast_in_dim3A_398 = vector.broadcast %broadcast_in_dim3A_397 : i32 to vector<16xi32>
      %gather3A_399 = tpu.vector_load_idx %arg5[%add3A_3, %broadcast_in_dim3A_398] : memref<128x128xf32, #tpu.memory_space<vmem>>[vector<16xi32>, vector<16xi32>], vector<16xf32>,
      %broadcast_in_dim3A_400 = arith.constant 19 : i32
      %broadcast_in_dim3A_401 = vector.broadcast %broadcast_in_dim3A_400 : i32 to vector<16xi32>
      %gather3A_402 = tpu.vector_load_idx %arg5[%add3A_3, %broadcast_in_dim3A_401] : memref<128x128xf32, #tpu.memory_space<vmem>>[vector<16xi32>, vector<16xi32>], vector<16xf32>,
      %broadcast_in_dim3A_403 = arith.constant 29 : i32
      %broadcast_in_dim3A_404 = vector.broadcast %broadcast_in_dim3A_403 : i32 to vector<16xi32>
      %gather3A_405 = tpu.vector_load_idx %arg5[%add3A_3, %broadcast_in_dim3A_404] : memref<128x128xf32, #tpu.memory_space<vmem>>[vector<16xi32>, vector<16xi32>], vector<16xf32>,
      %broadcast_in_dim3A_406 = arith.constant 39 : i32
      %broadcast_in_dim3A_407 = vector.broadcast %broadcast_in_dim3A_406 : i32 to vector<16xi32>
      %gather3A_408 = tpu.vector_load_idx %arg5[%add3A_3, %broadcast_in_dim3A_407] : memref<128x128xf32, #tpu.memory_space<vmem>>[vector<16xi32>, vector<16xi32>], vector<16xf32>,
      %broadcast_in_dim3A_409 = arith.constant 49 : i32
      %broadcast_in_dim3A_410 = vector.broadcast %broadcast_in_dim3A_409 : i32 to vector<16xi32>
      %gather3A_411 = tpu.vector_load_idx %arg5[%add3A_3, %broadcast_in_dim3A_410] : memref<128x128xf32, #tpu.memory_space<vmem>>[vector<16xi32>, vector<16xi32>], vector<16xf32>,
      %broadcast_in_dim3A_412 = arith.constant 59 : i32
      %broadcast_in_dim3A_413 = vector.broadcast %broadcast_in_dim3A_412 : i32 to vector<16xi32>
      %gather3A_414 = tpu.vector_load_idx %arg5[%add3A_3, %broadcast_in_dim3A_413] : memref<128x128xf32, #tpu.memory_space<vmem>>[vector<16xi32>, vector<16xi32>], vector<16xf32>,
      %broadcast_in_dim3A_415 = arith.constant 69 : i32
      %broadcast_in_dim3A_416 = vector.broadcast %broadcast_in_dim3A_415 : i32 to vector<16xi32>
      %gather3A_417 = tpu.vector_load_idx %arg5[%add3A_3, %broadcast_in_dim3A_416] : memref<128x128xf32, #tpu.memory_space<vmem>>[vector<16xi32>, vector<16xi32>], vector<16xf32>,
      %broadcast_in_dim3A_418 = arith.constant 79 : i32
      %broadcast_in_dim3A_419 = vector.broadcast %broadcast_in_dim3A_418 : i32 to vector<16xi32>
      %gather3A_420 = tpu.vector_load_idx %arg5[%add3A_3, %broadcast_in_dim3A_419] : memref<128x128xf32, #tpu.memory_space<vmem>>[vector<16xi32>, vector<16xi32>], vector<16xf32>,
      %broadcast_in_dim3A_421 = arith.constant 89 : i32
      %broadcast_in_dim3A_422 = vector.broadcast %broadcast_in_dim3A_421 : i32 to vector<16xi32>
      %gather3A_423 = tpu.vector_load_idx %arg5[%add3A_3, %broadcast_in_dim3A_422] : memref<128x128xf32, #tpu.memory_space<vmem>>[vector<16xi32>, vector<16xi32>], vector<16xf32>,
      %broadcast_in_dim3A_424 = arith.constant 99 : i32
      %broadcast_in_dim3A_425 = vector.broadcast %broadcast_in_dim3A_424 : i32 to vector<16xi32>
      %gather3A_426 = tpu.vector_load_idx %arg5[%add3A_3, %broadcast_in_dim3A_425] : memref<128x128xf32, #tpu.memory_space<vmem>>[vector<16xi32>, vector<16xi32>], vector<16xf32>,
      %broadcast_in_dim3A_427 = arith.constant 109 : i32
      %broadcast_in_dim3A_428 = vector.broadcast %broadcast_in_dim3A_427 : i32 to vector<16xi32>
      %gather3A_429 = tpu.vector_load_idx %arg5[%add3A_3, %broadcast_in_dim3A_428] : memref<128x128xf32, #tpu.memory_space<vmem>>[vector<16xi32>, vector<16xi32>], vector<16xf32>,
      %convert_element_type3A_430 = arith.fptosi %gather3A_429 : vector<16xf32> to vector<16xi32>
      %mul3A_431 = arith.constant 49 : i32
      %mul3A_432 = vector.broadcast %mul3A_431 : i32 to vector<16xi32>
      %mul3A_433 = arith.muli %add3A_3, %mul3A_432 : vector<16xi32>
      %add3A_434 = arith.addi %mul3A_433, %convert_element_type3A_430 : vector<16xi32>
      %swap3A_435 = arith.constant 64 : index
      %swap3A_436 = tpu.vector_load %arg7[%swap3A_435] {strides = array<i32>} : memref<80xi32, #tpu.memory_space<vmem>>, vector<16xi32>,
      tpu.vector_store %arg7[%swap3A_435], %add3A_434 {strides = array<i32>} : memref<80xi32, #tpu.memory_space<vmem>>, vector<16xi32>,
      %broadcast_in_dim3A_437 = arith.constant 119 : i32
      %broadcast_in_dim3A_438 = vector.broadcast %broadcast_in_dim3A_437 : i32 to vector<16xi32>
      %gather3A_439 = tpu.vector_load_idx %arg5[%add3A_3, %broadcast_in_dim3A_438] : memref<128x128xf32, #tpu.memory_space<vmem>>[vector<16xi32>, vector<16xi32>], vector<16xf32>,
      %convert_element_type3A_440 = arith.fptosi %gather3A_439 : vector<16xf32> to vector<16xi32>
      %dma_start3A = arith.constant 0 : i32
      %dma_start3A_441 = arith.constant 0 : i32
      %dma_start3A_442 = tpu.memref_slice %arg2[%dma_start3A, %dma_start3A_441] : memref<6272x128xf32, #tpu.memory_space<hbm>> -> memref<6272x128xf32, #tpu.memory_space<hbm>>
      tpu.enqueue_indirect_dma source(%dma_start3A_442 : memref<6272x128xf32, #tpu.memory_space<hbm>>) target(%arg8 : memref<80x128xf32, #tpu.memory_space<vmem>>) offsets(%arg6 : memref<80xi32, #tpu.memory_space<vmem>>) semaphore(%arg11 : memref<!tpu.dma_semaphore, #tpu.memory_space<semaphore_mem>>)
      %dma_start3A_443 = arith.constant 0 : i32
      %dma_start3A_444 = arith.constant 0 : i32
      %dma_start3A_445 = tpu.memref_slice %arg2[%dma_start3A_443, %dma_start3A_444] : memref<6272x128xf32, #tpu.memory_space<hbm>> -> memref<6272x128xf32, #tpu.memory_space<hbm>>
      tpu.enqueue_indirect_dma source(%dma_start3A_445 : memref<6272x128xf32, #tpu.memory_space<hbm>>) target(%arg9 : memref<80x128xf32, #tpu.memory_space<vmem>>) offsets(%arg7 : memref<80xi32, #tpu.memory_space<vmem>>) semaphore(%arg11 : memref<!tpu.dma_semaphore, #tpu.memory_space<semaphore_mem>>)
      %dma_wait3A = arith.constant 0 : i32
      %dma_wait3A_446 = arith.constant 0 : i32
      %dma_wait3A_447 = tpu.memref_slice %arg2[%dma_wait3A, %dma_wait3A_446] : memref<6272x128xf32, #tpu.memory_space<hbm>> -> memref<6272x128xf32, #tpu.memory_space<hbm>>
      tpu.wait_indirect_dma semaphore(%arg11 : memref<!tpu.dma_semaphore, #tpu.memory_space<semaphore_mem>>) src(%dma_wait3A_447 : memref<6272x128xf32, #tpu.memory_space<hbm>>) dst(%arg8 : memref<80x128xf32, #tpu.memory_space<vmem>>)
      %dma_wait3A_448 = arith.constant 0 : i32
      %dma_wait3A_449 = arith.constant 0 : i32
      %dma_wait3A_450 = tpu.memref_slice %arg2[%dma_wait3A_448, %dma_wait3A_449] : memref<6272x128xf32, #tpu.memory_space<hbm>> -> memref<6272x128xf32, #tpu.memory_space<hbm>>
      tpu.wait_indirect_dma semaphore(%arg11 : memref<!tpu.dma_semaphore, #tpu.memory_space<semaphore_mem>>) src(%dma_wait3A_450 : memref<6272x128xf32, #tpu.memory_space<hbm>>) dst(%arg9 : memref<80x128xf32, #tpu.memory_space<vmem>>)
      %add3A_451 = arith.constant 0 : i32
      %add3A_452 = vector.broadcast %add3A_451 : i32 to vector<16xi32>
      %add3A_453 = arith.addi %add3A_452, %iota3A : vector<16xi32>
      %broadcast_in_dim3A_454 = arith.constant 80 : i32
      %broadcast_in_dim3A_455 = vector.broadcast %broadcast_in_dim3A_454 : i32 to vector<16xi32>
      %gather3A_456 = tpu.vector_load_idx %arg8[%add3A_453, %broadcast_in_dim3A_455] : memref<80x128xf32, #tpu.memory_space<vmem>>[vector<16xi32>, vector<16xi32>], vector<16xf32>,
      %broadcast_in_dim3A_457 = arith.constant 81 : i32
      %broadcast_in_dim3A_458 = vector.broadcast %broadcast_in_dim3A_457 : i32 to vector<16xi32>
      %gather3A_459 = tpu.vector_load_idx %arg8[%add3A_453, %broadcast_in_dim3A_458] : memref<80x128xf32, #tpu.memory_space<vmem>>[vector<16xi32>, vector<16xi32>], vector<16xf32>,
      %broadcast_in_dim3A_460 = arith.constant 82 : i32
      %broadcast_in_dim3A_461 = vector.broadcast %broadcast_in_dim3A_460 : i32 to vector<16xi32>
      %gather3A_462 = tpu.vector_load_idx %arg8[%add3A_453, %broadcast_in_dim3A_461] : memref<80x128xf32, #tpu.memory_space<vmem>>[vector<16xi32>, vector<16xi32>], vector<16xf32>,
      %broadcast_in_dim3A_463 = arith.constant 83 : i32
      %broadcast_in_dim3A_464 = vector.broadcast %broadcast_in_dim3A_463 : i32 to vector<16xi32>
      %gather3A_465 = tpu.vector_load_idx %arg8[%add3A_453, %broadcast_in_dim3A_464] : memref<80x128xf32, #tpu.memory_space<vmem>>[vector<16xi32>, vector<16xi32>], vector<16xf32>,
      %broadcast_in_dim3A_466 = arith.constant 84 : i32
      %broadcast_in_dim3A_467 = vector.broadcast %broadcast_in_dim3A_466 : i32 to vector<16xi32>
      %gather3A_468 = tpu.vector_load_idx %arg8[%add3A_453, %broadcast_in_dim3A_467] : memref<80x128xf32, #tpu.memory_space<vmem>>[vector<16xi32>, vector<16xi32>], vector<16xf32>,
      %broadcast_in_dim3A_469 = arith.constant 85 : i32
      %broadcast_in_dim3A_470 = vector.broadcast %broadcast_in_dim3A_469 : i32 to vector<16xi32>
      %gather3A_471 = tpu.vector_load_idx %arg8[%add3A_453, %broadcast_in_dim3A_470] : memref<80x128xf32, #tpu.memory_space<vmem>>[vector<16xi32>, vector<16xi32>], vector<16xf32>,
      %broadcast_in_dim3A_472 = arith.constant 86 : i32
      %broadcast_in_dim3A_473 = vector.broadcast %broadcast_in_dim3A_472 : i32 to vector<16xi32>
      %gather3A_474 = tpu.vector_load_idx %arg8[%add3A_453, %broadcast_in_dim3A_473] : memref<80x128xf32, #tpu.memory_space<vmem>>[vector<16xi32>, vector<16xi32>], vector<16xf32>,
      %broadcast_in_dim3A_475 = arith.constant 87 : i32
      %broadcast_in_dim3A_476 = vector.broadcast %broadcast_in_dim3A_475 : i32 to vector<16xi32>
      %gather3A_477 = tpu.vector_load_idx %arg8[%add3A_453, %broadcast_in_dim3A_476] : memref<80x128xf32, #tpu.memory_space<vmem>>[vector<16xi32>, vector<16xi32>], vector<16xf32>,
      %broadcast_in_dim3A_478 = arith.constant 88 : i32
      %broadcast_in_dim3A_479 = vector.broadcast %broadcast_in_dim3A_478 : i32 to vector<16xi32>
      %gather3A_480 = tpu.vector_load_idx %arg8[%add3A_453, %broadcast_in_dim3A_479] : memref<80x128xf32, #tpu.memory_space<vmem>>[vector<16xi32>, vector<16xi32>], vector<16xf32>,
      %broadcast_in_dim3A_481 = arith.constant 89 : i32
      %broadcast_in_dim3A_482 = vector.broadcast %broadcast_in_dim3A_481 : i32 to vector<16xi32>
      %gather3A_483 = tpu.vector_load_idx %arg8[%add3A_453, %broadcast_in_dim3A_482] : memref<80x128xf32, #tpu.memory_space<vmem>>[vector<16xi32>, vector<16xi32>], vector<16xf32>,
      %broadcast_in_dim3A_484 = arith.constant 90 : i32
      %broadcast_in_dim3A_485 = vector.broadcast %broadcast_in_dim3A_484 : i32 to vector<16xi32>
      %gather3A_486 = tpu.vector_load_idx %arg8[%add3A_453, %broadcast_in_dim3A_485] : memref<80x128xf32, #tpu.memory_space<vmem>>[vector<16xi32>, vector<16xi32>], vector<16xf32>,
      %gather3A_487 = tpu.vector_load_idx %arg8[%add3A_453, %convert_element_type3A_44] : memref<80x128xf32, #tpu.memory_space<vmem>>[vector<16xi32>, vector<16xi32>], vector<16xf32>,
      %add3A_488 = arith.addf %gather3A_456, %gather3A_22 : vector<16xf32>
      %div3A = arith.constant 7.000000e+00 : f32
      %div3A_489 = vector.broadcast %div3A : f32 to vector<16xf32>
      %div3A_490 = arith.divf %add3A_488, %div3A_489 : vector<16xf32>
      %add3A_491 = arith.addf %gather3A_459, %gather3A_25 : vector<16xf32>
      %div3A_492 = arith.constant 7.000000e+00 : f32
      %div3A_493 = vector.broadcast %div3A_492 : f32 to vector<16xf32>
      %div3A_494 = arith.divf %add3A_491, %div3A_493 : vector<16xf32>
      %mul3A_495 = arith.mulf %gather3A_462, %gather3A_462 : vector<16xf32>
      %mul3A_496 = arith.mulf %gather3A_465, %gather3A_465 : vector<16xf32>
      %mul3A_497 = arith.constant 5.000000e-01 : f32
      %mul3A_498 = vector.broadcast %mul3A_497 : f32 to vector<16xf32>
      %mul3A_499 = arith.mulf %mul3A_498, %mul3A_495 : vector<16xf32>
      %sub3A = arith.subf %div3A_490, %mul3A_499 : vector<16xf32>
      %mul3A_500 = arith.constant 5.000000e-01 : f32
      %mul3A_501 = vector.broadcast %mul3A_500 : f32 to vector<16xf32>
      %mul3A_502 = arith.mulf %mul3A_501, %mul3A_496 : vector<16xf32>
      %sub3A_503 = arith.subf %div3A_494, %mul3A_502 : vector<16xf32>
      %mul3A_504 = arith.constant 5.000000e-01 : f32
      %mul3A_505 = vector.broadcast %mul3A_504 : f32 to vector<16xf32>
      %mul3A_506 = arith.mulf %mul3A_505, %mul3A_495 : vector<16xf32>
      %add3A_507 = arith.addf %div3A_490, %mul3A_506 : vector<16xf32>
      %mul3A_508 = arith.constant 5.000000e-01 : f32
      %mul3A_509 = vector.broadcast %mul3A_508 : f32 to vector<16xf32>
      %mul3A_510 = arith.mulf %mul3A_509, %mul3A_496 : vector<16xf32>
      %add3A_511 = arith.addf %div3A_494, %mul3A_510 : vector<16xf32>
      %max3A = arith.maximumf %sub3A, %gather3A : vector<16xf32>
      %max3A_512 = arith.maximumf %sub3A_503, %gather3A_7 : vector<16xf32>
      %min3A = arith.minimumf %add3A_507, %gather3A_10 : vector<16xf32>
      %min3A_513 = arith.minimumf %add3A_511, %gather3A_13 : vector<16xf32>
      %sub3A_514 = arith.subf %min3A, %max3A : vector<16xf32>
      %max3A_515 = arith.constant 0.000000e+00 : f32
      %max3A_516 = vector.broadcast %max3A_515 : f32 to vector<16xf32>
      %max3A_517 = arith.maximumf %sub3A_514, %max3A_516 : vector<16xf32>
      %sub3A_518 = arith.subf %min3A_513, %max3A_512 : vector<16xf32>
      %max3A_519 = arith.constant 0.000000e+00 : f32
      %max3A_520 = vector.broadcast %max3A_519 : f32 to vector<16xf32>
      %max3A_521 = arith.maximumf %sub3A_518, %max3A_520 : vector<16xf32>
      %mul3A_522 = arith.mulf %max3A_517, %max3A_521 : vector<16xf32>
      %sub3A_523 = arith.subf %add3A_507, %sub3A : vector<16xf32>
      %max3A_524 = arith.constant 0.000000e+00 : f32
      %max3A_525 = vector.broadcast %max3A_524 : f32 to vector<16xf32>
      %max3A_526 = arith.maximumf %sub3A_523, %max3A_525 : vector<16xf32>
      %sub3A_527 = arith.subf %add3A_511, %sub3A_503 : vector<16xf32>
      %max3A_528 = arith.constant 0.000000e+00 : f32
      %max3A_529 = vector.broadcast %max3A_528 : f32 to vector<16xf32>
      %max3A_530 = arith.maximumf %sub3A_527, %max3A_529 : vector<16xf32>
      %mul3A_531 = arith.mulf %max3A_526, %max3A_530 : vector<16xf32>
      %sub3A_532 = arith.subf %gather3A_10, %gather3A : vector<16xf32>
      %max3A_533 = arith.constant 0.000000e+00 : f32
      %max3A_534 = vector.broadcast %max3A_533 : f32 to vector<16xf32>
      %max3A_535 = arith.maximumf %sub3A_532, %max3A_534 : vector<16xf32>
      %sub3A_536 = arith.subf %gather3A_13, %gather3A_7 : vector<16xf32>
      %max3A_537 = arith.constant 0.000000e+00 : f32
      %max3A_538 = vector.broadcast %max3A_537 : f32 to vector<16xf32>
      %max3A_539 = arith.maximumf %sub3A_536, %max3A_538 : vector<16xf32>
      %mul3A_540 = arith.mulf %max3A_535, %max3A_539 : vector<16xf32>
      %add3A_541 = arith.addf %mul3A_531, %mul3A_540 : vector<16xf32>
      %sub3A_542 = arith.subf %add3A_541, %mul3A_522 : vector<16xf32>
      %add3A_543 = arith.constant 9.99999971E-10 : f32
      %add3A_544 = vector.broadcast %add3A_543 : f32 to vector<16xf32>
      %add3A_545 = arith.addf %sub3A_542, %add3A_544 : vector<16xf32>
      %div3A_546 = arith.divf %mul3A_522, %add3A_545 : vector<16xf32>
      %add3A_547 = arith.addf %gather3A_471, %gather3A_22 : vector<16xf32>
      %div3A_548 = arith.constant 7.000000e+00 : f32
      %div3A_549 = vector.broadcast %div3A_548 : f32 to vector<16xf32>
      %div3A_550 = arith.divf %add3A_547, %div3A_549 : vector<16xf32>
      %add3A_551 = arith.addf %gather3A_474, %gather3A_25 : vector<16xf32>
      %div3A_552 = arith.constant 7.000000e+00 : f32
      %div3A_553 = vector.broadcast %div3A_552 : f32 to vector<16xf32>
      %div3A_554 = arith.divf %add3A_551, %div3A_553 : vector<16xf32>
      %mul3A_555 = arith.mulf %gather3A_477, %gather3A_477 : vector<16xf32>
      %mul3A_556 = arith.mulf %gather3A_480, %gather3A_480 : vector<16xf32>
      %mul3A_557 = arith.constant 5.000000e-01 : f32
      %mul3A_558 = vector.broadcast %mul3A_557 : f32 to vector<16xf32>
      %mul3A_559 = arith.mulf %mul3A_558, %mul3A_555 : vector<16xf32>
      %sub3A_560 = arith.subf %div3A_550, %mul3A_559 : vector<16xf32>
      %mul3A_561 = arith.constant 5.000000e-01 : f32
      %mul3A_562 = vector.broadcast %mul3A_561 : f32 to vector<16xf32>
      %mul3A_563 = arith.mulf %mul3A_562, %mul3A_556 : vector<16xf32>
      %sub3A_564 = arith.subf %div3A_554, %mul3A_563 : vector<16xf32>
      %mul3A_565 = arith.constant 5.000000e-01 : f32
      %mul3A_566 = vector.broadcast %mul3A_565 : f32 to vector<16xf32>
      %mul3A_567 = arith.mulf %mul3A_566, %mul3A_555 : vector<16xf32>
      %add3A_568 = arith.addf %div3A_550, %mul3A_567 : vector<16xf32>
      %mul3A_569 = arith.constant 5.000000e-01 : f32
      %mul3A_570 = vector.broadcast %mul3A_569 : f32 to vector<16xf32>
      %mul3A_571 = arith.mulf %mul3A_570, %mul3A_556 : vector<16xf32>
      %add3A_572 = arith.addf %div3A_554, %mul3A_571 : vector<16xf32>
      %max3A_573 = arith.maximumf %sub3A_560, %gather3A : vector<16xf32>
      %max3A_574 = arith.maximumf %sub3A_564, %gather3A_7 : vector<16xf32>
      %min3A_575 = arith.minimumf %add3A_568, %gather3A_10 : vector<16xf32>
      %min3A_576 = arith.minimumf %add3A_572, %gather3A_13 : vector<16xf32>
      %sub3A_577 = arith.subf %min3A_575, %max3A_573 : vector<16xf32>
      %max3A_578 = arith.constant 0.000000e+00 : f32
      %max3A_579 = vector.broadcast %max3A_578 : f32 to vector<16xf32>
      %max3A_580 = arith.maximumf %sub3A_577, %max3A_579 : vector<16xf32>
      %sub3A_581 = arith.subf %min3A_576, %max3A_574 : vector<16xf32>
      %max3A_582 = arith.constant 0.000000e+00 : f32
      %max3A_583 = vector.broadcast %max3A_582 : f32 to vector<16xf32>
      %max3A_584 = arith.maximumf %sub3A_581, %max3A_583 : vector<16xf32>
      %mul3A_585 = arith.mulf %max3A_580, %max3A_584 : vector<16xf32>
      %sub3A_586 = arith.subf %add3A_568, %sub3A_560 : vector<16xf32>
      %max3A_587 = arith.constant 0.000000e+00 : f32
      %max3A_588 = vector.broadcast %max3A_587 : f32 to vector<16xf32>
      %max3A_589 = arith.maximumf %sub3A_586, %max3A_588 : vector<16xf32>
      %sub3A_590 = arith.subf %add3A_572, %sub3A_564 : vector<16xf32>
      %max3A_591 = arith.constant 0.000000e+00 : f32
      %max3A_592 = vector.broadcast %max3A_591 : f32 to vector<16xf32>
      %max3A_593 = arith.maximumf %sub3A_590, %max3A_592 : vector<16xf32>
      %mul3A_594 = arith.mulf %max3A_589, %max3A_593 : vector<16xf32>
      %sub3A_595 = arith.subf %gather3A_10, %gather3A : vector<16xf32>
      %max3A_596 = arith.constant 0.000000e+00 : f32
      %max3A_597 = vector.broadcast %max3A_596 : f32 to vector<16xf32>
      %max3A_598 = arith.maximumf %sub3A_595, %max3A_597 : vector<16xf32>
      %sub3A_599 = arith.subf %gather3A_13, %gather3A_7 : vector<16xf32>
      %max3A_600 = arith.constant 0.000000e+00 : f32
      %max3A_601 = vector.broadcast %max3A_600 : f32 to vector<16xf32>
      %max3A_602 = arith.maximumf %sub3A_599, %max3A_601 : vector<16xf32>
      %mul3A_603 = arith.mulf %max3A_598, %max3A_602 : vector<16xf32>
      %add3A_604 = arith.addf %mul3A_594, %mul3A_603 : vector<16xf32>
      %sub3A_605 = arith.subf %add3A_604, %mul3A_585 : vector<16xf32>
      %add3A_606 = arith.constant 9.99999971E-10 : f32
      %add3A_607 = vector.broadcast %add3A_606 : f32 to vector<16xf32>
      %add3A_608 = arith.addf %sub3A_605, %add3A_607 : vector<16xf32>
      %div3A_609 = arith.divf %mul3A_585, %add3A_608 : vector<16xf32>
      %gt3A = arith.cmpf ogt, %div3A_609, %div3A_546 : vector<16xf32>
      %select_n3A = arith.select %gt3A, %div3A_609, %div3A_546 : vector<16xi1>, vector<16xf32>
      %select_n3A_610 = arith.select %gt3A, %gather3A_471, %gather3A_456 : vector<16xi1>, vector<16xf32>
      %select_n3A_611 = arith.select %gt3A, %gather3A_474, %gather3A_459 : vector<16xi1>, vector<16xf32>
      %select_n3A_612 = arith.select %gt3A, %gather3A_477, %gather3A_462 : vector<16xi1>, vector<16xf32>
      %select_n3A_613 = arith.select %gt3A, %gather3A_480, %gather3A_465 : vector<16xi1>, vector<16xf32>
      %select_n3A_614 = arith.select %gt3A, %gather3A_483, %gather3A_468 : vector<16xi1>, vector<16xf32>
      %mul3A_615 = arith.constant 2 : i32
      %mul3A_616 = vector.broadcast %mul3A_615 : i32 to vector<16xi32>
      %mul3A_617 = arith.muli %convert_element_type3A_35, %mul3A_616 : vector<16xi32>
      %convert_element_type3A_618 = arith.extui %gt3A : vector<16xi1> to vector<16xi32>
      %add3A_619 = arith.addi %mul3A_617, %convert_element_type3A_618 : vector<16xi32>
      %mul3A_620 = arith.constant 80 : i32
      %mul3A_621 = vector.broadcast %mul3A_620 : i32 to vector<16xi32>
      %mul3A_622 = arith.muli %convert_element_type3A_35, %mul3A_621 : vector<16xi32>
      %add3A_623 = arith.addi %mul3A_622, %convert_element_type3A_44 : vector<16xi32>
      %sub3A_624 = arith.subf %select_n3A_614, %select_n3A : vector<16xf32>
      %mul3A_625 = arith.mulf %sub3A_624, %sub3A_624 : vector<16xf32>
      %sub3A_626 = arith.subf %select_n3A_610, %gather3A_28 : vector<16xf32>
      %mul3A_627 = arith.mulf %sub3A_626, %sub3A_626 : vector<16xf32>
      %sub3A_628 = arith.subf %select_n3A_611, %gather3A_31 : vector<16xf32>
      %mul3A_629 = arith.mulf %sub3A_628, %sub3A_628 : vector<16xf32>
      %add3A_630 = arith.addf %mul3A_627, %mul3A_629 : vector<16xf32>
      %sub3A_631 = arith.subf %select_n3A_612, %gather3A_16 : vector<16xf32>
      %mul3A_632 = arith.mulf %sub3A_631, %sub3A_631 : vector<16xf32>
      %add3A_633 = arith.addf %add3A_630, %mul3A_632 : vector<16xf32>
      %sub3A_634 = arith.subf %select_n3A_613, %gather3A_19 : vector<16xf32>
      %mul3A_635 = arith.mulf %sub3A_634, %sub3A_634 : vector<16xf32>
      %add3A_636 = arith.addf %add3A_633, %mul3A_635 : vector<16xf32>
      %mul3A_637 = arith.constant 5.000000e+00 : f32
      %mul3A_638 = vector.broadcast %mul3A_637 : f32 to vector<16xf32>
      %mul3A_639 = arith.mulf %mul3A_638, %add3A_636 : vector<16xf32>
      %add3A_640 = arith.addf %mul3A_625, %mul3A_639 : vector<16xf32>
      %mul3A_641 = arith.mulf %select_n3A_614, %select_n3A_614 : vector<16xf32>
      %add3A_642 = arith.constant 16 : i32
      %add3A_643 = vector.broadcast %add3A_642 : i32 to vector<16xi32>
      %add3A_644 = arith.addi %add3A_643, %iota3A : vector<16xi32>
      %broadcast_in_dim3A_645 = arith.constant 80 : i32
      %broadcast_in_dim3A_646 = vector.broadcast %broadcast_in_dim3A_645 : i32 to vector<16xi32>
      %gather3A_647 = tpu.vector_load_idx %arg8[%add3A_644, %broadcast_in_dim3A_646] : memref<80x128xf32, #tpu.memory_space<vmem>>[vector<16xi32>, vector<16xi32>], vector<16xf32>,
      %broadcast_in_dim3A_648 = arith.constant 81 : i32
      %broadcast_in_dim3A_649 = vector.broadcast %broadcast_in_dim3A_648 : i32 to vector<16xi32>
      %gather3A_650 = tpu.vector_load_idx %arg8[%add3A_644, %broadcast_in_dim3A_649] : memref<80x128xf32, #tpu.memory_space<vmem>>[vector<16xi32>, vector<16xi32>], vector<16xf32>,
      %broadcast_in_dim3A_651 = arith.constant 82 : i32
      %broadcast_in_dim3A_652 = vector.broadcast %broadcast_in_dim3A_651 : i32 to vector<16xi32>
      %gather3A_653 = tpu.vector_load_idx %arg8[%add3A_644, %broadcast_in_dim3A_652] : memref<80x128xf32, #tpu.memory_space<vmem>>[vector<16xi32>, vector<16xi32>], vector<16xf32>,
      %broadcast_in_dim3A_654 = arith.constant 83 : i32
      %broadcast_in_dim3A_655 = vector.broadcast %broadcast_in_dim3A_654 : i32 to vector<16xi32>
      %gather3A_656 = tpu.vector_load_idx %arg8[%add3A_644, %broadcast_in_dim3A_655] : memref<80x128xf32, #tpu.memory_space<vmem>>[vector<16xi32>, vector<16xi32>], vector<16xf32>,
      %broadcast_in_dim3A_657 = arith.constant 84 : i32
      %broadcast_in_dim3A_658 = vector.broadcast %broadcast_in_dim3A_657 : i32 to vector<16xi32>
      %gather3A_659 = tpu.vector_load_idx %arg8[%add3A_644, %broadcast_in_dim3A_658] : memref<80x128xf32, #tpu.memory_space<vmem>>[vector<16xi32>, vector<16xi32>], vector<16xf32>,
      %broadcast_in_dim3A_660 = arith.constant 85 : i32
      %broadcast_in_dim3A_661 = vector.broadcast %broadcast_in_dim3A_660 : i32 to vector<16xi32>
      %gather3A_662 = tpu.vector_load_idx %arg8[%add3A_644, %broadcast_in_dim3A_661] : memref<80x128xf32, #tpu.memory_space<vmem>>[vector<16xi32>, vector<16xi32>], vector<16xf32>,
      %broadcast_in_dim3A_663 = arith.constant 86 : i32
      %broadcast_in_dim3A_664 = vector.broadcast %broadcast_in_dim3A_663 : i32 to vector<16xi32>
      %gather3A_665 = tpu.vector_load_idx %arg8[%add3A_644, %broadcast_in_dim3A_664] : memref<80x128xf32, #tpu.memory_space<vmem>>[vector<16xi32>, vector<16xi32>], vector<16xf32>,
      %broadcast_in_dim3A_666 = arith.constant 87 : i32
      %broadcast_in_dim3A_667 = vector.broadcast %broadcast_in_dim3A_666 : i32 to vector<16xi32>
      %gather3A_668 = tpu.vector_load_idx %arg8[%add3A_644, %broadcast_in_dim3A_667] : memref<80x128xf32, #tpu.memory_space<vmem>>[vector<16xi32>, vector<16xi32>], vector<16xf32>,
      %broadcast_in_dim3A_669 = arith.constant 88 : i32
      %broadcast_in_dim3A_670 = vector.broadcast %broadcast_in_dim3A_669 : i32 to vector<16xi32>
      %gather3A_671 = tpu.vector_load_idx %arg8[%add3A_644, %broadcast_in_dim3A_670] : memref<80x128xf32, #tpu.memory_space<vmem>>[vector<16xi32>, vector<16xi32>], vector<16xf32>,
      %broadcast_in_dim3A_672 = arith.constant 89 : i32
      %broadcast_in_dim3A_673 = vector.broadcast %broadcast_in_dim3A_672 : i32 to vector<16xi32>
      %gather3A_674 = tpu.vector_load_idx %arg8[%add3A_644, %broadcast_in_dim3A_673] : memref<80x128xf32, #tpu.memory_space<vmem>>[vector<16xi32>, vector<16xi32>], vector<16xf32>,
      %broadcast_in_dim3A_675 = arith.constant 90 : i32
      %broadcast_in_dim3A_676 = vector.broadcast %broadcast_in_dim3A_675 : i32 to vector<16xi32>
      %gather3A_677 = tpu.vector_load_idx %arg8[%add3A_644, %broadcast_in_dim3A_676] : memref<80x128xf32, #tpu.memory_space<vmem>>[vector<16xi32>, vector<16xi32>], vector<16xf32>,
      %gather3A_678 = tpu.vector_load_idx %arg8[%add3A_644, %convert_element_type3A_88] : memref<80x128xf32, #tpu.memory_space<vmem>>[vector<16xi32>, vector<16xi32>], vector<16xf32>,
      %add3A_679 = arith.addf %gather3A_647, %gather3A_65 : vector<16xf32>
      %div3A_680 = arith.constant 7.000000e+00 : f32
      %div3A_681 = vector.broadcast %div3A_680 : f32 to vector<16xf32>
      %div3A_682 = arith.divf %add3A_679, %div3A_681 : vector<16xf32>
      %add3A_683 = arith.addf %gather3A_650, %gather3A_68 : vector<16xf32>
      %div3A_684 = arith.constant 7.000000e+00 : f32
      %div3A_685 = vector.broadcast %div3A_684 : f32 to vector<16xf32>
      %div3A_686 = arith.divf %add3A_683, %div3A_685 : vector<16xf32>
      %mul3A_687 = arith.mulf %gather3A_653, %gather3A_653 : vector<16xf32>
      %mul3A_688 = arith.mulf %gather3A_656, %gather3A_656 : vector<16xf32>
      %mul3A_689 = arith.constant 5.000000e-01 : f32
      %mul3A_690 = vector.broadcast %mul3A_689 : f32 to vector<16xf32>
      %mul3A_691 = arith.mulf %mul3A_690, %mul3A_687 : vector<16xf32>
      %sub3A_692 = arith.subf %div3A_682, %mul3A_691 : vector<16xf32>
      %mul3A_693 = arith.constant 5.000000e-01 : f32
      %mul3A_694 = vector.broadcast %mul3A_693 : f32 to vector<16xf32>
      %mul3A_695 = arith.mulf %mul3A_694, %mul3A_688 : vector<16xf32>
      %sub3A_696 = arith.subf %div3A_686, %mul3A_695 : vector<16xf32>
      %mul3A_697 = arith.constant 5.000000e-01 : f32
      %mul3A_698 = vector.broadcast %mul3A_697 : f32 to vector<16xf32>
      %mul3A_699 = arith.mulf %mul3A_698, %mul3A_687 : vector<16xf32>
      %add3A_700 = arith.addf %div3A_682, %mul3A_699 : vector<16xf32>
      %mul3A_701 = arith.constant 5.000000e-01 : f32
      %mul3A_702 = vector.broadcast %mul3A_701 : f32 to vector<16xf32>
      %mul3A_703 = arith.mulf %mul3A_702, %mul3A_688 : vector<16xf32>
      %add3A_704 = arith.addf %div3A_686, %mul3A_703 : vector<16xf32>
      %max3A_705 = arith.maximumf %sub3A_692, %gather3A_47 : vector<16xf32>
      %max3A_706 = arith.maximumf %sub3A_696, %gather3A_50 : vector<16xf32>
      %min3A_707 = arith.minimumf %add3A_700, %gather3A_53 : vector<16xf32>
      %min3A_708 = arith.minimumf %add3A_704, %gather3A_56 : vector<16xf32>
      %sub3A_709 = arith.subf %min3A_707, %max3A_705 : vector<16xf32>
      %max3A_710 = arith.constant 0.000000e+00 : f32
      %max3A_711 = vector.broadcast %max3A_710 : f32 to vector<16xf32>
      %max3A_712 = arith.maximumf %sub3A_709, %max3A_711 : vector<16xf32>
      %sub3A_713 = arith.subf %min3A_708, %max3A_706 : vector<16xf32>
      %max3A_714 = arith.constant 0.000000e+00 : f32
      %max3A_715 = vector.broadcast %max3A_714 : f32 to vector<16xf32>
      %max3A_716 = arith.maximumf %sub3A_713, %max3A_715 : vector<16xf32>
      %mul3A_717 = arith.mulf %max3A_712, %max3A_716 : vector<16xf32>
      %sub3A_718 = arith.subf %add3A_700, %sub3A_692 : vector<16xf32>
      %max3A_719 = arith.constant 0.000000e+00 : f32
      %max3A_720 = vector.broadcast %max3A_719 : f32 to vector<16xf32>
      %max3A_721 = arith.maximumf %sub3A_718, %max3A_720 : vector<16xf32>
      %sub3A_722 = arith.subf %add3A_704, %sub3A_696 : vector<16xf32>
      %max3A_723 = arith.constant 0.000000e+00 : f32
      %max3A_724 = vector.broadcast %max3A_723 : f32 to vector<16xf32>
      %max3A_725 = arith.maximumf %sub3A_722, %max3A_724 : vector<16xf32>
      %mul3A_726 = arith.mulf %max3A_721, %max3A_725 : vector<16xf32>
      %sub3A_727 = arith.subf %gather3A_53, %gather3A_47 : vector<16xf32>
      %max3A_728 = arith.constant 0.000000e+00 : f32
      %max3A_729 = vector.broadcast %max3A_728 : f32 to vector<16xf32>
      %max3A_730 = arith.maximumf %sub3A_727, %max3A_729 : vector<16xf32>
      %sub3A_731 = arith.subf %gather3A_56, %gather3A_50 : vector<16xf32>
      %max3A_732 = arith.constant 0.000000e+00 : f32
      %max3A_733 = vector.broadcast %max3A_732 : f32 to vector<16xf32>
      %max3A_734 = arith.maximumf %sub3A_731, %max3A_733 : vector<16xf32>
      %mul3A_735 = arith.mulf %max3A_730, %max3A_734 : vector<16xf32>
      %add3A_736 = arith.addf %mul3A_726, %mul3A_735 : vector<16xf32>
      %sub3A_737 = arith.subf %add3A_736, %mul3A_717 : vector<16xf32>
      %add3A_738 = arith.constant 9.99999971E-10 : f32
      %add3A_739 = vector.broadcast %add3A_738 : f32 to vector<16xf32>
      %add3A_740 = arith.addf %sub3A_737, %add3A_739 : vector<16xf32>
      %div3A_741 = arith.divf %mul3A_717, %add3A_740 : vector<16xf32>
      %add3A_742 = arith.addf %gather3A_662, %gather3A_65 : vector<16xf32>
      %div3A_743 = arith.constant 7.000000e+00 : f32
      %div3A_744 = vector.broadcast %div3A_743 : f32 to vector<16xf32>
      %div3A_745 = arith.divf %add3A_742, %div3A_744 : vector<16xf32>
      %add3A_746 = arith.addf %gather3A_665, %gather3A_68 : vector<16xf32>
      %div3A_747 = arith.constant 7.000000e+00 : f32
      %div3A_748 = vector.broadcast %div3A_747 : f32 to vector<16xf32>
      %div3A_749 = arith.divf %add3A_746, %div3A_748 : vector<16xf32>
      %mul3A_750 = arith.mulf %gather3A_668, %gather3A_668 : vector<16xf32>
      %mul3A_751 = arith.mulf %gather3A_671, %gather3A_671 : vector<16xf32>
      %mul3A_752 = arith.constant 5.000000e-01 : f32
      %mul3A_753 = vector.broadcast %mul3A_752 : f32 to vector<16xf32>
      %mul3A_754 = arith.mulf %mul3A_753, %mul3A_750 : vector<16xf32>
      %sub3A_755 = arith.subf %div3A_745, %mul3A_754 : vector<16xf32>
      %mul3A_756 = arith.constant 5.000000e-01 : f32
      %mul3A_757 = vector.broadcast %mul3A_756 : f32 to vector<16xf32>
      %mul3A_758 = arith.mulf %mul3A_757, %mul3A_751 : vector<16xf32>
      %sub3A_759 = arith.subf %div3A_749, %mul3A_758 : vector<16xf32>
      %mul3A_760 = arith.constant 5.000000e-01 : f32
      %mul3A_761 = vector.broadcast %mul3A_760 : f32 to vector<16xf32>
      %mul3A_762 = arith.mulf %mul3A_761, %mul3A_750 : vector<16xf32>
      %add3A_763 = arith.addf %div3A_745, %mul3A_762 : vector<16xf32>
      %mul3A_764 = arith.constant 5.000000e-01 : f32
      %mul3A_765 = vector.broadcast %mul3A_764 : f32 to vector<16xf32>
      %mul3A_766 = arith.mulf %mul3A_765, %mul3A_751 : vector<16xf32>
      %add3A_767 = arith.addf %div3A_749, %mul3A_766 : vector<16xf32>
      %max3A_768 = arith.maximumf %sub3A_755, %gather3A_47 : vector<16xf32>
      %max3A_769 = arith.maximumf %sub3A_759, %gather3A_50 : vector<16xf32>
      %min3A_770 = arith.minimumf %add3A_763, %gather3A_53 : vector<16xf32>
      %min3A_771 = arith.minimumf %add3A_767, %gather3A_56 : vector<16xf32>
      %sub3A_772 = arith.subf %min3A_770, %max3A_768 : vector<16xf32>
      %max3A_773 = arith.constant 0.000000e+00 : f32
      %max3A_774 = vector.broadcast %max3A_773 : f32 to vector<16xf32>
      %max3A_775 = arith.maximumf %sub3A_772, %max3A_774 : vector<16xf32>
      %sub3A_776 = arith.subf %min3A_771, %max3A_769 : vector<16xf32>
      %max3A_777 = arith.constant 0.000000e+00 : f32
      %max3A_778 = vector.broadcast %max3A_777 : f32 to vector<16xf32>
      %max3A_779 = arith.maximumf %sub3A_776, %max3A_778 : vector<16xf32>
      %mul3A_780 = arith.mulf %max3A_775, %max3A_779 : vector<16xf32>
      %sub3A_781 = arith.subf %add3A_763, %sub3A_755 : vector<16xf32>
      %max3A_782 = arith.constant 0.000000e+00 : f32
      %max3A_783 = vector.broadcast %max3A_782 : f32 to vector<16xf32>
      %max3A_784 = arith.maximumf %sub3A_781, %max3A_783 : vector<16xf32>
      %sub3A_785 = arith.subf %add3A_767, %sub3A_759 : vector<16xf32>
      %max3A_786 = arith.constant 0.000000e+00 : f32
      %max3A_787 = vector.broadcast %max3A_786 : f32 to vector<16xf32>
      %max3A_788 = arith.maximumf %sub3A_785, %max3A_787 : vector<16xf32>
      %mul3A_789 = arith.mulf %max3A_784, %max3A_788 : vector<16xf32>
      %sub3A_790 = arith.subf %gather3A_53, %gather3A_47 : vector<16xf32>
      %max3A_791 = arith.constant 0.000000e+00 : f32
      %max3A_792 = vector.broadcast %max3A_791 : f32 to vector<16xf32>
      %max3A_793 = arith.maximumf %sub3A_790, %max3A_792 : vector<16xf32>
      %sub3A_794 = arith.subf %gather3A_56, %gather3A_50 : vector<16xf32>
      %max3A_795 = arith.constant 0.000000e+00 : f32
      %max3A_796 = vector.broadcast %max3A_795 : f32 to vector<16xf32>
      %max3A_797 = arith.maximumf %sub3A_794, %max3A_796 : vector<16xf32>
      %mul3A_798 = arith.mulf %max3A_793, %max3A_797 : vector<16xf32>
      %add3A_799 = arith.addf %mul3A_789, %mul3A_798 : vector<16xf32>
      %sub3A_800 = arith.subf %add3A_799, %mul3A_780 : vector<16xf32>
      %add3A_801 = arith.constant 9.99999971E-10 : f32
      %add3A_802 = vector.broadcast %add3A_801 : f32 to vector<16xf32>
      %add3A_803 = arith.addf %sub3A_800, %add3A_802 : vector<16xf32>
      %div3A_804 = arith.divf %mul3A_780, %add3A_803 : vector<16xf32>
      %gt3A_805 = arith.cmpf ogt, %div3A_804, %div3A_741 : vector<16xf32>
      %select_n3A_806 = arith.select %gt3A_805, %div3A_804, %div3A_741 : vector<16xi1>, vector<16xf32>
      %select_n3A_807 = arith.select %gt3A_805, %gather3A_662, %gather3A_647 : vector<16xi1>, vector<16xf32>
      %select_n3A_808 = arith.select %gt3A_805, %gather3A_665, %gather3A_650 : vector<16xi1>, vector<16xf32>
      %select_n3A_809 = arith.select %gt3A_805, %gather3A_668, %gather3A_653 : vector<16xi1>, vector<16xf32>
      %select_n3A_810 = arith.select %gt3A_805, %gather3A_671, %gather3A_656 : vector<16xi1>, vector<16xf32>
      %select_n3A_811 = arith.select %gt3A_805, %gather3A_674, %gather3A_659 : vector<16xi1>, vector<16xf32>
      %mul3A_812 = arith.constant 2 : i32
      %mul3A_813 = vector.broadcast %mul3A_812 : i32 to vector<16xi32>
      %mul3A_814 = arith.muli %convert_element_type3A_78, %mul3A_813 : vector<16xi32>
      %convert_element_type3A_815 = arith.extui %gt3A_805 : vector<16xi1> to vector<16xi32>
      %add3A_816 = arith.addi %mul3A_814, %convert_element_type3A_815 : vector<16xi32>
      %mul3A_817 = arith.constant 80 : i32
      %mul3A_818 = vector.broadcast %mul3A_817 : i32 to vector<16xi32>
      %mul3A_819 = arith.muli %convert_element_type3A_78, %mul3A_818 : vector<16xi32>
      %add3A_820 = arith.addi %mul3A_819, %convert_element_type3A_88 : vector<16xi32>
      %sub3A_821 = arith.subf %select_n3A_811, %select_n3A_806 : vector<16xf32>
      %mul3A_822 = arith.mulf %sub3A_821, %sub3A_821 : vector<16xf32>
      %sub3A_823 = arith.subf %select_n3A_807, %gather3A_71 : vector<16xf32>
      %mul3A_824 = arith.mulf %sub3A_823, %sub3A_823 : vector<16xf32>
      %sub3A_825 = arith.subf %select_n3A_808, %gather3A_74 : vector<16xf32>
      %mul3A_826 = arith.mulf %sub3A_825, %sub3A_825 : vector<16xf32>
      %add3A_827 = arith.addf %mul3A_824, %mul3A_826 : vector<16xf32>
      %sub3A_828 = arith.subf %select_n3A_809, %gather3A_59 : vector<16xf32>
      %mul3A_829 = arith.mulf %sub3A_828, %sub3A_828 : vector<16xf32>
      %add3A_830 = arith.addf %add3A_827, %mul3A_829 : vector<16xf32>
      %sub3A_831 = arith.subf %select_n3A_810, %gather3A_62 : vector<16xf32>
      %mul3A_832 = arith.mulf %sub3A_831, %sub3A_831 : vector<16xf32>
      %add3A_833 = arith.addf %add3A_830, %mul3A_832 : vector<16xf32>
      %mul3A_834 = arith.constant 5.000000e+00 : f32
      %mul3A_835 = vector.broadcast %mul3A_834 : f32 to vector<16xf32>
      %mul3A_836 = arith.mulf %mul3A_835, %add3A_833 : vector<16xf32>
      %add3A_837 = arith.addf %mul3A_822, %mul3A_836 : vector<16xf32>
      %mul3A_838 = arith.mulf %select_n3A_811, %select_n3A_811 : vector<16xf32>
      %add3A_839 = arith.constant 32 : i32
      %add3A_840 = vector.broadcast %add3A_839 : i32 to vector<16xi32>
      %add3A_841 = arith.addi %add3A_840, %iota3A : vector<16xi32>
      %broadcast_in_dim3A_842 = arith.constant 80 : i32
      %broadcast_in_dim3A_843 = vector.broadcast %broadcast_in_dim3A_842 : i32 to vector<16xi32>
      %gather3A_844 = tpu.vector_load_idx %arg8[%add3A_841, %broadcast_in_dim3A_843] : memref<80x128xf32, #tpu.memory_space<vmem>>[vector<16xi32>, vector<16xi32>], vector<16xf32>,
      %broadcast_in_dim3A_845 = arith.constant 81 : i32
      %broadcast_in_dim3A_846 = vector.broadcast %broadcast_in_dim3A_845 : i32 to vector<16xi32>
      %gather3A_847 = tpu.vector_load_idx %arg8[%add3A_841, %broadcast_in_dim3A_846] : memref<80x128xf32, #tpu.memory_space<vmem>>[vector<16xi32>, vector<16xi32>], vector<16xf32>,
      %broadcast_in_dim3A_848 = arith.constant 82 : i32
      %broadcast_in_dim3A_849 = vector.broadcast %broadcast_in_dim3A_848 : i32 to vector<16xi32>
      %gather3A_850 = tpu.vector_load_idx %arg8[%add3A_841, %broadcast_in_dim3A_849] : memref<80x128xf32, #tpu.memory_space<vmem>>[vector<16xi32>, vector<16xi32>], vector<16xf32>,
      %broadcast_in_dim3A_851 = arith.constant 83 : i32
      %broadcast_in_dim3A_852 = vector.broadcast %broadcast_in_dim3A_851 : i32 to vector<16xi32>
      %gather3A_853 = tpu.vector_load_idx %arg8[%add3A_841, %broadcast_in_dim3A_852] : memref<80x128xf32, #tpu.memory_space<vmem>>[vector<16xi32>, vector<16xi32>], vector<16xf32>,
      %broadcast_in_dim3A_854 = arith.constant 84 : i32
      %broadcast_in_dim3A_855 = vector.broadcast %broadcast_in_dim3A_854 : i32 to vector<16xi32>
      %gather3A_856 = tpu.vector_load_idx %arg8[%add3A_841, %broadcast_in_dim3A_855] : memref<80x128xf32, #tpu.memory_space<vmem>>[vector<16xi32>, vector<16xi32>], vector<16xf32>,
      %broadcast_in_dim3A_857 = arith.constant 85 : i32
      %broadcast_in_dim3A_858 = vector.broadcast %broadcast_in_dim3A_857 : i32 to vector<16xi32>
      %gather3A_859 = tpu.vector_load_idx %arg8[%add3A_841, %broadcast_in_dim3A_858] : memref<80x128xf32, #tpu.memory_space<vmem>>[vector<16xi32>, vector<16xi32>], vector<16xf32>,
      %broadcast_in_dim3A_860 = arith.constant 86 : i32
      %broadcast_in_dim3A_861 = vector.broadcast %broadcast_in_dim3A_860 : i32 to vector<16xi32>
      %gather3A_862 = tpu.vector_load_idx %arg8[%add3A_841, %broadcast_in_dim3A_861] : memref<80x128xf32, #tpu.memory_space<vmem>>[vector<16xi32>, vector<16xi32>], vector<16xf32>,
      %broadcast_in_dim3A_863 = arith.constant 87 : i32
      %broadcast_in_dim3A_864 = vector.broadcast %broadcast_in_dim3A_863 : i32 to vector<16xi32>
      %gather3A_865 = tpu.vector_load_idx %arg8[%add3A_841, %broadcast_in_dim3A_864] : memref<80x128xf32, #tpu.memory_space<vmem>>[vector<16xi32>, vector<16xi32>], vector<16xf32>,
      %broadcast_in_dim3A_866 = arith.constant 88 : i32
      %broadcast_in_dim3A_867 = vector.broadcast %broadcast_in_dim3A_866 : i32 to vector<16xi32>
      %gather3A_868 = tpu.vector_load_idx %arg8[%add3A_841, %broadcast_in_dim3A_867] : memref<80x128xf32, #tpu.memory_space<vmem>>[vector<16xi32>, vector<16xi32>], vector<16xf32>,
      %broadcast_in_dim3A_869 = arith.constant 89 : i32
      %broadcast_in_dim3A_870 = vector.broadcast %broadcast_in_dim3A_869 : i32 to vector<16xi32>
      %gather3A_871 = tpu.vector_load_idx %arg8[%add3A_841, %broadcast_in_dim3A_870] : memref<80x128xf32, #tpu.memory_space<vmem>>[vector<16xi32>, vector<16xi32>], vector<16xf32>,
      %broadcast_in_dim3A_872 = arith.constant 90 : i32
      %broadcast_in_dim3A_873 = vector.broadcast %broadcast_in_dim3A_872 : i32 to vector<16xi32>
      %gather3A_874 = tpu.vector_load_idx %arg8[%add3A_841, %broadcast_in_dim3A_873] : memref<80x128xf32, #tpu.memory_space<vmem>>[vector<16xi32>, vector<16xi32>], vector<16xf32>,
      %gather3A_875 = tpu.vector_load_idx %arg8[%add3A_841, %convert_element_type3A_132] : memref<80x128xf32, #tpu.memory_space<vmem>>[vector<16xi32>, vector<16xi32>], vector<16xf32>,
      %add3A_876 = arith.addf %gather3A_844, %gather3A_109 : vector<16xf32>
      %div3A_877 = arith.constant 7.000000e+00 : f32
      %div3A_878 = vector.broadcast %div3A_877 : f32 to vector<16xf32>
      %div3A_879 = arith.divf %add3A_876, %div3A_878 : vector<16xf32>
      %add3A_880 = arith.addf %gather3A_847, %gather3A_112 : vector<16xf32>
      %div3A_881 = arith.constant 7.000000e+00 : f32
      %div3A_882 = vector.broadcast %div3A_881 : f32 to vector<16xf32>
      %div3A_883 = arith.divf %add3A_880, %div3A_882 : vector<16xf32>
      %mul3A_884 = arith.mulf %gather3A_850, %gather3A_850 : vector<16xf32>
      %mul3A_885 = arith.mulf %gather3A_853, %gather3A_853 : vector<16xf32>
      %mul3A_886 = arith.constant 5.000000e-01 : f32
      %mul3A_887 = vector.broadcast %mul3A_886 : f32 to vector<16xf32>
      %mul3A_888 = arith.mulf %mul3A_887, %mul3A_884 : vector<16xf32>
      %sub3A_889 = arith.subf %div3A_879, %mul3A_888 : vector<16xf32>
      %mul3A_890 = arith.constant 5.000000e-01 : f32
      %mul3A_891 = vector.broadcast %mul3A_890 : f32 to vector<16xf32>
      %mul3A_892 = arith.mulf %mul3A_891, %mul3A_885 : vector<16xf32>
      %sub3A_893 = arith.subf %div3A_883, %mul3A_892 : vector<16xf32>
      %mul3A_894 = arith.constant 5.000000e-01 : f32
      %mul3A_895 = vector.broadcast %mul3A_894 : f32 to vector<16xf32>
      %mul3A_896 = arith.mulf %mul3A_895, %mul3A_884 : vector<16xf32>
      %add3A_897 = arith.addf %div3A_879, %mul3A_896 : vector<16xf32>
      %mul3A_898 = arith.constant 5.000000e-01 : f32
      %mul3A_899 = vector.broadcast %mul3A_898 : f32 to vector<16xf32>
      %mul3A_900 = arith.mulf %mul3A_899, %mul3A_885 : vector<16xf32>
      %add3A_901 = arith.addf %div3A_883, %mul3A_900 : vector<16xf32>
      %max3A_902 = arith.maximumf %sub3A_889, %gather3A_91 : vector<16xf32>
      %max3A_903 = arith.maximumf %sub3A_893, %gather3A_94 : vector<16xf32>
      %min3A_904 = arith.minimumf %add3A_897, %gather3A_97 : vector<16xf32>
      %min3A_905 = arith.minimumf %add3A_901, %gather3A_100 : vector<16xf32>
      %sub3A_906 = arith.subf %min3A_904, %max3A_902 : vector<16xf32>
      %max3A_907 = arith.constant 0.000000e+00 : f32
      %max3A_908 = vector.broadcast %max3A_907 : f32 to vector<16xf32>
      %max3A_909 = arith.maximumf %sub3A_906, %max3A_908 : vector<16xf32>
      %sub3A_910 = arith.subf %min3A_905, %max3A_903 : vector<16xf32>
      %max3A_911 = arith.constant 0.000000e+00 : f32
      %max3A_912 = vector.broadcast %max3A_911 : f32 to vector<16xf32>
      %max3A_913 = arith.maximumf %sub3A_910, %max3A_912 : vector<16xf32>
      %mul3A_914 = arith.mulf %max3A_909, %max3A_913 : vector<16xf32>
      %sub3A_915 = arith.subf %add3A_897, %sub3A_889 : vector<16xf32>
      %max3A_916 = arith.constant 0.000000e+00 : f32
      %max3A_917 = vector.broadcast %max3A_916 : f32 to vector<16xf32>
      %max3A_918 = arith.maximumf %sub3A_915, %max3A_917 : vector<16xf32>
      %sub3A_919 = arith.subf %add3A_901, %sub3A_893 : vector<16xf32>
      %max3A_920 = arith.constant 0.000000e+00 : f32
      %max3A_921 = vector.broadcast %max3A_920 : f32 to vector<16xf32>
      %max3A_922 = arith.maximumf %sub3A_919, %max3A_921 : vector<16xf32>
      %mul3A_923 = arith.mulf %max3A_918, %max3A_922 : vector<16xf32>
      %sub3A_924 = arith.subf %gather3A_97, %gather3A_91 : vector<16xf32>
      %max3A_925 = arith.constant 0.000000e+00 : f32
      %max3A_926 = vector.broadcast %max3A_925 : f32 to vector<16xf32>
      %max3A_927 = arith.maximumf %sub3A_924, %max3A_926 : vector<16xf32>
      %sub3A_928 = arith.subf %gather3A_100, %gather3A_94 : vector<16xf32>
      %max3A_929 = arith.constant 0.000000e+00 : f32
      %max3A_930 = vector.broadcast %max3A_929 : f32 to vector<16xf32>
      %max3A_931 = arith.maximumf %sub3A_928, %max3A_930 : vector<16xf32>
      %mul3A_932 = arith.mulf %max3A_927, %max3A_931 : vector<16xf32>
      %add3A_933 = arith.addf %mul3A_923, %mul3A_932 : vector<16xf32>
      %sub3A_934 = arith.subf %add3A_933, %mul3A_914 : vector<16xf32>
      %add3A_935 = arith.constant 9.99999971E-10 : f32
      %add3A_936 = vector.broadcast %add3A_935 : f32 to vector<16xf32>
      %add3A_937 = arith.addf %sub3A_934, %add3A_936 : vector<16xf32>
      %div3A_938 = arith.divf %mul3A_914, %add3A_937 : vector<16xf32>
      %add3A_939 = arith.addf %gather3A_859, %gather3A_109 : vector<16xf32>
      %div3A_940 = arith.constant 7.000000e+00 : f32
      %div3A_941 = vector.broadcast %div3A_940 : f32 to vector<16xf32>
      %div3A_942 = arith.divf %add3A_939, %div3A_941 : vector<16xf32>
      %add3A_943 = arith.addf %gather3A_862, %gather3A_112 : vector<16xf32>
      %div3A_944 = arith.constant 7.000000e+00 : f32
      %div3A_945 = vector.broadcast %div3A_944 : f32 to vector<16xf32>
      %div3A_946 = arith.divf %add3A_943, %div3A_945 : vector<16xf32>
      %mul3A_947 = arith.mulf %gather3A_865, %gather3A_865 : vector<16xf32>
      %mul3A_948 = arith.mulf %gather3A_868, %gather3A_868 : vector<16xf32>
      %mul3A_949 = arith.constant 5.000000e-01 : f32
      %mul3A_950 = vector.broadcast %mul3A_949 : f32 to vector<16xf32>
      %mul3A_951 = arith.mulf %mul3A_950, %mul3A_947 : vector<16xf32>
      %sub3A_952 = arith.subf %div3A_942, %mul3A_951 : vector<16xf32>
      %mul3A_953 = arith.constant 5.000000e-01 : f32
      %mul3A_954 = vector.broadcast %mul3A_953 : f32 to vector<16xf32>
      %mul3A_955 = arith.mulf %mul3A_954, %mul3A_948 : vector<16xf32>
      %sub3A_956 = arith.subf %div3A_946, %mul3A_955 : vector<16xf32>
      %mul3A_957 = arith.constant 5.000000e-01 : f32
      %mul3A_958 = vector.broadcast %mul3A_957 : f32 to vector<16xf32>
      %mul3A_959 = arith.mulf %mul3A_958, %mul3A_947 : vector<16xf32>
      %add3A_960 = arith.addf %div3A_942, %mul3A_959 : vector<16xf32>
      %mul3A_961 = arith.constant 5.000000e-01 : f32
      %mul3A_962 = vector.broadcast %mul3A_961 : f32 to vector<16xf32>
      %mul3A_963 = arith.mulf %mul3A_962, %mul3A_948 : vector<16xf32>
      %add3A_964 = arith.addf %div3A_946, %mul3A_963 : vector<16xf32>
      %max3A_965 = arith.maximumf %sub3A_952, %gather3A_91 : vector<16xf32>
      %max3A_966 = arith.maximumf %sub3A_956, %gather3A_94 : vector<16xf32>
      %min3A_967 = arith.minimumf %add3A_960, %gather3A_97 : vector<16xf32>
      %min3A_968 = arith.minimumf %add3A_964, %gather3A_100 : vector<16xf32>
      %sub3A_969 = arith.subf %min3A_967, %max3A_965 : vector<16xf32>
      %max3A_970 = arith.constant 0.000000e+00 : f32
      %max3A_971 = vector.broadcast %max3A_970 : f32 to vector<16xf32>
      %max3A_972 = arith.maximumf %sub3A_969, %max3A_971 : vector<16xf32>
      %sub3A_973 = arith.subf %min3A_968, %max3A_966 : vector<16xf32>
      %max3A_974 = arith.constant 0.000000e+00 : f32
      %max3A_975 = vector.broadcast %max3A_974 : f32 to vector<16xf32>
      %max3A_976 = arith.maximumf %sub3A_973, %max3A_975 : vector<16xf32>
      %mul3A_977 = arith.mulf %max3A_972, %max3A_976 : vector<16xf32>
      %sub3A_978 = arith.subf %add3A_960, %sub3A_952 : vector<16xf32>
      %max3A_979 = arith.constant 0.000000e+00 : f32
      %max3A_980 = vector.broadcast %max3A_979 : f32 to vector<16xf32>
      %max3A_981 = arith.maximumf %sub3A_978, %max3A_980 : vector<16xf32>
      %sub3A_982 = arith.subf %add3A_964, %sub3A_956 : vector<16xf32>
      %max3A_983 = arith.constant 0.000000e+00 : f32
      %max3A_984 = vector.broadcast %max3A_983 : f32 to vector<16xf32>
      %max3A_985 = arith.maximumf %sub3A_982, %max3A_984 : vector<16xf32>
      %mul3A_986 = arith.mulf %max3A_981, %max3A_985 : vector<16xf32>
      %sub3A_987 = arith.subf %gather3A_97, %gather3A_91 : vector<16xf32>
      %max3A_988 = arith.constant 0.000000e+00 : f32
      %max3A_989 = vector.broadcast %max3A_988 : f32 to vector<16xf32>
      %max3A_990 = arith.maximumf %sub3A_987, %max3A_989 : vector<16xf32>
      %sub3A_991 = arith.subf %gather3A_100, %gather3A_94 : vector<16xf32>
      %max3A_992 = arith.constant 0.000000e+00 : f32
      %max3A_993 = vector.broadcast %max3A_992 : f32 to vector<16xf32>
      %max3A_994 = arith.maximumf %sub3A_991, %max3A_993 : vector<16xf32>
      %mul3A_995 = arith.mulf %max3A_990, %max3A_994 : vector<16xf32>
      %add3A_996 = arith.addf %mul3A_986, %mul3A_995 : vector<16xf32>
      %sub3A_997 = arith.subf %add3A_996, %mul3A_977 : vector<16xf32>
      %add3A_998 = arith.constant 9.99999971E-10 : f32
      %add3A_999 = vector.broadcast %add3A_998 : f32 to vector<16xf32>
      %add3A_1000 = arith.addf %sub3A_997, %add3A_999 : vector<16xf32>
      %div3A_1001 = arith.divf %mul3A_977, %add3A_1000 : vector<16xf32>
      %gt3A_1002 = arith.cmpf ogt, %div3A_1001, %div3A_938 : vector<16xf32>
      %select_n3A_1003 = arith.select %gt3A_1002, %div3A_1001, %div3A_938 : vector<16xi1>, vector<16xf32>
      %select_n3A_1004 = arith.select %gt3A_1002, %gather3A_859, %gather3A_844 : vector<16xi1>, vector<16xf32>
      %select_n3A_1005 = arith.select %gt3A_1002, %gather3A_862, %gather3A_847 : vector<16xi1>, vector<16xf32>
      %select_n3A_1006 = arith.select %gt3A_1002, %gather3A_865, %gather3A_850 : vector<16xi1>, vector<16xf32>
      %select_n3A_1007 = arith.select %gt3A_1002, %gather3A_868, %gather3A_853 : vector<16xi1>, vector<16xf32>
      %select_n3A_1008 = arith.select %gt3A_1002, %gather3A_871, %gather3A_856 : vector<16xi1>, vector<16xf32>
      %mul3A_1009 = arith.constant 2 : i32
      %mul3A_1010 = vector.broadcast %mul3A_1009 : i32 to vector<16xi32>
      %mul3A_1011 = arith.muli %convert_element_type3A_122, %mul3A_1010 : vector<16xi32>
      %convert_element_type3A_1012 = arith.extui %gt3A_1002 : vector<16xi1> to vector<16xi32>
      %add3A_1013 = arith.addi %mul3A_1011, %convert_element_type3A_1012 : vector<16xi32>
      %mul3A_1014 = arith.constant 80 : i32
      %mul3A_1015 = vector.broadcast %mul3A_1014 : i32 to vector<16xi32>
      %mul3A_1016 = arith.muli %convert_element_type3A_122, %mul3A_1015 : vector<16xi32>
      %add3A_1017 = arith.addi %mul3A_1016, %convert_element_type3A_132 : vector<16xi32>
      %sub3A_1018 = arith.subf %select_n3A_1008, %select_n3A_1003 : vector<16xf32>
      %mul3A_1019 = arith.mulf %sub3A_1018, %sub3A_1018 : vector<16xf32>
      %sub3A_1020 = arith.subf %select_n3A_1004, %gather3A_115 : vector<16xf32>
      %mul3A_1021 = arith.mulf %sub3A_1020, %sub3A_1020 : vector<16xf32>
      %sub3A_1022 = arith.subf %select_n3A_1005, %gather3A_118 : vector<16xf32>
      %mul3A_1023 = arith.mulf %sub3A_1022, %sub3A_1022 : vector<16xf32>
      %add3A_1024 = arith.addf %mul3A_1021, %mul3A_1023 : vector<16xf32>
      %sub3A_1025 = arith.subf %select_n3A_1006, %gather3A_103 : vector<16xf32>
      %mul3A_1026 = arith.mulf %sub3A_1025, %sub3A_1025 : vector<16xf32>
      %add3A_1027 = arith.addf %add3A_1024, %mul3A_1026 : vector<16xf32>
      %sub3A_1028 = arith.subf %select_n3A_1007, %gather3A_106 : vector<16xf32>
      %mul3A_1029 = arith.mulf %sub3A_1028, %sub3A_1028 : vector<16xf32>
      %add3A_1030 = arith.addf %add3A_1027, %mul3A_1029 : vector<16xf32>
      %mul3A_1031 = arith.constant 5.000000e+00 : f32
      %mul3A_1032 = vector.broadcast %mul3A_1031 : f32 to vector<16xf32>
      %mul3A_1033 = arith.mulf %mul3A_1032, %add3A_1030 : vector<16xf32>
      %add3A_1034 = arith.addf %mul3A_1019, %mul3A_1033 : vector<16xf32>
      %mul3A_1035 = arith.mulf %select_n3A_1008, %select_n3A_1008 : vector<16xf32>
      %add3A_1036 = arith.constant 48 : i32
      %add3A_1037 = vector.broadcast %add3A_1036 : i32 to vector<16xi32>
      %add3A_1038 = arith.addi %add3A_1037, %iota3A : vector<16xi32>
      %broadcast_in_dim3A_1039 = arith.constant 80 : i32
      %broadcast_in_dim3A_1040 = vector.broadcast %broadcast_in_dim3A_1039 : i32 to vector<16xi32>
      %gather3A_1041 = tpu.vector_load_idx %arg8[%add3A_1038, %broadcast_in_dim3A_1040] : memref<80x128xf32, #tpu.memory_space<vmem>>[vector<16xi32>, vector<16xi32>], vector<16xf32>,
      %broadcast_in_dim3A_1042 = arith.constant 81 : i32
      %broadcast_in_dim3A_1043 = vector.broadcast %broadcast_in_dim3A_1042 : i32 to vector<16xi32>
      %gather3A_1044 = tpu.vector_load_idx %arg8[%add3A_1038, %broadcast_in_dim3A_1043] : memref<80x128xf32, #tpu.memory_space<vmem>>[vector<16xi32>, vector<16xi32>], vector<16xf32>,
      %broadcast_in_dim3A_1045 = arith.constant 82 : i32
      %broadcast_in_dim3A_1046 = vector.broadcast %broadcast_in_dim3A_1045 : i32 to vector<16xi32>
      %gather3A_1047 = tpu.vector_load_idx %arg8[%add3A_1038, %broadcast_in_dim3A_1046] : memref<80x128xf32, #tpu.memory_space<vmem>>[vector<16xi32>, vector<16xi32>], vector<16xf32>,
      %broadcast_in_dim3A_1048 = arith.constant 83 : i32
      %broadcast_in_dim3A_1049 = vector.broadcast %broadcast_in_dim3A_1048 : i32 to vector<16xi32>
      %gather3A_1050 = tpu.vector_load_idx %arg8[%add3A_1038, %broadcast_in_dim3A_1049] : memref<80x128xf32, #tpu.memory_space<vmem>>[vector<16xi32>, vector<16xi32>], vector<16xf32>,
      %broadcast_in_dim3A_1051 = arith.constant 84 : i32
      %broadcast_in_dim3A_1052 = vector.broadcast %broadcast_in_dim3A_1051 : i32 to vector<16xi32>
      %gather3A_1053 = tpu.vector_load_idx %arg8[%add3A_1038, %broadcast_in_dim3A_1052] : memref<80x128xf32, #tpu.memory_space<vmem>>[vector<16xi32>, vector<16xi32>], vector<16xf32>,
      %broadcast_in_dim3A_1054 = arith.constant 85 : i32
      %broadcast_in_dim3A_1055 = vector.broadcast %broadcast_in_dim3A_1054 : i32 to vector<16xi32>
      %gather3A_1056 = tpu.vector_load_idx %arg8[%add3A_1038, %broadcast_in_dim3A_1055] : memref<80x128xf32, #tpu.memory_space<vmem>>[vector<16xi32>, vector<16xi32>], vector<16xf32>,
      %broadcast_in_dim3A_1057 = arith.constant 86 : i32
      %broadcast_in_dim3A_1058 = vector.broadcast %broadcast_in_dim3A_1057 : i32 to vector<16xi32>
      %gather3A_1059 = tpu.vector_load_idx %arg8[%add3A_1038, %broadcast_in_dim3A_1058] : memref<80x128xf32, #tpu.memory_space<vmem>>[vector<16xi32>, vector<16xi32>], vector<16xf32>,
      %broadcast_in_dim3A_1060 = arith.constant 87 : i32
      %broadcast_in_dim3A_1061 = vector.broadcast %broadcast_in_dim3A_1060 : i32 to vector<16xi32>
      %gather3A_1062 = tpu.vector_load_idx %arg8[%add3A_1038, %broadcast_in_dim3A_1061] : memref<80x128xf32, #tpu.memory_space<vmem>>[vector<16xi32>, vector<16xi32>], vector<16xf32>,
      %broadcast_in_dim3A_1063 = arith.constant 88 : i32
      %broadcast_in_dim3A_1064 = vector.broadcast %broadcast_in_dim3A_1063 : i32 to vector<16xi32>
      %gather3A_1065 = tpu.vector_load_idx %arg8[%add3A_1038, %broadcast_in_dim3A_1064] : memref<80x128xf32, #tpu.memory_space<vmem>>[vector<16xi32>, vector<16xi32>], vector<16xf32>,
      %broadcast_in_dim3A_1066 = arith.constant 89 : i32
      %broadcast_in_dim3A_1067 = vector.broadcast %broadcast_in_dim3A_1066 : i32 to vector<16xi32>
      %gather3A_1068 = tpu.vector_load_idx %arg8[%add3A_1038, %broadcast_in_dim3A_1067] : memref<80x128xf32, #tpu.memory_space<vmem>>[vector<16xi32>, vector<16xi32>], vector<16xf32>,
      %broadcast_in_dim3A_1069 = arith.constant 90 : i32
      %broadcast_in_dim3A_1070 = vector.broadcast %broadcast_in_dim3A_1069 : i32 to vector<16xi32>
      %gather3A_1071 = tpu.vector_load_idx %arg8[%add3A_1038, %broadcast_in_dim3A_1070] : memref<80x128xf32, #tpu.memory_space<vmem>>[vector<16xi32>, vector<16xi32>], vector<16xf32>,
      %gather3A_1072 = tpu.vector_load_idx %arg8[%add3A_1038, %convert_element_type3A_176] : memref<80x128xf32, #tpu.memory_space<vmem>>[vector<16xi32>, vector<16xi32>], vector<16xf32>,
      %add3A_1073 = arith.addf %gather3A_1041, %gather3A_153 : vector<16xf32>
      %div3A_1074 = arith.constant 7.000000e+00 : f32
      %div3A_1075 = vector.broadcast %div3A_1074 : f32 to vector<16xf32>
      %div3A_1076 = arith.divf %add3A_1073, %div3A_1075 : vector<16xf32>
      %add3A_1077 = arith.addf %gather3A_1044, %gather3A_156 : vector<16xf32>
      %div3A_1078 = arith.constant 7.000000e+00 : f32
      %div3A_1079 = vector.broadcast %div3A_1078 : f32 to vector<16xf32>
      %div3A_1080 = arith.divf %add3A_1077, %div3A_1079 : vector<16xf32>
      %mul3A_1081 = arith.mulf %gather3A_1047, %gather3A_1047 : vector<16xf32>
      %mul3A_1082 = arith.mulf %gather3A_1050, %gather3A_1050 : vector<16xf32>
      %mul3A_1083 = arith.constant 5.000000e-01 : f32
      %mul3A_1084 = vector.broadcast %mul3A_1083 : f32 to vector<16xf32>
      %mul3A_1085 = arith.mulf %mul3A_1084, %mul3A_1081 : vector<16xf32>
      %sub3A_1086 = arith.subf %div3A_1076, %mul3A_1085 : vector<16xf32>
      %mul3A_1087 = arith.constant 5.000000e-01 : f32
      %mul3A_1088 = vector.broadcast %mul3A_1087 : f32 to vector<16xf32>
      %mul3A_1089 = arith.mulf %mul3A_1088, %mul3A_1082 : vector<16xf32>
      %sub3A_1090 = arith.subf %div3A_1080, %mul3A_1089 : vector<16xf32>
      %mul3A_1091 = arith.constant 5.000000e-01 : f32
      %mul3A_1092 = vector.broadcast %mul3A_1091 : f32 to vector<16xf32>
      %mul3A_1093 = arith.mulf %mul3A_1092, %mul3A_1081 : vector<16xf32>
      %add3A_1094 = arith.addf %div3A_1076, %mul3A_1093 : vector<16xf32>
      %mul3A_1095 = arith.constant 5.000000e-01 : f32
      %mul3A_1096 = vector.broadcast %mul3A_1095 : f32 to vector<16xf32>
      %mul3A_1097 = arith.mulf %mul3A_1096, %mul3A_1082 : vector<16xf32>
      %add3A_1098 = arith.addf %div3A_1080, %mul3A_1097 : vector<16xf32>
      %max3A_1099 = arith.maximumf %sub3A_1086, %gather3A_135 : vector<16xf32>
      %max3A_1100 = arith.maximumf %sub3A_1090, %gather3A_138 : vector<16xf32>
      %min3A_1101 = arith.minimumf %add3A_1094, %gather3A_141 : vector<16xf32>
      %min3A_1102 = arith.minimumf %add3A_1098, %gather3A_144 : vector<16xf32>
      %sub3A_1103 = arith.subf %min3A_1101, %max3A_1099 : vector<16xf32>
      %max3A_1104 = arith.constant 0.000000e+00 : f32
      %max3A_1105 = vector.broadcast %max3A_1104 : f32 to vector<16xf32>
      %max3A_1106 = arith.maximumf %sub3A_1103, %max3A_1105 : vector<16xf32>
      %sub3A_1107 = arith.subf %min3A_1102, %max3A_1100 : vector<16xf32>
      %max3A_1108 = arith.constant 0.000000e+00 : f32
      %max3A_1109 = vector.broadcast %max3A_1108 : f32 to vector<16xf32>
      %max3A_1110 = arith.maximumf %sub3A_1107, %max3A_1109 : vector<16xf32>
      %mul3A_1111 = arith.mulf %max3A_1106, %max3A_1110 : vector<16xf32>
      %sub3A_1112 = arith.subf %add3A_1094, %sub3A_1086 : vector<16xf32>
      %max3A_1113 = arith.constant 0.000000e+00 : f32
      %max3A_1114 = vector.broadcast %max3A_1113 : f32 to vector<16xf32>
      %max3A_1115 = arith.maximumf %sub3A_1112, %max3A_1114 : vector<16xf32>
      %sub3A_1116 = arith.subf %add3A_1098, %sub3A_1090 : vector<16xf32>
      %max3A_1117 = arith.constant 0.000000e+00 : f32
      %max3A_1118 = vector.broadcast %max3A_1117 : f32 to vector<16xf32>
      %max3A_1119 = arith.maximumf %sub3A_1116, %max3A_1118 : vector<16xf32>
      %mul3A_1120 = arith.mulf %max3A_1115, %max3A_1119 : vector<16xf32>
      %sub3A_1121 = arith.subf %gather3A_141, %gather3A_135 : vector<16xf32>
      %max3A_1122 = arith.constant 0.000000e+00 : f32
      %max3A_1123 = vector.broadcast %max3A_1122 : f32 to vector<16xf32>
      %max3A_1124 = arith.maximumf %sub3A_1121, %max3A_1123 : vector<16xf32>
      %sub3A_1125 = arith.subf %gather3A_144, %gather3A_138 : vector<16xf32>
      %max3A_1126 = arith.constant 0.000000e+00 : f32
      %max3A_1127 = vector.broadcast %max3A_1126 : f32 to vector<16xf32>
      %max3A_1128 = arith.maximumf %sub3A_1125, %max3A_1127 : vector<16xf32>
      %mul3A_1129 = arith.mulf %max3A_1124, %max3A_1128 : vector<16xf32>
      %add3A_1130 = arith.addf %mul3A_1120, %mul3A_1129 : vector<16xf32>
      %sub3A_1131 = arith.subf %add3A_1130, %mul3A_1111 : vector<16xf32>
      %add3A_1132 = arith.constant 9.99999971E-10 : f32
      %add3A_1133 = vector.broadcast %add3A_1132 : f32 to vector<16xf32>
      %add3A_1134 = arith.addf %sub3A_1131, %add3A_1133 : vector<16xf32>
      %div3A_1135 = arith.divf %mul3A_1111, %add3A_1134 : vector<16xf32>
      %add3A_1136 = arith.addf %gather3A_1056, %gather3A_153 : vector<16xf32>
      %div3A_1137 = arith.constant 7.000000e+00 : f32
      %div3A_1138 = vector.broadcast %div3A_1137 : f32 to vector<16xf32>
      %div3A_1139 = arith.divf %add3A_1136, %div3A_1138 : vector<16xf32>
      %add3A_1140 = arith.addf %gather3A_1059, %gather3A_156 : vector<16xf32>
      %div3A_1141 = arith.constant 7.000000e+00 : f32
      %div3A_1142 = vector.broadcast %div3A_1141 : f32 to vector<16xf32>
      %div3A_1143 = arith.divf %add3A_1140, %div3A_1142 : vector<16xf32>
      %mul3A_1144 = arith.mulf %gather3A_1062, %gather3A_1062 : vector<16xf32>
      %mul3A_1145 = arith.mulf %gather3A_1065, %gather3A_1065 : vector<16xf32>
      %mul3A_1146 = arith.constant 5.000000e-01 : f32
      %mul3A_1147 = vector.broadcast %mul3A_1146 : f32 to vector<16xf32>
      %mul3A_1148 = arith.mulf %mul3A_1147, %mul3A_1144 : vector<16xf32>
      %sub3A_1149 = arith.subf %div3A_1139, %mul3A_1148 : vector<16xf32>
      %mul3A_1150 = arith.constant 5.000000e-01 : f32
      %mul3A_1151 = vector.broadcast %mul3A_1150 : f32 to vector<16xf32>
      %mul3A_1152 = arith.mulf %mul3A_1151, %mul3A_1145 : vector<16xf32>
      %sub3A_1153 = arith.subf %div3A_1143, %mul3A_1152 : vector<16xf32>
      %mul3A_1154 = arith.constant 5.000000e-01 : f32
      %mul3A_1155 = vector.broadcast %mul3A_1154 : f32 to vector<16xf32>
      %mul3A_1156 = arith.mulf %mul3A_1155, %mul3A_1144 : vector<16xf32>
      %add3A_1157 = arith.addf %div3A_1139, %mul3A_1156 : vector<16xf32>
      %mul3A_1158 = arith.constant 5.000000e-01 : f32
      %mul3A_1159 = vector.broadcast %mul3A_1158 : f32 to vector<16xf32>
      %mul3A_1160 = arith.mulf %mul3A_1159, %mul3A_1145 : vector<16xf32>
      %add3A_1161 = arith.addf %div3A_1143, %mul3A_1160 : vector<16xf32>
      %max3A_1162 = arith.maximumf %sub3A_1149, %gather3A_135 : vector<16xf32>
      %max3A_1163 = arith.maximumf %sub3A_1153, %gather3A_138 : vector<16xf32>
      %min3A_1164 = arith.minimumf %add3A_1157, %gather3A_141 : vector<16xf32>
      %min3A_1165 = arith.minimumf %add3A_1161, %gather3A_144 : vector<16xf32>
      %sub3A_1166 = arith.subf %min3A_1164, %max3A_1162 : vector<16xf32>
      %max3A_1167 = arith.constant 0.000000e+00 : f32
      %max3A_1168 = vector.broadcast %max3A_1167 : f32 to vector<16xf32>
      %max3A_1169 = arith.maximumf %sub3A_1166, %max3A_1168 : vector<16xf32>
      %sub3A_1170 = arith.subf %min3A_1165, %max3A_1163 : vector<16xf32>
      %max3A_1171 = arith.constant 0.000000e+00 : f32
      %max3A_1172 = vector.broadcast %max3A_1171 : f32 to vector<16xf32>
      %max3A_1173 = arith.maximumf %sub3A_1170, %max3A_1172 : vector<16xf32>
      %mul3A_1174 = arith.mulf %max3A_1169, %max3A_1173 : vector<16xf32>
      %sub3A_1175 = arith.subf %add3A_1157, %sub3A_1149 : vector<16xf32>
      %max3A_1176 = arith.constant 0.000000e+00 : f32
      %max3A_1177 = vector.broadcast %max3A_1176 : f32 to vector<16xf32>
      %max3A_1178 = arith.maximumf %sub3A_1175, %max3A_1177 : vector<16xf32>
      %sub3A_1179 = arith.subf %add3A_1161, %sub3A_1153 : vector<16xf32>
      %max3A_1180 = arith.constant 0.000000e+00 : f32
      %max3A_1181 = vector.broadcast %max3A_1180 : f32 to vector<16xf32>
      %max3A_1182 = arith.maximumf %sub3A_1179, %max3A_1181 : vector<16xf32>
      %mul3A_1183 = arith.mulf %max3A_1178, %max3A_1182 : vector<16xf32>
      %sub3A_1184 = arith.subf %gather3A_141, %gather3A_135 : vector<16xf32>
      %max3A_1185 = arith.constant 0.000000e+00 : f32
      %max3A_1186 = vector.broadcast %max3A_1185 : f32 to vector<16xf32>
      %max3A_1187 = arith.maximumf %sub3A_1184, %max3A_1186 : vector<16xf32>
      %sub3A_1188 = arith.subf %gather3A_144, %gather3A_138 : vector<16xf32>
      %max3A_1189 = arith.constant 0.000000e+00 : f32
      %max3A_1190 = vector.broadcast %max3A_1189 : f32 to vector<16xf32>
      %max3A_1191 = arith.maximumf %sub3A_1188, %max3A_1190 : vector<16xf32>
      %mul3A_1192 = arith.mulf %max3A_1187, %max3A_1191 : vector<16xf32>
      %add3A_1193 = arith.addf %mul3A_1183, %mul3A_1192 : vector<16xf32>
      %sub3A_1194 = arith.subf %add3A_1193, %mul3A_1174 : vector<16xf32>
      %add3A_1195 = arith.constant 9.99999971E-10 : f32
      %add3A_1196 = vector.broadcast %add3A_1195 : f32 to vector<16xf32>
      %add3A_1197 = arith.addf %sub3A_1194, %add3A_1196 : vector<16xf32>
      %div3A_1198 = arith.divf %mul3A_1174, %add3A_1197 : vector<16xf32>
      %gt3A_1199 = arith.cmpf ogt, %div3A_1198, %div3A_1135 : vector<16xf32>
      %select_n3A_1200 = arith.select %gt3A_1199, %div3A_1198, %div3A_1135 : vector<16xi1>, vector<16xf32>
      %select_n3A_1201 = arith.select %gt3A_1199, %gather3A_1056, %gather3A_1041 : vector<16xi1>, vector<16xf32>
      %select_n3A_1202 = arith.select %gt3A_1199, %gather3A_1059, %gather3A_1044 : vector<16xi1>, vector<16xf32>
      %select_n3A_1203 = arith.select %gt3A_1199, %gather3A_1062, %gather3A_1047 : vector<16xi1>, vector<16xf32>
      %select_n3A_1204 = arith.select %gt3A_1199, %gather3A_1065, %gather3A_1050 : vector<16xi1>, vector<16xf32>
      %select_n3A_1205 = arith.select %gt3A_1199, %gather3A_1068, %gather3A_1053 : vector<16xi1>, vector<16xf32>
      %mul3A_1206 = arith.constant 2 : i32
      %mul3A_1207 = vector.broadcast %mul3A_1206 : i32 to vector<16xi32>
      %mul3A_1208 = arith.muli %convert_element_type3A_166, %mul3A_1207 : vector<16xi32>
      %convert_element_type3A_1209 = arith.extui %gt3A_1199 : vector<16xi1> to vector<16xi32>
      %add3A_1210 = arith.addi %mul3A_1208, %convert_element_type3A_1209 : vector<16xi32>
      %mul3A_1211 = arith.constant 80 : i32
      %mul3A_1212 = vector.broadcast %mul3A_1211 : i32 to vector<16xi32>
      %mul3A_1213 = arith.muli %convert_element_type3A_166, %mul3A_1212 : vector<16xi32>
      %add3A_1214 = arith.addi %mul3A_1213, %convert_element_type3A_176 : vector<16xi32>
      %sub3A_1215 = arith.subf %select_n3A_1205, %select_n3A_1200 : vector<16xf32>
      %mul3A_1216 = arith.mulf %sub3A_1215, %sub3A_1215 : vector<16xf32>
      %sub3A_1217 = arith.subf %select_n3A_1201, %gather3A_159 : vector<16xf32>
      %mul3A_1218 = arith.mulf %sub3A_1217, %sub3A_1217 : vector<16xf32>
      %sub3A_1219 = arith.subf %select_n3A_1202, %gather3A_162 : vector<16xf32>
      %mul3A_1220 = arith.mulf %sub3A_1219, %sub3A_1219 : vector<16xf32>
      %add3A_1221 = arith.addf %mul3A_1218, %mul3A_1220 : vector<16xf32>
      %sub3A_1222 = arith.subf %select_n3A_1203, %gather3A_147 : vector<16xf32>
      %mul3A_1223 = arith.mulf %sub3A_1222, %sub3A_1222 : vector<16xf32>
      %add3A_1224 = arith.addf %add3A_1221, %mul3A_1223 : vector<16xf32>
      %sub3A_1225 = arith.subf %select_n3A_1204, %gather3A_150 : vector<16xf32>
      %mul3A_1226 = arith.mulf %sub3A_1225, %sub3A_1225 : vector<16xf32>
      %add3A_1227 = arith.addf %add3A_1224, %mul3A_1226 : vector<16xf32>
      %mul3A_1228 = arith.constant 5.000000e+00 : f32
      %mul3A_1229 = vector.broadcast %mul3A_1228 : f32 to vector<16xf32>
      %mul3A_1230 = arith.mulf %mul3A_1229, %add3A_1227 : vector<16xf32>
      %add3A_1231 = arith.addf %mul3A_1216, %mul3A_1230 : vector<16xf32>
      %mul3A_1232 = arith.mulf %select_n3A_1205, %select_n3A_1205 : vector<16xf32>
      %add3A_1233 = arith.constant 64 : i32
      %add3A_1234 = vector.broadcast %add3A_1233 : i32 to vector<16xi32>
      %add3A_1235 = arith.addi %add3A_1234, %iota3A : vector<16xi32>
      %broadcast_in_dim3A_1236 = arith.constant 80 : i32
      %broadcast_in_dim3A_1237 = vector.broadcast %broadcast_in_dim3A_1236 : i32 to vector<16xi32>
      %gather3A_1238 = tpu.vector_load_idx %arg8[%add3A_1235, %broadcast_in_dim3A_1237] : memref<80x128xf32, #tpu.memory_space<vmem>>[vector<16xi32>, vector<16xi32>], vector<16xf32>,
      %broadcast_in_dim3A_1239 = arith.constant 81 : i32
      %broadcast_in_dim3A_1240 = vector.broadcast %broadcast_in_dim3A_1239 : i32 to vector<16xi32>
      %gather3A_1241 = tpu.vector_load_idx %arg8[%add3A_1235, %broadcast_in_dim3A_1240] : memref<80x128xf32, #tpu.memory_space<vmem>>[vector<16xi32>, vector<16xi32>], vector<16xf32>,
      %broadcast_in_dim3A_1242 = arith.constant 82 : i32
      %broadcast_in_dim3A_1243 = vector.broadcast %broadcast_in_dim3A_1242 : i32 to vector<16xi32>
      %gather3A_1244 = tpu.vector_load_idx %arg8[%add3A_1235, %broadcast_in_dim3A_1243] : memref<80x128xf32, #tpu.memory_space<vmem>>[vector<16xi32>, vector<16xi32>], vector<16xf32>,
      %broadcast_in_dim3A_1245 = arith.constant 83 : i32
      %broadcast_in_dim3A_1246 = vector.broadcast %broadcast_in_dim3A_1245 : i32 to vector<16xi32>
      %gather3A_1247 = tpu.vector_load_idx %arg8[%add3A_1235, %broadcast_in_dim3A_1246] : memref<80x128xf32, #tpu.memory_space<vmem>>[vector<16xi32>, vector<16xi32>], vector<16xf32>,
      %broadcast_in_dim3A_1248 = arith.constant 84 : i32
      %broadcast_in_dim3A_1249 = vector.broadcast %broadcast_in_dim3A_1248 : i32 to vector<16xi32>
      %gather3A_1250 = tpu.vector_load_idx %arg8[%add3A_1235, %broadcast_in_dim3A_1249] : memref<80x128xf32, #tpu.memory_space<vmem>>[vector<16xi32>, vector<16xi32>], vector<16xf32>,
      %broadcast_in_dim3A_1251 = arith.constant 85 : i32
      %broadcast_in_dim3A_1252 = vector.broadcast %broadcast_in_dim3A_1251 : i32 to vector<16xi32>
      %gather3A_1253 = tpu.vector_load_idx %arg8[%add3A_1235, %broadcast_in_dim3A_1252] : memref<80x128xf32, #tpu.memory_space<vmem>>[vector<16xi32>, vector<16xi32>], vector<16xf32>,
      %broadcast_in_dim3A_1254 = arith.constant 86 : i32
      %broadcast_in_dim3A_1255 = vector.broadcast %broadcast_in_dim3A_1254 : i32 to vector<16xi32>
      %gather3A_1256 = tpu.vector_load_idx %arg8[%add3A_1235, %broadcast_in_dim3A_1255] : memref<80x128xf32, #tpu.memory_space<vmem>>[vector<16xi32>, vector<16xi32>], vector<16xf32>,
      %broadcast_in_dim3A_1257 = arith.constant 87 : i32
      %broadcast_in_dim3A_1258 = vector.broadcast %broadcast_in_dim3A_1257 : i32 to vector<16xi32>
      %gather3A_1259 = tpu.vector_load_idx %arg8[%add3A_1235, %broadcast_in_dim3A_1258] : memref<80x128xf32, #tpu.memory_space<vmem>>[vector<16xi32>, vector<16xi32>], vector<16xf32>,
      %broadcast_in_dim3A_1260 = arith.constant 88 : i32
      %broadcast_in_dim3A_1261 = vector.broadcast %broadcast_in_dim3A_1260 : i32 to vector<16xi32>
      %gather3A_1262 = tpu.vector_load_idx %arg8[%add3A_1235, %broadcast_in_dim3A_1261] : memref<80x128xf32, #tpu.memory_space<vmem>>[vector<16xi32>, vector<16xi32>], vector<16xf32>,
      %broadcast_in_dim3A_1263 = arith.constant 89 : i32
      %broadcast_in_dim3A_1264 = vector.broadcast %broadcast_in_dim3A_1263 : i32 to vector<16xi32>
      %gather3A_1265 = tpu.vector_load_idx %arg8[%add3A_1235, %broadcast_in_dim3A_1264] : memref<80x128xf32, #tpu.memory_space<vmem>>[vector<16xi32>, vector<16xi32>], vector<16xf32>,
      %broadcast_in_dim3A_1266 = arith.constant 90 : i32
      %broadcast_in_dim3A_1267 = vector.broadcast %broadcast_in_dim3A_1266 : i32 to vector<16xi32>
      %gather3A_1268 = tpu.vector_load_idx %arg8[%add3A_1235, %broadcast_in_dim3A_1267] : memref<80x128xf32, #tpu.memory_space<vmem>>[vector<16xi32>, vector<16xi32>], vector<16xf32>,
      %gather3A_1269 = tpu.vector_load_idx %arg8[%add3A_1235, %convert_element_type3A_220] : memref<80x128xf32, #tpu.memory_space<vmem>>[vector<16xi32>, vector<16xi32>], vector<16xf32>,
      %add3A_1270 = arith.addf %gather3A_1238, %gather3A_197 : vector<16xf32>
      %div3A_1271 = arith.constant 7.000000e+00 : f32
      %div3A_1272 = vector.broadcast %div3A_1271 : f32 to vector<16xf32>
      %div3A_1273 = arith.divf %add3A_1270, %div3A_1272 : vector<16xf32>
      %add3A_1274 = arith.addf %gather3A_1241, %gather3A_200 : vector<16xf32>
      %div3A_1275 = arith.constant 7.000000e+00 : f32
      %div3A_1276 = vector.broadcast %div3A_1275 : f32 to vector<16xf32>
      %div3A_1277 = arith.divf %add3A_1274, %div3A_1276 : vector<16xf32>
      %mul3A_1278 = arith.mulf %gather3A_1244, %gather3A_1244 : vector<16xf32>
      %mul3A_1279 = arith.mulf %gather3A_1247, %gather3A_1247 : vector<16xf32>
      %mul3A_1280 = arith.constant 5.000000e-01 : f32
      %mul3A_1281 = vector.broadcast %mul3A_1280 : f32 to vector<16xf32>
      %mul3A_1282 = arith.mulf %mul3A_1281, %mul3A_1278 : vector<16xf32>
      %sub3A_1283 = arith.subf %div3A_1273, %mul3A_1282 : vector<16xf32>
      %mul3A_1284 = arith.constant 5.000000e-01 : f32
      %mul3A_1285 = vector.broadcast %mul3A_1284 : f32 to vector<16xf32>
      %mul3A_1286 = arith.mulf %mul3A_1285, %mul3A_1279 : vector<16xf32>
      %sub3A_1287 = arith.subf %div3A_1277, %mul3A_1286 : vector<16xf32>
      %mul3A_1288 = arith.constant 5.000000e-01 : f32
      %mul3A_1289 = vector.broadcast %mul3A_1288 : f32 to vector<16xf32>
      %mul3A_1290 = arith.mulf %mul3A_1289, %mul3A_1278 : vector<16xf32>
      %add3A_1291 = arith.addf %div3A_1273, %mul3A_1290 : vector<16xf32>
      %mul3A_1292 = arith.constant 5.000000e-01 : f32
      %mul3A_1293 = vector.broadcast %mul3A_1292 : f32 to vector<16xf32>
      %mul3A_1294 = arith.mulf %mul3A_1293, %mul3A_1279 : vector<16xf32>
      %add3A_1295 = arith.addf %div3A_1277, %mul3A_1294 : vector<16xf32>
      %max3A_1296 = arith.maximumf %sub3A_1283, %gather3A_179 : vector<16xf32>
      %max3A_1297 = arith.maximumf %sub3A_1287, %gather3A_182 : vector<16xf32>
      %min3A_1298 = arith.minimumf %add3A_1291, %gather3A_185 : vector<16xf32>
      %min3A_1299 = arith.minimumf %add3A_1295, %gather3A_188 : vector<16xf32>
      %sub3A_1300 = arith.subf %min3A_1298, %max3A_1296 : vector<16xf32>
      %max3A_1301 = arith.constant 0.000000e+00 : f32
      %max3A_1302 = vector.broadcast %max3A_1301 : f32 to vector<16xf32>
      %max3A_1303 = arith.maximumf %sub3A_1300, %max3A_1302 : vector<16xf32>
      %sub3A_1304 = arith.subf %min3A_1299, %max3A_1297 : vector<16xf32>
      %max3A_1305 = arith.constant 0.000000e+00 : f32
      %max3A_1306 = vector.broadcast %max3A_1305 : f32 to vector<16xf32>
      %max3A_1307 = arith.maximumf %sub3A_1304, %max3A_1306 : vector<16xf32>
      %mul3A_1308 = arith.mulf %max3A_1303, %max3A_1307 : vector<16xf32>
      %sub3A_1309 = arith.subf %add3A_1291, %sub3A_1283 : vector<16xf32>
      %max3A_1310 = arith.constant 0.000000e+00 : f32
      %max3A_1311 = vector.broadcast %max3A_1310 : f32 to vector<16xf32>
      %max3A_1312 = arith.maximumf %sub3A_1309, %max3A_1311 : vector<16xf32>
      %sub3A_1313 = arith.subf %add3A_1295, %sub3A_1287 : vector<16xf32>
      %max3A_1314 = arith.constant 0.000000e+00 : f32
      %max3A_1315 = vector.broadcast %max3A_1314 : f32 to vector<16xf32>
      %max3A_1316 = arith.maximumf %sub3A_1313, %max3A_1315 : vector<16xf32>
      %mul3A_1317 = arith.mulf %max3A_1312, %max3A_1316 : vector<16xf32>
      %sub3A_1318 = arith.subf %gather3A_185, %gather3A_179 : vector<16xf32>
      %max3A_1319 = arith.constant 0.000000e+00 : f32
      %max3A_1320 = vector.broadcast %max3A_1319 : f32 to vector<16xf32>
      %max3A_1321 = arith.maximumf %sub3A_1318, %max3A_1320 : vector<16xf32>
      %sub3A_1322 = arith.subf %gather3A_188, %gather3A_182 : vector<16xf32>
      %max3A_1323 = arith.constant 0.000000e+00 : f32
      %max3A_1324 = vector.broadcast %max3A_1323 : f32 to vector<16xf32>
      %max3A_1325 = arith.maximumf %sub3A_1322, %max3A_1324 : vector<16xf32>
      %mul3A_1326 = arith.mulf %max3A_1321, %max3A_1325 : vector<16xf32>
      %add3A_1327 = arith.addf %mul3A_1317, %mul3A_1326 : vector<16xf32>
      %sub3A_1328 = arith.subf %add3A_1327, %mul3A_1308 : vector<16xf32>
      %add3A_1329 = arith.constant 9.99999971E-10 : f32
      %add3A_1330 = vector.broadcast %add3A_1329 : f32 to vector<16xf32>
      %add3A_1331 = arith.addf %sub3A_1328, %add3A_1330 : vector<16xf32>
      %div3A_1332 = arith.divf %mul3A_1308, %add3A_1331 : vector<16xf32>
      %add3A_1333 = arith.addf %gather3A_1253, %gather3A_197 : vector<16xf32>
      %div3A_1334 = arith.constant 7.000000e+00 : f32
      %div3A_1335 = vector.broadcast %div3A_1334 : f32 to vector<16xf32>
      %div3A_1336 = arith.divf %add3A_1333, %div3A_1335 : vector<16xf32>
      %add3A_1337 = arith.addf %gather3A_1256, %gather3A_200 : vector<16xf32>
      %div3A_1338 = arith.constant 7.000000e+00 : f32
      %div3A_1339 = vector.broadcast %div3A_1338 : f32 to vector<16xf32>
      %div3A_1340 = arith.divf %add3A_1337, %div3A_1339 : vector<16xf32>
      %mul3A_1341 = arith.mulf %gather3A_1259, %gather3A_1259 : vector<16xf32>
      %mul3A_1342 = arith.mulf %gather3A_1262, %gather3A_1262 : vector<16xf32>
      %mul3A_1343 = arith.constant 5.000000e-01 : f32
      %mul3A_1344 = vector.broadcast %mul3A_1343 : f32 to vector<16xf32>
      %mul3A_1345 = arith.mulf %mul3A_1344, %mul3A_1341 : vector<16xf32>
      %sub3A_1346 = arith.subf %div3A_1336, %mul3A_1345 : vector<16xf32>
      %mul3A_1347 = arith.constant 5.000000e-01 : f32
      %mul3A_1348 = vector.broadcast %mul3A_1347 : f32 to vector<16xf32>
      %mul3A_1349 = arith.mulf %mul3A_1348, %mul3A_1342 : vector<16xf32>
      %sub3A_1350 = arith.subf %div3A_1340, %mul3A_1349 : vector<16xf32>
      %mul3A_1351 = arith.constant 5.000000e-01 : f32
      %mul3A_1352 = vector.broadcast %mul3A_1351 : f32 to vector<16xf32>
      %mul3A_1353 = arith.mulf %mul3A_1352, %mul3A_1341 : vector<16xf32>
      %add3A_1354 = arith.addf %div3A_1336, %mul3A_1353 : vector<16xf32>
      %mul3A_1355 = arith.constant 5.000000e-01 : f32
      %mul3A_1356 = vector.broadcast %mul3A_1355 : f32 to vector<16xf32>
      %mul3A_1357 = arith.mulf %mul3A_1356, %mul3A_1342 : vector<16xf32>
      %add3A_1358 = arith.addf %div3A_1340, %mul3A_1357 : vector<16xf32>
      %max3A_1359 = arith.maximumf %sub3A_1346, %gather3A_179 : vector<16xf32>
      %max3A_1360 = arith.maximumf %sub3A_1350, %gather3A_182 : vector<16xf32>
      %min3A_1361 = arith.minimumf %add3A_1354, %gather3A_185 : vector<16xf32>
      %min3A_1362 = arith.minimumf %add3A_1358, %gather3A_188 : vector<16xf32>
      %sub3A_1363 = arith.subf %min3A_1361, %max3A_1359 : vector<16xf32>
      %max3A_1364 = arith.constant 0.000000e+00 : f32
      %max3A_1365 = vector.broadcast %max3A_1364 : f32 to vector<16xf32>
      %max3A_1366 = arith.maximumf %sub3A_1363, %max3A_1365 : vector<16xf32>
      %sub3A_1367 = arith.subf %min3A_1362, %max3A_1360 : vector<16xf32>
      %max3A_1368 = arith.constant 0.000000e+00 : f32
      %max3A_1369 = vector.broadcast %max3A_1368 : f32 to vector<16xf32>
      %max3A_1370 = arith.maximumf %sub3A_1367, %max3A_1369 : vector<16xf32>
      %mul3A_1371 = arith.mulf %max3A_1366, %max3A_1370 : vector<16xf32>
      %sub3A_1372 = arith.subf %add3A_1354, %sub3A_1346 : vector<16xf32>
      %max3A_1373 = arith.constant 0.000000e+00 : f32
      %max3A_1374 = vector.broadcast %max3A_1373 : f32 to vector<16xf32>
      %max3A_1375 = arith.maximumf %sub3A_1372, %max3A_1374 : vector<16xf32>
      %sub3A_1376 = arith.subf %add3A_1358, %sub3A_1350 : vector<16xf32>
      %max3A_1377 = arith.constant 0.000000e+00 : f32
      %max3A_1378 = vector.broadcast %max3A_1377 : f32 to vector<16xf32>
      %max3A_1379 = arith.maximumf %sub3A_1376, %max3A_1378 : vector<16xf32>
      %mul3A_1380 = arith.mulf %max3A_1375, %max3A_1379 : vector<16xf32>
      %sub3A_1381 = arith.subf %gather3A_185, %gather3A_179 : vector<16xf32>
      %max3A_1382 = arith.constant 0.000000e+00 : f32
      %max3A_1383 = vector.broadcast %max3A_1382 : f32 to vector<16xf32>
      %max3A_1384 = arith.maximumf %sub3A_1381, %max3A_1383 : vector<16xf32>
      %sub3A_1385 = arith.subf %gather3A_188, %gather3A_182 : vector<16xf32>
      %max3A_1386 = arith.constant 0.000000e+00 : f32
      %max3A_1387 = vector.broadcast %max3A_1386 : f32 to vector<16xf32>
      %max3A_1388 = arith.maximumf %sub3A_1385, %max3A_1387 : vector<16xf32>
      %mul3A_1389 = arith.mulf %max3A_1384, %max3A_1388 : vector<16xf32>
      %add3A_1390 = arith.addf %mul3A_1380, %mul3A_1389 : vector<16xf32>
      %sub3A_1391 = arith.subf %add3A_1390, %mul3A_1371 : vector<16xf32>
      %add3A_1392 = arith.constant 9.99999971E-10 : f32
      %add3A_1393 = vector.broadcast %add3A_1392 : f32 to vector<16xf32>
      %add3A_1394 = arith.addf %sub3A_1391, %add3A_1393 : vector<16xf32>
      %div3A_1395 = arith.divf %mul3A_1371, %add3A_1394 : vector<16xf32>
      %gt3A_1396 = arith.cmpf ogt, %div3A_1395, %div3A_1332 : vector<16xf32>
      %select_n3A_1397 = arith.select %gt3A_1396, %div3A_1395, %div3A_1332 : vector<16xi1>, vector<16xf32>
      %select_n3A_1398 = arith.select %gt3A_1396, %gather3A_1253, %gather3A_1238 : vector<16xi1>, vector<16xf32>
      %select_n3A_1399 = arith.select %gt3A_1396, %gather3A_1256, %gather3A_1241 : vector<16xi1>, vector<16xf32>
      %select_n3A_1400 = arith.select %gt3A_1396, %gather3A_1259, %gather3A_1244 : vector<16xi1>, vector<16xf32>
      %select_n3A_1401 = arith.select %gt3A_1396, %gather3A_1262, %gather3A_1247 : vector<16xi1>, vector<16xf32>
      %select_n3A_1402 = arith.select %gt3A_1396, %gather3A_1265, %gather3A_1250 : vector<16xi1>, vector<16xf32>
      %mul3A_1403 = arith.constant 2 : i32
      %mul3A_1404 = vector.broadcast %mul3A_1403 : i32 to vector<16xi32>
      %mul3A_1405 = arith.muli %convert_element_type3A_210, %mul3A_1404 : vector<16xi32>
      %convert_element_type3A_1406 = arith.extui %gt3A_1396 : vector<16xi1> to vector<16xi32>
      %add3A_1407 = arith.addi %mul3A_1405, %convert_element_type3A_1406 : vector<16xi32>
      %mul3A_1408 = arith.constant 80 : i32
      %mul3A_1409 = vector.broadcast %mul3A_1408 : i32 to vector<16xi32>
      %mul3A_1410 = arith.muli %convert_element_type3A_210, %mul3A_1409 : vector<16xi32>
      %add3A_1411 = arith.addi %mul3A_1410, %convert_element_type3A_220 : vector<16xi32>
      %sub3A_1412 = arith.subf %select_n3A_1402, %select_n3A_1397 : vector<16xf32>
      %mul3A_1413 = arith.mulf %sub3A_1412, %sub3A_1412 : vector<16xf32>
      %sub3A_1414 = arith.subf %select_n3A_1398, %gather3A_203 : vector<16xf32>
      %mul3A_1415 = arith.mulf %sub3A_1414, %sub3A_1414 : vector<16xf32>
      %sub3A_1416 = arith.subf %select_n3A_1399, %gather3A_206 : vector<16xf32>
      %mul3A_1417 = arith.mulf %sub3A_1416, %sub3A_1416 : vector<16xf32>
      %add3A_1418 = arith.addf %mul3A_1415, %mul3A_1417 : vector<16xf32>
      %sub3A_1419 = arith.subf %select_n3A_1400, %gather3A_191 : vector<16xf32>
      %mul3A_1420 = arith.mulf %sub3A_1419, %sub3A_1419 : vector<16xf32>
      %add3A_1421 = arith.addf %add3A_1418, %mul3A_1420 : vector<16xf32>
      %sub3A_1422 = arith.subf %select_n3A_1401, %gather3A_194 : vector<16xf32>
      %mul3A_1423 = arith.mulf %sub3A_1422, %sub3A_1422 : vector<16xf32>
      %add3A_1424 = arith.addf %add3A_1421, %mul3A_1423 : vector<16xf32>
      %mul3A_1425 = arith.constant 5.000000e+00 : f32
      %mul3A_1426 = vector.broadcast %mul3A_1425 : f32 to vector<16xf32>
      %mul3A_1427 = arith.mulf %mul3A_1426, %add3A_1424 : vector<16xf32>
      %add3A_1428 = arith.addf %mul3A_1413, %mul3A_1427 : vector<16xf32>
      %mul3A_1429 = arith.mulf %select_n3A_1402, %select_n3A_1402 : vector<16xf32>
      %add3A_1430 = arith.constant 0 : i32
      %add3A_1431 = vector.broadcast %add3A_1430 : i32 to vector<16xi32>
      %add3A_1432 = arith.addi %add3A_1431, %iota3A : vector<16xi32>
      %broadcast_in_dim3A_1433 = arith.constant 80 : i32
      %broadcast_in_dim3A_1434 = vector.broadcast %broadcast_in_dim3A_1433 : i32 to vector<16xi32>
      %gather3A_1435 = tpu.vector_load_idx %arg9[%add3A_1432, %broadcast_in_dim3A_1434] : memref<80x128xf32, #tpu.memory_space<vmem>>[vector<16xi32>, vector<16xi32>], vector<16xf32>,
      %broadcast_in_dim3A_1436 = arith.constant 81 : i32
      %broadcast_in_dim3A_1437 = vector.broadcast %broadcast_in_dim3A_1436 : i32 to vector<16xi32>
      %gather3A_1438 = tpu.vector_load_idx %arg9[%add3A_1432, %broadcast_in_dim3A_1437] : memref<80x128xf32, #tpu.memory_space<vmem>>[vector<16xi32>, vector<16xi32>], vector<16xf32>,
      %broadcast_in_dim3A_1439 = arith.constant 82 : i32
      %broadcast_in_dim3A_1440 = vector.broadcast %broadcast_in_dim3A_1439 : i32 to vector<16xi32>
      %gather3A_1441 = tpu.vector_load_idx %arg9[%add3A_1432, %broadcast_in_dim3A_1440] : memref<80x128xf32, #tpu.memory_space<vmem>>[vector<16xi32>, vector<16xi32>], vector<16xf32>,
      %broadcast_in_dim3A_1442 = arith.constant 83 : i32
      %broadcast_in_dim3A_1443 = vector.broadcast %broadcast_in_dim3A_1442 : i32 to vector<16xi32>
      %gather3A_1444 = tpu.vector_load_idx %arg9[%add3A_1432, %broadcast_in_dim3A_1443] : memref<80x128xf32, #tpu.memory_space<vmem>>[vector<16xi32>, vector<16xi32>], vector<16xf32>,
      %broadcast_in_dim3A_1445 = arith.constant 84 : i32
      %broadcast_in_dim3A_1446 = vector.broadcast %broadcast_in_dim3A_1445 : i32 to vector<16xi32>
      %gather3A_1447 = tpu.vector_load_idx %arg9[%add3A_1432, %broadcast_in_dim3A_1446] : memref<80x128xf32, #tpu.memory_space<vmem>>[vector<16xi32>, vector<16xi32>], vector<16xf32>,
      %broadcast_in_dim3A_1448 = arith.constant 85 : i32
      %broadcast_in_dim3A_1449 = vector.broadcast %broadcast_in_dim3A_1448 : i32 to vector<16xi32>
      %gather3A_1450 = tpu.vector_load_idx %arg9[%add3A_1432, %broadcast_in_dim3A_1449] : memref<80x128xf32, #tpu.memory_space<vmem>>[vector<16xi32>, vector<16xi32>], vector<16xf32>,
      %broadcast_in_dim3A_1451 = arith.constant 86 : i32
      %broadcast_in_dim3A_1452 = vector.broadcast %broadcast_in_dim3A_1451 : i32 to vector<16xi32>
      %gather3A_1453 = tpu.vector_load_idx %arg9[%add3A_1432, %broadcast_in_dim3A_1452] : memref<80x128xf32, #tpu.memory_space<vmem>>[vector<16xi32>, vector<16xi32>], vector<16xf32>,
      %broadcast_in_dim3A_1454 = arith.constant 87 : i32
      %broadcast_in_dim3A_1455 = vector.broadcast %broadcast_in_dim3A_1454 : i32 to vector<16xi32>
      %gather3A_1456 = tpu.vector_load_idx %arg9[%add3A_1432, %broadcast_in_dim3A_1455] : memref<80x128xf32, #tpu.memory_space<vmem>>[vector<16xi32>, vector<16xi32>], vector<16xf32>,
      %broadcast_in_dim3A_1457 = arith.constant 88 : i32
      %broadcast_in_dim3A_1458 = vector.broadcast %broadcast_in_dim3A_1457 : i32 to vector<16xi32>
      %gather3A_1459 = tpu.vector_load_idx %arg9[%add3A_1432, %broadcast_in_dim3A_1458] : memref<80x128xf32, #tpu.memory_space<vmem>>[vector<16xi32>, vector<16xi32>], vector<16xf32>,
      %broadcast_in_dim3A_1460 = arith.constant 89 : i32
      %broadcast_in_dim3A_1461 = vector.broadcast %broadcast_in_dim3A_1460 : i32 to vector<16xi32>
      %gather3A_1462 = tpu.vector_load_idx %arg9[%add3A_1432, %broadcast_in_dim3A_1461] : memref<80x128xf32, #tpu.memory_space<vmem>>[vector<16xi32>, vector<16xi32>], vector<16xf32>,
      %broadcast_in_dim3A_1463 = arith.constant 90 : i32
      %broadcast_in_dim3A_1464 = vector.broadcast %broadcast_in_dim3A_1463 : i32 to vector<16xi32>
      %gather3A_1465 = tpu.vector_load_idx %arg9[%add3A_1432, %broadcast_in_dim3A_1464] : memref<80x128xf32, #tpu.memory_space<vmem>>[vector<16xi32>, vector<16xi32>], vector<16xf32>,
      %gather3A_1466 = tpu.vector_load_idx %arg9[%add3A_1432, %convert_element_type3A_264] : memref<80x128xf32, #tpu.memory_space<vmem>>[vector<16xi32>, vector<16xi32>], vector<16xf32>,
      %add3A_1467 = arith.addf %gather3A_1435, %gather3A_241 : vector<16xf32>
      %div3A_1468 = arith.constant 7.000000e+00 : f32
      %div3A_1469 = vector.broadcast %div3A_1468 : f32 to vector<16xf32>
      %div3A_1470 = arith.divf %add3A_1467, %div3A_1469 : vector<16xf32>
      %add3A_1471 = arith.addf %gather3A_1438, %gather3A_244 : vector<16xf32>
      %div3A_1472 = arith.constant 7.000000e+00 : f32
      %div3A_1473 = vector.broadcast %div3A_1472 : f32 to vector<16xf32>
      %div3A_1474 = arith.divf %add3A_1471, %div3A_1473 : vector<16xf32>
      %mul3A_1475 = arith.mulf %gather3A_1441, %gather3A_1441 : vector<16xf32>
      %mul3A_1476 = arith.mulf %gather3A_1444, %gather3A_1444 : vector<16xf32>
      %mul3A_1477 = arith.constant 5.000000e-01 : f32
      %mul3A_1478 = vector.broadcast %mul3A_1477 : f32 to vector<16xf32>
      %mul3A_1479 = arith.mulf %mul3A_1478, %mul3A_1475 : vector<16xf32>
      %sub3A_1480 = arith.subf %div3A_1470, %mul3A_1479 : vector<16xf32>
      %mul3A_1481 = arith.constant 5.000000e-01 : f32
      %mul3A_1482 = vector.broadcast %mul3A_1481 : f32 to vector<16xf32>
      %mul3A_1483 = arith.mulf %mul3A_1482, %mul3A_1476 : vector<16xf32>
      %sub3A_1484 = arith.subf %div3A_1474, %mul3A_1483 : vector<16xf32>
      %mul3A_1485 = arith.constant 5.000000e-01 : f32
      %mul3A_1486 = vector.broadcast %mul3A_1485 : f32 to vector<16xf32>
      %mul3A_1487 = arith.mulf %mul3A_1486, %mul3A_1475 : vector<16xf32>
      %add3A_1488 = arith.addf %div3A_1470, %mul3A_1487 : vector<16xf32>
      %mul3A_1489 = arith.constant 5.000000e-01 : f32
      %mul3A_1490 = vector.broadcast %mul3A_1489 : f32 to vector<16xf32>
      %mul3A_1491 = arith.mulf %mul3A_1490, %mul3A_1476 : vector<16xf32>
      %add3A_1492 = arith.addf %div3A_1474, %mul3A_1491 : vector<16xf32>
      %max3A_1493 = arith.maximumf %sub3A_1480, %gather3A_223 : vector<16xf32>
      %max3A_1494 = arith.maximumf %sub3A_1484, %gather3A_226 : vector<16xf32>
      %min3A_1495 = arith.minimumf %add3A_1488, %gather3A_229 : vector<16xf32>
      %min3A_1496 = arith.minimumf %add3A_1492, %gather3A_232 : vector<16xf32>
      %sub3A_1497 = arith.subf %min3A_1495, %max3A_1493 : vector<16xf32>
      %max3A_1498 = arith.constant 0.000000e+00 : f32
      %max3A_1499 = vector.broadcast %max3A_1498 : f32 to vector<16xf32>
      %max3A_1500 = arith.maximumf %sub3A_1497, %max3A_1499 : vector<16xf32>
      %sub3A_1501 = arith.subf %min3A_1496, %max3A_1494 : vector<16xf32>
      %max3A_1502 = arith.constant 0.000000e+00 : f32
      %max3A_1503 = vector.broadcast %max3A_1502 : f32 to vector<16xf32>
      %max3A_1504 = arith.maximumf %sub3A_1501, %max3A_1503 : vector<16xf32>
      %mul3A_1505 = arith.mulf %max3A_1500, %max3A_1504 : vector<16xf32>
      %sub3A_1506 = arith.subf %add3A_1488, %sub3A_1480 : vector<16xf32>
      %max3A_1507 = arith.constant 0.000000e+00 : f32
      %max3A_1508 = vector.broadcast %max3A_1507 : f32 to vector<16xf32>
      %max3A_1509 = arith.maximumf %sub3A_1506, %max3A_1508 : vector<16xf32>
      %sub3A_1510 = arith.subf %add3A_1492, %sub3A_1484 : vector<16xf32>
      %max3A_1511 = arith.constant 0.000000e+00 : f32
      %max3A_1512 = vector.broadcast %max3A_1511 : f32 to vector<16xf32>
      %max3A_1513 = arith.maximumf %sub3A_1510, %max3A_1512 : vector<16xf32>
      %mul3A_1514 = arith.mulf %max3A_1509, %max3A_1513 : vector<16xf32>
      %sub3A_1515 = arith.subf %gather3A_229, %gather3A_223 : vector<16xf32>
      %max3A_1516 = arith.constant 0.000000e+00 : f32
      %max3A_1517 = vector.broadcast %max3A_1516 : f32 to vector<16xf32>
      %max3A_1518 = arith.maximumf %sub3A_1515, %max3A_1517 : vector<16xf32>
      %sub3A_1519 = arith.subf %gather3A_232, %gather3A_226 : vector<16xf32>
      %max3A_1520 = arith.constant 0.000000e+00 : f32
      %max3A_1521 = vector.broadcast %max3A_1520 : f32 to vector<16xf32>
      %max3A_1522 = arith.maximumf %sub3A_1519, %max3A_1521 : vector<16xf32>
      %mul3A_1523 = arith.mulf %max3A_1518, %max3A_1522 : vector<16xf32>
      %add3A_1524 = arith.addf %mul3A_1514, %mul3A_1523 : vector<16xf32>
      %sub3A_1525 = arith.subf %add3A_1524, %mul3A_1505 : vector<16xf32>
      %add3A_1526 = arith.constant 9.99999971E-10 : f32
      %add3A_1527 = vector.broadcast %add3A_1526 : f32 to vector<16xf32>
      %add3A_1528 = arith.addf %sub3A_1525, %add3A_1527 : vector<16xf32>
      %div3A_1529 = arith.divf %mul3A_1505, %add3A_1528 : vector<16xf32>
      %add3A_1530 = arith.addf %gather3A_1450, %gather3A_241 : vector<16xf32>
      %div3A_1531 = arith.constant 7.000000e+00 : f32
      %div3A_1532 = vector.broadcast %div3A_1531 : f32 to vector<16xf32>
      %div3A_1533 = arith.divf %add3A_1530, %div3A_1532 : vector<16xf32>
      %add3A_1534 = arith.addf %gather3A_1453, %gather3A_244 : vector<16xf32>
      %div3A_1535 = arith.constant 7.000000e+00 : f32
      %div3A_1536 = vector.broadcast %div3A_1535 : f32 to vector<16xf32>
      %div3A_1537 = arith.divf %add3A_1534, %div3A_1536 : vector<16xf32>
      %mul3A_1538 = arith.mulf %gather3A_1456, %gather3A_1456 : vector<16xf32>
      %mul3A_1539 = arith.mulf %gather3A_1459, %gather3A_1459 : vector<16xf32>
      %mul3A_1540 = arith.constant 5.000000e-01 : f32
      %mul3A_1541 = vector.broadcast %mul3A_1540 : f32 to vector<16xf32>
      %mul3A_1542 = arith.mulf %mul3A_1541, %mul3A_1538 : vector<16xf32>
      %sub3A_1543 = arith.subf %div3A_1533, %mul3A_1542 : vector<16xf32>
      %mul3A_1544 = arith.constant 5.000000e-01 : f32
      %mul3A_1545 = vector.broadcast %mul3A_1544 : f32 to vector<16xf32>
      %mul3A_1546 = arith.mulf %mul3A_1545, %mul3A_1539 : vector<16xf32>
      %sub3A_1547 = arith.subf %div3A_1537, %mul3A_1546 : vector<16xf32>
      %mul3A_1548 = arith.constant 5.000000e-01 : f32
      %mul3A_1549 = vector.broadcast %mul3A_1548 : f32 to vector<16xf32>
      %mul3A_1550 = arith.mulf %mul3A_1549, %mul3A_1538 : vector<16xf32>
      %add3A_1551 = arith.addf %div3A_1533, %mul3A_1550 : vector<16xf32>
      %mul3A_1552 = arith.constant 5.000000e-01 : f32
      %mul3A_1553 = vector.broadcast %mul3A_1552 : f32 to vector<16xf32>
      %mul3A_1554 = arith.mulf %mul3A_1553, %mul3A_1539 : vector<16xf32>
      %add3A_1555 = arith.addf %div3A_1537, %mul3A_1554 : vector<16xf32>
      %max3A_1556 = arith.maximumf %sub3A_1543, %gather3A_223 : vector<16xf32>
      %max3A_1557 = arith.maximumf %sub3A_1547, %gather3A_226 : vector<16xf32>
      %min3A_1558 = arith.minimumf %add3A_1551, %gather3A_229 : vector<16xf32>
      %min3A_1559 = arith.minimumf %add3A_1555, %gather3A_232 : vector<16xf32>
      %sub3A_1560 = arith.subf %min3A_1558, %max3A_1556 : vector<16xf32>
      %max3A_1561 = arith.constant 0.000000e+00 : f32
      %max3A_1562 = vector.broadcast %max3A_1561 : f32 to vector<16xf32>
      %max3A_1563 = arith.maximumf %sub3A_1560, %max3A_1562 : vector<16xf32>
      %sub3A_1564 = arith.subf %min3A_1559, %max3A_1557 : vector<16xf32>
      %max3A_1565 = arith.constant 0.000000e+00 : f32
      %max3A_1566 = vector.broadcast %max3A_1565 : f32 to vector<16xf32>
      %max3A_1567 = arith.maximumf %sub3A_1564, %max3A_1566 : vector<16xf32>
      %mul3A_1568 = arith.mulf %max3A_1563, %max3A_1567 : vector<16xf32>
      %sub3A_1569 = arith.subf %add3A_1551, %sub3A_1543 : vector<16xf32>
      %max3A_1570 = arith.constant 0.000000e+00 : f32
      %max3A_1571 = vector.broadcast %max3A_1570 : f32 to vector<16xf32>
      %max3A_1572 = arith.maximumf %sub3A_1569, %max3A_1571 : vector<16xf32>
      %sub3A_1573 = arith.subf %add3A_1555, %sub3A_1547 : vector<16xf32>
      %max3A_1574 = arith.constant 0.000000e+00 : f32
      %max3A_1575 = vector.broadcast %max3A_1574 : f32 to vector<16xf32>
      %max3A_1576 = arith.maximumf %sub3A_1573, %max3A_1575 : vector<16xf32>
      %mul3A_1577 = arith.mulf %max3A_1572, %max3A_1576 : vector<16xf32>
      %sub3A_1578 = arith.subf %gather3A_229, %gather3A_223 : vector<16xf32>
      %max3A_1579 = arith.constant 0.000000e+00 : f32
      %max3A_1580 = vector.broadcast %max3A_1579 : f32 to vector<16xf32>
      %max3A_1581 = arith.maximumf %sub3A_1578, %max3A_1580 : vector<16xf32>
      %sub3A_1582 = arith.subf %gather3A_232, %gather3A_226 : vector<16xf32>
      %max3A_1583 = arith.constant 0.000000e+00 : f32
      %max3A_1584 = vector.broadcast %max3A_1583 : f32 to vector<16xf32>
      %max3A_1585 = arith.maximumf %sub3A_1582, %max3A_1584 : vector<16xf32>
      %mul3A_1586 = arith.mulf %max3A_1581, %max3A_1585 : vector<16xf32>
      %add3A_1587 = arith.addf %mul3A_1577, %mul3A_1586 : vector<16xf32>
      %sub3A_1588 = arith.subf %add3A_1587, %mul3A_1568 : vector<16xf32>
      %add3A_1589 = arith.constant 9.99999971E-10 : f32
      %add3A_1590 = vector.broadcast %add3A_1589 : f32 to vector<16xf32>
      %add3A_1591 = arith.addf %sub3A_1588, %add3A_1590 : vector<16xf32>
      %div3A_1592 = arith.divf %mul3A_1568, %add3A_1591 : vector<16xf32>
      %gt3A_1593 = arith.cmpf ogt, %div3A_1592, %div3A_1529 : vector<16xf32>
      %select_n3A_1594 = arith.select %gt3A_1593, %div3A_1592, %div3A_1529 : vector<16xi1>, vector<16xf32>
      %select_n3A_1595 = arith.select %gt3A_1593, %gather3A_1450, %gather3A_1435 : vector<16xi1>, vector<16xf32>
      %select_n3A_1596 = arith.select %gt3A_1593, %gather3A_1453, %gather3A_1438 : vector<16xi1>, vector<16xf32>
      %select_n3A_1597 = arith.select %gt3A_1593, %gather3A_1456, %gather3A_1441 : vector<16xi1>, vector<16xf32>
      %select_n3A_1598 = arith.select %gt3A_1593, %gather3A_1459, %gather3A_1444 : vector<16xi1>, vector<16xf32>
      %select_n3A_1599 = arith.select %gt3A_1593, %gather3A_1462, %gather3A_1447 : vector<16xi1>, vector<16xf32>
      %mul3A_1600 = arith.constant 2 : i32
      %mul3A_1601 = vector.broadcast %mul3A_1600 : i32 to vector<16xi32>
      %mul3A_1602 = arith.muli %convert_element_type3A_254, %mul3A_1601 : vector<16xi32>
      %convert_element_type3A_1603 = arith.extui %gt3A_1593 : vector<16xi1> to vector<16xi32>
      %add3A_1604 = arith.addi %mul3A_1602, %convert_element_type3A_1603 : vector<16xi32>
      %mul3A_1605 = arith.constant 80 : i32
      %mul3A_1606 = vector.broadcast %mul3A_1605 : i32 to vector<16xi32>
      %mul3A_1607 = arith.muli %convert_element_type3A_254, %mul3A_1606 : vector<16xi32>
      %add3A_1608 = arith.addi %mul3A_1607, %convert_element_type3A_264 : vector<16xi32>
      %sub3A_1609 = arith.subf %select_n3A_1599, %select_n3A_1594 : vector<16xf32>
      %mul3A_1610 = arith.mulf %sub3A_1609, %sub3A_1609 : vector<16xf32>
      %sub3A_1611 = arith.subf %select_n3A_1595, %gather3A_247 : vector<16xf32>
      %mul3A_1612 = arith.mulf %sub3A_1611, %sub3A_1611 : vector<16xf32>
      %sub3A_1613 = arith.subf %select_n3A_1596, %gather3A_250 : vector<16xf32>
      %mul3A_1614 = arith.mulf %sub3A_1613, %sub3A_1613 : vector<16xf32>
      %add3A_1615 = arith.addf %mul3A_1612, %mul3A_1614 : vector<16xf32>
      %sub3A_1616 = arith.subf %select_n3A_1597, %gather3A_235 : vector<16xf32>
      %mul3A_1617 = arith.mulf %sub3A_1616, %sub3A_1616 : vector<16xf32>
      %add3A_1618 = arith.addf %add3A_1615, %mul3A_1617 : vector<16xf32>
      %sub3A_1619 = arith.subf %select_n3A_1598, %gather3A_238 : vector<16xf32>
      %mul3A_1620 = arith.mulf %sub3A_1619, %sub3A_1619 : vector<16xf32>
      %add3A_1621 = arith.addf %add3A_1618, %mul3A_1620 : vector<16xf32>
      %mul3A_1622 = arith.constant 5.000000e+00 : f32
      %mul3A_1623 = vector.broadcast %mul3A_1622 : f32 to vector<16xf32>
      %mul3A_1624 = arith.mulf %mul3A_1623, %add3A_1621 : vector<16xf32>
      %add3A_1625 = arith.addf %mul3A_1610, %mul3A_1624 : vector<16xf32>
      %mul3A_1626 = arith.mulf %select_n3A_1599, %select_n3A_1599 : vector<16xf32>
      %add3A_1627 = arith.constant 16 : i32
      %add3A_1628 = vector.broadcast %add3A_1627 : i32 to vector<16xi32>
      %add3A_1629 = arith.addi %add3A_1628, %iota3A : vector<16xi32>
      %broadcast_in_dim3A_1630 = arith.constant 80 : i32
      %broadcast_in_dim3A_1631 = vector.broadcast %broadcast_in_dim3A_1630 : i32 to vector<16xi32>
      %gather3A_1632 = tpu.vector_load_idx %arg9[%add3A_1629, %broadcast_in_dim3A_1631] : memref<80x128xf32, #tpu.memory_space<vmem>>[vector<16xi32>, vector<16xi32>], vector<16xf32>,
      %broadcast_in_dim3A_1633 = arith.constant 81 : i32
      %broadcast_in_dim3A_1634 = vector.broadcast %broadcast_in_dim3A_1633 : i32 to vector<16xi32>
      %gather3A_1635 = tpu.vector_load_idx %arg9[%add3A_1629, %broadcast_in_dim3A_1634] : memref<80x128xf32, #tpu.memory_space<vmem>>[vector<16xi32>, vector<16xi32>], vector<16xf32>,
      %broadcast_in_dim3A_1636 = arith.constant 82 : i32
      %broadcast_in_dim3A_1637 = vector.broadcast %broadcast_in_dim3A_1636 : i32 to vector<16xi32>
      %gather3A_1638 = tpu.vector_load_idx %arg9[%add3A_1629, %broadcast_in_dim3A_1637] : memref<80x128xf32, #tpu.memory_space<vmem>>[vector<16xi32>, vector<16xi32>], vector<16xf32>,
      %broadcast_in_dim3A_1639 = arith.constant 83 : i32
      %broadcast_in_dim3A_1640 = vector.broadcast %broadcast_in_dim3A_1639 : i32 to vector<16xi32>
      %gather3A_1641 = tpu.vector_load_idx %arg9[%add3A_1629, %broadcast_in_dim3A_1640] : memref<80x128xf32, #tpu.memory_space<vmem>>[vector<16xi32>, vector<16xi32>], vector<16xf32>,
      %broadcast_in_dim3A_1642 = arith.constant 84 : i32
      %broadcast_in_dim3A_1643 = vector.broadcast %broadcast_in_dim3A_1642 : i32 to vector<16xi32>
      %gather3A_1644 = tpu.vector_load_idx %arg9[%add3A_1629, %broadcast_in_dim3A_1643] : memref<80x128xf32, #tpu.memory_space<vmem>>[vector<16xi32>, vector<16xi32>], vector<16xf32>,
      %broadcast_in_dim3A_1645 = arith.constant 85 : i32
      %broadcast_in_dim3A_1646 = vector.broadcast %broadcast_in_dim3A_1645 : i32 to vector<16xi32>
      %gather3A_1647 = tpu.vector_load_idx %arg9[%add3A_1629, %broadcast_in_dim3A_1646] : memref<80x128xf32, #tpu.memory_space<vmem>>[vector<16xi32>, vector<16xi32>], vector<16xf32>,
      %broadcast_in_dim3A_1648 = arith.constant 86 : i32
      %broadcast_in_dim3A_1649 = vector.broadcast %broadcast_in_dim3A_1648 : i32 to vector<16xi32>
      %gather3A_1650 = tpu.vector_load_idx %arg9[%add3A_1629, %broadcast_in_dim3A_1649] : memref<80x128xf32, #tpu.memory_space<vmem>>[vector<16xi32>, vector<16xi32>], vector<16xf32>,
      %broadcast_in_dim3A_1651 = arith.constant 87 : i32
      %broadcast_in_dim3A_1652 = vector.broadcast %broadcast_in_dim3A_1651 : i32 to vector<16xi32>
      %gather3A_1653 = tpu.vector_load_idx %arg9[%add3A_1629, %broadcast_in_dim3A_1652] : memref<80x128xf32, #tpu.memory_space<vmem>>[vector<16xi32>, vector<16xi32>], vector<16xf32>,
      %broadcast_in_dim3A_1654 = arith.constant 88 : i32
      %broadcast_in_dim3A_1655 = vector.broadcast %broadcast_in_dim3A_1654 : i32 to vector<16xi32>
      %gather3A_1656 = tpu.vector_load_idx %arg9[%add3A_1629, %broadcast_in_dim3A_1655] : memref<80x128xf32, #tpu.memory_space<vmem>>[vector<16xi32>, vector<16xi32>], vector<16xf32>,
      %broadcast_in_dim3A_1657 = arith.constant 89 : i32
      %broadcast_in_dim3A_1658 = vector.broadcast %broadcast_in_dim3A_1657 : i32 to vector<16xi32>
      %gather3A_1659 = tpu.vector_load_idx %arg9[%add3A_1629, %broadcast_in_dim3A_1658] : memref<80x128xf32, #tpu.memory_space<vmem>>[vector<16xi32>, vector<16xi32>], vector<16xf32>,
      %broadcast_in_dim3A_1660 = arith.constant 90 : i32
      %broadcast_in_dim3A_1661 = vector.broadcast %broadcast_in_dim3A_1660 : i32 to vector<16xi32>
      %gather3A_1662 = tpu.vector_load_idx %arg9[%add3A_1629, %broadcast_in_dim3A_1661] : memref<80x128xf32, #tpu.memory_space<vmem>>[vector<16xi32>, vector<16xi32>], vector<16xf32>,
      %gather3A_1663 = tpu.vector_load_idx %arg9[%add3A_1629, %convert_element_type3A_308] : memref<80x128xf32, #tpu.memory_space<vmem>>[vector<16xi32>, vector<16xi32>], vector<16xf32>,
      %add3A_1664 = arith.addf %gather3A_1632, %gather3A_285 : vector<16xf32>
      %div3A_1665 = arith.constant 7.000000e+00 : f32
      %div3A_1666 = vector.broadcast %div3A_1665 : f32 to vector<16xf32>
      %div3A_1667 = arith.divf %add3A_1664, %div3A_1666 : vector<16xf32>
      %add3A_1668 = arith.addf %gather3A_1635, %gather3A_288 : vector<16xf32>
      %div3A_1669 = arith.constant 7.000000e+00 : f32
      %div3A_1670 = vector.broadcast %div3A_1669 : f32 to vector<16xf32>
      %div3A_1671 = arith.divf %add3A_1668, %div3A_1670 : vector<16xf32>
      %mul3A_1672 = arith.mulf %gather3A_1638, %gather3A_1638 : vector<16xf32>
      %mul3A_1673 = arith.mulf %gather3A_1641, %gather3A_1641 : vector<16xf32>
      %mul3A_1674 = arith.constant 5.000000e-01 : f32
      %mul3A_1675 = vector.broadcast %mul3A_1674 : f32 to vector<16xf32>
      %mul3A_1676 = arith.mulf %mul3A_1675, %mul3A_1672 : vector<16xf32>
      %sub3A_1677 = arith.subf %div3A_1667, %mul3A_1676 : vector<16xf32>
      %mul3A_1678 = arith.constant 5.000000e-01 : f32
      %mul3A_1679 = vector.broadcast %mul3A_1678 : f32 to vector<16xf32>
      %mul3A_1680 = arith.mulf %mul3A_1679, %mul3A_1673 : vector<16xf32>
      %sub3A_1681 = arith.subf %div3A_1671, %mul3A_1680 : vector<16xf32>
      %mul3A_1682 = arith.constant 5.000000e-01 : f32
      %mul3A_1683 = vector.broadcast %mul3A_1682 : f32 to vector<16xf32>
      %mul3A_1684 = arith.mulf %mul3A_1683, %mul3A_1672 : vector<16xf32>
      %add3A_1685 = arith.addf %div3A_1667, %mul3A_1684 : vector<16xf32>
      %mul3A_1686 = arith.constant 5.000000e-01 : f32
      %mul3A_1687 = vector.broadcast %mul3A_1686 : f32 to vector<16xf32>
      %mul3A_1688 = arith.mulf %mul3A_1687, %mul3A_1673 : vector<16xf32>
      %add3A_1689 = arith.addf %div3A_1671, %mul3A_1688 : vector<16xf32>
      %max3A_1690 = arith.maximumf %sub3A_1677, %gather3A_267 : vector<16xf32>
      %max3A_1691 = arith.maximumf %sub3A_1681, %gather3A_270 : vector<16xf32>
      %min3A_1692 = arith.minimumf %add3A_1685, %gather3A_273 : vector<16xf32>
      %min3A_1693 = arith.minimumf %add3A_1689, %gather3A_276 : vector<16xf32>
      %sub3A_1694 = arith.subf %min3A_1692, %max3A_1690 : vector<16xf32>
      %max3A_1695 = arith.constant 0.000000e+00 : f32
      %max3A_1696 = vector.broadcast %max3A_1695 : f32 to vector<16xf32>
      %max3A_1697 = arith.maximumf %sub3A_1694, %max3A_1696 : vector<16xf32>
      %sub3A_1698 = arith.subf %min3A_1693, %max3A_1691 : vector<16xf32>
      %max3A_1699 = arith.constant 0.000000e+00 : f32
      %max3A_1700 = vector.broadcast %max3A_1699 : f32 to vector<16xf32>
      %max3A_1701 = arith.maximumf %sub3A_1698, %max3A_1700 : vector<16xf32>
      %mul3A_1702 = arith.mulf %max3A_1697, %max3A_1701 : vector<16xf32>
      %sub3A_1703 = arith.subf %add3A_1685, %sub3A_1677 : vector<16xf32>
      %max3A_1704 = arith.constant 0.000000e+00 : f32
      %max3A_1705 = vector.broadcast %max3A_1704 : f32 to vector<16xf32>
      %max3A_1706 = arith.maximumf %sub3A_1703, %max3A_1705 : vector<16xf32>
      %sub3A_1707 = arith.subf %add3A_1689, %sub3A_1681 : vector<16xf32>
      %max3A_1708 = arith.constant 0.000000e+00 : f32
      %max3A_1709 = vector.broadcast %max3A_1708 : f32 to vector<16xf32>
      %max3A_1710 = arith.maximumf %sub3A_1707, %max3A_1709 : vector<16xf32>
      %mul3A_1711 = arith.mulf %max3A_1706, %max3A_1710 : vector<16xf32>
      %sub3A_1712 = arith.subf %gather3A_273, %gather3A_267 : vector<16xf32>
      %max3A_1713 = arith.constant 0.000000e+00 : f32
      %max3A_1714 = vector.broadcast %max3A_1713 : f32 to vector<16xf32>
      %max3A_1715 = arith.maximumf %sub3A_1712, %max3A_1714 : vector<16xf32>
      %sub3A_1716 = arith.subf %gather3A_276, %gather3A_270 : vector<16xf32>
      %max3A_1717 = arith.constant 0.000000e+00 : f32
      %max3A_1718 = vector.broadcast %max3A_1717 : f32 to vector<16xf32>
      %max3A_1719 = arith.maximumf %sub3A_1716, %max3A_1718 : vector<16xf32>
      %mul3A_1720 = arith.mulf %max3A_1715, %max3A_1719 : vector<16xf32>
      %add3A_1721 = arith.addf %mul3A_1711, %mul3A_1720 : vector<16xf32>
      %sub3A_1722 = arith.subf %add3A_1721, %mul3A_1702 : vector<16xf32>
      %add3A_1723 = arith.constant 9.99999971E-10 : f32
      %add3A_1724 = vector.broadcast %add3A_1723 : f32 to vector<16xf32>
      %add3A_1725 = arith.addf %sub3A_1722, %add3A_1724 : vector<16xf32>
      %div3A_1726 = arith.divf %mul3A_1702, %add3A_1725 : vector<16xf32>
      %add3A_1727 = arith.addf %gather3A_1647, %gather3A_285 : vector<16xf32>
      %div3A_1728 = arith.constant 7.000000e+00 : f32
      %div3A_1729 = vector.broadcast %div3A_1728 : f32 to vector<16xf32>
      %div3A_1730 = arith.divf %add3A_1727, %div3A_1729 : vector<16xf32>
      %add3A_1731 = arith.addf %gather3A_1650, %gather3A_288 : vector<16xf32>
      %div3A_1732 = arith.constant 7.000000e+00 : f32
      %div3A_1733 = vector.broadcast %div3A_1732 : f32 to vector<16xf32>
      %div3A_1734 = arith.divf %add3A_1731, %div3A_1733 : vector<16xf32>
      %mul3A_1735 = arith.mulf %gather3A_1653, %gather3A_1653 : vector<16xf32>
      %mul3A_1736 = arith.mulf %gather3A_1656, %gather3A_1656 : vector<16xf32>
      %mul3A_1737 = arith.constant 5.000000e-01 : f32
      %mul3A_1738 = vector.broadcast %mul3A_1737 : f32 to vector<16xf32>
      %mul3A_1739 = arith.mulf %mul3A_1738, %mul3A_1735 : vector<16xf32>
      %sub3A_1740 = arith.subf %div3A_1730, %mul3A_1739 : vector<16xf32>
      %mul3A_1741 = arith.constant 5.000000e-01 : f32
      %mul3A_1742 = vector.broadcast %mul3A_1741 : f32 to vector<16xf32>
      %mul3A_1743 = arith.mulf %mul3A_1742, %mul3A_1736 : vector<16xf32>
      %sub3A_1744 = arith.subf %div3A_1734, %mul3A_1743 : vector<16xf32>
      %mul3A_1745 = arith.constant 5.000000e-01 : f32
      %mul3A_1746 = vector.broadcast %mul3A_1745 : f32 to vector<16xf32>
      %mul3A_1747 = arith.mulf %mul3A_1746, %mul3A_1735 : vector<16xf32>
      %add3A_1748 = arith.addf %div3A_1730, %mul3A_1747 : vector<16xf32>
      %mul3A_1749 = arith.constant 5.000000e-01 : f32
      %mul3A_1750 = vector.broadcast %mul3A_1749 : f32 to vector<16xf32>
      %mul3A_1751 = arith.mulf %mul3A_1750, %mul3A_1736 : vector<16xf32>
      %add3A_1752 = arith.addf %div3A_1734, %mul3A_1751 : vector<16xf32>
      %max3A_1753 = arith.maximumf %sub3A_1740, %gather3A_267 : vector<16xf32>
      %max3A_1754 = arith.maximumf %sub3A_1744, %gather3A_270 : vector<16xf32>
      %min3A_1755 = arith.minimumf %add3A_1748, %gather3A_273 : vector<16xf32>
      %min3A_1756 = arith.minimumf %add3A_1752, %gather3A_276 : vector<16xf32>
      %sub3A_1757 = arith.subf %min3A_1755, %max3A_1753 : vector<16xf32>
      %max3A_1758 = arith.constant 0.000000e+00 : f32
      %max3A_1759 = vector.broadcast %max3A_1758 : f32 to vector<16xf32>
      %max3A_1760 = arith.maximumf %sub3A_1757, %max3A_1759 : vector<16xf32>
      %sub3A_1761 = arith.subf %min3A_1756, %max3A_1754 : vector<16xf32>
      %max3A_1762 = arith.constant 0.000000e+00 : f32
      %max3A_1763 = vector.broadcast %max3A_1762 : f32 to vector<16xf32>
      %max3A_1764 = arith.maximumf %sub3A_1761, %max3A_1763 : vector<16xf32>
      %mul3A_1765 = arith.mulf %max3A_1760, %max3A_1764 : vector<16xf32>
      %sub3A_1766 = arith.subf %add3A_1748, %sub3A_1740 : vector<16xf32>
      %max3A_1767 = arith.constant 0.000000e+00 : f32
      %max3A_1768 = vector.broadcast %max3A_1767 : f32 to vector<16xf32>
      %max3A_1769 = arith.maximumf %sub3A_1766, %max3A_1768 : vector<16xf32>
      %sub3A_1770 = arith.subf %add3A_1752, %sub3A_1744 : vector<16xf32>
      %max3A_1771 = arith.constant 0.000000e+00 : f32
      %max3A_1772 = vector.broadcast %max3A_1771 : f32 to vector<16xf32>
      %max3A_1773 = arith.maximumf %sub3A_1770, %max3A_1772 : vector<16xf32>
      %mul3A_1774 = arith.mulf %max3A_1769, %max3A_1773 : vector<16xf32>
      %sub3A_1775 = arith.subf %gather3A_273, %gather3A_267 : vector<16xf32>
      %max3A_1776 = arith.constant 0.000000e+00 : f32
      %max3A_1777 = vector.broadcast %max3A_1776 : f32 to vector<16xf32>
      %max3A_1778 = arith.maximumf %sub3A_1775, %max3A_1777 : vector<16xf32>
      %sub3A_1779 = arith.subf %gather3A_276, %gather3A_270 : vector<16xf32>
      %max3A_1780 = arith.constant 0.000000e+00 : f32
      %max3A_1781 = vector.broadcast %max3A_1780 : f32 to vector<16xf32>
      %max3A_1782 = arith.maximumf %sub3A_1779, %max3A_1781 : vector<16xf32>
      %mul3A_1783 = arith.mulf %max3A_1778, %max3A_1782 : vector<16xf32>
      %add3A_1784 = arith.addf %mul3A_1774, %mul3A_1783 : vector<16xf32>
      %sub3A_1785 = arith.subf %add3A_1784, %mul3A_1765 : vector<16xf32>
      %add3A_1786 = arith.constant 9.99999971E-10 : f32
      %add3A_1787 = vector.broadcast %add3A_1786 : f32 to vector<16xf32>
      %add3A_1788 = arith.addf %sub3A_1785, %add3A_1787 : vector<16xf32>
      %div3A_1789 = arith.divf %mul3A_1765, %add3A_1788 : vector<16xf32>
      %gt3A_1790 = arith.cmpf ogt, %div3A_1789, %div3A_1726 : vector<16xf32>
      %select_n3A_1791 = arith.select %gt3A_1790, %div3A_1789, %div3A_1726 : vector<16xi1>, vector<16xf32>
      %select_n3A_1792 = arith.select %gt3A_1790, %gather3A_1647, %gather3A_1632 : vector<16xi1>, vector<16xf32>
      %select_n3A_1793 = arith.select %gt3A_1790, %gather3A_1650, %gather3A_1635 : vector<16xi1>, vector<16xf32>
      %select_n3A_1794 = arith.select %gt3A_1790, %gather3A_1653, %gather3A_1638 : vector<16xi1>, vector<16xf32>
      %select_n3A_1795 = arith.select %gt3A_1790, %gather3A_1656, %gather3A_1641 : vector<16xi1>, vector<16xf32>
      %select_n3A_1796 = arith.select %gt3A_1790, %gather3A_1659, %gather3A_1644 : vector<16xi1>, vector<16xf32>
      %mul3A_1797 = arith.constant 2 : i32
      %mul3A_1798 = vector.broadcast %mul3A_1797 : i32 to vector<16xi32>
      %mul3A_1799 = arith.muli %convert_element_type3A_298, %mul3A_1798 : vector<16xi32>
      %convert_element_type3A_1800 = arith.extui %gt3A_1790 : vector<16xi1> to vector<16xi32>
      %add3A_1801 = arith.addi %mul3A_1799, %convert_element_type3A_1800 : vector<16xi32>
      %mul3A_1802 = arith.constant 80 : i32
      %mul3A_1803 = vector.broadcast %mul3A_1802 : i32 to vector<16xi32>
      %mul3A_1804 = arith.muli %convert_element_type3A_298, %mul3A_1803 : vector<16xi32>
      %add3A_1805 = arith.addi %mul3A_1804, %convert_element_type3A_308 : vector<16xi32>
      %sub3A_1806 = arith.subf %select_n3A_1796, %select_n3A_1791 : vector<16xf32>
      %mul3A_1807 = arith.mulf %sub3A_1806, %sub3A_1806 : vector<16xf32>
      %sub3A_1808 = arith.subf %select_n3A_1792, %gather3A_291 : vector<16xf32>
      %mul3A_1809 = arith.mulf %sub3A_1808, %sub3A_1808 : vector<16xf32>
      %sub3A_1810 = arith.subf %select_n3A_1793, %gather3A_294 : vector<16xf32>
      %mul3A_1811 = arith.mulf %sub3A_1810, %sub3A_1810 : vector<16xf32>
      %add3A_1812 = arith.addf %mul3A_1809, %mul3A_1811 : vector<16xf32>
      %sub3A_1813 = arith.subf %select_n3A_1794, %gather3A_279 : vector<16xf32>
      %mul3A_1814 = arith.mulf %sub3A_1813, %sub3A_1813 : vector<16xf32>
      %add3A_1815 = arith.addf %add3A_1812, %mul3A_1814 : vector<16xf32>
      %sub3A_1816 = arith.subf %select_n3A_1795, %gather3A_282 : vector<16xf32>
      %mul3A_1817 = arith.mulf %sub3A_1816, %sub3A_1816 : vector<16xf32>
      %add3A_1818 = arith.addf %add3A_1815, %mul3A_1817 : vector<16xf32>
      %mul3A_1819 = arith.constant 5.000000e+00 : f32
      %mul3A_1820 = vector.broadcast %mul3A_1819 : f32 to vector<16xf32>
      %mul3A_1821 = arith.mulf %mul3A_1820, %add3A_1818 : vector<16xf32>
      %add3A_1822 = arith.addf %mul3A_1807, %mul3A_1821 : vector<16xf32>
      %mul3A_1823 = arith.mulf %select_n3A_1796, %select_n3A_1796 : vector<16xf32>
      %add3A_1824 = arith.constant 32 : i32
      %add3A_1825 = vector.broadcast %add3A_1824 : i32 to vector<16xi32>
      %add3A_1826 = arith.addi %add3A_1825, %iota3A : vector<16xi32>
      %broadcast_in_dim3A_1827 = arith.constant 80 : i32
      %broadcast_in_dim3A_1828 = vector.broadcast %broadcast_in_dim3A_1827 : i32 to vector<16xi32>
      %gather3A_1829 = tpu.vector_load_idx %arg9[%add3A_1826, %broadcast_in_dim3A_1828] : memref<80x128xf32, #tpu.memory_space<vmem>>[vector<16xi32>, vector<16xi32>], vector<16xf32>,
      %broadcast_in_dim3A_1830 = arith.constant 81 : i32
      %broadcast_in_dim3A_1831 = vector.broadcast %broadcast_in_dim3A_1830 : i32 to vector<16xi32>
      %gather3A_1832 = tpu.vector_load_idx %arg9[%add3A_1826, %broadcast_in_dim3A_1831] : memref<80x128xf32, #tpu.memory_space<vmem>>[vector<16xi32>, vector<16xi32>], vector<16xf32>,
      %broadcast_in_dim3A_1833 = arith.constant 82 : i32
      %broadcast_in_dim3A_1834 = vector.broadcast %broadcast_in_dim3A_1833 : i32 to vector<16xi32>
      %gather3A_1835 = tpu.vector_load_idx %arg9[%add3A_1826, %broadcast_in_dim3A_1834] : memref<80x128xf32, #tpu.memory_space<vmem>>[vector<16xi32>, vector<16xi32>], vector<16xf32>,
      %broadcast_in_dim3A_1836 = arith.constant 83 : i32
      %broadcast_in_dim3A_1837 = vector.broadcast %broadcast_in_dim3A_1836 : i32 to vector<16xi32>
      %gather3A_1838 = tpu.vector_load_idx %arg9[%add3A_1826, %broadcast_in_dim3A_1837] : memref<80x128xf32, #tpu.memory_space<vmem>>[vector<16xi32>, vector<16xi32>], vector<16xf32>,
      %broadcast_in_dim3A_1839 = arith.constant 84 : i32
      %broadcast_in_dim3A_1840 = vector.broadcast %broadcast_in_dim3A_1839 : i32 to vector<16xi32>
      %gather3A_1841 = tpu.vector_load_idx %arg9[%add3A_1826, %broadcast_in_dim3A_1840] : memref<80x128xf32, #tpu.memory_space<vmem>>[vector<16xi32>, vector<16xi32>], vector<16xf32>,
      %broadcast_in_dim3A_1842 = arith.constant 85 : i32
      %broadcast_in_dim3A_1843 = vector.broadcast %broadcast_in_dim3A_1842 : i32 to vector<16xi32>
      %gather3A_1844 = tpu.vector_load_idx %arg9[%add3A_1826, %broadcast_in_dim3A_1843] : memref<80x128xf32, #tpu.memory_space<vmem>>[vector<16xi32>, vector<16xi32>], vector<16xf32>,
      %broadcast_in_dim3A_1845 = arith.constant 86 : i32
      %broadcast_in_dim3A_1846 = vector.broadcast %broadcast_in_dim3A_1845 : i32 to vector<16xi32>
      %gather3A_1847 = tpu.vector_load_idx %arg9[%add3A_1826, %broadcast_in_dim3A_1846] : memref<80x128xf32, #tpu.memory_space<vmem>>[vector<16xi32>, vector<16xi32>], vector<16xf32>,
      %broadcast_in_dim3A_1848 = arith.constant 87 : i32
      %broadcast_in_dim3A_1849 = vector.broadcast %broadcast_in_dim3A_1848 : i32 to vector<16xi32>
      %gather3A_1850 = tpu.vector_load_idx %arg9[%add3A_1826, %broadcast_in_dim3A_1849] : memref<80x128xf32, #tpu.memory_space<vmem>>[vector<16xi32>, vector<16xi32>], vector<16xf32>,
      %broadcast_in_dim3A_1851 = arith.constant 88 : i32
      %broadcast_in_dim3A_1852 = vector.broadcast %broadcast_in_dim3A_1851 : i32 to vector<16xi32>
      %gather3A_1853 = tpu.vector_load_idx %arg9[%add3A_1826, %broadcast_in_dim3A_1852] : memref<80x128xf32, #tpu.memory_space<vmem>>[vector<16xi32>, vector<16xi32>], vector<16xf32>,
      %broadcast_in_dim3A_1854 = arith.constant 89 : i32
      %broadcast_in_dim3A_1855 = vector.broadcast %broadcast_in_dim3A_1854 : i32 to vector<16xi32>
      %gather3A_1856 = tpu.vector_load_idx %arg9[%add3A_1826, %broadcast_in_dim3A_1855] : memref<80x128xf32, #tpu.memory_space<vmem>>[vector<16xi32>, vector<16xi32>], vector<16xf32>,
      %broadcast_in_dim3A_1857 = arith.constant 90 : i32
      %broadcast_in_dim3A_1858 = vector.broadcast %broadcast_in_dim3A_1857 : i32 to vector<16xi32>
      %gather3A_1859 = tpu.vector_load_idx %arg9[%add3A_1826, %broadcast_in_dim3A_1858] : memref<80x128xf32, #tpu.memory_space<vmem>>[vector<16xi32>, vector<16xi32>], vector<16xf32>,
      %gather3A_1860 = tpu.vector_load_idx %arg9[%add3A_1826, %convert_element_type3A_352] : memref<80x128xf32, #tpu.memory_space<vmem>>[vector<16xi32>, vector<16xi32>], vector<16xf32>,
      %add3A_1861 = arith.addf %gather3A_1829, %gather3A_329 : vector<16xf32>
      %div3A_1862 = arith.constant 7.000000e+00 : f32
      %div3A_1863 = vector.broadcast %div3A_1862 : f32 to vector<16xf32>
      %div3A_1864 = arith.divf %add3A_1861, %div3A_1863 : vector<16xf32>
      %add3A_1865 = arith.addf %gather3A_1832, %gather3A_332 : vector<16xf32>
      %div3A_1866 = arith.constant 7.000000e+00 : f32
      %div3A_1867 = vector.broadcast %div3A_1866 : f32 to vector<16xf32>
      %div3A_1868 = arith.divf %add3A_1865, %div3A_1867 : vector<16xf32>
      %mul3A_1869 = arith.mulf %gather3A_1835, %gather3A_1835 : vector<16xf32>
      %mul3A_1870 = arith.mulf %gather3A_1838, %gather3A_1838 : vector<16xf32>
      %mul3A_1871 = arith.constant 5.000000e-01 : f32
      %mul3A_1872 = vector.broadcast %mul3A_1871 : f32 to vector<16xf32>
      %mul3A_1873 = arith.mulf %mul3A_1872, %mul3A_1869 : vector<16xf32>
      %sub3A_1874 = arith.subf %div3A_1864, %mul3A_1873 : vector<16xf32>
      %mul3A_1875 = arith.constant 5.000000e-01 : f32
      %mul3A_1876 = vector.broadcast %mul3A_1875 : f32 to vector<16xf32>
      %mul3A_1877 = arith.mulf %mul3A_1876, %mul3A_1870 : vector<16xf32>
      %sub3A_1878 = arith.subf %div3A_1868, %mul3A_1877 : vector<16xf32>
      %mul3A_1879 = arith.constant 5.000000e-01 : f32
      %mul3A_1880 = vector.broadcast %mul3A_1879 : f32 to vector<16xf32>
      %mul3A_1881 = arith.mulf %mul3A_1880, %mul3A_1869 : vector<16xf32>
      %add3A_1882 = arith.addf %div3A_1864, %mul3A_1881 : vector<16xf32>
      %mul3A_1883 = arith.constant 5.000000e-01 : f32
      %mul3A_1884 = vector.broadcast %mul3A_1883 : f32 to vector<16xf32>
      %mul3A_1885 = arith.mulf %mul3A_1884, %mul3A_1870 : vector<16xf32>
      %add3A_1886 = arith.addf %div3A_1868, %mul3A_1885 : vector<16xf32>
      %max3A_1887 = arith.maximumf %sub3A_1874, %gather3A_311 : vector<16xf32>
      %max3A_1888 = arith.maximumf %sub3A_1878, %gather3A_314 : vector<16xf32>
      %min3A_1889 = arith.minimumf %add3A_1882, %gather3A_317 : vector<16xf32>
      %min3A_1890 = arith.minimumf %add3A_1886, %gather3A_320 : vector<16xf32>
      %sub3A_1891 = arith.subf %min3A_1889, %max3A_1887 : vector<16xf32>
      %max3A_1892 = arith.constant 0.000000e+00 : f32
      %max3A_1893 = vector.broadcast %max3A_1892 : f32 to vector<16xf32>
      %max3A_1894 = arith.maximumf %sub3A_1891, %max3A_1893 : vector<16xf32>
      %sub3A_1895 = arith.subf %min3A_1890, %max3A_1888 : vector<16xf32>
      %max3A_1896 = arith.constant 0.000000e+00 : f32
      %max3A_1897 = vector.broadcast %max3A_1896 : f32 to vector<16xf32>
      %max3A_1898 = arith.maximumf %sub3A_1895, %max3A_1897 : vector<16xf32>
      %mul3A_1899 = arith.mulf %max3A_1894, %max3A_1898 : vector<16xf32>
      %sub3A_1900 = arith.subf %add3A_1882, %sub3A_1874 : vector<16xf32>
      %max3A_1901 = arith.constant 0.000000e+00 : f32
      %max3A_1902 = vector.broadcast %max3A_1901 : f32 to vector<16xf32>
      %max3A_1903 = arith.maximumf %sub3A_1900, %max3A_1902 : vector<16xf32>
      %sub3A_1904 = arith.subf %add3A_1886, %sub3A_1878 : vector<16xf32>
      %max3A_1905 = arith.constant 0.000000e+00 : f32
      %max3A_1906 = vector.broadcast %max3A_1905 : f32 to vector<16xf32>
      %max3A_1907 = arith.maximumf %sub3A_1904, %max3A_1906 : vector<16xf32>
      %mul3A_1908 = arith.mulf %max3A_1903, %max3A_1907 : vector<16xf32>
      %sub3A_1909 = arith.subf %gather3A_317, %gather3A_311 : vector<16xf32>
      %max3A_1910 = arith.constant 0.000000e+00 : f32
      %max3A_1911 = vector.broadcast %max3A_1910 : f32 to vector<16xf32>
      %max3A_1912 = arith.maximumf %sub3A_1909, %max3A_1911 : vector<16xf32>
      %sub3A_1913 = arith.subf %gather3A_320, %gather3A_314 : vector<16xf32>
      %max3A_1914 = arith.constant 0.000000e+00 : f32
      %max3A_1915 = vector.broadcast %max3A_1914 : f32 to vector<16xf32>
      %max3A_1916 = arith.maximumf %sub3A_1913, %max3A_1915 : vector<16xf32>
      %mul3A_1917 = arith.mulf %max3A_1912, %max3A_1916 : vector<16xf32>
      %add3A_1918 = arith.addf %mul3A_1908, %mul3A_1917 : vector<16xf32>
      %sub3A_1919 = arith.subf %add3A_1918, %mul3A_1899 : vector<16xf32>
      %add3A_1920 = arith.constant 9.99999971E-10 : f32
      %add3A_1921 = vector.broadcast %add3A_1920 : f32 to vector<16xf32>
      %add3A_1922 = arith.addf %sub3A_1919, %add3A_1921 : vector<16xf32>
      %div3A_1923 = arith.divf %mul3A_1899, %add3A_1922 : vector<16xf32>
      %add3A_1924 = arith.addf %gather3A_1844, %gather3A_329 : vector<16xf32>
      %div3A_1925 = arith.constant 7.000000e+00 : f32
      %div3A_1926 = vector.broadcast %div3A_1925 : f32 to vector<16xf32>
      %div3A_1927 = arith.divf %add3A_1924, %div3A_1926 : vector<16xf32>
      %add3A_1928 = arith.addf %gather3A_1847, %gather3A_332 : vector<16xf32>
      %div3A_1929 = arith.constant 7.000000e+00 : f32
      %div3A_1930 = vector.broadcast %div3A_1929 : f32 to vector<16xf32>
      %div3A_1931 = arith.divf %add3A_1928, %div3A_1930 : vector<16xf32>
      %mul3A_1932 = arith.mulf %gather3A_1850, %gather3A_1850 : vector<16xf32>
      %mul3A_1933 = arith.mulf %gather3A_1853, %gather3A_1853 : vector<16xf32>
      %mul3A_1934 = arith.constant 5.000000e-01 : f32
      %mul3A_1935 = vector.broadcast %mul3A_1934 : f32 to vector<16xf32>
      %mul3A_1936 = arith.mulf %mul3A_1935, %mul3A_1932 : vector<16xf32>
      %sub3A_1937 = arith.subf %div3A_1927, %mul3A_1936 : vector<16xf32>
      %mul3A_1938 = arith.constant 5.000000e-01 : f32
      %mul3A_1939 = vector.broadcast %mul3A_1938 : f32 to vector<16xf32>
      %mul3A_1940 = arith.mulf %mul3A_1939, %mul3A_1933 : vector<16xf32>
      %sub3A_1941 = arith.subf %div3A_1931, %mul3A_1940 : vector<16xf32>
      %mul3A_1942 = arith.constant 5.000000e-01 : f32
      %mul3A_1943 = vector.broadcast %mul3A_1942 : f32 to vector<16xf32>
      %mul3A_1944 = arith.mulf %mul3A_1943, %mul3A_1932 : vector<16xf32>
      %add3A_1945 = arith.addf %div3A_1927, %mul3A_1944 : vector<16xf32>
      %mul3A_1946 = arith.constant 5.000000e-01 : f32
      %mul3A_1947 = vector.broadcast %mul3A_1946 : f32 to vector<16xf32>
      %mul3A_1948 = arith.mulf %mul3A_1947, %mul3A_1933 : vector<16xf32>
      %add3A_1949 = arith.addf %div3A_1931, %mul3A_1948 : vector<16xf32>
      %max3A_1950 = arith.maximumf %sub3A_1937, %gather3A_311 : vector<16xf32>
      %max3A_1951 = arith.maximumf %sub3A_1941, %gather3A_314 : vector<16xf32>
      %min3A_1952 = arith.minimumf %add3A_1945, %gather3A_317 : vector<16xf32>
      %min3A_1953 = arith.minimumf %add3A_1949, %gather3A_320 : vector<16xf32>
      %sub3A_1954 = arith.subf %min3A_1952, %max3A_1950 : vector<16xf32>
      %max3A_1955 = arith.constant 0.000000e+00 : f32
      %max3A_1956 = vector.broadcast %max3A_1955 : f32 to vector<16xf32>
      %max3A_1957 = arith.maximumf %sub3A_1954, %max3A_1956 : vector<16xf32>
      %sub3A_1958 = arith.subf %min3A_1953, %max3A_1951 : vector<16xf32>
      %max3A_1959 = arith.constant 0.000000e+00 : f32
      %max3A_1960 = vector.broadcast %max3A_1959 : f32 to vector<16xf32>
      %max3A_1961 = arith.maximumf %sub3A_1958, %max3A_1960 : vector<16xf32>
      %mul3A_1962 = arith.mulf %max3A_1957, %max3A_1961 : vector<16xf32>
      %sub3A_1963 = arith.subf %add3A_1945, %sub3A_1937 : vector<16xf32>
      %max3A_1964 = arith.constant 0.000000e+00 : f32
      %max3A_1965 = vector.broadcast %max3A_1964 : f32 to vector<16xf32>
      %max3A_1966 = arith.maximumf %sub3A_1963, %max3A_1965 : vector<16xf32>
      %sub3A_1967 = arith.subf %add3A_1949, %sub3A_1941 : vector<16xf32>
      %max3A_1968 = arith.constant 0.000000e+00 : f32
      %max3A_1969 = vector.broadcast %max3A_1968 : f32 to vector<16xf32>
      %max3A_1970 = arith.maximumf %sub3A_1967, %max3A_1969 : vector<16xf32>
      %mul3A_1971 = arith.mulf %max3A_1966, %max3A_1970 : vector<16xf32>
      %sub3A_1972 = arith.subf %gather3A_317, %gather3A_311 : vector<16xf32>
      %max3A_1973 = arith.constant 0.000000e+00 : f32
      %max3A_1974 = vector.broadcast %max3A_1973 : f32 to vector<16xf32>
      %max3A_1975 = arith.maximumf %sub3A_1972, %max3A_1974 : vector<16xf32>
      %sub3A_1976 = arith.subf %gather3A_320, %gather3A_314 : vector<16xf32>
      %max3A_1977 = arith.constant 0.000000e+00 : f32
      %max3A_1978 = vector.broadcast %max3A_1977 : f32 to vector<16xf32>
      %max3A_1979 = arith.maximumf %sub3A_1976, %max3A_1978 : vector<16xf32>
      %mul3A_1980 = arith.mulf %max3A_1975, %max3A_1979 : vector<16xf32>
      %add3A_1981 = arith.addf %mul3A_1971, %mul3A_1980 : vector<16xf32>
      %sub3A_1982 = arith.subf %add3A_1981, %mul3A_1962 : vector<16xf32>
      %add3A_1983 = arith.constant 9.99999971E-10 : f32
      %add3A_1984 = vector.broadcast %add3A_1983 : f32 to vector<16xf32>
      %add3A_1985 = arith.addf %sub3A_1982, %add3A_1984 : vector<16xf32>
      %div3A_1986 = arith.divf %mul3A_1962, %add3A_1985 : vector<16xf32>
      %gt3A_1987 = arith.cmpf ogt, %div3A_1986, %div3A_1923 : vector<16xf32>
      %select_n3A_1988 = arith.select %gt3A_1987, %div3A_1986, %div3A_1923 : vector<16xi1>, vector<16xf32>
      %select_n3A_1989 = arith.select %gt3A_1987, %gather3A_1844, %gather3A_1829 : vector<16xi1>, vector<16xf32>
      %select_n3A_1990 = arith.select %gt3A_1987, %gather3A_1847, %gather3A_1832 : vector<16xi1>, vector<16xf32>
      %select_n3A_1991 = arith.select %gt3A_1987, %gather3A_1850, %gather3A_1835 : vector<16xi1>, vector<16xf32>
      %select_n3A_1992 = arith.select %gt3A_1987, %gather3A_1853, %gather3A_1838 : vector<16xi1>, vector<16xf32>
      %select_n3A_1993 = arith.select %gt3A_1987, %gather3A_1856, %gather3A_1841 : vector<16xi1>, vector<16xf32>
      %mul3A_1994 = arith.constant 2 : i32
      %mul3A_1995 = vector.broadcast %mul3A_1994 : i32 to vector<16xi32>
      %mul3A_1996 = arith.muli %convert_element_type3A_342, %mul3A_1995 : vector<16xi32>
      %convert_element_type3A_1997 = arith.extui %gt3A_1987 : vector<16xi1> to vector<16xi32>
      %add3A_1998 = arith.addi %mul3A_1996, %convert_element_type3A_1997 : vector<16xi32>
      %mul3A_1999 = arith.constant 80 : i32
      %mul3A_2000 = vector.broadcast %mul3A_1999 : i32 to vector<16xi32>
      %mul3A_2001 = arith.muli %convert_element_type3A_342, %mul3A_2000 : vector<16xi32>
      %add3A_2002 = arith.addi %mul3A_2001, %convert_element_type3A_352 : vector<16xi32>
      %sub3A_2003 = arith.subf %select_n3A_1993, %select_n3A_1988 : vector<16xf32>
      %mul3A_2004 = arith.mulf %sub3A_2003, %sub3A_2003 : vector<16xf32>
      %sub3A_2005 = arith.subf %select_n3A_1989, %gather3A_335 : vector<16xf32>
      %mul3A_2006 = arith.mulf %sub3A_2005, %sub3A_2005 : vector<16xf32>
      %sub3A_2007 = arith.subf %select_n3A_1990, %gather3A_338 : vector<16xf32>
      %mul3A_2008 = arith.mulf %sub3A_2007, %sub3A_2007 : vector<16xf32>
      %add3A_2009 = arith.addf %mul3A_2006, %mul3A_2008 : vector<16xf32>
      %sub3A_2010 = arith.subf %select_n3A_1991, %gather3A_323 : vector<16xf32>
      %mul3A_2011 = arith.mulf %sub3A_2010, %sub3A_2010 : vector<16xf32>
      %add3A_2012 = arith.addf %add3A_2009, %mul3A_2011 : vector<16xf32>
      %sub3A_2013 = arith.subf %select_n3A_1992, %gather3A_326 : vector<16xf32>
      %mul3A_2014 = arith.mulf %sub3A_2013, %sub3A_2013 : vector<16xf32>
      %add3A_2015 = arith.addf %add3A_2012, %mul3A_2014 : vector<16xf32>
      %mul3A_2016 = arith.constant 5.000000e+00 : f32
      %mul3A_2017 = vector.broadcast %mul3A_2016 : f32 to vector<16xf32>
      %mul3A_2018 = arith.mulf %mul3A_2017, %add3A_2015 : vector<16xf32>
      %add3A_2019 = arith.addf %mul3A_2004, %mul3A_2018 : vector<16xf32>
      %mul3A_2020 = arith.mulf %select_n3A_1993, %select_n3A_1993 : vector<16xf32>
      %add3A_2021 = arith.constant 48 : i32
      %add3A_2022 = vector.broadcast %add3A_2021 : i32 to vector<16xi32>
      %add3A_2023 = arith.addi %add3A_2022, %iota3A : vector<16xi32>
      %broadcast_in_dim3A_2024 = arith.constant 80 : i32
      %broadcast_in_dim3A_2025 = vector.broadcast %broadcast_in_dim3A_2024 : i32 to vector<16xi32>
      %gather3A_2026 = tpu.vector_load_idx %arg9[%add3A_2023, %broadcast_in_dim3A_2025] : memref<80x128xf32, #tpu.memory_space<vmem>>[vector<16xi32>, vector<16xi32>], vector<16xf32>,
      %broadcast_in_dim3A_2027 = arith.constant 81 : i32
      %broadcast_in_dim3A_2028 = vector.broadcast %broadcast_in_dim3A_2027 : i32 to vector<16xi32>
      %gather3A_2029 = tpu.vector_load_idx %arg9[%add3A_2023, %broadcast_in_dim3A_2028] : memref<80x128xf32, #tpu.memory_space<vmem>>[vector<16xi32>, vector<16xi32>], vector<16xf32>,
      %broadcast_in_dim3A_2030 = arith.constant 82 : i32
      %broadcast_in_dim3A_2031 = vector.broadcast %broadcast_in_dim3A_2030 : i32 to vector<16xi32>
      %gather3A_2032 = tpu.vector_load_idx %arg9[%add3A_2023, %broadcast_in_dim3A_2031] : memref<80x128xf32, #tpu.memory_space<vmem>>[vector<16xi32>, vector<16xi32>], vector<16xf32>,
      %broadcast_in_dim3A_2033 = arith.constant 83 : i32
      %broadcast_in_dim3A_2034 = vector.broadcast %broadcast_in_dim3A_2033 : i32 to vector<16xi32>
      %gather3A_2035 = tpu.vector_load_idx %arg9[%add3A_2023, %broadcast_in_dim3A_2034] : memref<80x128xf32, #tpu.memory_space<vmem>>[vector<16xi32>, vector<16xi32>], vector<16xf32>,
      %broadcast_in_dim3A_2036 = arith.constant 84 : i32
      %broadcast_in_dim3A_2037 = vector.broadcast %broadcast_in_dim3A_2036 : i32 to vector<16xi32>
      %gather3A_2038 = tpu.vector_load_idx %arg9[%add3A_2023, %broadcast_in_dim3A_2037] : memref<80x128xf32, #tpu.memory_space<vmem>>[vector<16xi32>, vector<16xi32>], vector<16xf32>,
      %broadcast_in_dim3A_2039 = arith.constant 85 : i32
      %broadcast_in_dim3A_2040 = vector.broadcast %broadcast_in_dim3A_2039 : i32 to vector<16xi32>
      %gather3A_2041 = tpu.vector_load_idx %arg9[%add3A_2023, %broadcast_in_dim3A_2040] : memref<80x128xf32, #tpu.memory_space<vmem>>[vector<16xi32>, vector<16xi32>], vector<16xf32>,
      %broadcast_in_dim3A_2042 = arith.constant 86 : i32
      %broadcast_in_dim3A_2043 = vector.broadcast %broadcast_in_dim3A_2042 : i32 to vector<16xi32>
      %gather3A_2044 = tpu.vector_load_idx %arg9[%add3A_2023, %broadcast_in_dim3A_2043] : memref<80x128xf32, #tpu.memory_space<vmem>>[vector<16xi32>, vector<16xi32>], vector<16xf32>,
      %broadcast_in_dim3A_2045 = arith.constant 87 : i32
      %broadcast_in_dim3A_2046 = vector.broadcast %broadcast_in_dim3A_2045 : i32 to vector<16xi32>
      %gather3A_2047 = tpu.vector_load_idx %arg9[%add3A_2023, %broadcast_in_dim3A_2046] : memref<80x128xf32, #tpu.memory_space<vmem>>[vector<16xi32>, vector<16xi32>], vector<16xf32>,
      %broadcast_in_dim3A_2048 = arith.constant 88 : i32
      %broadcast_in_dim3A_2049 = vector.broadcast %broadcast_in_dim3A_2048 : i32 to vector<16xi32>
      %gather3A_2050 = tpu.vector_load_idx %arg9[%add3A_2023, %broadcast_in_dim3A_2049] : memref<80x128xf32, #tpu.memory_space<vmem>>[vector<16xi32>, vector<16xi32>], vector<16xf32>,
      %broadcast_in_dim3A_2051 = arith.constant 89 : i32
      %broadcast_in_dim3A_2052 = vector.broadcast %broadcast_in_dim3A_2051 : i32 to vector<16xi32>
      %gather3A_2053 = tpu.vector_load_idx %arg9[%add3A_2023, %broadcast_in_dim3A_2052] : memref<80x128xf32, #tpu.memory_space<vmem>>[vector<16xi32>, vector<16xi32>], vector<16xf32>,
      %broadcast_in_dim3A_2054 = arith.constant 90 : i32
      %broadcast_in_dim3A_2055 = vector.broadcast %broadcast_in_dim3A_2054 : i32 to vector<16xi32>
      %gather3A_2056 = tpu.vector_load_idx %arg9[%add3A_2023, %broadcast_in_dim3A_2055] : memref<80x128xf32, #tpu.memory_space<vmem>>[vector<16xi32>, vector<16xi32>], vector<16xf32>,
      %gather3A_2057 = tpu.vector_load_idx %arg9[%add3A_2023, %convert_element_type3A_396] : memref<80x128xf32, #tpu.memory_space<vmem>>[vector<16xi32>, vector<16xi32>], vector<16xf32>,
      %add3A_2058 = arith.addf %gather3A_2026, %gather3A_373 : vector<16xf32>
      %div3A_2059 = arith.constant 7.000000e+00 : f32
      %div3A_2060 = vector.broadcast %div3A_2059 : f32 to vector<16xf32>
      %div3A_2061 = arith.divf %add3A_2058, %div3A_2060 : vector<16xf32>
      %add3A_2062 = arith.addf %gather3A_2029, %gather3A_376 : vector<16xf32>
      %div3A_2063 = arith.constant 7.000000e+00 : f32
      %div3A_2064 = vector.broadcast %div3A_2063 : f32 to vector<16xf32>
      %div3A_2065 = arith.divf %add3A_2062, %div3A_2064 : vector<16xf32>
      %mul3A_2066 = arith.mulf %gather3A_2032, %gather3A_2032 : vector<16xf32>
      %mul3A_2067 = arith.mulf %gather3A_2035, %gather3A_2035 : vector<16xf32>
      %mul3A_2068 = arith.constant 5.000000e-01 : f32
      %mul3A_2069 = vector.broadcast %mul3A_2068 : f32 to vector<16xf32>
      %mul3A_2070 = arith.mulf %mul3A_2069, %mul3A_2066 : vector<16xf32>
      %sub3A_2071 = arith.subf %div3A_2061, %mul3A_2070 : vector<16xf32>
      %mul3A_2072 = arith.constant 5.000000e-01 : f32
      %mul3A_2073 = vector.broadcast %mul3A_2072 : f32 to vector<16xf32>
      %mul3A_2074 = arith.mulf %mul3A_2073, %mul3A_2067 : vector<16xf32>
      %sub3A_2075 = arith.subf %div3A_2065, %mul3A_2074 : vector<16xf32>
      %mul3A_2076 = arith.constant 5.000000e-01 : f32
      %mul3A_2077 = vector.broadcast %mul3A_2076 : f32 to vector<16xf32>
      %mul3A_2078 = arith.mulf %mul3A_2077, %mul3A_2066 : vector<16xf32>
      %add3A_2079 = arith.addf %div3A_2061, %mul3A_2078 : vector<16xf32>
      %mul3A_2080 = arith.constant 5.000000e-01 : f32
      %mul3A_2081 = vector.broadcast %mul3A_2080 : f32 to vector<16xf32>
      %mul3A_2082 = arith.mulf %mul3A_2081, %mul3A_2067 : vector<16xf32>
      %add3A_2083 = arith.addf %div3A_2065, %mul3A_2082 : vector<16xf32>
      %max3A_2084 = arith.maximumf %sub3A_2071, %gather3A_355 : vector<16xf32>
      %max3A_2085 = arith.maximumf %sub3A_2075, %gather3A_358 : vector<16xf32>
      %min3A_2086 = arith.minimumf %add3A_2079, %gather3A_361 : vector<16xf32>
      %min3A_2087 = arith.minimumf %add3A_2083, %gather3A_364 : vector<16xf32>
      %sub3A_2088 = arith.subf %min3A_2086, %max3A_2084 : vector<16xf32>
      %max3A_2089 = arith.constant 0.000000e+00 : f32
      %max3A_2090 = vector.broadcast %max3A_2089 : f32 to vector<16xf32>
      %max3A_2091 = arith.maximumf %sub3A_2088, %max3A_2090 : vector<16xf32>
      %sub3A_2092 = arith.subf %min3A_2087, %max3A_2085 : vector<16xf32>
      %max3A_2093 = arith.constant 0.000000e+00 : f32
      %max3A_2094 = vector.broadcast %max3A_2093 : f32 to vector<16xf32>
      %max3A_2095 = arith.maximumf %sub3A_2092, %max3A_2094 : vector<16xf32>
      %mul3A_2096 = arith.mulf %max3A_2091, %max3A_2095 : vector<16xf32>
      %sub3A_2097 = arith.subf %add3A_2079, %sub3A_2071 : vector<16xf32>
      %max3A_2098 = arith.constant 0.000000e+00 : f32
      %max3A_2099 = vector.broadcast %max3A_2098 : f32 to vector<16xf32>
      %max3A_2100 = arith.maximumf %sub3A_2097, %max3A_2099 : vector<16xf32>
      %sub3A_2101 = arith.subf %add3A_2083, %sub3A_2075 : vector<16xf32>
      %max3A_2102 = arith.constant 0.000000e+00 : f32
      %max3A_2103 = vector.broadcast %max3A_2102 : f32 to vector<16xf32>
      %max3A_2104 = arith.maximumf %sub3A_2101, %max3A_2103 : vector<16xf32>
      %mul3A_2105 = arith.mulf %max3A_2100, %max3A_2104 : vector<16xf32>
      %sub3A_2106 = arith.subf %gather3A_361, %gather3A_355 : vector<16xf32>
      %max3A_2107 = arith.constant 0.000000e+00 : f32
      %max3A_2108 = vector.broadcast %max3A_2107 : f32 to vector<16xf32>
      %max3A_2109 = arith.maximumf %sub3A_2106, %max3A_2108 : vector<16xf32>
      %sub3A_2110 = arith.subf %gather3A_364, %gather3A_358 : vector<16xf32>
      %max3A_2111 = arith.constant 0.000000e+00 : f32
      %max3A_2112 = vector.broadcast %max3A_2111 : f32 to vector<16xf32>
      %max3A_2113 = arith.maximumf %sub3A_2110, %max3A_2112 : vector<16xf32>
      %mul3A_2114 = arith.mulf %max3A_2109, %max3A_2113 : vector<16xf32>
      %add3A_2115 = arith.addf %mul3A_2105, %mul3A_2114 : vector<16xf32>
      %sub3A_2116 = arith.subf %add3A_2115, %mul3A_2096 : vector<16xf32>
      %add3A_2117 = arith.constant 9.99999971E-10 : f32
      %add3A_2118 = vector.broadcast %add3A_2117 : f32 to vector<16xf32>
      %add3A_2119 = arith.addf %sub3A_2116, %add3A_2118 : vector<16xf32>
      %div3A_2120 = arith.divf %mul3A_2096, %add3A_2119 : vector<16xf32>
      %add3A_2121 = arith.addf %gather3A_2041, %gather3A_373 : vector<16xf32>
      %div3A_2122 = arith.constant 7.000000e+00 : f32
      %div3A_2123 = vector.broadcast %div3A_2122 : f32 to vector<16xf32>
      %div3A_2124 = arith.divf %add3A_2121, %div3A_2123 : vector<16xf32>
      %add3A_2125 = arith.addf %gather3A_2044, %gather3A_376 : vector<16xf32>
      %div3A_2126 = arith.constant 7.000000e+00 : f32
      %div3A_2127 = vector.broadcast %div3A_2126 : f32 to vector<16xf32>
      %div3A_2128 = arith.divf %add3A_2125, %div3A_2127 : vector<16xf32>
      %mul3A_2129 = arith.mulf %gather3A_2047, %gather3A_2047 : vector<16xf32>
      %mul3A_2130 = arith.mulf %gather3A_2050, %gather3A_2050 : vector<16xf32>
      %mul3A_2131 = arith.constant 5.000000e-01 : f32
      %mul3A_2132 = vector.broadcast %mul3A_2131 : f32 to vector<16xf32>
      %mul3A_2133 = arith.mulf %mul3A_2132, %mul3A_2129 : vector<16xf32>
      %sub3A_2134 = arith.subf %div3A_2124, %mul3A_2133 : vector<16xf32>
      %mul3A_2135 = arith.constant 5.000000e-01 : f32
      %mul3A_2136 = vector.broadcast %mul3A_2135 : f32 to vector<16xf32>
      %mul3A_2137 = arith.mulf %mul3A_2136, %mul3A_2130 : vector<16xf32>
      %sub3A_2138 = arith.subf %div3A_2128, %mul3A_2137 : vector<16xf32>
      %mul3A_2139 = arith.constant 5.000000e-01 : f32
      %mul3A_2140 = vector.broadcast %mul3A_2139 : f32 to vector<16xf32>
      %mul3A_2141 = arith.mulf %mul3A_2140, %mul3A_2129 : vector<16xf32>
      %add3A_2142 = arith.addf %div3A_2124, %mul3A_2141 : vector<16xf32>
      %mul3A_2143 = arith.constant 5.000000e-01 : f32
      %mul3A_2144 = vector.broadcast %mul3A_2143 : f32 to vector<16xf32>
      %mul3A_2145 = arith.mulf %mul3A_2144, %mul3A_2130 : vector<16xf32>
      %add3A_2146 = arith.addf %div3A_2128, %mul3A_2145 : vector<16xf32>
      %max3A_2147 = arith.maximumf %sub3A_2134, %gather3A_355 : vector<16xf32>
      %max3A_2148 = arith.maximumf %sub3A_2138, %gather3A_358 : vector<16xf32>
      %min3A_2149 = arith.minimumf %add3A_2142, %gather3A_361 : vector<16xf32>
      %min3A_2150 = arith.minimumf %add3A_2146, %gather3A_364 : vector<16xf32>
      %sub3A_2151 = arith.subf %min3A_2149, %max3A_2147 : vector<16xf32>
      %max3A_2152 = arith.constant 0.000000e+00 : f32
      %max3A_2153 = vector.broadcast %max3A_2152 : f32 to vector<16xf32>
      %max3A_2154 = arith.maximumf %sub3A_2151, %max3A_2153 : vector<16xf32>
      %sub3A_2155 = arith.subf %min3A_2150, %max3A_2148 : vector<16xf32>
      %max3A_2156 = arith.constant 0.000000e+00 : f32
      %max3A_2157 = vector.broadcast %max3A_2156 : f32 to vector<16xf32>
      %max3A_2158 = arith.maximumf %sub3A_2155, %max3A_2157 : vector<16xf32>
      %mul3A_2159 = arith.mulf %max3A_2154, %max3A_2158 : vector<16xf32>
      %sub3A_2160 = arith.subf %add3A_2142, %sub3A_2134 : vector<16xf32>
      %max3A_2161 = arith.constant 0.000000e+00 : f32
      %max3A_2162 = vector.broadcast %max3A_2161 : f32 to vector<16xf32>
      %max3A_2163 = arith.maximumf %sub3A_2160, %max3A_2162 : vector<16xf32>
      %sub3A_2164 = arith.subf %add3A_2146, %sub3A_2138 : vector<16xf32>
      %max3A_2165 = arith.constant 0.000000e+00 : f32
      %max3A_2166 = vector.broadcast %max3A_2165 : f32 to vector<16xf32>
      %max3A_2167 = arith.maximumf %sub3A_2164, %max3A_2166 : vector<16xf32>
      %mul3A_2168 = arith.mulf %max3A_2163, %max3A_2167 : vector<16xf32>
      %sub3A_2169 = arith.subf %gather3A_361, %gather3A_355 : vector<16xf32>
      %max3A_2170 = arith.constant 0.000000e+00 : f32
      %max3A_2171 = vector.broadcast %max3A_2170 : f32 to vector<16xf32>
      %max3A_2172 = arith.maximumf %sub3A_2169, %max3A_2171 : vector<16xf32>
      %sub3A_2173 = arith.subf %gather3A_364, %gather3A_358 : vector<16xf32>
      %max3A_2174 = arith.constant 0.000000e+00 : f32
      %max3A_2175 = vector.broadcast %max3A_2174 : f32 to vector<16xf32>
      %max3A_2176 = arith.maximumf %sub3A_2173, %max3A_2175 : vector<16xf32>
      %mul3A_2177 = arith.mulf %max3A_2172, %max3A_2176 : vector<16xf32>
      %add3A_2178 = arith.addf %mul3A_2168, %mul3A_2177 : vector<16xf32>
      %sub3A_2179 = arith.subf %add3A_2178, %mul3A_2159 : vector<16xf32>
      %add3A_2180 = arith.constant 9.99999971E-10 : f32
      %add3A_2181 = vector.broadcast %add3A_2180 : f32 to vector<16xf32>
      %add3A_2182 = arith.addf %sub3A_2179, %add3A_2181 : vector<16xf32>
      %div3A_2183 = arith.divf %mul3A_2159, %add3A_2182 : vector<16xf32>
      %gt3A_2184 = arith.cmpf ogt, %div3A_2183, %div3A_2120 : vector<16xf32>
      %select_n3A_2185 = arith.select %gt3A_2184, %div3A_2183, %div3A_2120 : vector<16xi1>, vector<16xf32>
      %select_n3A_2186 = arith.select %gt3A_2184, %gather3A_2041, %gather3A_2026 : vector<16xi1>, vector<16xf32>
      %select_n3A_2187 = arith.select %gt3A_2184, %gather3A_2044, %gather3A_2029 : vector<16xi1>, vector<16xf32>
      %select_n3A_2188 = arith.select %gt3A_2184, %gather3A_2047, %gather3A_2032 : vector<16xi1>, vector<16xf32>
      %select_n3A_2189 = arith.select %gt3A_2184, %gather3A_2050, %gather3A_2035 : vector<16xi1>, vector<16xf32>
      %select_n3A_2190 = arith.select %gt3A_2184, %gather3A_2053, %gather3A_2038 : vector<16xi1>, vector<16xf32>
      %mul3A_2191 = arith.constant 2 : i32
      %mul3A_2192 = vector.broadcast %mul3A_2191 : i32 to vector<16xi32>
      %mul3A_2193 = arith.muli %convert_element_type3A_386, %mul3A_2192 : vector<16xi32>
      %convert_element_type3A_2194 = arith.extui %gt3A_2184 : vector<16xi1> to vector<16xi32>
      %add3A_2195 = arith.addi %mul3A_2193, %convert_element_type3A_2194 : vector<16xi32>
      %mul3A_2196 = arith.constant 80 : i32
      %mul3A_2197 = vector.broadcast %mul3A_2196 : i32 to vector<16xi32>
      %mul3A_2198 = arith.muli %convert_element_type3A_386, %mul3A_2197 : vector<16xi32>
      %add3A_2199 = arith.addi %mul3A_2198, %convert_element_type3A_396 : vector<16xi32>
      %sub3A_2200 = arith.subf %select_n3A_2190, %select_n3A_2185 : vector<16xf32>
      %mul3A_2201 = arith.mulf %sub3A_2200, %sub3A_2200 : vector<16xf32>
      %sub3A_2202 = arith.subf %select_n3A_2186, %gather3A_379 : vector<16xf32>
      %mul3A_2203 = arith.mulf %sub3A_2202, %sub3A_2202 : vector<16xf32>
      %sub3A_2204 = arith.subf %select_n3A_2187, %gather3A_382 : vector<16xf32>
      %mul3A_2205 = arith.mulf %sub3A_2204, %sub3A_2204 : vector<16xf32>
      %add3A_2206 = arith.addf %mul3A_2203, %mul3A_2205 : vector<16xf32>
      %sub3A_2207 = arith.subf %select_n3A_2188, %gather3A_367 : vector<16xf32>
      %mul3A_2208 = arith.mulf %sub3A_2207, %sub3A_2207 : vector<16xf32>
      %add3A_2209 = arith.addf %add3A_2206, %mul3A_2208 : vector<16xf32>
      %sub3A_2210 = arith.subf %select_n3A_2189, %gather3A_370 : vector<16xf32>
      %mul3A_2211 = arith.mulf %sub3A_2210, %sub3A_2210 : vector<16xf32>
      %add3A_2212 = arith.addf %add3A_2209, %mul3A_2211 : vector<16xf32>
      %mul3A_2213 = arith.constant 5.000000e+00 : f32
      %mul3A_2214 = vector.broadcast %mul3A_2213 : f32 to vector<16xf32>
      %mul3A_2215 = arith.mulf %mul3A_2214, %add3A_2212 : vector<16xf32>
      %add3A_2216 = arith.addf %mul3A_2201, %mul3A_2215 : vector<16xf32>
      %mul3A_2217 = arith.mulf %select_n3A_2190, %select_n3A_2190 : vector<16xf32>
      %add3A_2218 = arith.constant 64 : i32
      %add3A_2219 = vector.broadcast %add3A_2218 : i32 to vector<16xi32>
      %add3A_2220 = arith.addi %add3A_2219, %iota3A : vector<16xi32>
      %broadcast_in_dim3A_2221 = arith.constant 80 : i32
      %broadcast_in_dim3A_2222 = vector.broadcast %broadcast_in_dim3A_2221 : i32 to vector<16xi32>
      %gather3A_2223 = tpu.vector_load_idx %arg9[%add3A_2220, %broadcast_in_dim3A_2222] : memref<80x128xf32, #tpu.memory_space<vmem>>[vector<16xi32>, vector<16xi32>], vector<16xf32>,
      %broadcast_in_dim3A_2224 = arith.constant 81 : i32
      %broadcast_in_dim3A_2225 = vector.broadcast %broadcast_in_dim3A_2224 : i32 to vector<16xi32>
      %gather3A_2226 = tpu.vector_load_idx %arg9[%add3A_2220, %broadcast_in_dim3A_2225] : memref<80x128xf32, #tpu.memory_space<vmem>>[vector<16xi32>, vector<16xi32>], vector<16xf32>,
      %broadcast_in_dim3A_2227 = arith.constant 82 : i32
      %broadcast_in_dim3A_2228 = vector.broadcast %broadcast_in_dim3A_2227 : i32 to vector<16xi32>
      %gather3A_2229 = tpu.vector_load_idx %arg9[%add3A_2220, %broadcast_in_dim3A_2228] : memref<80x128xf32, #tpu.memory_space<vmem>>[vector<16xi32>, vector<16xi32>], vector<16xf32>,
      %broadcast_in_dim3A_2230 = arith.constant 83 : i32
      %broadcast_in_dim3A_2231 = vector.broadcast %broadcast_in_dim3A_2230 : i32 to vector<16xi32>
      %gather3A_2232 = tpu.vector_load_idx %arg9[%add3A_2220, %broadcast_in_dim3A_2231] : memref<80x128xf32, #tpu.memory_space<vmem>>[vector<16xi32>, vector<16xi32>], vector<16xf32>,
      %broadcast_in_dim3A_2233 = arith.constant 84 : i32
      %broadcast_in_dim3A_2234 = vector.broadcast %broadcast_in_dim3A_2233 : i32 to vector<16xi32>
      %gather3A_2235 = tpu.vector_load_idx %arg9[%add3A_2220, %broadcast_in_dim3A_2234] : memref<80x128xf32, #tpu.memory_space<vmem>>[vector<16xi32>, vector<16xi32>], vector<16xf32>,
      %broadcast_in_dim3A_2236 = arith.constant 85 : i32
      %broadcast_in_dim3A_2237 = vector.broadcast %broadcast_in_dim3A_2236 : i32 to vector<16xi32>
      %gather3A_2238 = tpu.vector_load_idx %arg9[%add3A_2220, %broadcast_in_dim3A_2237] : memref<80x128xf32, #tpu.memory_space<vmem>>[vector<16xi32>, vector<16xi32>], vector<16xf32>,
      %broadcast_in_dim3A_2239 = arith.constant 86 : i32
      %broadcast_in_dim3A_2240 = vector.broadcast %broadcast_in_dim3A_2239 : i32 to vector<16xi32>
      %gather3A_2241 = tpu.vector_load_idx %arg9[%add3A_2220, %broadcast_in_dim3A_2240] : memref<80x128xf32, #tpu.memory_space<vmem>>[vector<16xi32>, vector<16xi32>], vector<16xf32>,
      %broadcast_in_dim3A_2242 = arith.constant 87 : i32
      %broadcast_in_dim3A_2243 = vector.broadcast %broadcast_in_dim3A_2242 : i32 to vector<16xi32>
      %gather3A_2244 = tpu.vector_load_idx %arg9[%add3A_2220, %broadcast_in_dim3A_2243] : memref<80x128xf32, #tpu.memory_space<vmem>>[vector<16xi32>, vector<16xi32>], vector<16xf32>,
      %broadcast_in_dim3A_2245 = arith.constant 88 : i32
      %broadcast_in_dim3A_2246 = vector.broadcast %broadcast_in_dim3A_2245 : i32 to vector<16xi32>
      %gather3A_2247 = tpu.vector_load_idx %arg9[%add3A_2220, %broadcast_in_dim3A_2246] : memref<80x128xf32, #tpu.memory_space<vmem>>[vector<16xi32>, vector<16xi32>], vector<16xf32>,
      %broadcast_in_dim3A_2248 = arith.constant 89 : i32
      %broadcast_in_dim3A_2249 = vector.broadcast %broadcast_in_dim3A_2248 : i32 to vector<16xi32>
      %gather3A_2250 = tpu.vector_load_idx %arg9[%add3A_2220, %broadcast_in_dim3A_2249] : memref<80x128xf32, #tpu.memory_space<vmem>>[vector<16xi32>, vector<16xi32>], vector<16xf32>,
      %broadcast_in_dim3A_2251 = arith.constant 90 : i32
      %broadcast_in_dim3A_2252 = vector.broadcast %broadcast_in_dim3A_2251 : i32 to vector<16xi32>
      %gather3A_2253 = tpu.vector_load_idx %arg9[%add3A_2220, %broadcast_in_dim3A_2252] : memref<80x128xf32, #tpu.memory_space<vmem>>[vector<16xi32>, vector<16xi32>], vector<16xf32>,
      %gather3A_2254 = tpu.vector_load_idx %arg9[%add3A_2220, %convert_element_type3A_440] : memref<80x128xf32, #tpu.memory_space<vmem>>[vector<16xi32>, vector<16xi32>], vector<16xf32>,
      %add3A_2255 = arith.addf %gather3A_2223, %gather3A_417 : vector<16xf32>
      %div3A_2256 = arith.constant 7.000000e+00 : f32
      %div3A_2257 = vector.broadcast %div3A_2256 : f32 to vector<16xf32>
      %div3A_2258 = arith.divf %add3A_2255, %div3A_2257 : vector<16xf32>
      %add3A_2259 = arith.addf %gather3A_2226, %gather3A_420 : vector<16xf32>
      %div3A_2260 = arith.constant 7.000000e+00 : f32
      %div3A_2261 = vector.broadcast %div3A_2260 : f32 to vector<16xf32>
      %div3A_2262 = arith.divf %add3A_2259, %div3A_2261 : vector<16xf32>
      %mul3A_2263 = arith.mulf %gather3A_2229, %gather3A_2229 : vector<16xf32>
      %mul3A_2264 = arith.mulf %gather3A_2232, %gather3A_2232 : vector<16xf32>
      %mul3A_2265 = arith.constant 5.000000e-01 : f32
      %mul3A_2266 = vector.broadcast %mul3A_2265 : f32 to vector<16xf32>
      %mul3A_2267 = arith.mulf %mul3A_2266, %mul3A_2263 : vector<16xf32>
      %sub3A_2268 = arith.subf %div3A_2258, %mul3A_2267 : vector<16xf32>
      %mul3A_2269 = arith.constant 5.000000e-01 : f32
      %mul3A_2270 = vector.broadcast %mul3A_2269 : f32 to vector<16xf32>
      %mul3A_2271 = arith.mulf %mul3A_2270, %mul3A_2264 : vector<16xf32>
      %sub3A_2272 = arith.subf %div3A_2262, %mul3A_2271 : vector<16xf32>
      %mul3A_2273 = arith.constant 5.000000e-01 : f32
      %mul3A_2274 = vector.broadcast %mul3A_2273 : f32 to vector<16xf32>
      %mul3A_2275 = arith.mulf %mul3A_2274, %mul3A_2263 : vector<16xf32>
      %add3A_2276 = arith.addf %div3A_2258, %mul3A_2275 : vector<16xf32>
      %mul3A_2277 = arith.constant 5.000000e-01 : f32
      %mul3A_2278 = vector.broadcast %mul3A_2277 : f32 to vector<16xf32>
      %mul3A_2279 = arith.mulf %mul3A_2278, %mul3A_2264 : vector<16xf32>
      %add3A_2280 = arith.addf %div3A_2262, %mul3A_2279 : vector<16xf32>
      %max3A_2281 = arith.maximumf %sub3A_2268, %gather3A_399 : vector<16xf32>
      %max3A_2282 = arith.maximumf %sub3A_2272, %gather3A_402 : vector<16xf32>
      %min3A_2283 = arith.minimumf %add3A_2276, %gather3A_405 : vector<16xf32>
      %min3A_2284 = arith.minimumf %add3A_2280, %gather3A_408 : vector<16xf32>
      %sub3A_2285 = arith.subf %min3A_2283, %max3A_2281 : vector<16xf32>
      %max3A_2286 = arith.constant 0.000000e+00 : f32
      %max3A_2287 = vector.broadcast %max3A_2286 : f32 to vector<16xf32>
      %max3A_2288 = arith.maximumf %sub3A_2285, %max3A_2287 : vector<16xf32>
      %sub3A_2289 = arith.subf %min3A_2284, %max3A_2282 : vector<16xf32>
      %max3A_2290 = arith.constant 0.000000e+00 : f32
      %max3A_2291 = vector.broadcast %max3A_2290 : f32 to vector<16xf32>
      %max3A_2292 = arith.maximumf %sub3A_2289, %max3A_2291 : vector<16xf32>
      %mul3A_2293 = arith.mulf %max3A_2288, %max3A_2292 : vector<16xf32>
      %sub3A_2294 = arith.subf %add3A_2276, %sub3A_2268 : vector<16xf32>
      %max3A_2295 = arith.constant 0.000000e+00 : f32
      %max3A_2296 = vector.broadcast %max3A_2295 : f32 to vector<16xf32>
      %max3A_2297 = arith.maximumf %sub3A_2294, %max3A_2296 : vector<16xf32>
      %sub3A_2298 = arith.subf %add3A_2280, %sub3A_2272 : vector<16xf32>
      %max3A_2299 = arith.constant 0.000000e+00 : f32
      %max3A_2300 = vector.broadcast %max3A_2299 : f32 to vector<16xf32>
      %max3A_2301 = arith.maximumf %sub3A_2298, %max3A_2300 : vector<16xf32>
      %mul3A_2302 = arith.mulf %max3A_2297, %max3A_2301 : vector<16xf32>
      %sub3A_2303 = arith.subf %gather3A_405, %gather3A_399 : vector<16xf32>
      %max3A_2304 = arith.constant 0.000000e+00 : f32
      %max3A_2305 = vector.broadcast %max3A_2304 : f32 to vector<16xf32>
      %max3A_2306 = arith.maximumf %sub3A_2303, %max3A_2305 : vector<16xf32>
      %sub3A_2307 = arith.subf %gather3A_408, %gather3A_402 : vector<16xf32>
      %max3A_2308 = arith.constant 0.000000e+00 : f32
      %max3A_2309 = vector.broadcast %max3A_2308 : f32 to vector<16xf32>
      %max3A_2310 = arith.maximumf %sub3A_2307, %max3A_2309 : vector<16xf32>
      %mul3A_2311 = arith.mulf %max3A_2306, %max3A_2310 : vector<16xf32>
      %add3A_2312 = arith.addf %mul3A_2302, %mul3A_2311 : vector<16xf32>
      %sub3A_2313 = arith.subf %add3A_2312, %mul3A_2293 : vector<16xf32>
      %add3A_2314 = arith.constant 9.99999971E-10 : f32
      %add3A_2315 = vector.broadcast %add3A_2314 : f32 to vector<16xf32>
      %add3A_2316 = arith.addf %sub3A_2313, %add3A_2315 : vector<16xf32>
      %div3A_2317 = arith.divf %mul3A_2293, %add3A_2316 : vector<16xf32>
      %add3A_2318 = arith.addf %gather3A_2238, %gather3A_417 : vector<16xf32>
      %div3A_2319 = arith.constant 7.000000e+00 : f32
      %div3A_2320 = vector.broadcast %div3A_2319 : f32 to vector<16xf32>
      %div3A_2321 = arith.divf %add3A_2318, %div3A_2320 : vector<16xf32>
      %add3A_2322 = arith.addf %gather3A_2241, %gather3A_420 : vector<16xf32>
      %div3A_2323 = arith.constant 7.000000e+00 : f32
      %div3A_2324 = vector.broadcast %div3A_2323 : f32 to vector<16xf32>
      %div3A_2325 = arith.divf %add3A_2322, %div3A_2324 : vector<16xf32>
      %mul3A_2326 = arith.mulf %gather3A_2244, %gather3A_2244 : vector<16xf32>
      %mul3A_2327 = arith.mulf %gather3A_2247, %gather3A_2247 : vector<16xf32>
      %mul3A_2328 = arith.constant 5.000000e-01 : f32
      %mul3A_2329 = vector.broadcast %mul3A_2328 : f32 to vector<16xf32>
      %mul3A_2330 = arith.mulf %mul3A_2329, %mul3A_2326 : vector<16xf32>
      %sub3A_2331 = arith.subf %div3A_2321, %mul3A_2330 : vector<16xf32>
      %mul3A_2332 = arith.constant 5.000000e-01 : f32
      %mul3A_2333 = vector.broadcast %mul3A_2332 : f32 to vector<16xf32>
      %mul3A_2334 = arith.mulf %mul3A_2333, %mul3A_2327 : vector<16xf32>
      %sub3A_2335 = arith.subf %div3A_2325, %mul3A_2334 : vector<16xf32>
      %mul3A_2336 = arith.constant 5.000000e-01 : f32
      %mul3A_2337 = vector.broadcast %mul3A_2336 : f32 to vector<16xf32>
      %mul3A_2338 = arith.mulf %mul3A_2337, %mul3A_2326 : vector<16xf32>
      %add3A_2339 = arith.addf %div3A_2321, %mul3A_2338 : vector<16xf32>
      %mul3A_2340 = arith.constant 5.000000e-01 : f32
      %mul3A_2341 = vector.broadcast %mul3A_2340 : f32 to vector<16xf32>
      %mul3A_2342 = arith.mulf %mul3A_2341, %mul3A_2327 : vector<16xf32>
      %add3A_2343 = arith.addf %div3A_2325, %mul3A_2342 : vector<16xf32>
      %max3A_2344 = arith.maximumf %sub3A_2331, %gather3A_399 : vector<16xf32>
      %max3A_2345 = arith.maximumf %sub3A_2335, %gather3A_402 : vector<16xf32>
      %min3A_2346 = arith.minimumf %add3A_2339, %gather3A_405 : vector<16xf32>
      %min3A_2347 = arith.minimumf %add3A_2343, %gather3A_408 : vector<16xf32>
      %sub3A_2348 = arith.subf %min3A_2346, %max3A_2344 : vector<16xf32>
      %max3A_2349 = arith.constant 0.000000e+00 : f32
      %max3A_2350 = vector.broadcast %max3A_2349 : f32 to vector<16xf32>
      %max3A_2351 = arith.maximumf %sub3A_2348, %max3A_2350 : vector<16xf32>
      %sub3A_2352 = arith.subf %min3A_2347, %max3A_2345 : vector<16xf32>
      %max3A_2353 = arith.constant 0.000000e+00 : f32
      %max3A_2354 = vector.broadcast %max3A_2353 : f32 to vector<16xf32>
      %max3A_2355 = arith.maximumf %sub3A_2352, %max3A_2354 : vector<16xf32>
      %mul3A_2356 = arith.mulf %max3A_2351, %max3A_2355 : vector<16xf32>
      %sub3A_2357 = arith.subf %add3A_2339, %sub3A_2331 : vector<16xf32>
      %max3A_2358 = arith.constant 0.000000e+00 : f32
      %max3A_2359 = vector.broadcast %max3A_2358 : f32 to vector<16xf32>
      %max3A_2360 = arith.maximumf %sub3A_2357, %max3A_2359 : vector<16xf32>
      %sub3A_2361 = arith.subf %add3A_2343, %sub3A_2335 : vector<16xf32>
      %max3A_2362 = arith.constant 0.000000e+00 : f32
      %max3A_2363 = vector.broadcast %max3A_2362 : f32 to vector<16xf32>
      %max3A_2364 = arith.maximumf %sub3A_2361, %max3A_2363 : vector<16xf32>
      %mul3A_2365 = arith.mulf %max3A_2360, %max3A_2364 : vector<16xf32>
      %sub3A_2366 = arith.subf %gather3A_405, %gather3A_399 : vector<16xf32>
      %max3A_2367 = arith.constant 0.000000e+00 : f32
      %max3A_2368 = vector.broadcast %max3A_2367 : f32 to vector<16xf32>
      %max3A_2369 = arith.maximumf %sub3A_2366, %max3A_2368 : vector<16xf32>
      %sub3A_2370 = arith.subf %gather3A_408, %gather3A_402 : vector<16xf32>
      %max3A_2371 = arith.constant 0.000000e+00 : f32
      %max3A_2372 = vector.broadcast %max3A_2371 : f32 to vector<16xf32>
      %max3A_2373 = arith.maximumf %sub3A_2370, %max3A_2372 : vector<16xf32>
      %mul3A_2374 = arith.mulf %max3A_2369, %max3A_2373 : vector<16xf32>
      %add3A_2375 = arith.addf %mul3A_2365, %mul3A_2374 : vector<16xf32>
      %sub3A_2376 = arith.subf %add3A_2375, %mul3A_2356 : vector<16xf32>
      %add3A_2377 = arith.constant 9.99999971E-10 : f32
      %add3A_2378 = vector.broadcast %add3A_2377 : f32 to vector<16xf32>
      %add3A_2379 = arith.addf %sub3A_2376, %add3A_2378 : vector<16xf32>
      %div3A_2380 = arith.divf %mul3A_2356, %add3A_2379 : vector<16xf32>
      %gt3A_2381 = arith.cmpf ogt, %div3A_2380, %div3A_2317 : vector<16xf32>
      %select_n3A_2382 = arith.select %gt3A_2381, %div3A_2380, %div3A_2317 : vector<16xi1>, vector<16xf32>
      %select_n3A_2383 = arith.select %gt3A_2381, %gather3A_2238, %gather3A_2223 : vector<16xi1>, vector<16xf32>
      %select_n3A_2384 = arith.select %gt3A_2381, %gather3A_2241, %gather3A_2226 : vector<16xi1>, vector<16xf32>
      %select_n3A_2385 = arith.select %gt3A_2381, %gather3A_2244, %gather3A_2229 : vector<16xi1>, vector<16xf32>
      %select_n3A_2386 = arith.select %gt3A_2381, %gather3A_2247, %gather3A_2232 : vector<16xi1>, vector<16xf32>
      %select_n3A_2387 = arith.select %gt3A_2381, %gather3A_2250, %gather3A_2235 : vector<16xi1>, vector<16xf32>
      %mul3A_2388 = arith.constant 2 : i32
      %mul3A_2389 = vector.broadcast %mul3A_2388 : i32 to vector<16xi32>
      %mul3A_2390 = arith.muli %convert_element_type3A_430, %mul3A_2389 : vector<16xi32>
      %convert_element_type3A_2391 = arith.extui %gt3A_2381 : vector<16xi1> to vector<16xi32>
      %add3A_2392 = arith.addi %mul3A_2390, %convert_element_type3A_2391 : vector<16xi32>
      %mul3A_2393 = arith.constant 80 : i32
      %mul3A_2394 = vector.broadcast %mul3A_2393 : i32 to vector<16xi32>
      %mul3A_2395 = arith.muli %convert_element_type3A_430, %mul3A_2394 : vector<16xi32>
      %add3A_2396 = arith.addi %mul3A_2395, %convert_element_type3A_440 : vector<16xi32>
      %sub3A_2397 = arith.subf %select_n3A_2387, %select_n3A_2382 : vector<16xf32>
      %mul3A_2398 = arith.mulf %sub3A_2397, %sub3A_2397 : vector<16xf32>
      %sub3A_2399 = arith.subf %select_n3A_2383, %gather3A_423 : vector<16xf32>
      %mul3A_2400 = arith.mulf %sub3A_2399, %sub3A_2399 : vector<16xf32>
      %sub3A_2401 = arith.subf %select_n3A_2384, %gather3A_426 : vector<16xf32>
      %mul3A_2402 = arith.mulf %sub3A_2401, %sub3A_2401 : vector<16xf32>
      %add3A_2403 = arith.addf %mul3A_2400, %mul3A_2402 : vector<16xf32>
      %sub3A_2404 = arith.subf %select_n3A_2385, %gather3A_411 : vector<16xf32>
      %mul3A_2405 = arith.mulf %sub3A_2404, %sub3A_2404 : vector<16xf32>
      %add3A_2406 = arith.addf %add3A_2403, %mul3A_2405 : vector<16xf32>
      %sub3A_2407 = arith.subf %select_n3A_2386, %gather3A_414 : vector<16xf32>
      %mul3A_2408 = arith.mulf %sub3A_2407, %sub3A_2407 : vector<16xf32>
      %add3A_2409 = arith.addf %add3A_2406, %mul3A_2408 : vector<16xf32>
      %mul3A_2410 = arith.constant 5.000000e+00 : f32
      %mul3A_2411 = vector.broadcast %mul3A_2410 : f32 to vector<16xf32>
      %mul3A_2412 = arith.mulf %mul3A_2411, %add3A_2409 : vector<16xf32>
      %add3A_2413 = arith.addf %mul3A_2398, %mul3A_2412 : vector<16xf32>
      %mul3A_2414 = arith.mulf %select_n3A_2387, %select_n3A_2387 : vector<16xf32>
      %broadcast_in_dim3A_2415 = arith.constant 1.000000e+00 : f32
      %broadcast_in_dim3A_2416 = vector.broadcast %broadcast_in_dim3A_2415 : f32 to vector<16xf32>
      %broadcast_in_dim3A_2417 = arith.constant 0.000000e+00 : f32
      %broadcast_in_dim3A_2418 = vector.broadcast %broadcast_in_dim3A_2417 : f32 to vector<16xf32>
      %ne3A = arith.cmpi ne, %add3A_816, %add3A_619 : vector<16xi32>
      %ne3A_2419 = arith.cmpi ne, %add3A_1013, %add3A_619 : vector<16xi32>
      %ne3A_2420 = arith.cmpi ne, %add3A_1210, %add3A_619 : vector<16xi32>
      %ne3A_2421 = arith.cmpi ne, %add3A_1407, %add3A_619 : vector<16xi32>
      %ne3A_2422 = arith.cmpi ne, %add3A_1604, %add3A_619 : vector<16xi32>
      %ne3A_2423 = arith.cmpi ne, %add3A_1801, %add3A_619 : vector<16xi32>
      %ne3A_2424 = arith.cmpi ne, %add3A_1998, %add3A_619 : vector<16xi32>
      %ne3A_2425 = arith.cmpi ne, %add3A_2195, %add3A_619 : vector<16xi32>
      %ne3A_2426 = arith.cmpi ne, %add3A_2392, %add3A_619 : vector<16xi32>
      %and3A = arith.andi %ne3A, %ne3A_2419 : vector<16xi1>
      %and3A_2427 = arith.andi %and3A, %ne3A_2420 : vector<16xi1>
      %and3A_2428 = arith.andi %and3A_2427, %ne3A_2421 : vector<16xi1>
      %and3A_2429 = arith.andi %and3A_2428, %ne3A_2422 : vector<16xi1>
      %and3A_2430 = arith.andi %and3A_2429, %ne3A_2423 : vector<16xi1>
      %and3A_2431 = arith.andi %and3A_2430, %ne3A_2424 : vector<16xi1>
      %and3A_2432 = arith.andi %and3A_2431, %ne3A_2425 : vector<16xi1>
      %and3A_2433 = arith.andi %and3A_2432, %ne3A_2426 : vector<16xi1>
      %jit3A = arith.constant 1.000000e+00 : f32
      %jit3A_2434 = arith.constant 0.000000e+00 : f32
      %broadcast_in_dim3A_2435 = vector.broadcast %jit3A : f32 to vector<16xf32>
      %broadcast_in_dim3A_2436 = vector.broadcast %jit3A_2434 : f32 to vector<16xf32>
      %select_n3A_2437 = arith.select %and3A_2433, %broadcast_in_dim3A_2435, %broadcast_in_dim3A_2436 : vector<16xi1>, vector<16xf32>
      %add3A_2438 = arith.addf %broadcast_in_dim3A_2418, %select_n3A_2437 : vector<16xf32>
      %mul3A_2439 = arith.mulf %select_n3A_2437, %add3A_640 : vector<16xf32>
      %add3A_2440 = arith.addf %broadcast_in_dim3A_2418, %mul3A_2439 : vector<16xf32>
      %mul3A_2441 = arith.mulf %select_n3A_2437, %mul3A_641 : vector<16xf32>
      %add3A_2442 = arith.addf %broadcast_in_dim3A_2418, %mul3A_2441 : vector<16xf32>
      %add3A_2443 = arith.addf %broadcast_in_dim3A_2418, %broadcast_in_dim3A_2416 : vector<16xf32>
      %mul3A_2444 = arith.mulf %broadcast_in_dim3A_2416, %gather3A_486 : vector<16xf32>
      %add3A_2445 = arith.addf %broadcast_in_dim3A_2418, %mul3A_2444 : vector<16xf32>
      %add3A_2446 = arith.addf %broadcast_in_dim3A_2418, %broadcast_in_dim3A_2416 : vector<16xf32>
      %mul3A_2447 = arith.mulf %broadcast_in_dim3A_2416, %gather3A_487 : vector<16xf32>
      %add3A_2448 = arith.addf %broadcast_in_dim3A_2418, %mul3A_2447 : vector<16xf32>
      %ne3A_2449 = arith.cmpi ne, %add3A_1013, %add3A_816 : vector<16xi32>
      %ne3A_2450 = arith.cmpi ne, %add3A_1210, %add3A_816 : vector<16xi32>
      %ne3A_2451 = arith.cmpi ne, %add3A_1407, %add3A_816 : vector<16xi32>
      %ne3A_2452 = arith.cmpi ne, %add3A_1604, %add3A_816 : vector<16xi32>
      %ne3A_2453 = arith.cmpi ne, %add3A_1801, %add3A_816 : vector<16xi32>
      %ne3A_2454 = arith.cmpi ne, %add3A_1998, %add3A_816 : vector<16xi32>
      %ne3A_2455 = arith.cmpi ne, %add3A_2195, %add3A_816 : vector<16xi32>
      %ne3A_2456 = arith.cmpi ne, %add3A_2392, %add3A_816 : vector<16xi32>
      %and3A_2457 = arith.andi %ne3A_2449, %ne3A_2450 : vector<16xi1>
      %and3A_2458 = arith.andi %and3A_2457, %ne3A_2451 : vector<16xi1>
      %and3A_2459 = arith.andi %and3A_2458, %ne3A_2452 : vector<16xi1>
      %and3A_2460 = arith.andi %and3A_2459, %ne3A_2453 : vector<16xi1>
      %and3A_2461 = arith.andi %and3A_2460, %ne3A_2454 : vector<16xi1>
      %and3A_2462 = arith.andi %and3A_2461, %ne3A_2455 : vector<16xi1>
      %and3A_2463 = arith.andi %and3A_2462, %ne3A_2456 : vector<16xi1>
      %jit3A_2464 = arith.constant 1.000000e+00 : f32
      %jit3A_2465 = arith.constant 0.000000e+00 : f32
      %broadcast_in_dim3A_2466 = vector.broadcast %jit3A_2464 : f32 to vector<16xf32>
      %broadcast_in_dim3A_2467 = vector.broadcast %jit3A_2465 : f32 to vector<16xf32>
      %select_n3A_2468 = arith.select %and3A_2463, %broadcast_in_dim3A_2466, %broadcast_in_dim3A_2467 : vector<16xi1>, vector<16xf32>
      %ne3A_2469 = arith.cmpi ne, %add3A_623, %add3A_820 : vector<16xi32>
      %jit3A_2470 = arith.constant 1.000000e+00 : f32
      %jit3A_2471 = arith.constant 0.000000e+00 : f32
      %broadcast_in_dim3A_2472 = vector.broadcast %jit3A_2470 : f32 to vector<16xf32>
      %broadcast_in_dim3A_2473 = vector.broadcast %jit3A_2471 : f32 to vector<16xf32>
      %select_n3A_2474 = arith.select %ne3A_2469, %broadcast_in_dim3A_2472, %broadcast_in_dim3A_2473 : vector<16xi1>, vector<16xf32>
      %ne3A_2475 = arith.cmpi ne, %convert_element_type3A_35, %convert_element_type3A_78 : vector<16xi32>
      %jit3A_2476 = arith.constant 1.000000e+00 : f32
      %jit3A_2477 = arith.constant 0.000000e+00 : f32
      %broadcast_in_dim3A_2478 = vector.broadcast %jit3A_2476 : f32 to vector<16xf32>
      %broadcast_in_dim3A_2479 = vector.broadcast %jit3A_2477 : f32 to vector<16xf32>
      %select_n3A_2480 = arith.select %ne3A_2475, %broadcast_in_dim3A_2478, %broadcast_in_dim3A_2479 : vector<16xi1>, vector<16xf32>
      %add3A_2481 = arith.addf %add3A_2438, %select_n3A_2468 : vector<16xf32>
      %mul3A_2482 = arith.mulf %select_n3A_2468, %add3A_837 : vector<16xf32>
      %add3A_2483 = arith.addf %add3A_2440, %mul3A_2482 : vector<16xf32>
      %mul3A_2484 = arith.mulf %select_n3A_2468, %mul3A_838 : vector<16xf32>
      %add3A_2485 = arith.addf %add3A_2442, %mul3A_2484 : vector<16xf32>
      %add3A_2486 = arith.addf %add3A_2443, %select_n3A_2480 : vector<16xf32>
      %mul3A_2487 = arith.mulf %select_n3A_2480, %gather3A_677 : vector<16xf32>
      %add3A_2488 = arith.addf %add3A_2445, %mul3A_2487 : vector<16xf32>
      %add3A_2489 = arith.addf %add3A_2446, %select_n3A_2474 : vector<16xf32>
      %mul3A_2490 = arith.mulf %select_n3A_2474, %gather3A_678 : vector<16xf32>
      %add3A_2491 = arith.addf %add3A_2448, %mul3A_2490 : vector<16xf32>
      %ne3A_2492 = arith.cmpi ne, %add3A_1210, %add3A_1013 : vector<16xi32>
      %ne3A_2493 = arith.cmpi ne, %add3A_1407, %add3A_1013 : vector<16xi32>
      %ne3A_2494 = arith.cmpi ne, %add3A_1604, %add3A_1013 : vector<16xi32>
      %ne3A_2495 = arith.cmpi ne, %add3A_1801, %add3A_1013 : vector<16xi32>
      %ne3A_2496 = arith.cmpi ne, %add3A_1998, %add3A_1013 : vector<16xi32>
      %ne3A_2497 = arith.cmpi ne, %add3A_2195, %add3A_1013 : vector<16xi32>
      %ne3A_2498 = arith.cmpi ne, %add3A_2392, %add3A_1013 : vector<16xi32>
      %and3A_2499 = arith.andi %ne3A_2492, %ne3A_2493 : vector<16xi1>
      %and3A_2500 = arith.andi %and3A_2499, %ne3A_2494 : vector<16xi1>
      %and3A_2501 = arith.andi %and3A_2500, %ne3A_2495 : vector<16xi1>
      %and3A_2502 = arith.andi %and3A_2501, %ne3A_2496 : vector<16xi1>
      %and3A_2503 = arith.andi %and3A_2502, %ne3A_2497 : vector<16xi1>
      %and3A_2504 = arith.andi %and3A_2503, %ne3A_2498 : vector<16xi1>
      %jit3A_2505 = arith.constant 1.000000e+00 : f32
      %jit3A_2506 = arith.constant 0.000000e+00 : f32
      %broadcast_in_dim3A_2507 = vector.broadcast %jit3A_2505 : f32 to vector<16xf32>
      %broadcast_in_dim3A_2508 = vector.broadcast %jit3A_2506 : f32 to vector<16xf32>
      %select_n3A_2509 = arith.select %and3A_2504, %broadcast_in_dim3A_2507, %broadcast_in_dim3A_2508 : vector<16xi1>, vector<16xf32>
      %ne3A_2510 = arith.cmpi ne, %add3A_623, %add3A_1017 : vector<16xi32>
      %ne3A_2511 = arith.cmpi ne, %add3A_820, %add3A_1017 : vector<16xi32>
      %and3A_2512 = arith.andi %ne3A_2510, %ne3A_2511 : vector<16xi1>
      %jit3A_2513 = arith.constant 1.000000e+00 : f32
      %jit3A_2514 = arith.constant 0.000000e+00 : f32
      %broadcast_in_dim3A_2515 = vector.broadcast %jit3A_2513 : f32 to vector<16xf32>
      %broadcast_in_dim3A_2516 = vector.broadcast %jit3A_2514 : f32 to vector<16xf32>
      %select_n3A_2517 = arith.select %and3A_2512, %broadcast_in_dim3A_2515, %broadcast_in_dim3A_2516 : vector<16xi1>, vector<16xf32>
      %ne3A_2518 = arith.cmpi ne, %convert_element_type3A_35, %convert_element_type3A_122 : vector<16xi32>
      %ne3A_2519 = arith.cmpi ne, %convert_element_type3A_78, %convert_element_type3A_122 : vector<16xi32>
      %and3A_2520 = arith.andi %ne3A_2518, %ne3A_2519 : vector<16xi1>
      %jit3A_2521 = arith.constant 1.000000e+00 : f32
      %jit3A_2522 = arith.constant 0.000000e+00 : f32
      %broadcast_in_dim3A_2523 = vector.broadcast %jit3A_2521 : f32 to vector<16xf32>
      %broadcast_in_dim3A_2524 = vector.broadcast %jit3A_2522 : f32 to vector<16xf32>
      %select_n3A_2525 = arith.select %and3A_2520, %broadcast_in_dim3A_2523, %broadcast_in_dim3A_2524 : vector<16xi1>, vector<16xf32>
      %add3A_2526 = arith.addf %add3A_2481, %select_n3A_2509 : vector<16xf32>
      %mul3A_2527 = arith.mulf %select_n3A_2509, %add3A_1034 : vector<16xf32>
      %add3A_2528 = arith.addf %add3A_2483, %mul3A_2527 : vector<16xf32>
      %mul3A_2529 = arith.mulf %select_n3A_2509, %mul3A_1035 : vector<16xf32>
      %add3A_2530 = arith.addf %add3A_2485, %mul3A_2529 : vector<16xf32>
      %add3A_2531 = arith.addf %add3A_2486, %select_n3A_2525 : vector<16xf32>
      %mul3A_2532 = arith.mulf %select_n3A_2525, %gather3A_874 : vector<16xf32>
      %add3A_2533 = arith.addf %add3A_2488, %mul3A_2532 : vector<16xf32>
      %add3A_2534 = arith.addf %add3A_2489, %select_n3A_2517 : vector<16xf32>
      %mul3A_2535 = arith.mulf %select_n3A_2517, %gather3A_875 : vector<16xf32>
      %add3A_2536 = arith.addf %add3A_2491, %mul3A_2535 : vector<16xf32>
      %ne3A_2537 = arith.cmpi ne, %add3A_1407, %add3A_1210 : vector<16xi32>
      %ne3A_2538 = arith.cmpi ne, %add3A_1604, %add3A_1210 : vector<16xi32>
      %ne3A_2539 = arith.cmpi ne, %add3A_1801, %add3A_1210 : vector<16xi32>
      %ne3A_2540 = arith.cmpi ne, %add3A_1998, %add3A_1210 : vector<16xi32>
      %ne3A_2541 = arith.cmpi ne, %add3A_2195, %add3A_1210 : vector<16xi32>
      %ne3A_2542 = arith.cmpi ne, %add3A_2392, %add3A_1210 : vector<16xi32>
      %and3A_2543 = arith.andi %ne3A_2537, %ne3A_2538 : vector<16xi1>
      %and3A_2544 = arith.andi %and3A_2543, %ne3A_2539 : vector<16xi1>
      %and3A_2545 = arith.andi %and3A_2544, %ne3A_2540 : vector<16xi1>
      %and3A_2546 = arith.andi %and3A_2545, %ne3A_2541 : vector<16xi1>
      %and3A_2547 = arith.andi %and3A_2546, %ne3A_2542 : vector<16xi1>
      %jit3A_2548 = arith.constant 1.000000e+00 : f32
      %jit3A_2549 = arith.constant 0.000000e+00 : f32
      %broadcast_in_dim3A_2550 = vector.broadcast %jit3A_2548 : f32 to vector<16xf32>
      %broadcast_in_dim3A_2551 = vector.broadcast %jit3A_2549 : f32 to vector<16xf32>
      %select_n3A_2552 = arith.select %and3A_2547, %broadcast_in_dim3A_2550, %broadcast_in_dim3A_2551 : vector<16xi1>, vector<16xf32>
      %ne3A_2553 = arith.cmpi ne, %add3A_623, %add3A_1214 : vector<16xi32>
      %ne3A_2554 = arith.cmpi ne, %add3A_820, %add3A_1214 : vector<16xi32>
      %ne3A_2555 = arith.cmpi ne, %add3A_1017, %add3A_1214 : vector<16xi32>
      %and3A_2556 = arith.andi %ne3A_2553, %ne3A_2554 : vector<16xi1>
      %and3A_2557 = arith.andi %and3A_2556, %ne3A_2555 : vector<16xi1>
      %jit3A_2558 = arith.constant 1.000000e+00 : f32
      %jit3A_2559 = arith.constant 0.000000e+00 : f32
      %broadcast_in_dim3A_2560 = vector.broadcast %jit3A_2558 : f32 to vector<16xf32>
      %broadcast_in_dim3A_2561 = vector.broadcast %jit3A_2559 : f32 to vector<16xf32>
      %select_n3A_2562 = arith.select %and3A_2557, %broadcast_in_dim3A_2560, %broadcast_in_dim3A_2561 : vector<16xi1>, vector<16xf32>
      %ne3A_2563 = arith.cmpi ne, %convert_element_type3A_35, %convert_element_type3A_166 : vector<16xi32>
      %ne3A_2564 = arith.cmpi ne, %convert_element_type3A_78, %convert_element_type3A_166 : vector<16xi32>
      %ne3A_2565 = arith.cmpi ne, %convert_element_type3A_122, %convert_element_type3A_166 : vector<16xi32>
      %and3A_2566 = arith.andi %ne3A_2563, %ne3A_2564 : vector<16xi1>
      %and3A_2567 = arith.andi %and3A_2566, %ne3A_2565 : vector<16xi1>
      %jit3A_2568 = arith.constant 1.000000e+00 : f32
      %jit3A_2569 = arith.constant 0.000000e+00 : f32
      %broadcast_in_dim3A_2570 = vector.broadcast %jit3A_2568 : f32 to vector<16xf32>
      %broadcast_in_dim3A_2571 = vector.broadcast %jit3A_2569 : f32 to vector<16xf32>
      %select_n3A_2572 = arith.select %and3A_2567, %broadcast_in_dim3A_2570, %broadcast_in_dim3A_2571 : vector<16xi1>, vector<16xf32>
      %add3A_2573 = arith.addf %add3A_2526, %select_n3A_2552 : vector<16xf32>
      %mul3A_2574 = arith.mulf %select_n3A_2552, %add3A_1231 : vector<16xf32>
      %add3A_2575 = arith.addf %add3A_2528, %mul3A_2574 : vector<16xf32>
      %mul3A_2576 = arith.mulf %select_n3A_2552, %mul3A_1232 : vector<16xf32>
      %add3A_2577 = arith.addf %add3A_2530, %mul3A_2576 : vector<16xf32>
      %add3A_2578 = arith.addf %add3A_2531, %select_n3A_2572 : vector<16xf32>
      %mul3A_2579 = arith.mulf %select_n3A_2572, %gather3A_1071 : vector<16xf32>
      %add3A_2580 = arith.addf %add3A_2533, %mul3A_2579 : vector<16xf32>
      %add3A_2581 = arith.addf %add3A_2534, %select_n3A_2562 : vector<16xf32>
      %mul3A_2582 = arith.mulf %select_n3A_2562, %gather3A_1072 : vector<16xf32>
      %add3A_2583 = arith.addf %add3A_2536, %mul3A_2582 : vector<16xf32>
      %ne3A_2584 = arith.cmpi ne, %add3A_1604, %add3A_1407 : vector<16xi32>
      %ne3A_2585 = arith.cmpi ne, %add3A_1801, %add3A_1407 : vector<16xi32>
      %ne3A_2586 = arith.cmpi ne, %add3A_1998, %add3A_1407 : vector<16xi32>
      %ne3A_2587 = arith.cmpi ne, %add3A_2195, %add3A_1407 : vector<16xi32>
      %ne3A_2588 = arith.cmpi ne, %add3A_2392, %add3A_1407 : vector<16xi32>
      %and3A_2589 = arith.andi %ne3A_2584, %ne3A_2585 : vector<16xi1>
      %and3A_2590 = arith.andi %and3A_2589, %ne3A_2586 : vector<16xi1>
      %and3A_2591 = arith.andi %and3A_2590, %ne3A_2587 : vector<16xi1>
      %and3A_2592 = arith.andi %and3A_2591, %ne3A_2588 : vector<16xi1>
      %jit3A_2593 = arith.constant 1.000000e+00 : f32
      %jit3A_2594 = arith.constant 0.000000e+00 : f32
      %broadcast_in_dim3A_2595 = vector.broadcast %jit3A_2593 : f32 to vector<16xf32>
      %broadcast_in_dim3A_2596 = vector.broadcast %jit3A_2594 : f32 to vector<16xf32>
      %select_n3A_2597 = arith.select %and3A_2592, %broadcast_in_dim3A_2595, %broadcast_in_dim3A_2596 : vector<16xi1>, vector<16xf32>
      %ne3A_2598 = arith.cmpi ne, %add3A_623, %add3A_1411 : vector<16xi32>
      %ne3A_2599 = arith.cmpi ne, %add3A_820, %add3A_1411 : vector<16xi32>
      %ne3A_2600 = arith.cmpi ne, %add3A_1017, %add3A_1411 : vector<16xi32>
      %ne3A_2601 = arith.cmpi ne, %add3A_1214, %add3A_1411 : vector<16xi32>
      %and3A_2602 = arith.andi %ne3A_2598, %ne3A_2599 : vector<16xi1>
      %and3A_2603 = arith.andi %and3A_2602, %ne3A_2600 : vector<16xi1>
      %and3A_2604 = arith.andi %and3A_2603, %ne3A_2601 : vector<16xi1>
      %jit3A_2605 = arith.constant 1.000000e+00 : f32
      %jit3A_2606 = arith.constant 0.000000e+00 : f32
      %broadcast_in_dim3A_2607 = vector.broadcast %jit3A_2605 : f32 to vector<16xf32>
      %broadcast_in_dim3A_2608 = vector.broadcast %jit3A_2606 : f32 to vector<16xf32>
      %select_n3A_2609 = arith.select %and3A_2604, %broadcast_in_dim3A_2607, %broadcast_in_dim3A_2608 : vector<16xi1>, vector<16xf32>
      %ne3A_2610 = arith.cmpi ne, %convert_element_type3A_35, %convert_element_type3A_210 : vector<16xi32>
      %ne3A_2611 = arith.cmpi ne, %convert_element_type3A_78, %convert_element_type3A_210 : vector<16xi32>
      %ne3A_2612 = arith.cmpi ne, %convert_element_type3A_122, %convert_element_type3A_210 : vector<16xi32>
      %ne3A_2613 = arith.cmpi ne, %convert_element_type3A_166, %convert_element_type3A_210 : vector<16xi32>
      %and3A_2614 = arith.andi %ne3A_2610, %ne3A_2611 : vector<16xi1>
      %and3A_2615 = arith.andi %and3A_2614, %ne3A_2612 : vector<16xi1>
      %and3A_2616 = arith.andi %and3A_2615, %ne3A_2613 : vector<16xi1>
      %jit3A_2617 = arith.constant 1.000000e+00 : f32
      %jit3A_2618 = arith.constant 0.000000e+00 : f32
      %broadcast_in_dim3A_2619 = vector.broadcast %jit3A_2617 : f32 to vector<16xf32>
      %broadcast_in_dim3A_2620 = vector.broadcast %jit3A_2618 : f32 to vector<16xf32>
      %select_n3A_2621 = arith.select %and3A_2616, %broadcast_in_dim3A_2619, %broadcast_in_dim3A_2620 : vector<16xi1>, vector<16xf32>
      %add3A_2622 = arith.addf %add3A_2573, %select_n3A_2597 : vector<16xf32>
      %mul3A_2623 = arith.mulf %select_n3A_2597, %add3A_1428 : vector<16xf32>
      %add3A_2624 = arith.addf %add3A_2575, %mul3A_2623 : vector<16xf32>
      %mul3A_2625 = arith.mulf %select_n3A_2597, %mul3A_1429 : vector<16xf32>
      %add3A_2626 = arith.addf %add3A_2577, %mul3A_2625 : vector<16xf32>
      %add3A_2627 = arith.addf %add3A_2578, %select_n3A_2621 : vector<16xf32>
      %mul3A_2628 = arith.mulf %select_n3A_2621, %gather3A_1268 : vector<16xf32>
      %add3A_2629 = arith.addf %add3A_2580, %mul3A_2628 : vector<16xf32>
      %add3A_2630 = arith.addf %add3A_2581, %select_n3A_2609 : vector<16xf32>
      %mul3A_2631 = arith.mulf %select_n3A_2609, %gather3A_1269 : vector<16xf32>
      %add3A_2632 = arith.addf %add3A_2583, %mul3A_2631 : vector<16xf32>
      %ne3A_2633 = arith.cmpi ne, %add3A_1801, %add3A_1604 : vector<16xi32>
      %ne3A_2634 = arith.cmpi ne, %add3A_1998, %add3A_1604 : vector<16xi32>
      %ne3A_2635 = arith.cmpi ne, %add3A_2195, %add3A_1604 : vector<16xi32>
      %ne3A_2636 = arith.cmpi ne, %add3A_2392, %add3A_1604 : vector<16xi32>
      %and3A_2637 = arith.andi %ne3A_2633, %ne3A_2634 : vector<16xi1>
      %and3A_2638 = arith.andi %and3A_2637, %ne3A_2635 : vector<16xi1>
      %and3A_2639 = arith.andi %and3A_2638, %ne3A_2636 : vector<16xi1>
      %jit3A_2640 = arith.constant 1.000000e+00 : f32
      %jit3A_2641 = arith.constant 0.000000e+00 : f32
      %broadcast_in_dim3A_2642 = vector.broadcast %jit3A_2640 : f32 to vector<16xf32>
      %broadcast_in_dim3A_2643 = vector.broadcast %jit3A_2641 : f32 to vector<16xf32>
      %select_n3A_2644 = arith.select %and3A_2639, %broadcast_in_dim3A_2642, %broadcast_in_dim3A_2643 : vector<16xi1>, vector<16xf32>
      %ne3A_2645 = arith.cmpi ne, %add3A_623, %add3A_1608 : vector<16xi32>
      %ne3A_2646 = arith.cmpi ne, %add3A_820, %add3A_1608 : vector<16xi32>
      %ne3A_2647 = arith.cmpi ne, %add3A_1017, %add3A_1608 : vector<16xi32>
      %ne3A_2648 = arith.cmpi ne, %add3A_1214, %add3A_1608 : vector<16xi32>
      %ne3A_2649 = arith.cmpi ne, %add3A_1411, %add3A_1608 : vector<16xi32>
      %and3A_2650 = arith.andi %ne3A_2645, %ne3A_2646 : vector<16xi1>
      %and3A_2651 = arith.andi %and3A_2650, %ne3A_2647 : vector<16xi1>
      %and3A_2652 = arith.andi %and3A_2651, %ne3A_2648 : vector<16xi1>
      %and3A_2653 = arith.andi %and3A_2652, %ne3A_2649 : vector<16xi1>
      %jit3A_2654 = arith.constant 1.000000e+00 : f32
      %jit3A_2655 = arith.constant 0.000000e+00 : f32
      %broadcast_in_dim3A_2656 = vector.broadcast %jit3A_2654 : f32 to vector<16xf32>
      %broadcast_in_dim3A_2657 = vector.broadcast %jit3A_2655 : f32 to vector<16xf32>
      %select_n3A_2658 = arith.select %and3A_2653, %broadcast_in_dim3A_2656, %broadcast_in_dim3A_2657 : vector<16xi1>, vector<16xf32>
      %ne3A_2659 = arith.cmpi ne, %convert_element_type3A_35, %convert_element_type3A_254 : vector<16xi32>
      %ne3A_2660 = arith.cmpi ne, %convert_element_type3A_78, %convert_element_type3A_254 : vector<16xi32>
      %ne3A_2661 = arith.cmpi ne, %convert_element_type3A_122, %convert_element_type3A_254 : vector<16xi32>
      %ne3A_2662 = arith.cmpi ne, %convert_element_type3A_166, %convert_element_type3A_254 : vector<16xi32>
      %ne3A_2663 = arith.cmpi ne, %convert_element_type3A_210, %convert_element_type3A_254 : vector<16xi32>
      %and3A_2664 = arith.andi %ne3A_2659, %ne3A_2660 : vector<16xi1>
      %and3A_2665 = arith.andi %and3A_2664, %ne3A_2661 : vector<16xi1>
      %and3A_2666 = arith.andi %and3A_2665, %ne3A_2662 : vector<16xi1>
      %and3A_2667 = arith.andi %and3A_2666, %ne3A_2663 : vector<16xi1>
      %jit3A_2668 = arith.constant 1.000000e+00 : f32
      %jit3A_2669 = arith.constant 0.000000e+00 : f32
      %broadcast_in_dim3A_2670 = vector.broadcast %jit3A_2668 : f32 to vector<16xf32>
      %broadcast_in_dim3A_2671 = vector.broadcast %jit3A_2669 : f32 to vector<16xf32>
      %select_n3A_2672 = arith.select %and3A_2667, %broadcast_in_dim3A_2670, %broadcast_in_dim3A_2671 : vector<16xi1>, vector<16xf32>
      %add3A_2673 = arith.addf %add3A_2622, %select_n3A_2644 : vector<16xf32>
      %mul3A_2674 = arith.mulf %select_n3A_2644, %add3A_1625 : vector<16xf32>
      %add3A_2675 = arith.addf %add3A_2624, %mul3A_2674 : vector<16xf32>
      %mul3A_2676 = arith.mulf %select_n3A_2644, %mul3A_1626 : vector<16xf32>
      %add3A_2677 = arith.addf %add3A_2626, %mul3A_2676 : vector<16xf32>
      %add3A_2678 = arith.addf %add3A_2627, %select_n3A_2672 : vector<16xf32>
      %mul3A_2679 = arith.mulf %select_n3A_2672, %gather3A_1465 : vector<16xf32>
      %add3A_2680 = arith.addf %add3A_2629, %mul3A_2679 : vector<16xf32>
      %add3A_2681 = arith.addf %add3A_2630, %select_n3A_2658 : vector<16xf32>
      %mul3A_2682 = arith.mulf %select_n3A_2658, %gather3A_1466 : vector<16xf32>
      %add3A_2683 = arith.addf %add3A_2632, %mul3A_2682 : vector<16xf32>
      %ne3A_2684 = arith.cmpi ne, %add3A_1998, %add3A_1801 : vector<16xi32>
      %ne3A_2685 = arith.cmpi ne, %add3A_2195, %add3A_1801 : vector<16xi32>
      %ne3A_2686 = arith.cmpi ne, %add3A_2392, %add3A_1801 : vector<16xi32>
      %and3A_2687 = arith.andi %ne3A_2684, %ne3A_2685 : vector<16xi1>
      %and3A_2688 = arith.andi %and3A_2687, %ne3A_2686 : vector<16xi1>
      %jit3A_2689 = arith.constant 1.000000e+00 : f32
      %jit3A_2690 = arith.constant 0.000000e+00 : f32
      %broadcast_in_dim3A_2691 = vector.broadcast %jit3A_2689 : f32 to vector<16xf32>
      %broadcast_in_dim3A_2692 = vector.broadcast %jit3A_2690 : f32 to vector<16xf32>
      %select_n3A_2693 = arith.select %and3A_2688, %broadcast_in_dim3A_2691, %broadcast_in_dim3A_2692 : vector<16xi1>, vector<16xf32>
      %ne3A_2694 = arith.cmpi ne, %add3A_623, %add3A_1805 : vector<16xi32>
      %ne3A_2695 = arith.cmpi ne, %add3A_820, %add3A_1805 : vector<16xi32>
      %ne3A_2696 = arith.cmpi ne, %add3A_1017, %add3A_1805 : vector<16xi32>
      %ne3A_2697 = arith.cmpi ne, %add3A_1214, %add3A_1805 : vector<16xi32>
      %ne3A_2698 = arith.cmpi ne, %add3A_1411, %add3A_1805 : vector<16xi32>
      %ne3A_2699 = arith.cmpi ne, %add3A_1608, %add3A_1805 : vector<16xi32>
      %and3A_2700 = arith.andi %ne3A_2694, %ne3A_2695 : vector<16xi1>
      %and3A_2701 = arith.andi %and3A_2700, %ne3A_2696 : vector<16xi1>
      %and3A_2702 = arith.andi %and3A_2701, %ne3A_2697 : vector<16xi1>
      %and3A_2703 = arith.andi %and3A_2702, %ne3A_2698 : vector<16xi1>
      %and3A_2704 = arith.andi %and3A_2703, %ne3A_2699 : vector<16xi1>
      %jit3A_2705 = arith.constant 1.000000e+00 : f32
      %jit3A_2706 = arith.constant 0.000000e+00 : f32
      %broadcast_in_dim3A_2707 = vector.broadcast %jit3A_2705 : f32 to vector<16xf32>
      %broadcast_in_dim3A_2708 = vector.broadcast %jit3A_2706 : f32 to vector<16xf32>
      %select_n3A_2709 = arith.select %and3A_2704, %broadcast_in_dim3A_2707, %broadcast_in_dim3A_2708 : vector<16xi1>, vector<16xf32>
      %ne3A_2710 = arith.cmpi ne, %convert_element_type3A_35, %convert_element_type3A_298 : vector<16xi32>
      %ne3A_2711 = arith.cmpi ne, %convert_element_type3A_78, %convert_element_type3A_298 : vector<16xi32>
      %ne3A_2712 = arith.cmpi ne, %convert_element_type3A_122, %convert_element_type3A_298 : vector<16xi32>
      %ne3A_2713 = arith.cmpi ne, %convert_element_type3A_166, %convert_element_type3A_298 : vector<16xi32>
      %ne3A_2714 = arith.cmpi ne, %convert_element_type3A_210, %convert_element_type3A_298 : vector<16xi32>
      %ne3A_2715 = arith.cmpi ne, %convert_element_type3A_254, %convert_element_type3A_298 : vector<16xi32>
      %and3A_2716 = arith.andi %ne3A_2710, %ne3A_2711 : vector<16xi1>
      %and3A_2717 = arith.andi %and3A_2716, %ne3A_2712 : vector<16xi1>
      %and3A_2718 = arith.andi %and3A_2717, %ne3A_2713 : vector<16xi1>
      %and3A_2719 = arith.andi %and3A_2718, %ne3A_2714 : vector<16xi1>
      %and3A_2720 = arith.andi %and3A_2719, %ne3A_2715 : vector<16xi1>
      %jit3A_2721 = arith.constant 1.000000e+00 : f32
      %jit3A_2722 = arith.constant 0.000000e+00 : f32
      %broadcast_in_dim3A_2723 = vector.broadcast %jit3A_2721 : f32 to vector<16xf32>
      %broadcast_in_dim3A_2724 = vector.broadcast %jit3A_2722 : f32 to vector<16xf32>
      %select_n3A_2725 = arith.select %and3A_2720, %broadcast_in_dim3A_2723, %broadcast_in_dim3A_2724 : vector<16xi1>, vector<16xf32>
      %add3A_2726 = arith.addf %add3A_2673, %select_n3A_2693 : vector<16xf32>
      %mul3A_2727 = arith.mulf %select_n3A_2693, %add3A_1822 : vector<16xf32>
      %add3A_2728 = arith.addf %add3A_2675, %mul3A_2727 : vector<16xf32>
      %mul3A_2729 = arith.mulf %select_n3A_2693, %mul3A_1823 : vector<16xf32>
      %add3A_2730 = arith.addf %add3A_2677, %mul3A_2729 : vector<16xf32>
      %add3A_2731 = arith.addf %add3A_2678, %select_n3A_2725 : vector<16xf32>
      %mul3A_2732 = arith.mulf %select_n3A_2725, %gather3A_1662 : vector<16xf32>
      %add3A_2733 = arith.addf %add3A_2680, %mul3A_2732 : vector<16xf32>
      %add3A_2734 = arith.addf %add3A_2681, %select_n3A_2709 : vector<16xf32>
      %mul3A_2735 = arith.mulf %select_n3A_2709, %gather3A_1663 : vector<16xf32>
      %add3A_2736 = arith.addf %add3A_2683, %mul3A_2735 : vector<16xf32>
      %ne3A_2737 = arith.cmpi ne, %add3A_2195, %add3A_1998 : vector<16xi32>
      %ne3A_2738 = arith.cmpi ne, %add3A_2392, %add3A_1998 : vector<16xi32>
      %and3A_2739 = arith.andi %ne3A_2737, %ne3A_2738 : vector<16xi1>
      %jit3A_2740 = arith.constant 1.000000e+00 : f32
      %jit3A_2741 = arith.constant 0.000000e+00 : f32
      %broadcast_in_dim3A_2742 = vector.broadcast %jit3A_2740 : f32 to vector<16xf32>
      %broadcast_in_dim3A_2743 = vector.broadcast %jit3A_2741 : f32 to vector<16xf32>
      %select_n3A_2744 = arith.select %and3A_2739, %broadcast_in_dim3A_2742, %broadcast_in_dim3A_2743 : vector<16xi1>, vector<16xf32>
      %ne3A_2745 = arith.cmpi ne, %add3A_623, %add3A_2002 : vector<16xi32>
      %ne3A_2746 = arith.cmpi ne, %add3A_820, %add3A_2002 : vector<16xi32>
      %ne3A_2747 = arith.cmpi ne, %add3A_1017, %add3A_2002 : vector<16xi32>
      %ne3A_2748 = arith.cmpi ne, %add3A_1214, %add3A_2002 : vector<16xi32>
      %ne3A_2749 = arith.cmpi ne, %add3A_1411, %add3A_2002 : vector<16xi32>
      %ne3A_2750 = arith.cmpi ne, %add3A_1608, %add3A_2002 : vector<16xi32>
      %ne3A_2751 = arith.cmpi ne, %add3A_1805, %add3A_2002 : vector<16xi32>
      %and3A_2752 = arith.andi %ne3A_2745, %ne3A_2746 : vector<16xi1>
      %and3A_2753 = arith.andi %and3A_2752, %ne3A_2747 : vector<16xi1>
      %and3A_2754 = arith.andi %and3A_2753, %ne3A_2748 : vector<16xi1>
      %and3A_2755 = arith.andi %and3A_2754, %ne3A_2749 : vector<16xi1>
      %and3A_2756 = arith.andi %and3A_2755, %ne3A_2750 : vector<16xi1>
      %and3A_2757 = arith.andi %and3A_2756, %ne3A_2751 : vector<16xi1>
      %jit3A_2758 = arith.constant 1.000000e+00 : f32
      %jit3A_2759 = arith.constant 0.000000e+00 : f32
      %broadcast_in_dim3A_2760 = vector.broadcast %jit3A_2758 : f32 to vector<16xf32>
      %broadcast_in_dim3A_2761 = vector.broadcast %jit3A_2759 : f32 to vector<16xf32>
      %select_n3A_2762 = arith.select %and3A_2757, %broadcast_in_dim3A_2760, %broadcast_in_dim3A_2761 : vector<16xi1>, vector<16xf32>
      %ne3A_2763 = arith.cmpi ne, %convert_element_type3A_35, %convert_element_type3A_342 : vector<16xi32>
      %ne3A_2764 = arith.cmpi ne, %convert_element_type3A_78, %convert_element_type3A_342 : vector<16xi32>
      %ne3A_2765 = arith.cmpi ne, %convert_element_type3A_122, %convert_element_type3A_342 : vector<16xi32>
      %ne3A_2766 = arith.cmpi ne, %convert_element_type3A_166, %convert_element_type3A_342 : vector<16xi32>
      %ne3A_2767 = arith.cmpi ne, %convert_element_type3A_210, %convert_element_type3A_342 : vector<16xi32>
      %ne3A_2768 = arith.cmpi ne, %convert_element_type3A_254, %convert_element_type3A_342 : vector<16xi32>
      %ne3A_2769 = arith.cmpi ne, %convert_element_type3A_298, %convert_element_type3A_342 : vector<16xi32>
      %and3A_2770 = arith.andi %ne3A_2763, %ne3A_2764 : vector<16xi1>
      %and3A_2771 = arith.andi %and3A_2770, %ne3A_2765 : vector<16xi1>
      %and3A_2772 = arith.andi %and3A_2771, %ne3A_2766 : vector<16xi1>
      %and3A_2773 = arith.andi %and3A_2772, %ne3A_2767 : vector<16xi1>
      %and3A_2774 = arith.andi %and3A_2773, %ne3A_2768 : vector<16xi1>
      %and3A_2775 = arith.andi %and3A_2774, %ne3A_2769 : vector<16xi1>
      %jit3A_2776 = arith.constant 1.000000e+00 : f32
      %jit3A_2777 = arith.constant 0.000000e+00 : f32
      %broadcast_in_dim3A_2778 = vector.broadcast %jit3A_2776 : f32 to vector<16xf32>
      %broadcast_in_dim3A_2779 = vector.broadcast %jit3A_2777 : f32 to vector<16xf32>
      %select_n3A_2780 = arith.select %and3A_2775, %broadcast_in_dim3A_2778, %broadcast_in_dim3A_2779 : vector<16xi1>, vector<16xf32>
      %add3A_2781 = arith.addf %add3A_2726, %select_n3A_2744 : vector<16xf32>
      %mul3A_2782 = arith.mulf %select_n3A_2744, %add3A_2019 : vector<16xf32>
      %add3A_2783 = arith.addf %add3A_2728, %mul3A_2782 : vector<16xf32>
      %mul3A_2784 = arith.mulf %select_n3A_2744, %mul3A_2020 : vector<16xf32>
      %add3A_2785 = arith.addf %add3A_2730, %mul3A_2784 : vector<16xf32>
      %add3A_2786 = arith.addf %add3A_2731, %select_n3A_2780 : vector<16xf32>
      %mul3A_2787 = arith.mulf %select_n3A_2780, %gather3A_1859 : vector<16xf32>
      %add3A_2788 = arith.addf %add3A_2733, %mul3A_2787 : vector<16xf32>
      %add3A_2789 = arith.addf %add3A_2734, %select_n3A_2762 : vector<16xf32>
      %mul3A_2790 = arith.mulf %select_n3A_2762, %gather3A_1860 : vector<16xf32>
      %add3A_2791 = arith.addf %add3A_2736, %mul3A_2790 : vector<16xf32>
      %ne3A_2792 = arith.cmpi ne, %add3A_2392, %add3A_2195 : vector<16xi32>
      %jit3A_2793 = arith.constant 1.000000e+00 : f32
      %jit3A_2794 = arith.constant 0.000000e+00 : f32
      %broadcast_in_dim3A_2795 = vector.broadcast %jit3A_2793 : f32 to vector<16xf32>
      %broadcast_in_dim3A_2796 = vector.broadcast %jit3A_2794 : f32 to vector<16xf32>
      %select_n3A_2797 = arith.select %ne3A_2792, %broadcast_in_dim3A_2795, %broadcast_in_dim3A_2796 : vector<16xi1>, vector<16xf32>
      %ne3A_2798 = arith.cmpi ne, %add3A_623, %add3A_2199 : vector<16xi32>
      %ne3A_2799 = arith.cmpi ne, %add3A_820, %add3A_2199 : vector<16xi32>
      %ne3A_2800 = arith.cmpi ne, %add3A_1017, %add3A_2199 : vector<16xi32>
      %ne3A_2801 = arith.cmpi ne, %add3A_1214, %add3A_2199 : vector<16xi32>
      %ne3A_2802 = arith.cmpi ne, %add3A_1411, %add3A_2199 : vector<16xi32>
      %ne3A_2803 = arith.cmpi ne, %add3A_1608, %add3A_2199 : vector<16xi32>
      %ne3A_2804 = arith.cmpi ne, %add3A_1805, %add3A_2199 : vector<16xi32>
      %ne3A_2805 = arith.cmpi ne, %add3A_2002, %add3A_2199 : vector<16xi32>
      %and3A_2806 = arith.andi %ne3A_2798, %ne3A_2799 : vector<16xi1>
      %and3A_2807 = arith.andi %and3A_2806, %ne3A_2800 : vector<16xi1>
      %and3A_2808 = arith.andi %and3A_2807, %ne3A_2801 : vector<16xi1>
      %and3A_2809 = arith.andi %and3A_2808, %ne3A_2802 : vector<16xi1>
      %and3A_2810 = arith.andi %and3A_2809, %ne3A_2803 : vector<16xi1>
      %and3A_2811 = arith.andi %and3A_2810, %ne3A_2804 : vector<16xi1>
      %and3A_2812 = arith.andi %and3A_2811, %ne3A_2805 : vector<16xi1>
      %jit3A_2813 = arith.constant 1.000000e+00 : f32
      %jit3A_2814 = arith.constant 0.000000e+00 : f32
      %broadcast_in_dim3A_2815 = vector.broadcast %jit3A_2813 : f32 to vector<16xf32>
      %broadcast_in_dim3A_2816 = vector.broadcast %jit3A_2814 : f32 to vector<16xf32>
      %select_n3A_2817 = arith.select %and3A_2812, %broadcast_in_dim3A_2815, %broadcast_in_dim3A_2816 : vector<16xi1>, vector<16xf32>
      %ne3A_2818 = arith.cmpi ne, %convert_element_type3A_35, %convert_element_type3A_386 : vector<16xi32>
      %ne3A_2819 = arith.cmpi ne, %convert_element_type3A_78, %convert_element_type3A_386 : vector<16xi32>
      %ne3A_2820 = arith.cmpi ne, %convert_element_type3A_122, %convert_element_type3A_386 : vector<16xi32>
      %ne3A_2821 = arith.cmpi ne, %convert_element_type3A_166, %convert_element_type3A_386 : vector<16xi32>
      %ne3A_2822 = arith.cmpi ne, %convert_element_type3A_210, %convert_element_type3A_386 : vector<16xi32>
      %ne3A_2823 = arith.cmpi ne, %convert_element_type3A_254, %convert_element_type3A_386 : vector<16xi32>
      %ne3A_2824 = arith.cmpi ne, %convert_element_type3A_298, %convert_element_type3A_386 : vector<16xi32>
      %ne3A_2825 = arith.cmpi ne, %convert_element_type3A_342, %convert_element_type3A_386 : vector<16xi32>
      %and3A_2826 = arith.andi %ne3A_2818, %ne3A_2819 : vector<16xi1>
      %and3A_2827 = arith.andi %and3A_2826, %ne3A_2820 : vector<16xi1>
      %and3A_2828 = arith.andi %and3A_2827, %ne3A_2821 : vector<16xi1>
      %and3A_2829 = arith.andi %and3A_2828, %ne3A_2822 : vector<16xi1>
      %and3A_2830 = arith.andi %and3A_2829, %ne3A_2823 : vector<16xi1>
      %and3A_2831 = arith.andi %and3A_2830, %ne3A_2824 : vector<16xi1>
      %and3A_2832 = arith.andi %and3A_2831, %ne3A_2825 : vector<16xi1>
      %jit3A_2833 = arith.constant 1.000000e+00 : f32
      %jit3A_2834 = arith.constant 0.000000e+00 : f32
      %broadcast_in_dim3A_2835 = vector.broadcast %jit3A_2833 : f32 to vector<16xf32>
      %broadcast_in_dim3A_2836 = vector.broadcast %jit3A_2834 : f32 to vector<16xf32>
      %select_n3A_2837 = arith.select %and3A_2832, %broadcast_in_dim3A_2835, %broadcast_in_dim3A_2836 : vector<16xi1>, vector<16xf32>
      %add3A_2838 = arith.addf %add3A_2781, %select_n3A_2797 : vector<16xf32>
      %mul3A_2839 = arith.mulf %select_n3A_2797, %add3A_2216 : vector<16xf32>
      %add3A_2840 = arith.addf %add3A_2783, %mul3A_2839 : vector<16xf32>
      %mul3A_2841 = arith.mulf %select_n3A_2797, %mul3A_2217 : vector<16xf32>
      %add3A_2842 = arith.addf %add3A_2785, %mul3A_2841 : vector<16xf32>
      %add3A_2843 = arith.addf %add3A_2786, %select_n3A_2837 : vector<16xf32>
      %mul3A_2844 = arith.mulf %select_n3A_2837, %gather3A_2056 : vector<16xf32>
      %add3A_2845 = arith.addf %add3A_2788, %mul3A_2844 : vector<16xf32>
      %add3A_2846 = arith.addf %add3A_2789, %select_n3A_2817 : vector<16xf32>
      %mul3A_2847 = arith.mulf %select_n3A_2817, %gather3A_2057 : vector<16xf32>
      %add3A_2848 = arith.addf %add3A_2791, %mul3A_2847 : vector<16xf32>
      %ne3A_2849 = arith.cmpi ne, %add3A_623, %add3A_2396 : vector<16xi32>
      %ne3A_2850 = arith.cmpi ne, %add3A_820, %add3A_2396 : vector<16xi32>
      %ne3A_2851 = arith.cmpi ne, %add3A_1017, %add3A_2396 : vector<16xi32>
      %ne3A_2852 = arith.cmpi ne, %add3A_1214, %add3A_2396 : vector<16xi32>
      %ne3A_2853 = arith.cmpi ne, %add3A_1411, %add3A_2396 : vector<16xi32>
      %ne3A_2854 = arith.cmpi ne, %add3A_1608, %add3A_2396 : vector<16xi32>
      %ne3A_2855 = arith.cmpi ne, %add3A_1805, %add3A_2396 : vector<16xi32>
      %ne3A_2856 = arith.cmpi ne, %add3A_2002, %add3A_2396 : vector<16xi32>
      %ne3A_2857 = arith.cmpi ne, %add3A_2199, %add3A_2396 : vector<16xi32>
      %and3A_2858 = arith.andi %ne3A_2849, %ne3A_2850 : vector<16xi1>
      %and3A_2859 = arith.andi %and3A_2858, %ne3A_2851 : vector<16xi1>
      %and3A_2860 = arith.andi %and3A_2859, %ne3A_2852 : vector<16xi1>
      %and3A_2861 = arith.andi %and3A_2860, %ne3A_2853 : vector<16xi1>
      %and3A_2862 = arith.andi %and3A_2861, %ne3A_2854 : vector<16xi1>
      %and3A_2863 = arith.andi %and3A_2862, %ne3A_2855 : vector<16xi1>
      %and3A_2864 = arith.andi %and3A_2863, %ne3A_2856 : vector<16xi1>
      %and3A_2865 = arith.andi %and3A_2864, %ne3A_2857 : vector<16xi1>
      %jit3A_2866 = arith.constant 1.000000e+00 : f32
      %jit3A_2867 = arith.constant 0.000000e+00 : f32
      %broadcast_in_dim3A_2868 = vector.broadcast %jit3A_2866 : f32 to vector<16xf32>
      %broadcast_in_dim3A_2869 = vector.broadcast %jit3A_2867 : f32 to vector<16xf32>
      %select_n3A_2870 = arith.select %and3A_2865, %broadcast_in_dim3A_2868, %broadcast_in_dim3A_2869 : vector<16xi1>, vector<16xf32>
      %ne3A_2871 = arith.cmpi ne, %convert_element_type3A_35, %convert_element_type3A_430 : vector<16xi32>
      %ne3A_2872 = arith.cmpi ne, %convert_element_type3A_78, %convert_element_type3A_430 : vector<16xi32>
      %ne3A_2873 = arith.cmpi ne, %convert_element_type3A_122, %convert_element_type3A_430 : vector<16xi32>
      %ne3A_2874 = arith.cmpi ne, %convert_element_type3A_166, %convert_element_type3A_430 : vector<16xi32>
      %ne3A_2875 = arith.cmpi ne, %convert_element_type3A_210, %convert_element_type3A_430 : vector<16xi32>
      %ne3A_2876 = arith.cmpi ne, %convert_element_type3A_254, %convert_element_type3A_430 : vector<16xi32>
      %ne3A_2877 = arith.cmpi ne, %convert_element_type3A_298, %convert_element_type3A_430 : vector<16xi32>
      %ne3A_2878 = arith.cmpi ne, %convert_element_type3A_342, %convert_element_type3A_430 : vector<16xi32>
      %ne3A_2879 = arith.cmpi ne, %convert_element_type3A_386, %convert_element_type3A_430 : vector<16xi32>
      %and3A_2880 = arith.andi %ne3A_2871, %ne3A_2872 : vector<16xi1>
      %and3A_2881 = arith.andi %and3A_2880, %ne3A_2873 : vector<16xi1>
      %and3A_2882 = arith.andi %and3A_2881, %ne3A_2874 : vector<16xi1>
      %and3A_2883 = arith.andi %and3A_2882, %ne3A_2875 : vector<16xi1>
      %and3A_2884 = arith.andi %and3A_2883, %ne3A_2876 : vector<16xi1>
      %and3A_2885 = arith.andi %and3A_2884, %ne3A_2877 : vector<16xi1>
      %and3A_2886 = arith.andi %and3A_2885, %ne3A_2878 : vector<16xi1>
      %and3A_2887 = arith.andi %and3A_2886, %ne3A_2879 : vector<16xi1>
      %jit3A_2888 = arith.constant 1.000000e+00 : f32
      %jit3A_2889 = arith.constant 0.000000e+00 : f32
      %broadcast_in_dim3A_2890 = vector.broadcast %jit3A_2888 : f32 to vector<16xf32>
      %broadcast_in_dim3A_2891 = vector.broadcast %jit3A_2889 : f32 to vector<16xf32>
      %select_n3A_2892 = arith.select %and3A_2887, %broadcast_in_dim3A_2890, %broadcast_in_dim3A_2891 : vector<16xi1>, vector<16xf32>
      %add3A_2893 = arith.addf %add3A_2838, %broadcast_in_dim3A_2416 : vector<16xf32>
      %mul3A_2894 = arith.mulf %broadcast_in_dim3A_2416, %add3A_2413 : vector<16xf32>
      %add3A_2895 = arith.addf %add3A_2840, %mul3A_2894 : vector<16xf32>
      %mul3A_2896 = arith.mulf %broadcast_in_dim3A_2416, %mul3A_2414 : vector<16xf32>
      %add3A_2897 = arith.addf %add3A_2842, %mul3A_2896 : vector<16xf32>
      %add3A_2898 = arith.addf %add3A_2843, %select_n3A_2892 : vector<16xf32>
      %mul3A_2899 = arith.mulf %select_n3A_2892, %gather3A_2253 : vector<16xf32>
      %add3A_2900 = arith.addf %add3A_2845, %mul3A_2899 : vector<16xf32>
      %add3A_2901 = arith.addf %add3A_2846, %select_n3A_2870 : vector<16xf32>
      %mul3A_2902 = arith.mulf %select_n3A_2870, %gather3A_2254 : vector<16xf32>
      %add3A_2903 = arith.addf %add3A_2848, %mul3A_2902 : vector<16xf32>
      %swap3A_2904 = arith.constant 0 : i32
      %swap3A_2905 = arith.index_cast %swap3A_2904 : i32 to index
      %swap3A_2906 = arith.constant 0 : index
      %swap3A_2907 = tpu.vector_load %arg10[%swap3A_2905, %swap3A_2906] {strides = array<i32>} : memref<8x16xf32, #tpu.memory_space<vmem>>, vector<16xf32>,
      tpu.vector_store %arg10[%swap3A_2905, %swap3A_2906], %add3A_2893 {strides = array<i32>} : memref<8x16xf32, #tpu.memory_space<vmem>>, vector<16xf32>,
      %swap3A_2908 = arith.constant 1 : i32
      %swap3A_2909 = arith.index_cast %swap3A_2908 : i32 to index
      %swap3A_2910 = arith.constant 0 : index
      %swap3A_2911 = tpu.vector_load %arg10[%swap3A_2909, %swap3A_2910] {strides = array<i32>} : memref<8x16xf32, #tpu.memory_space<vmem>>, vector<16xf32>,
      tpu.vector_store %arg10[%swap3A_2909, %swap3A_2910], %add3A_2895 {strides = array<i32>} : memref<8x16xf32, #tpu.memory_space<vmem>>, vector<16xf32>,
      %swap3A_2912 = arith.constant 2 : i32
      %swap3A_2913 = arith.index_cast %swap3A_2912 : i32 to index
      %swap3A_2914 = arith.constant 0 : index
      %swap3A_2915 = tpu.vector_load %arg10[%swap3A_2913, %swap3A_2914] {strides = array<i32>} : memref<8x16xf32, #tpu.memory_space<vmem>>, vector<16xf32>,
      tpu.vector_store %arg10[%swap3A_2913, %swap3A_2914], %add3A_2897 {strides = array<i32>} : memref<8x16xf32, #tpu.memory_space<vmem>>, vector<16xf32>,
      %swap3A_2916 = arith.constant 3 : i32
      %swap3A_2917 = arith.index_cast %swap3A_2916 : i32 to index
      %swap3A_2918 = arith.constant 0 : index
      %swap3A_2919 = tpu.vector_load %arg10[%swap3A_2917, %swap3A_2918] {strides = array<i32>} : memref<8x16xf32, #tpu.memory_space<vmem>>, vector<16xf32>,
      tpu.vector_store %arg10[%swap3A_2917, %swap3A_2918], %add3A_2898 {strides = array<i32>} : memref<8x16xf32, #tpu.memory_space<vmem>>, vector<16xf32>,
      %swap3A_2920 = arith.constant 4 : i32
      %swap3A_2921 = arith.index_cast %swap3A_2920 : i32 to index
      %swap3A_2922 = arith.constant 0 : index
      %swap3A_2923 = tpu.vector_load %arg10[%swap3A_2921, %swap3A_2922] {strides = array<i32>} : memref<8x16xf32, #tpu.memory_space<vmem>>, vector<16xf32>,
      tpu.vector_store %arg10[%swap3A_2921, %swap3A_2922], %add3A_2900 {strides = array<i32>} : memref<8x16xf32, #tpu.memory_space<vmem>>, vector<16xf32>,
      %swap3A_2924 = arith.constant 5 : i32
      %swap3A_2925 = arith.index_cast %swap3A_2924 : i32 to index
      %swap3A_2926 = arith.constant 0 : index
      %swap3A_2927 = tpu.vector_load %arg10[%swap3A_2925, %swap3A_2926] {strides = array<i32>} : memref<8x16xf32, #tpu.memory_space<vmem>>, vector<16xf32>,
      tpu.vector_store %arg10[%swap3A_2925, %swap3A_2926], %add3A_2901 {strides = array<i32>} : memref<8x16xf32, #tpu.memory_space<vmem>>, vector<16xf32>,
      %swap3A_2928 = arith.constant 6 : i32
      %swap3A_2929 = arith.index_cast %swap3A_2928 : i32 to index
      %swap3A_2930 = arith.constant 0 : index
      %swap3A_2931 = tpu.vector_load %arg10[%swap3A_2929, %swap3A_2930] {strides = array<i32>} : memref<8x16xf32, #tpu.memory_space<vmem>>, vector<16xf32>,
      tpu.vector_store %arg10[%swap3A_2929, %swap3A_2930], %add3A_2903 {strides = array<i32>} : memref<8x16xf32, #tpu.memory_space<vmem>>, vector<16xf32>,
      %swap3A_2932 = arith.constant 7 : i32
      %swap3A_2933 = arith.index_cast %swap3A_2932 : i32 to index
      %swap3A_2934 = arith.constant 0 : index
      %swap3A_2935 = tpu.vector_load %arg10[%swap3A_2933, %swap3A_2934] {strides = array<i32>} : memref<8x16xf32, #tpu.memory_space<vmem>>, vector<16xf32>,
      tpu.vector_store %arg10[%swap3A_2933, %swap3A_2934], %broadcast_in_dim3A_2418 {strides = array<i32>} : memref<8x16xf32, #tpu.memory_space<vmem>>, vector<16xf32>,
      "tpu.region"() ({
        %run_scoped3A = tpu.sem_alloc : memref<!tpu.dma_semaphore, #tpu.memory_space<semaphore_mem>>
        %dma_start3A_2936 = arith.constant 0 : i32
        %dma_start3A_2937 = arith.constant 0 : i32
        %dma_start3A_2938 = tpu.memref_slice %arg4[%arg1, %dma_start3A_2936, %dma_start3A_2937] : memref<8x8x16xf32, #tpu.memory_space<hbm>> -> memref<1x8x16xf32, #tpu.memory_space<hbm>>
        %dma_start3A_2939 = tpu.memref_squeeze %dma_start3A_2938 : memref<1x8x16xf32, #tpu.memory_space<hbm>> -> memref<8x16xf32, #tpu.memory_space<hbm>>
        %dma_start3A_2940 = arith.constant 0 : i32
        %dma_start3A_2941 = arith.constant 0 : i32
        %dma_start3A_2942 = tpu.memref_slice %arg4[%arg1, %dma_start3A_2940, %dma_start3A_2941] : memref<8x8x16xf32, #tpu.memory_space<hbm>> -> memref<1x8x16xf32, #tpu.memory_space<hbm>>
        %dma_start3A_2943 = tpu.memref_squeeze %dma_start3A_2942 : memref<1x8x16xf32, #tpu.memory_space<hbm>> -> memref<8x16xf32, #tpu.memory_space<hbm>>
        tpu.enqueue_dma source(%arg10 : memref<8x16xf32, #tpu.memory_space<vmem>>) target(%dma_start3A_2943 : memref<8x16xf32, #tpu.memory_space<hbm>>) target_semaphore(%run_scoped3A : memref<!tpu.dma_semaphore, #tpu.memory_space<semaphore_mem>>)
        %dma_wait3A_2944 = arith.constant 0 : i32
        %dma_wait3A_2945 = arith.constant 0 : i32
        %dma_wait3A_2946 = tpu.memref_slice %arg4[%arg1, %dma_wait3A_2944, %dma_wait3A_2945] : memref<8x8x16xf32, #tpu.memory_space<hbm>> -> memref<1x8x16xf32, #tpu.memory_space<hbm>>
        %dma_wait3A_2947 = tpu.memref_squeeze %dma_wait3A_2946 : memref<1x8x16xf32, #tpu.memory_space<hbm>> -> memref<8x16xf32, #tpu.memory_space<hbm>>
        %dma_wait3A_2948 = arith.constant 0 : i32
        %dma_wait3A_2949 = arith.constant 0 : i32
        %dma_wait3A_2950 = tpu.memref_slice %arg4[%arg1, %dma_wait3A_2948, %dma_wait3A_2949] : memref<8x8x16xf32, #tpu.memory_space<hbm>> -> memref<1x8x16xf32, #tpu.memory_space<hbm>>
        %dma_wait3A_2951 = tpu.memref_squeeze %dma_wait3A_2950 : memref<1x8x16xf32, #tpu.memory_space<hbm>> -> memref<8x16xf32, #tpu.memory_space<hbm>>
        tpu.wait_dma2 semaphore(%run_scoped3A : memref<!tpu.dma_semaphore, #tpu.memory_space<semaphore_mem>>) src(%arg10 : memref<8x16xf32, #tpu.memory_space<vmem>>) dst(%dma_wait3A_2951 : memref<8x16xf32, #tpu.memory_space<hbm>>)
        tpu.yield
      }) : () -> ()
    } else {
    }
    return
  }
}

module attributes {stable_mosaic.version = 14 : i64} {
  func.func @_tc1_body(%arg0: memref<6272x90xf32, #tpu.memory_space<vmem>>, %arg1: memref<128x10x4xf32, #tpu.memory_space<vmem>>, %arg2: memref<128x10xi32, #tpu.memory_space<vmem>>, %arg3: memref<6272x128xf32, #tpu.memory_space<vmem>>, %arg4: memref<1x128xf32, #tpu.memory_space<vmem>>, %arg5: memref<128x128xf32, #tpu.memory_space<vmem>>) attributes {dimension_semantics = [], scalar_prefetch = 0 : i64, scratch_operands = 0 : i64, tpu.core_type = #tpu.core_type<tc>} {
    %get3A = arith.constant 0 : index
    %get3A_0 = arith.constant 0 : index
    %get3A_1 = vector.load %arg0[%get3A, %get3A_0] : memref<6272x90xf32, #tpu.memory_space<vmem>>, vector<6272x90xf32>
    %get3A_2 = arith.constant 0 : index
    %get3A_3 = arith.constant 0 : index
    %get3A_4 = arith.constant 0 : index
    %get3A_5 = vector.load %arg1[%get3A_2, %get3A_3, %get3A_4] : memref<128x10x4xf32, #tpu.memory_space<vmem>>, vector<128x10x4xf32>
    %slice3A = vector.extract_strided_slice %get3A_5 {offsets = [0, 0, 0], sizes = [128, 10, 1], strides = [1, 1, 1]} : vector<128x10x4xf32> to vector<128x10x1xf32>
    %squeeze3A = vector.shape_cast %slice3A : vector<128x10x1xf32> to vector<128x10xf32>
    %slice3A_6 = vector.extract_strided_slice %get3A_5 {offsets = [0, 0, 1], sizes = [128, 10, 1], strides = [1, 1, 1]} : vector<128x10x4xf32> to vector<128x10x1xf32>
    %squeeze3A_7 = vector.shape_cast %slice3A_6 : vector<128x10x1xf32> to vector<128x10xf32>
    %slice3A_8 = vector.extract_strided_slice %get3A_5 {offsets = [0, 0, 2], sizes = [128, 10, 1], strides = [1, 1, 1]} : vector<128x10x4xf32> to vector<128x10x1xf32>
    %squeeze3A_9 = vector.shape_cast %slice3A_8 : vector<128x10x1xf32> to vector<128x10xf32>
    %slice3A_10 = vector.extract_strided_slice %get3A_5 {offsets = [0, 0, 3], sizes = [128, 10, 1], strides = [1, 1, 1]} : vector<128x10x4xf32> to vector<128x10x1xf32>
    %squeeze3A_11 = vector.shape_cast %slice3A_10 : vector<128x10x1xf32> to vector<128x10xf32>
    %add3A = arith.addf %squeeze3A, %squeeze3A_9 : vector<128x10xf32>
    %mul3A = arith.constant 5.000000e-01 : f32
    %mul3A_12 = vector.broadcast %mul3A : f32 to vector<128x10xf32>
    %mul3A_13 = arith.mulf %add3A, %mul3A_12 : vector<128x10xf32>
    %add3A_14 = arith.addf %squeeze3A_7, %squeeze3A_11 : vector<128x10xf32>
    %mul3A_15 = arith.constant 5.000000e-01 : f32
    %mul3A_16 = vector.broadcast %mul3A_15 : f32 to vector<128x10xf32>
    %mul3A_17 = arith.mulf %add3A_14, %mul3A_16 : vector<128x10xf32>
    %sub3A = arith.subf %squeeze3A_9, %squeeze3A : vector<128x10xf32>
    %max3A = arith.constant 9.99999997E-7 : f32
    %max3A_18 = vector.broadcast %max3A : f32 to vector<128x10xf32>
    %max3A_19 = arith.maximumf %sub3A, %max3A_18 : vector<128x10xf32>
    %sqrt3A = math.sqrt %max3A_19 : vector<128x10xf32>
    %sub3A_20 = arith.subf %squeeze3A_11, %squeeze3A_7 : vector<128x10xf32>
    %max3A_21 = arith.constant 9.99999997E-7 : f32
    %max3A_22 = vector.broadcast %max3A_21 : f32 to vector<128x10xf32>
    %max3A_23 = arith.maximumf %sub3A_20, %max3A_22 : vector<128x10xf32>
    %sqrt3A_24 = math.sqrt %max3A_23 : vector<128x10xf32>
    %mul3A_25 = arith.constant 7.000000e+00 : f32
    %mul3A_26 = vector.broadcast %mul3A_25 : f32 to vector<128x10xf32>
    %mul3A_27 = arith.mulf %mul3A_13, %mul3A_26 : vector<128x10xf32>
    %mul3A_28 = arith.constant 7.000000e+00 : f32
    %mul3A_29 = vector.broadcast %mul3A_28 : f32 to vector<128x10xf32>
    %mul3A_30 = arith.mulf %mul3A_17, %mul3A_29 : vector<128x10xf32>
    %floor3A = math.floor %mul3A_27 : vector<128x10xf32>
    %jit3A = arith.constant 0.000000e+00 : f32
    %jit3A_31 = arith.constant 6.000000e+00 : f32
    %max3A_32 = vector.broadcast %jit3A : f32 to vector<128x10xf32>
    %max3A_33 = arith.maximumf %max3A_32, %floor3A : vector<128x10xf32>
    %min3A = vector.broadcast %jit3A_31 : f32 to vector<128x10xf32>
    %min3A_34 = arith.minimumf %min3A, %max3A_33 : vector<128x10xf32>
    %floor3A_35 = math.floor %mul3A_30 : vector<128x10xf32>
    %jit3A_36 = arith.constant 0.000000e+00 : f32
    %jit3A_37 = arith.constant 6.000000e+00 : f32
    %max3A_38 = vector.broadcast %jit3A_36 : f32 to vector<128x10xf32>
    %max3A_39 = arith.maximumf %max3A_38, %floor3A_35 : vector<128x10xf32>
    %min3A_40 = vector.broadcast %jit3A_37 : f32 to vector<128x10xf32>
    %min3A_41 = arith.minimumf %min3A_40, %max3A_39 : vector<128x10xf32>
    %mul3A_42 = arith.constant 7.000000e+00 : f32
    %mul3A_43 = vector.broadcast %mul3A_42 : f32 to vector<128x10xf32>
    %mul3A_44 = arith.mulf %min3A_41, %mul3A_43 : vector<128x10xf32>
    %add3A_45 = arith.addf %mul3A_44, %min3A_34 : vector<128x10xf32>
    %get3A_46 = arith.constant 0 : index
    %get3A_47 = arith.constant 0 : index
    %get3A_48 = vector.load %arg2[%get3A_46, %get3A_47] : memref<128x10xi32, #tpu.memory_space<vmem>>, vector<128x10xi32>
    %convert_element_type3A = arith.sitofp %get3A_48 : vector<128x10xi32> to vector<128x10xf32>
    %broadcast_in_dim3A = arith.constant 0.000000e+00 : f32
    %broadcast_in_dim3A_49 = vector.broadcast %broadcast_in_dim3A : f32 to vector<128x8xf32>
    %sub3A_50 = arith.subf %mul3A_27, %min3A_34 : vector<128x10xf32>
    %sub3A_51 = arith.subf %mul3A_30, %min3A_41 : vector<128x10xf32>
    %concatenate3A = tpu.concatenate %squeeze3A, %squeeze3A_7, %squeeze3A_9, %squeeze3A_11, %sqrt3A, %sqrt3A_24, %min3A_34, %min3A_41, %sub3A_50, %sub3A_51, %add3A_45, %convert_element_type3A, %broadcast_in_dim3A_49 in 1 : vector<128x10xf32>, vector<128x10xf32>, vector<128x10xf32>, vector<128x10xf32>, vector<128x10xf32>, vector<128x10xf32>, vector<128x10xf32>, vector<128x10xf32>, vector<128x10xf32>, vector<128x10xf32>, vector<128x10xf32>, vector<128x10xf32>, vector<128x8xf32> -> vector<128x128xf32>
    %swap3A = arith.constant 0 : index
    %swap3A_52 = arith.constant 0 : index
    %swap3A_53 = vector.load %arg5[%swap3A, %swap3A_52] : memref<128x128xf32, #tpu.memory_space<vmem>>, vector<128x128xf32>
    tpu.vector_store %arg5[%swap3A, %swap3A_52], %concatenate3A {strides = array<i32>} : memref<128x128xf32, #tpu.memory_space<vmem>>, vector<128x128xf32>,
    %slice3A_54 = vector.extract_strided_slice %get3A_1 {offsets = [0, 10], sizes = [6272, 80], strides = [1, 1]} : vector<6272x90xf32> to vector<6272x80xf32>
    %reduce_max3A = arith.constant dense<0xFF800000> : vector<6272xf32>
    %reduce_max3A_55 = vector.multi_reduction <maximumf>, %slice3A_54, %reduce_max3A [1] : vector<6272x80xf32> to vector<6272xf32>
    %broadcast_in_dim3A_56 = vector.shape_cast %reduce_max3A_55 : vector<6272xf32> to vector<6272x1xf32>
    %sub3A_57 = vector.broadcast %broadcast_in_dim3A_56 : vector<6272x1xf32> to vector<6272x80xf32>
    %sub3A_58 = arith.subf %slice3A_54, %sub3A_57 : vector<6272x80xf32>
    %exp3A = math.exp %sub3A_58 : vector<6272x80xf32>
    %reduce_sum3A = arith.constant dense<0.000000e+00> : vector<6272xf32>
    %reduce_sum3A_59 = vector.multi_reduction <add>, %exp3A, %reduce_sum3A [1] : vector<6272x80xf32> to vector<6272xf32>
    %broadcast_in_dim3A_60 = vector.shape_cast %reduce_sum3A_59 : vector<6272xf32> to vector<6272x1xf32>
    %div3A = vector.broadcast %broadcast_in_dim3A_60 : vector<6272x1xf32> to vector<6272x80xf32>
    %div3A_61 = arith.divf %exp3A, %div3A : vector<6272x80xf32>
    %mul3A_62 = arith.mulf %div3A_61, %div3A_61 : vector<6272x80xf32>
    %reduce_sum3A_63 = arith.constant dense<0.000000e+00> : vector<6272xf32>
    %reduce_sum3A_64 = vector.multi_reduction <add>, %mul3A_62, %reduce_sum3A_63 [1] : vector<6272x80xf32> to vector<6272xf32>
    %broadcast_in_dim3A_65 = vector.shape_cast %reduce_sum3A_64 : vector<6272xf32> to vector<6272x1xf32>
    %slice3A_66 = vector.extract_strided_slice %get3A_1 {offsets = [0, 0], sizes = [6272, 10], strides = [1, 1]} : vector<6272x90xf32> to vector<6272x10xf32>
    %neg3A = arith.constant 0.000000e+00 : f32
    %neg3A_67 = vector.broadcast %neg3A : f32 to vector<6272x10xf32>
    %neg3A_68 = arith.subf %neg3A_67, %slice3A_66 : vector<6272x10xf32>
    %exp3A_69 = math.exp %neg3A_68 : vector<6272x10xf32>
    %add3A_70 = arith.constant 1.000000e+00 : f32
    %add3A_71 = vector.broadcast %add3A_70 : f32 to vector<6272x10xf32>
    %add3A_72 = arith.addf %add3A_71, %exp3A_69 : vector<6272x10xf32>
    %div3A_73 = arith.constant 1.000000e+00 : f32
    %div3A_74 = vector.broadcast %div3A_73 : f32 to vector<6272x10xf32>
    %div3A_75 = arith.divf %div3A_74, %add3A_72 : vector<6272x10xf32>
    %iota3A = tpu.iota {dimensions = array<i32: 1>} : vector<6272x10xi32>
    %eq3A = arith.constant 2 : i32
    %eq3A_76 = vector.broadcast %eq3A : i32 to vector<6272x10xi32>
    %eq3A_77 = arith.cmpi eq, %iota3A, %eq3A_76 : vector<6272x10xi32>
    %eq3A_78 = arith.constant 3 : i32
    %eq3A_79 = vector.broadcast %eq3A_78 : i32 to vector<6272x10xi32>
    %eq3A_80 = arith.cmpi eq, %iota3A, %eq3A_79 : vector<6272x10xi32>
    %or3A = arith.ori %eq3A_77, %eq3A_80 : vector<6272x10xi1>
    %eq3A_81 = arith.constant 7 : i32
    %eq3A_82 = vector.broadcast %eq3A_81 : i32 to vector<6272x10xi32>
    %eq3A_83 = arith.cmpi eq, %iota3A, %eq3A_82 : vector<6272x10xi32>
    %or3A_84 = arith.ori %or3A, %eq3A_83 : vector<6272x10xi1>
    %eq3A_85 = arith.constant 8 : i32
    %eq3A_86 = vector.broadcast %eq3A_85 : i32 to vector<6272x10xi32>
    %eq3A_87 = arith.cmpi eq, %iota3A, %eq3A_86 : vector<6272x10xi32>
    %or3A_88 = arith.ori %or3A_84, %eq3A_87 : vector<6272x10xi1>
    %select_n3A = arith.select %or3A_88, %slice3A_66, %div3A_75 : vector<6272x10xi1>, vector<6272x10xf32>
    %broadcast_in_dim3A_89 = arith.constant 0.000000e+00 : f32
    %broadcast_in_dim3A_90 = vector.broadcast %broadcast_in_dim3A_89 : f32 to vector<6272x37xf32>
    %concatenate3A_91 = tpu.concatenate %div3A_61, %select_n3A, %broadcast_in_dim3A_65, %broadcast_in_dim3A_90 in 1 : vector<6272x80xf32>, vector<6272x10xf32>, vector<6272x1xf32>, vector<6272x37xf32> -> vector<6272x128xf32>
    %swap3A_92 = arith.constant 0 : index
    %swap3A_93 = arith.constant 0 : index
    %swap3A_94 = vector.load %arg3[%swap3A_92, %swap3A_93] : memref<6272x128xf32, #tpu.memory_space<vmem>>, vector<6272x128xf32>
    tpu.vector_store %arg3[%swap3A_92, %swap3A_93], %concatenate3A_91 {strides = array<i32>} : memref<6272x128xf32, #tpu.memory_space<vmem>>, vector<6272x128xf32>,
    %slice3A_95 = vector.extract_strided_slice %div3A_75 {offsets = [0, 4], sizes = [6272, 1], strides = [1, 1]} : vector<6272x10xf32> to vector<6272x1xf32>
    %squeeze3A_96 = vector.shape_cast %slice3A_95 : vector<6272x1xf32> to vector<6272xf32>
    %integer_pow3A = arith.mulf %squeeze3A_96, %squeeze3A_96 : vector<6272xf32>
    %reduce_sum3A_97 = vector.shape_cast %integer_pow3A : vector<6272xf32> to vector<1x6272xf32>
    %reduce_sum3A_98 = arith.constant dense<0.000000e+00> : vector<1xf32>
    %reduce_sum3A_99 = vector.multi_reduction <add>, %reduce_sum3A_97, %reduce_sum3A_98 [1] : vector<1x6272xf32> to vector<1xf32>
    %reduce_sum3A_100 = vector.shape_cast %reduce_sum3A_99 : vector<1xf32> to vector<1x1xf32>
    %reduce_sum3A_101 = vector.extract %reduce_sum3A_100[0, 0] : f32 from vector<1x1xf32>
    %slice3A_102 = vector.extract_strided_slice %div3A_75 {offsets = [0, 9], sizes = [6272, 1], strides = [1, 1]} : vector<6272x10xf32> to vector<6272x1xf32>
    %squeeze3A_103 = vector.shape_cast %slice3A_102 : vector<6272x1xf32> to vector<6272xf32>
    %integer_pow3A_104 = arith.mulf %squeeze3A_103, %squeeze3A_103 : vector<6272xf32>
    %reduce_sum3A_105 = vector.shape_cast %integer_pow3A_104 : vector<6272xf32> to vector<1x6272xf32>
    %reduce_sum3A_106 = arith.constant dense<0.000000e+00> : vector<1xf32>
    %reduce_sum3A_107 = vector.multi_reduction <add>, %reduce_sum3A_105, %reduce_sum3A_106 [1] : vector<1x6272xf32> to vector<1xf32>
    %reduce_sum3A_108 = vector.shape_cast %reduce_sum3A_107 : vector<1xf32> to vector<1x1xf32>
    %reduce_sum3A_109 = vector.extract %reduce_sum3A_108[0, 0] : f32 from vector<1x1xf32>
    %add3A_110 = arith.addf %reduce_sum3A_101, %reduce_sum3A_109 : f32
    %reshape3A = vector.broadcast %add3A_110 : f32 to vector<1x1xf32>
    %broadcast_in_dim3A_111 = vector.shape_cast %reshape3A : vector<1x1xf32> to vector<1x1xf32>
    %broadcast_in_dim3A_112 = vector.broadcast %broadcast_in_dim3A_111 : vector<1x1xf32> to vector<1x128xf32>
    %swap3A_113 = arith.constant 0 : index
    %swap3A_114 = arith.constant 0 : index
    %swap3A_115 = vector.load %arg4[%swap3A_113, %swap3A_114] : memref<1x128xf32, #tpu.memory_space<vmem>>, vector<1x128xf32>
    tpu.vector_store %arg4[%swap3A_113, %swap3A_114], %broadcast_in_dim3A_112 {strides = array<i32>} : memref<1x128xf32, #tpu.memory_space<vmem>>, vector<1x128xf32>,
    return
  }
}

module attributes {stable_mosaic.version = 14 : i64} {
  func.func @_tc2_body(%arg0: memref<8x8x16xf32, #tpu.memory_space<vmem>>, %arg1: memref<1x128xf32, #tpu.memory_space<vmem>>, %arg2: memref<1x1xf32, #tpu.memory_space<vmem>>) attributes {dimension_semantics = [], scalar_prefetch = 0 : i64, scratch_operands = 0 : i64, tpu.core_type = #tpu.core_type<tc>} {
    %get3A = arith.constant 0 : index
    %get3A_0 = arith.constant 0 : index
    %get3A_1 = arith.constant 0 : index
    %get3A_2 = vector.load %arg0[%get3A, %get3A_0, %get3A_1] : memref<8x8x16xf32, #tpu.memory_space<vmem>>, vector<8x8x16xf32>
    %iota3A = tpu.iota {dimensions = array<i32: 1>} : vector<8x8x16xi32>
    %eq3A = arith.constant 0 : i32
    %eq3A_3 = vector.broadcast %eq3A : i32 to vector<8x8x16xi32>
    %eq3A_4 = arith.cmpi eq, %iota3A, %eq3A_3 : vector<8x8x16xi32>
    %jit3A = arith.constant 0.000000e+00 : f32
    %broadcast_in_dim3A = vector.broadcast %jit3A : f32 to vector<8x8x16xf32>
    %select_n3A = arith.select %eq3A_4, %get3A_2, %broadcast_in_dim3A : vector<8x8x16xi1>, vector<8x8x16xf32>
    %reduce_sum3A = vector.shape_cast %select_n3A : vector<8x8x16xf32> to vector<1x8x8x16xf32>
    %reduce_sum3A_5 = arith.constant dense<0.000000e+00> : vector<1xf32>
    %reduce_sum3A_6 = vector.multi_reduction <add>, %reduce_sum3A, %reduce_sum3A_5 [1, 2, 3] : vector<1x8x8x16xf32> to vector<1xf32>
    %reduce_sum3A_7 = vector.shape_cast %reduce_sum3A_6 : vector<1xf32> to vector<1x1x1x1xf32>
    %reduce_sum3A_8 = vector.extract %reduce_sum3A_7[0, 0, 0, 0] : f32 from vector<1x1x1x1xf32>
    %eq3A_9 = arith.constant 1 : i32
    %eq3A_10 = vector.broadcast %eq3A_9 : i32 to vector<8x8x16xi32>
    %eq3A_11 = arith.cmpi eq, %iota3A, %eq3A_10 : vector<8x8x16xi32>
    %jit3A_12 = arith.constant 0.000000e+00 : f32
    %broadcast_in_dim3A_13 = vector.broadcast %jit3A_12 : f32 to vector<8x8x16xf32>
    %select_n3A_14 = arith.select %eq3A_11, %get3A_2, %broadcast_in_dim3A_13 : vector<8x8x16xi1>, vector<8x8x16xf32>
    %reduce_sum3A_15 = vector.shape_cast %select_n3A_14 : vector<8x8x16xf32> to vector<1x8x8x16xf32>
    %reduce_sum3A_16 = arith.constant dense<0.000000e+00> : vector<1xf32>
    %reduce_sum3A_17 = vector.multi_reduction <add>, %reduce_sum3A_15, %reduce_sum3A_16 [1, 2, 3] : vector<1x8x8x16xf32> to vector<1xf32>
    %reduce_sum3A_18 = vector.shape_cast %reduce_sum3A_17 : vector<1xf32> to vector<1x1x1x1xf32>
    %reduce_sum3A_19 = vector.extract %reduce_sum3A_18[0, 0, 0, 0] : f32 from vector<1x1x1x1xf32>
    %eq3A_20 = arith.constant 2 : i32
    %eq3A_21 = vector.broadcast %eq3A_20 : i32 to vector<8x8x16xi32>
    %eq3A_22 = arith.cmpi eq, %iota3A, %eq3A_21 : vector<8x8x16xi32>
    %jit3A_23 = arith.constant 0.000000e+00 : f32
    %broadcast_in_dim3A_24 = vector.broadcast %jit3A_23 : f32 to vector<8x8x16xf32>
    %select_n3A_25 = arith.select %eq3A_22, %get3A_2, %broadcast_in_dim3A_24 : vector<8x8x16xi1>, vector<8x8x16xf32>
    %reduce_sum3A_26 = vector.shape_cast %select_n3A_25 : vector<8x8x16xf32> to vector<1x8x8x16xf32>
    %reduce_sum3A_27 = arith.constant dense<0.000000e+00> : vector<1xf32>
    %reduce_sum3A_28 = vector.multi_reduction <add>, %reduce_sum3A_26, %reduce_sum3A_27 [1, 2, 3] : vector<1x8x8x16xf32> to vector<1xf32>
    %reduce_sum3A_29 = vector.shape_cast %reduce_sum3A_28 : vector<1xf32> to vector<1x1x1x1xf32>
    %reduce_sum3A_30 = vector.extract %reduce_sum3A_29[0, 0, 0, 0] : f32 from vector<1x1x1x1xf32>
    %eq3A_31 = arith.constant 3 : i32
    %eq3A_32 = vector.broadcast %eq3A_31 : i32 to vector<8x8x16xi32>
    %eq3A_33 = arith.cmpi eq, %iota3A, %eq3A_32 : vector<8x8x16xi32>
    %jit3A_34 = arith.constant 0.000000e+00 : f32
    %broadcast_in_dim3A_35 = vector.broadcast %jit3A_34 : f32 to vector<8x8x16xf32>
    %select_n3A_36 = arith.select %eq3A_33, %get3A_2, %broadcast_in_dim3A_35 : vector<8x8x16xi1>, vector<8x8x16xf32>
    %reduce_sum3A_37 = vector.shape_cast %select_n3A_36 : vector<8x8x16xf32> to vector<1x8x8x16xf32>
    %reduce_sum3A_38 = arith.constant dense<0.000000e+00> : vector<1xf32>
    %reduce_sum3A_39 = vector.multi_reduction <add>, %reduce_sum3A_37, %reduce_sum3A_38 [1, 2, 3] : vector<1x8x8x16xf32> to vector<1xf32>
    %reduce_sum3A_40 = vector.shape_cast %reduce_sum3A_39 : vector<1xf32> to vector<1x1x1x1xf32>
    %reduce_sum3A_41 = vector.extract %reduce_sum3A_40[0, 0, 0, 0] : f32 from vector<1x1x1x1xf32>
    %eq3A_42 = arith.constant 4 : i32
    %eq3A_43 = vector.broadcast %eq3A_42 : i32 to vector<8x8x16xi32>
    %eq3A_44 = arith.cmpi eq, %iota3A, %eq3A_43 : vector<8x8x16xi32>
    %jit3A_45 = arith.constant 0.000000e+00 : f32
    %broadcast_in_dim3A_46 = vector.broadcast %jit3A_45 : f32 to vector<8x8x16xf32>
    %select_n3A_47 = arith.select %eq3A_44, %get3A_2, %broadcast_in_dim3A_46 : vector<8x8x16xi1>, vector<8x8x16xf32>
    %reduce_sum3A_48 = vector.shape_cast %select_n3A_47 : vector<8x8x16xf32> to vector<1x8x8x16xf32>
    %reduce_sum3A_49 = arith.constant dense<0.000000e+00> : vector<1xf32>
    %reduce_sum3A_50 = vector.multi_reduction <add>, %reduce_sum3A_48, %reduce_sum3A_49 [1, 2, 3] : vector<1x8x8x16xf32> to vector<1xf32>
    %reduce_sum3A_51 = vector.shape_cast %reduce_sum3A_50 : vector<1xf32> to vector<1x1x1x1xf32>
    %reduce_sum3A_52 = vector.extract %reduce_sum3A_51[0, 0, 0, 0] : f32 from vector<1x1x1x1xf32>
    %eq3A_53 = arith.constant 5 : i32
    %eq3A_54 = vector.broadcast %eq3A_53 : i32 to vector<8x8x16xi32>
    %eq3A_55 = arith.cmpi eq, %iota3A, %eq3A_54 : vector<8x8x16xi32>
    %jit3A_56 = arith.constant 0.000000e+00 : f32
    %broadcast_in_dim3A_57 = vector.broadcast %jit3A_56 : f32 to vector<8x8x16xf32>
    %select_n3A_58 = arith.select %eq3A_55, %get3A_2, %broadcast_in_dim3A_57 : vector<8x8x16xi1>, vector<8x8x16xf32>
    %reduce_sum3A_59 = vector.shape_cast %select_n3A_58 : vector<8x8x16xf32> to vector<1x8x8x16xf32>
    %reduce_sum3A_60 = arith.constant dense<0.000000e+00> : vector<1xf32>
    %reduce_sum3A_61 = vector.multi_reduction <add>, %reduce_sum3A_59, %reduce_sum3A_60 [1, 2, 3] : vector<1x8x8x16xf32> to vector<1xf32>
    %reduce_sum3A_62 = vector.shape_cast %reduce_sum3A_61 : vector<1xf32> to vector<1x1x1x1xf32>
    %reduce_sum3A_63 = vector.extract %reduce_sum3A_62[0, 0, 0, 0] : f32 from vector<1x1x1x1xf32>
    %eq3A_64 = arith.constant 6 : i32
    %eq3A_65 = vector.broadcast %eq3A_64 : i32 to vector<8x8x16xi32>
    %eq3A_66 = arith.cmpi eq, %iota3A, %eq3A_65 : vector<8x8x16xi32>
    %jit3A_67 = arith.constant 0.000000e+00 : f32
    %broadcast_in_dim3A_68 = vector.broadcast %jit3A_67 : f32 to vector<8x8x16xf32>
    %select_n3A_69 = arith.select %eq3A_66, %get3A_2, %broadcast_in_dim3A_68 : vector<8x8x16xi1>, vector<8x8x16xf32>
    %reduce_sum3A_70 = vector.shape_cast %select_n3A_69 : vector<8x8x16xf32> to vector<1x8x8x16xf32>
    %reduce_sum3A_71 = arith.constant dense<0.000000e+00> : vector<1xf32>
    %reduce_sum3A_72 = vector.multi_reduction <add>, %reduce_sum3A_70, %reduce_sum3A_71 [1, 2, 3] : vector<1x8x8x16xf32> to vector<1xf32>
    %reduce_sum3A_73 = vector.shape_cast %reduce_sum3A_72 : vector<1xf32> to vector<1x1x1x1xf32>
    %reduce_sum3A_74 = vector.extract %reduce_sum3A_73[0, 0, 0, 0] : f32 from vector<1x1x1x1xf32>
    %get3A_75 = arith.constant 0 : index
    %get3A_76 = arith.constant 0 : index
    %get3A_77 = vector.load %arg1[%get3A_75, %get3A_76] : memref<1x128xf32, #tpu.memory_space<vmem>>, vector<1x1xf32>
    %get3A_78 = vector.extract %get3A_77[0, 0] : f32 from vector<1x1xf32>
    %max3A = arith.constant 1.000000e+00 : f32
    %max3A_79 = arith.maximumf %reduce_sum3A_8, %max3A : f32
    %sub3A = arith.constant 1.254400e+04 : f32
    %sub3A_80 = arith.subf %sub3A, %reduce_sum3A_8 : f32
    %max3A_81 = arith.constant 1.000000e+00 : f32
    %max3A_82 = arith.maximumf %sub3A_80, %max3A_81 : f32
    %max3A_83 = arith.constant 1.000000e+00 : f32
    %max3A_84 = arith.maximumf %reduce_sum3A_41, %max3A_83 : f32
    %div3A = arith.divf %reduce_sum3A_19, %max3A_79 : f32
    %sub3A_85 = arith.subf %get3A_78, %reduce_sum3A_30 : f32
    %mul3A = arith.constant 5.000000e-01 : f32
    %mul3A_86 = arith.mulf %mul3A, %sub3A_85 : f32
    %div3A_87 = arith.divf %mul3A_86, %max3A_82 : f32
    %add3A = arith.addf %div3A, %div3A_87 : f32
    %add3A_88 = arith.addf %reduce_sum3A_52, %reduce_sum3A_63 : f32
    %mul3A_89 = arith.constant 2.000000e+00 : f32
    %mul3A_90 = arith.mulf %mul3A_89, %reduce_sum3A_74 : f32
    %sub3A_91 = arith.subf %add3A_88, %mul3A_90 : f32
    %div3A_92 = arith.divf %sub3A_91, %max3A_84 : f32
    %add3A_93 = arith.addf %add3A, %div3A_92 : f32
    %reshape3A = vector.broadcast %add3A_93 : f32 to vector<1x1xf32>
    %swap3A = arith.constant 0 : index
    %swap3A_94 = arith.constant 0 : index
    %swap3A_95 = vector.load %arg2[%swap3A, %swap3A_94] : memref<1x1xf32, #tpu.memory_space<vmem>>, vector<1x1xf32>
    tpu.vector_store %arg2[%swap3A, %swap3A_94], %reshape3A {strides = array<i32>} : memref<1x1xf32, #tpu.memory_space<vmem>>, vector<1x1xf32>,
    return
  }
}

</mosaic_0001>

<sc_bundles>
// kernel: kernel.5.cloned.1.call-start
scs
__scs_entry_jumppad:
0x0: {  	(pc) =	sbr.rel $0x88, $3  }
0x1: {  	(tag) =	ssettag $0x0;
	lr =	simm.s32 $0x1  }
0x2: {  	[smem:$0x3F9E] =	sst lr;
	_ =	strace $0xD0000000  }
0x3: {  	_ = 	snop  }
0x4: {  	_ = 	snop  }
0x5: {  	_ = 	snop  }
0x6: {  	_ = 	snop  }
0x7: {  	_ = 	snop  }
__scs_overlays_trampoline_lowered:
0x8: {  	[smem:$0x3FAD] =	sst s0  }
0x9: {  	[smem:$0x3FAE] =	sst s1  }
0xa: {  	[smem:$0x3FAF] =	sst s2  }
0xb: {  	[smem:$0x3FB0] =	sst s3  }
0xc: {  	[smem:$0x3FB1] =	sst s4  }
0xd: {  	[smem:$0x3FB2] =	sst s5  }
0xe: {  	[smem:$0x3FB3] =	sst s6  }
0xf: {  	[smem:$0x3FB4] =	sst s7  }
0x10: {  	[smem:$0x3FB5] =	sst s8  }
0x11: {  	[smem:$0x3FB6] =	sst s9;
	s0 =	simm.s32 @!p0 $0x0  }
0x12: {  	s1 =	sld [smem:$0x3F9C];
	s0 =	simm.s32 @p0 $0x1  }
0x13: {  	[smem:$0x3FB7] =	sst s0;
	s0 =	simm.s32 @!p1 $0x0  }
0x14: {  	s2 =	sld [smem:$0x3F9B];
	s0 =	simm.s32 @p1 $0x1  }
0x15: {  	[smem:$0x3FB8] =	sst s0;
	s0 =	simm.s32 @!p2 $0x0  }
0x16: {  	s3 =	sld [smem:$0x3FDB];
	s0 =	simm.s32 @p2 $0x1  }
0x17: {  	s4 =	simm.s32 $0x1BF5;
	[smem:$0x3FBA] =	sst s0  }
0x18: {  	s0 =	sld [smem:$0x3F9D];
	_ =	swait.ge [sflag:s4], $0x0  }
0x19: {  	s7 =	sld [smem:$0x3F9E]  }
0x1a: {  	s8 =	sadd.s32 $0xFFFFE003, lr  }
0x1b: {  	s9 =	sadd.s32 $0xFFFFFEF7, lr;
	s5 =	simm.s32 $0xFFFFFFFF;
	p2 =	slt.u32 s8, $0xFFFFF086  }
0x1c: {  	p1 =	slt.u32 s9, $0xF7A;
	s5 =	simm.s32 @!p2 $0x0  }
0x1d: {  	s5 =	simm.s32 @p1 $0x1;
	p0 =	seq.s32 s7, s2  }
0x1e: {  	s7 =	smul.u32 @!p0 $0xF7A, s2;
	p2 =	seq.s32 @!p0 s5, $0x0  }
0x1f: {  	s9 =	smul.u32 $0xF7A, s1;
	s8 =	simm.s32 @!p0 $0x1BF5;
	p2 =	por !p2, p0  }
0x20: {  	[sflag:s8] =	ssyncset.s32 @!p0 $0xFFFFF086;
	s6 =	sadd.s32 @!p0 s3, s7;
	s7 =	simm.s32 @!p0 $0x108  }
0x21: {  	s3 =	sadd.s32 s3, s9;
	s6 =	sadd.s32 @!p0 $0x88, s6;
	s7 =	simm.s32 @p2 $0x1082  }
0x22: {  	[simem:s7], [sflag:s8] =	dma.local @!p0 [hbm:s6], $0xF7A  }
0x23: {  	s9 =	sor.u32 $0xD0000000, s2;
	s6 =	simm.s32 $0x108;
	_ =	swait.ge @!p0 [sflag:s8], $0x0  }
0x24: {  	s3 =	sadd.s32 $0x88, s3;
	s6 =	simm.s32 @!p1 $0x1082;
	[sflag:s4] =	ssyncset.s32 $0xFFFFF086  }
0x25: {  	[simem:s6], [sflag:s4] =	dma.local [hbm:s3], $0xF7A  }
0x26: {  	[smem:$0x3F9E] =	sst s1;
	(tag) =	ssettag s2;
	_ =	strace s9  }
0x27: {  	s1 =	sld [smem:$0x3FAE]  }
0x28: {  	s2 =	sld [smem:$0x3FAF]  }
0x29: {  	s4 =	sld [smem:$0x3FB1]  }
0x2a: {  	p0 =	seq.s32 s5, $0x0;
	s5 =	sld [smem:$0x3FB2]  }
0x2b: {  	s6 =	sld [smem:$0x3FB3]  }
0x2c: {  	s7 =	sld [smem:$0x3FB4]  }
0x2d: {  	s3 =	simm.s32 $0x108;
	s8 =	sld [smem:$0x3FB5]  }
0x2e: {  	s3 =	simm.s32 @!p0 $0x1082;
	s9 =	sld [smem:$0x3FB6]  }
0x2f: {  	lr =	sadd.s32 s0, s3;
	s0 =	sld [smem:$0x3FAD]  }
0x30: {  	s3 =	sld [smem:$0x3FB0]  }
0x31: {  	[smem:$0x3FB9] =	sst s10  }
0x32: {  	s10 =	sld [smem:$0x3FB7];
	_ =	sdelay $0x3  }
0x33: {  	p0 =	seq.s32 s10, $0x1;
	s10 =	sld [smem:$0x3FB9];
	_ =	sdelay $0x3  }
0x34: {  	[smem:$0x3FB9] =	sst s10  }
0x35: {  	s10 =	sld [smem:$0x3FB8];
	_ =	sdelay $0x3  }
0x36: {  	p1 =	seq.s32 s10, $0x1;
	s10 =	sld [smem:$0x3FB9];
	_ =	sdelay $0x3  }
0x37: {  	[smem:$0x3FB9] =	sst s10  }
0x38: {  	s10 =	sld [smem:$0x3FBA]  }
0x39: {  	_ = 	snop;
	(pc) =	sbr.ind lr, $3  }
0x3a: {  	_ = 	snop  }
0x3b: {  	_ = 	snop  }
0x3c: {  	p2 =	seq.s32 s10, $0x1;
	s10 =	sld [smem:$0x3FB9]  }
0x3d: {  	_ =	shalt  }
0x3e: {  	_ =	shalt  }
0x3f: {  	_ =	shalt  }
0x40: {  	_ =	shalt  }
0x41: {  	_ =	shalt  }
0x42: {  	_ =	shalt  }
0x43: {  	_ =	shalt  }
0x44: {  	_ =	shalt  }
0x45: {  	_ =	shalt  }
0x46: {  	_ =	shalt  }
0x47: {  	_ =	shalt  }
0x48: {  	_ =	shalt  }
0x49: {  	_ =	shalt  }
0x4a: {  	_ =	shalt  }
0x4b: {  	_ =	shalt  }
0x4c: {  	_ =	shalt  }
0x4d: {  	_ =	shalt  }
0x4e: {  	_ =	shalt  }
0x4f: {  	_ =	shalt  }
0x50: {  	_ =	shalt  }
0x51: {  	_ =	shalt  }
0x52: {  	_ =	shalt  }
0x53: {  	_ =	shalt  }
0x54: {  	_ =	shalt  }
0x55: {  	_ =	shalt  }
0x56: {  	_ =	shalt  }
0x57: {  	_ =	shalt  }
0x58: {  	_ =	shalt  }
0x59: {  	_ =	shalt  }
0x5a: {  	_ =	shalt  }
0x5b: {  	_ =	shalt  }
0x5c: {  	_ =	shalt  }
0x5d: {  	_ =	shalt  }
0x5e: {  	_ =	shalt  }
0x5f: {  	_ =	shalt  }
0x60: {  	_ =	shalt  }
0x61: {  	_ =	shalt  }
0x62: {  	_ =	shalt  }
0x63: {  	_ =	shalt  }
0x64: {  	_ =	shalt  }
0x65: {  	_ =	shalt  }
0x66: {  	_ =	shalt  }
0x67: {  	_ =	shalt  }
0x68: {  	_ =	shalt  }
0x69: {  	_ =	shalt  }
0x6a: {  	_ =	shalt  }
0x6b: {  	_ =	shalt  }
0x6c: {  	_ =	shalt  }
0x6d: {  	_ =	shalt  }
0x6e: {  	_ =	shalt  }
0x6f: {  	_ =	shalt  }
0x70: {  	_ =	shalt  }
0x71: {  	_ =	shalt  }
0x72: {  	_ =	shalt  }
0x73: {  	_ =	shalt  }
0x74: {  	_ =	shalt  }
0x75: {  	_ =	shalt  }
0x76: {  	_ =	shalt  }
0x77: {  	_ =	shalt  }
0x78: {  	_ =	shalt  }
0x79: {  	_ =	shalt  }
0x7a: {  	_ =	shalt  }
0x7b: {  	_ =	shalt  }
0x7c: {  	_ =	shalt  }
0x7d: {  	_ =	shalt  }
0x7e: {  	_ =	shalt  }
0x7f: {  	_ =	shalt  }
0x80: {  	_ =	shalt  }
0x81: {  	_ =	shalt  }
0x82: {  	_ =	shalt  }
0x83: {  	_ =	shalt  }
0x84: {  	_ =	shalt  }
0x85: {  	_ =	shalt  }
0x86: {  	_ =	shalt  }
0x87: {  	_ =	shalt  }
.Lfunc_end0:
.L_simem_size_0:
called_computation_lowered:
.L_overlay_start_0:
0x88: {  	s0 =	sld [smem:$0x3FD9]  }
0x89: {  	s1 =	sld [smem:$0x3FFE];
	_ =	sdelay $0x3  }
0x8a: {  	s0 =	sadd.s32 s1, s0  }
0x8b: {  	[smem:$0x3FC5] =	sst s0  }
0x8c: {  	_ = 	snop  }
0x8d: {  	(tm) =	ssettm $0x1  }
0x8e: {  	s15 =	sld [smem:$0x3FFB];
	_ =	sdelay $0x3  }
0x8f: {  	_ =	strace s15  }
0x90: {  	s0 =	sld [smem:$0x3FFC];
	_ =	sdelay $0x3  }
0x91: {  	_ =	strace s0  }
0x92: {  	s0 =	sld [smem:$0x3FFD];
	_ =	sdelay $0x3  }
0x93: {  	_ =	strace s0  }
0x94: {  	_ =	strace $0x8FFFFFFF  }
0x95: {  	s16 =	sld [smem:$0x3FDB];
	_ =	sdelay $0x1  }
0x96: {  	s17 =	simm.s32 $_scs_section_size  }
0x97: {  	s2 =	simm.s32 $_size__tile_overlayer_lowered;
	s3 =	simm.s32 $_tile_overlayer_lowered  }
0x98: {  	s20 =	simm.s32 $0x1BFF;
	s19 =	sshll.u32 s3, $0x1;
	s0 =	sadd.s32 s17, s16  }
0x99: {  	s4 =	simm.s32 $0x0;
	s18 =	sshll.u32 s2, $0x1;
	s2 =	sadd.s32 s19, s0  }
0x9a: {  	[timem:s4], [sflag:s20] =	dma.local [hbm:s2], s18  }
0x9b: {  	_ =	swait.ge [sflag:s20], s18  }
0x9c: {  	s1 =	ssub.s32 $0x0, s18;
	[sflag:s20] =	ssyncset.done $0x0  }
0x9d: {  	[sflag:s20] =	ssyncadd.s32 s1;
	_ =	sdelay $0x1  }
0x9e: {  	s21 =	simm.s32 $0x1B8B  }
0x9f: {  	_ =	swait.ge [sflag:s21], $0x1  }
0xa0: {  	[sflag:s21] =	ssyncset.done $0x0  }
0xa1: {  	s23 =	simm.s32 $0x1B8E;
	s22 =	sld [smem:$0x3FFE];
	[sflag:s21] =	ssyncadd.s32 $0xFFFFFFFF  }
0xa2: {  	s24 =	simm.s32 $execute0_lowered;
	[smem:$0x3FD2] =	sst s23  }
0xa3: {  	s2 =	sshll.u32 s24, $0x1;
	_ =	strace $0x80000046;
	[dreg:$0x1] =	wrdreg $0xFFFFFFFF  }
0xa4: {  	s25 =	simm.s32 $_size_execute0_lowered;
	s0 =	sadd.s32 s0, s2;
	[dreg:$0x0] =	wrdreg $0x0  }
0xa5: {  	s2 =	sshll.u32 s25, $0x1;
	[dreg:$0x2] =	wrdreg s0  }
0xa6: {  	[dreg:$0x3] =	wrdreg s2  }
0xa7: {  	[dreg:$0x4] =	wrdreg $0xC0  }
0xa8: {  	_ =	task [dreg:s4], $0x5FFFF  }
0xa9: {  	[dreg:$0x1] =	wrdreg $0xFFFFFFFF  }
0xaa: {  	[dreg:$0x0] =	wrdreg $0x60  }
0xab: {  	[dreg:$0x2] =	wrdreg s22  }
0xac: {  	[dreg:$0x3] =	wrdreg $0x9  }
0xad: {  	_ =	task.clear_ibuf [dreg:s4], $0x4FFFF;
	_ =	strace $0x90000046  }
0xae: {  	s26 =	simm.s32 $0x9;
	_ =	strace $0x80000048  }
0xaf: {  	_ =	swait.ge [sflag:s26], $0x1  }
0xb0: {  	[sflag:s26] =	ssyncadd.s32 $0xFFFFFFFF  }
0xb1: {  	_ =	strace $0x90000048  }
0xb2: {  	_ =	sfence  }
0xb3: {  	s28 =	sld [smem:$0x0];
	_ =	sdelay $0x1  }
0xb4: {  	s29 =	srdreg.scid  }
0xb5: {  	s30 =	sshll.u32 s29, $0xD;
	s31 =	sshrl.u32 s29, $0x2  }
0xb6: {  	s1 =	sand.u32 $0x1, s29;
	s2 =	sand.u32 $0x4000, s30;
	s0 =	sadd.s32 s31, s28  }
0xb7: {  	s1 =	sor.u32 s2, s1;
	s0 =	sshll.u32 s0, $0x11  }
0xb8: {  	s0 =	sor.u32 s0, s1  }
0xb9: {  	s0 =	sadd.s32 $0x8F2B, s0  }
0xba: {  	[sflag:s0] =	ssyncadd.remote.s32 $0x1  }
0xbb: {  	_ =	sfence.sel $0xFFFF  }
0xbc: {  	[dreg:$0x0] =	wrdreg $0xFFFFFFFF;
	(pc) =	sbr.abs _section_cstart, $3  }
0xbd: {  	[dreg:$0x1] =	wrdreg $0xFFFFFFFF  }
0xbe: {  	_ =	task.clear_ibuf [dreg:s4], $0x2FFFF;
	_ =	strace $0x9FFFFFFF  }
0xbf: {  	(tm) =	ssettm $0x7FFFFFFF  }
tec
execute0_lowered:
.L_overlay_start_1:
0x0: {  	(tag) =	ssettag $0x1  }
0x1: {  	s3 =	rddreg [dreg:$0x0];
	s2 =	simm.s32 $0x0  }
0x2: {  	[smem:$0x7FF] =	sst s2  }
0x3: {  	s0 =	rddreg [dreg:$0x1];
	v0 =	vimm.f32 $7.000000000e+00;
	_ =	strace $0x80000047  }
0x4: {  	(erf) = vrcp.f32 v0;
	_ =	sdelay $0x2  }
0x5: {  	s1 =	stileid.u32  }
0x6: {  	p0 =	sgt.u32 s1, $0x7  }
.Ltmp0:
0x7: {  	_ = 	snop;
	(pc) =	sbr.rel @p0 .LBB2_2-.Ltmp0, $2  }
0x8: {  	_ =	sdelay $0x2  }
0x9: {  	v35 =	vpop (erf)  }
0xa: {  	s4 =	sshll.u32 s1, $0x4;
	v5 =	vlaneseq.u32  }
0xb: {  	v0 =	vor.u32 s4, v5  }
0xc: {  	s5 =	sadd.s32 $0x19800, s3;
	s24 =	simm.s32 $0x2;
	v6 =	vshll.u32 v0, $0x7  }
0xd: {  	[tilespmem:s2], [sflag:$0x2] =	stream.linear.gather [hbm4b:s5+s2], $0x4000, $0x38;
	v2 =	vor.u32 $0x64, v6;
	[tilespmem:$0x9500] =	vst v63  }
0xe: {  	_ =	swait.ge [sflag:s24], $0x4000;
	v1 =	vor.u32 $0xA, v6  }
0xf: {  	v3 =	vor.u32 $0x14, v6;
	[sflag:s24] =	ssyncset.done $0x0  }
0x10: {  	v4 =	vor.u32 $0x1E, v6;
	[sflag:s24] =	ssyncadd.s32 $0xFFFFC000  }
0x11: {  	v7 =	vor.u32 $0x28, v6;
	v30 =	vld.idx.msk [tilespmem:v6+s2+$0x0], $0xffff  }
0x12: {  	v8 =	vor.u32 $0x32, v6;
	v2 =	vld.idx.msk [tilespmem:v2+s2+$0x0], $0xffff  }
0x13: {  	v50 =	vor.u32 $0x3C, v6;
	v28 =	vld.idx.msk [tilespmem:v1+s2+$0x0], $0xffff  }
0x14: {  	v9 =	vor.u32 $0x46, v6;
	v32 =	vld.idx.msk [tilespmem:v3+s2+$0x0], $0xffff  }
0x15: {  	v51 =	vor.u32 $0x50, v6;
	v31 =	vld.idx.msk [tilespmem:v4+s2+$0x0], $0xffff  }
0x16: {  	v10 =	vor.u32 $0x5A, v6;
	v52 =	vld.idx.msk [tilespmem:v7+s2+$0x0], $0xffff  }
0x17: {  	v54 =	vor.u32 $0x6E, v6;
	v53 =	vld.idx.msk [tilespmem:v8+s2+$0x0], $0xffff;
	v55 =	vtrunc.f32 v2  }
0x18: {  	v56 =	vor.u32 $0x1, v6;
	v33 =	vld.idx.msk [tilespmem:v50+s2+$0x0], $0xffff;
	v7 =	vmul.u32 $0x31, v0;
	v25 =	vcvt.f32.s32 v55  }
0x19: {  	v59 =	vor.u32 $0x65, v6;
	v4 =	vld.idx.msk [tilespmem:v9+s2+$0x0], $0xffff  }
0x1a: {  	v57 =	vor.u32 $0xB, v6;
	v58 =	vld.idx.msk [tilespmem:v51+s2+$0x0], $0xffff;
	v61 =	vadd.s32 v25, v7  }
0x1b: {  	v62 =	vor.u32 $0x15, v6;
	v60 =	vld.idx.msk [tilespmem:v10+s2+$0x0], $0xffff;
	[tilespmem:$0x4000] =	vst v61  }
0x1c: {  	v63 =	vor.u32 $0x1F, v6;
	v8 =	vld.idx.msk [tilespmem:v54+s2+$0x0], $0xffff  }
0x1d: {  	v13 =	vor.u32 $0x33, v6;
	v20 =	vld.idx.msk [tilespmem:v56+s2+$0x0], $0xffff  }
0x1e: {  	v14 =	vor.u32 $0x3D, v6;
	v1 =	vld.idx.msk [tilespmem:v59+s2+$0x0], $0xffff  }
0x1f: {  	v11 =	vor.u32 $0x47, v6;
	v21 =	vld.idx.msk [tilespmem:v57+s2+$0x0], $0xffff  }
0x20: {  	v12 =	vor.u32 $0x29, v6;
	v22 =	vld.idx.msk [tilespmem:v62+s2+$0x0], $0xffff  }
0x21: {  	v15 =	vor.u32 $0x51, v6;
	v23 =	vld.idx.msk [tilespmem:v63+s2+$0x0], $0xffff  }
0x22: {  	v16 =	vor.u32 $0x5B, v6;
	v2 =	vld.idx.msk [tilespmem:v13+s2+$0x0], $0xffff  }
0x23: {  	v17 =	vor.u32 $0x6F, v6;
	v62 =	vld.idx.msk [tilespmem:v14+s2+$0x0], $0xffff;
	v18 =	vtrunc.f32 v1  }
0x24: {  	v19 =	vor.u32 $0x2, v6;
	v26 =	vld.idx.msk [tilespmem:v11+s2+$0x0], $0xffff;
	v47 =	vcvt.f32.s32 v18  }
0x25: {  	v34 =	vor.u32 $0x66, v6;
	[tilespmem:$0x1F850] =	vst v8;
	v8 =	vld.idx.msk [tilespmem:v12+s2+$0x0], $0xffff  }
0x26: {  	v27 =	vor.u32 $0xC, v6;
	v29 =	vld.idx.msk [tilespmem:v15+s2+$0x0], $0xffff;
	v36 =	vadd.s32 v47, v7  }
0x27: {  	v37 =	vor.u32 $0x16, v6;
	v3 =	vld.idx.msk [tilespmem:v16+s2+$0x0], $0xffff;
	[tilespmem:$0x4010] =	vst v36  }
0x28: {  	v38 =	vor.u32 $0x20, v6;
	[tilespmem:$0x1FA20] =	vst v2;
	v2 =	vld.idx.msk [tilespmem:v17+s2+$0x0], $0xffff  }
0x29: {  	v12 =	vor.u32 $0x2A, v6;
	v17 =	vld.idx.msk [tilespmem:v19+s2+$0x0], $0xffff  }
0x2a: {  	v39 =	vor.u32 $0x34, v6;
	[tilespmem:$0x1F9E0] =	vst v8;
	v8 =	vld.idx.msk [tilespmem:v34+s2+$0x0], $0xffff  }
0x2b: {  	v40 =	vor.u32 $0x3E, v6;
	v18 =	vld.idx.msk [tilespmem:v27+s2+$0x0], $0xffff  }
0x2c: {  	v13 =	vor.u32 $0x48, v6;
	v14 =	vld.idx.msk [tilespmem:v37+s2+$0x0], $0xffff  }
0x2d: {  	v41 =	vor.u32 $0x52, v6;
	v11 =	vld.idx.msk [tilespmem:v38+s2+$0x0], $0xffff  }
0x2e: {  	v48 =	vor.u32 $0x5C, v6;
	v49 =	vld.idx.msk [tilespmem:v12+s2+$0x0], $0xffff  }
0x2f: {  	v50 =	vor.u32 $0x70, v6;
	[tilespmem:$0x1F960] =	vst v52;
	v1 =	vld.idx.msk [tilespmem:v39+s2+$0x0], $0xffff;
	v51 =	vtrunc.f32 v8  }
0x30: {  	[tilespmem:$0x1F980] =	vst v53;
	v52 =	vor.u32 $0x3, v6;
	v44 =	vld.idx.msk [tilespmem:v40+s2+$0x0], $0xffff;
	v53 =	vcvt.f32.s32 v51  }
0x31: {  	v56 =	vor.u32 $0x67, v6;
	v12 =	vld.idx.msk [tilespmem:v13+s2+$0x0], $0xffff  }
0x32: {  	[tilespmem:$0x1F920] =	vst v58;
	v54 =	vor.u32 $0xD, v6;
	v55 =	vld.idx.msk [tilespmem:v41+s2+$0x0], $0xffff;
	v58 =	vadd.s32 v53, v7  }
0x33: {  	v15 =	vor.u32 $0x17, v6;
	v57 =	vld.idx.msk [tilespmem:v48+s2+$0x0], $0xffff;
	[tilespmem:$0x4020] =	vst v58  }
0x34: {  	v59 =	vor.u32 $0x21, v6;
	[tilespmem:$0x1FAC0] =	vst v1;
	v1 =	vld.idx.msk [tilespmem:v50+s2+$0x0], $0xffff  }
0x35: {  	v61 =	vor.u32 $0x35, v6;
	v19 =	vld.idx.msk [tilespmem:v52+s2+$0x0], $0xffff  }
0x36: {  	[tilespmem:$0x1F940] =	vst v60;
	v60 =	vor.u32 $0x2B, v6;
	v9 =	vld.idx.msk [tilespmem:v56+s2+$0x0], $0xffff  }
0x37: {  	v63 =	vor.u32 $0x3F, v6;
	[tilespmem:$0x1F8A0] =	vst v53;
	v53 =	vld.idx.msk [tilespmem:v54+s2+$0x0], $0xffff  }
0x38: {  	v16 =	vor.u32 $0x49, v6;
	v52 =	vld.idx.msk [tilespmem:v15+s2+$0x0], $0xffff  }
0x39: {  	v24 =	vor.u32 $0x53, v6;
	[tilespmem:$0x1FA60] =	vst v57;
	v57 =	vld.idx.msk [tilespmem:v59+s2+$0x0], $0xffff  }
0x3a: {  	[tilespmem:$0x1F9A0] =	vst v29;
	v27 =	vor.u32 $0x5D, v6;
	v29 =	vld.idx.msk [tilespmem:v61+s2+$0x0], $0xffff  }
0x3b: {  	v34 =	vor.u32 $0x71, v6;
	[tilespmem:$0x1F870] =	vst v1;
	v1 =	vld.idx.msk [tilespmem:v60+s2+$0x0], $0xffff;
	v36 =	vtrunc.f32 v9  }
0x3c: {  	v37 =	vor.u32 $0x4, v6;
	[tilespmem:$0x1FA40] =	vst v55;
	v55 =	vld.idx.msk [tilespmem:v63+s2+$0x0], $0xffff;
	v39 =	vcvt.f32.s32 v36  }
0x3d: {  	v42 =	vor.u32 $0x68, v6;
	v38 =	vld.idx.msk [tilespmem:v16+s2+$0x0], $0xffff  }
0x3e: {  	[tilespmem:$0x1F880] =	vst v25;
	v40 =	vor.u32 $0xE, v6;
	v41 =	vld.idx.msk [tilespmem:v24+s2+$0x0], $0xffff;
	v45 =	vadd.s32 v39, v7  }
0x3f: {  	v46 =	vor.u32 $0x18, v6;
	v43 =	vld.idx.msk [tilespmem:v27+s2+$0x0], $0xffff;
	[tilespmem:$0x4030] =	vst v45  }
0x40: {  	v54 =	vor.u32 $0x22, v6;
	[tilespmem:$0x1FB40] =	vst v1;
	v1 =	vld.idx.msk [tilespmem:v34+s2+$0x0], $0xffff  }
0x41: {  	[tilespmem:$0x1F9C0] =	vst v3;
	v61 =	vor.u32 $0x36, v6;
	v59 =	vld.idx.msk [tilespmem:v37+s2+$0x0], $0xffff  }
0x42: {  	[tilespmem:$0x1F890] =	vst v47;
	v60 =	vor.u32 $0x2C, v6;
	v9 =	vld.idx.msk [tilespmem:v42+s2+$0x0], $0xffff  }
0x43: {  	[tilespmem:$0x1FA80] =	vst v49;
	v63 =	vor.u32 $0x40, v6;
	v49 =	vld.idx.msk [tilespmem:v40+s2+$0x0], $0xffff  }
0x44: {  	v10 =	vor.u32 $0x4A, v6;
	[tilespmem:$0x1FC10] =	vst v29;
	v48 =	vld.idx.msk [tilespmem:v46+s2+$0x0], $0xffff  }
0x45: {  	v24 =	vor.u32 $0x54, v6;
	[tilespmem:$0x1FAE0] =	vst v41;
	v41 =	vld.idx.msk [tilespmem:v54+s2+$0x0], $0xffff  }
0x46: {  	v27 =	vor.u32 $0x5E, v6;
	[tilespmem:$0x1F3E0] =	vst v38;
	v29 =	vld.idx.msk [tilespmem:v61+s2+$0x0], $0xffff  }
0x47: {  	v34 =	vor.u32 $0x72, v6;
	[tilespmem:$0x1F8B0] =	vst v1;
	v1 =	vld.idx.msk [tilespmem:v60+s2+$0x0], $0xffff;
	v40 =	vtrunc.f32 v9  }
0x48: {  	[tilespmem:$0x1FB00] =	vst v43;
	v43 =	vor.u32 $0x5, v6;
	v38 =	vld.idx.msk [tilespmem:v63+s2+$0x0], $0xffff;
	v9 =	vcvt.f32.s32 v40  }
0x49: {  	[tilespmem:$0x1F860] =	vst v2;
	v42 =	vld.idx.msk [tilespmem:v10+s2+$0x0], $0xffff;
	v46 =	vor.u32 $0xF, v6  }
0x4a: {  	v51 =	vor.u32 $0x69, v6;
	v45 =	vld.idx.msk [tilespmem:v24+s2+$0x0], $0xffff;
	[tilespmem:$0x1F8E0] =	vst v9;
	v9 =	vadd.s32 v9, v7  }
0x4b: {  	v50 =	vld.idx.msk [tilespmem:v27+s2+$0x0], $0xffff;
	v54 =	vor.u32 $0x19, v6;
	[tilespmem:$0x4040] =	vst v9  }
0x4c: {  	v56 =	vor.u32 $0x23, v6;
	[tilespmem:$0x1FBB0] =	vst v1;
	v1 =	vld.idx.msk [tilespmem:v34+s2+$0x0], $0xffff  }
0x4d: {  	v58 =	vor.u32 $0x2D, v6;
	[tilespmem:$0x1FF80] =	vst v39;
	v0 =	vld.idx.msk [tilespmem:v43+s2+$0x0], $0xffff  }
0x4e: {  	[tilespmem:$0x1FC60] =	vst v29;
	v60 =	vld.idx.msk [tilespmem:v46+s2+$0x0], $0xffff  }
0x4f: {  	v61 =	vor.u32 $0x37, v6;
	[tilespmem:$0x1F3F0] =	vst v42;
	v3 =	vld.idx.msk [tilespmem:v51+s2+$0x0], $0xffff  }
0x50: {  	v63 =	vor.u32 $0x41, v6;
	[tilespmem:$0x1FB60] =	vst v45;
	v24 =	vld.idx.msk [tilespmem:v54+s2+$0x0], $0xffff  }
0x51: {  	v29 =	vor.u32 $0x55, v6;
	[tilespmem:$0x1F8C0] =	vst v1;
	v1 =	vld.idx.msk [tilespmem:v56+s2+$0x0], $0xffff  }
0x52: {  	v34 =	vor.u32 $0x5F, v6;
	[tilespmem:$0x1F420] =	vst v0;
	v0 =	vld.idx.msk [tilespmem:v58+s2+$0x0], $0xffff  }
0x53: {  	v27 =	vor.u32 $0x4B, v6;
	[tilespmem:$0x1FB80] =	vst v50  }
0x54: {  	v39 =	vor.u32 $0x73, v6;
	v36 =	vld.idx.msk [tilespmem:v61+s2+$0x0], $0xffff;
	[tilespmem:$0x1F440] =	vst v60;
	v3 =	vtrunc.f32 v3  }
0x55: {  	v37 =	vld.idx.msk [tilespmem:v63+s2+$0x0], $0xffff;
	v43 =	vor.u32 $0x6, v6;
	[tilespmem:$0x1F430] =	vst v24;
	v42 =	vcvt.f32.s32 v3  }
0x56: {  	v45 =	vor.u32 $0x10, v6;
	[tilespmem:$0x1F460] =	vst v1;
	v1 =	vld.idx.msk [tilespmem:v29+s2+$0x0], $0xffff  }
0x57: {  	v46 =	vor.u32 $0x6A, v6;
	v50 =	vadd.s32 v42, v7;
	[tilespmem:$0x1FC30] =	vst v0;
	v0 =	vld.idx.msk [tilespmem:v34+s2+$0x0], $0xffff  }
0x58: {  	v40 =	vld.idx.msk [tilespmem:v27+s2+$0x0], $0xffff;
	v51 =	vor.u32 $0x1A, v6;
	[tilespmem:$0x4080] =	vst v50  }
0x59: {  	[tilespmem:$0x1FCA0] =	vst v36;
	v56 =	vor.u32 $0x24, v6;
	v54 =	vld.idx.msk [tilespmem:v39+s2+$0x0], $0xffff  }
0x5a: {  	[tilespmem:$0x1F400] =	vst v37;
	v60 =	vor.u32 $0x2E, v6;
	v58 =	vld.idx.msk [tilespmem:v43+s2+$0x0], $0xffff  }
0x5b: {  	[tilespmem:$0x1FBE0] =	vst v1;
	v1 =	vld.idx.msk [tilespmem:v45+s2+$0x0], $0xffff  }
0x5c: {  	v61 =	vor.u32 $0x38, v6;
	[tilespmem:$0x1FC00] =	vst v0;
	v0 =	vld.idx.msk [tilespmem:v46+s2+$0x0], $0xffff  }
0x5d: {  	v63 =	vor.u32 $0x42, v6;
	[tilespmem:$0x1F410] =	vst v40;
	v16 =	vld.idx.msk [tilespmem:v51+s2+$0x0], $0xffff  }
0x5e: {  	v24 =	vor.u32 $0x4C, v6;
	[tilespmem:$0x1FF90] =	vst v42;
	v27 =	vld.idx.msk [tilespmem:v56+s2+$0x0], $0xffff  }
0x5f: {  	v36 =	vor.u32 $0x60, v6;
	v34 =	vld.idx.msk [tilespmem:v60+s2+$0x0], $0xffff;
	[tilespmem:$0x1F8F0] =	vst v54  }
0x60: {  	v29 =	vor.u32 $0x56, v6;
	[tilespmem:$0x1F540] =	vst v58  }
0x61: {  	v39 =	vor.u32 $0x74, v6;
	[tilespmem:$0x1F560] =	vst v1;
	v1 =	vld.idx.msk [tilespmem:v61+s2+$0x0], $0xffff;
	v0 =	vtrunc.f32 v0  }
0x62: {  	v37 =	vld.idx.msk [tilespmem:v63+s2+$0x0], $0xffff;
	v43 =	vor.u32 $0x7, v6;
	[tilespmem:$0x1F550] =	vst v16;
	v42 =	vcvt.f32.s32 v0  }
0x63: {  	v40 =	vld.idx.msk [tilespmem:v24+s2+$0x0], $0xffff;
	v46 =	vor.u32 $0x11, v6;
	[tilespmem:$0x1F570] =	vst v27  }
0x64: {  	v50 =	vld.idx.msk [tilespmem:v36+s2+$0x0], $0xffff;
	v51 =	vor.u32 $0x6B, v6;
	[tilespmem:$0x1FC80] =	vst v34;
	v9 =	vadd.s32 v42, v7  }
0x65: {  	v45 =	vld.idx.msk [tilespmem:v29+s2+$0x0], $0xffff;
	v54 =	vor.u32 $0x1B, v6;
	[tilespmem:$0x4090] =	vst v9  }
0x66: {  	v56 =	vor.u32 $0x25, v6;
	[tilespmem:$0x1FCB0] =	vst v1;
	v1 =	vld.idx.msk [tilespmem:v39+s2+$0x0], $0xffff  }
0x67: {  	[tilespmem:$0x1F4E0] =	vst v37;
	v58 =	vor.u32 $0x2F, v6;
	v0 =	vld.idx.msk [tilespmem:v43+s2+$0x0], $0xffff  }
0x68: {  	[tilespmem:$0x1F4F0] =	vst v40;
	v60 =	vld.idx.msk [tilespmem:v46+s2+$0x0], $0xffff  }
0x69: {  	[tilespmem:$0x1FC50] =	vst v50;
	v61 =	vor.u32 $0x39, v6;
	v3 =	vld.idx.msk [tilespmem:v51+s2+$0x0], $0xffff  }
0x6a: {  	v63 =	vor.u32 $0x43, v6;
	[tilespmem:$0x1FC40] =	vst v45;
	v24 =	vld.idx.msk [tilespmem:v54+s2+$0x0], $0xffff  }
0x6b: {  	v27 =	vor.u32 $0x4D, v6;
	[tilespmem:$0x1F900] =	vst v1;
	v1 =	vld.idx.msk [tilespmem:v56+s2+$0x0], $0xffff  }
0x6c: {  	v29 =	vor.u32 $0x57, v6;
	[tilespmem:$0x1F600] =	vst v0;
	v0 =	vld.idx.msk [tilespmem:v58+s2+$0x0], $0xffff  }
0x6d: {  	v34 =	vor.u32 $0x61, v6;
	[tilespmem:$0x1FFA0] =	vst v42  }
0x6e: {  	v36 =	vld.idx.msk [tilespmem:v61+s2+$0x0], $0xffff;
	v39 =	vor.u32 $0x75, v6;
	[tilespmem:$0x1F610] =	vst v60;
	v3 =	vtrunc.f32 v3  }
0x6f: {  	v37 =	vld.idx.msk [tilespmem:v63+s2+$0x0], $0xffff;
	v43 =	vor.u32 $0x8, v6;
	[tilespmem:$0x1F620] =	vst v24;
	v42 =	vcvt.f32.s32 v3  }
0x70: {  	v40 =	vld.idx.msk [tilespmem:v27+s2+$0x0], $0xffff;
	v51 =	vor.u32 $0x1C, v6;
	[tilespmem:$0x1F630] =	vst v1  }
0x71: {  	v45 =	vor.u32 $0x12, v6;
	v50 =	vadd.s32 v42, v7;
	[tilespmem:$0x1FDC0] =	vst v0;
	v1 =	vld.idx.msk [tilespmem:v29+s2+$0x0], $0xffff  }
0x72: {  	v46 =	vor.u32 $0x6C, v6;
	v0 =	vld.idx.msk [tilespmem:v34+s2+$0x0], $0xffff;
	[tilespmem:$0x40A0] =	vst v50  }
0x73: {  	[tilespmem:$0x1FDE0] =	vst v36;
	v56 =	vor.u32 $0x26, v6;
	v54 =	vld.idx.msk [tilespmem:v39+s2+$0x0], $0xffff  }
0x74: {  	[tilespmem:$0x1F5B0] =	vst v37;
	v60 =	vor.u32 $0x30, v6;
	v58 =	vld.idx.msk [tilespmem:v43+s2+$0x0], $0xffff  }
0x75: {  	v63 =	vor.u32 $0x44, v6;
	[tilespmem:$0x1F5C0] =	vst v40;
	v13 =	vld.idx.msk [tilespmem:v51+s2+$0x0], $0xffff  }
0x76: {  	[tilespmem:$0x1FD40] =	vst v1;
	v1 =	vld.idx.msk [tilespmem:v45+s2+$0x0], $0xffff  }
0x77: {  	v61 =	vor.u32 $0x3A, v6;
	[tilespmem:$0x1FD90] =	vst v0;
	v0 =	vld.idx.msk [tilespmem:v46+s2+$0x0], $0xffff  }
0x78: {  	v16 =	vor.u32 $0x4E, v6;
	[tilespmem:$0x1FFB0] =	vst v42;
	v24 =	vld.idx.msk [tilespmem:v56+s2+$0x0], $0xffff  }
0x79: {  	v27 =	vor.u32 $0x58, v6;
	v29 =	vld.idx.msk [tilespmem:v60+s2+$0x0], $0xffff;
	[tilespmem:$0x1F910] =	vst v54  }
0x7a: {  	v34 =	vor.u32 $0x62, v6;
	v36 =	vld.idx.msk [tilespmem:v63+s2+$0x0], $0xffff;
	[tilespmem:$0x1F6A0] =	vst v58  }
0x7b: {  	[tilespmem:$0x1F6B0] =	vst v13  }
0x7c: {  	v37 =	vor.u32 $0x76, v6;
	[tilespmem:$0x1F6D0] =	vst v1;
	v1 =	vld.idx.msk [tilespmem:v61+s2+$0x0], $0xffff;
	v0 =	vtrunc.f32 v0  }
0x7d: {  	v42 =	vor.u32 $0x9, v6;
	v39 =	vld.idx.msk [tilespmem:v16+s2+$0x0], $0xffff;
	[tilespmem:$0x1F6E0] =	vst v24;
	v40 =	vcvt.f32.s32 v0  }
0x7e: {  	v8 =	vld.idx.msk [tilespmem:v27+s2+$0x0], $0xffff;
	v43 =	vor.u32 $0x13, v6;
	[tilespmem:$0x1FE60] =	vst v29  }
0x7f: {  	v50 =	vor.u32 $0x1D, v6;
	v3 =	vld.idx.msk [tilespmem:v34+s2+$0x0], $0xffff;
	[tilespmem:$0x1F660] =	vst v36;
	v46 =	vadd.s32 v40, v7  }
0x80: {  	[tilespmem:$0x40B0] =	vst v46  }
0x81: {  	[tilespmem:$0x1FEB0] =	vst v1;
	v1 =	vld.idx.msk [tilespmem:v37+s2+$0x0], $0xffff  }
0x82: {  	v45 =	vor.u32 $0x6D, v6;
	[tilespmem:$0x1F670] =	vst v39;
	v0 =	vld.idx.msk [tilespmem:v42+s2+$0x0], $0xffff  }
0x83: {  	[tilespmem:$0x1FE00] =	vst v8;
	v56 =	vld.idx.msk [tilespmem:v43+s2+$0x0], $0xffff  }
0x84: {  	[tilespmem:$0x1FE20] =	vst v3;
	v61 =	vld.idx.msk [tilespmem:v50+s2+$0x0], $0xffff  }
0x85: {  	v51 =	vor.u32 $0x27, v6;
	[tilespmem:$0x1FF70] =	vst v40  }
0x86: {  	v54 =	vor.u32 $0x31, v6;
	[tilespmem:$0x1FC90] =	vst v1  }
0x87: {  	v3 =	vld.idx.msk [tilespmem:v45+s2+$0x0], $0xffff;
	[tilespmem:$0x1F720] =	vst v0  }
0x88: {  	v58 =	vor.u32 $0x3B, v6;
	[tilespmem:$0x1F750] =	vst v56  }
0x89: {  	v60 =	vor.u32 $0x45, v6;
	[tilespmem:$0x1F730] =	vst v61  }
0x8a: {  	v1 =	vld.idx.msk [tilespmem:v51+s2+$0x0], $0xffff  }
0x8b: {  	v13 =	vor.u32 $0x63, v6;
	v0 =	vld.idx.msk [tilespmem:v54+s2+$0x0], $0xffff  }
0x8c: {  	v63 =	vor.u32 $0x4F, v6;
	v3 =	vtrunc.f32 v3  }
0x8d: {  	v16 =	vld.idx.msk [tilespmem:v58+s2+$0x0], $0xffff;
	v29 =	vcvt.f32.s32 v3  }
0x8e: {  	v10 =	vor.u32 $0x59, v6;
	v24 =	vld.idx.msk [tilespmem:v60+s2+$0x0], $0xffff  }
0x8f: {  	[tilespmem:$0x1FFC0] =	vst v29  }
0x90: {  	v6 =	vor.u32 $0x77, v6;
	[tilespmem:$0x1FE80] =	vst v0;
	v0 =	vld.idx.msk [tilespmem:v13+s2+$0x0], $0xffff  }
0x91: {  	v27 =	vld.idx.msk [tilespmem:v63+s2+$0x0], $0xffff;
	[tilespmem:$0x1F760] =	vst v1  }
0x92: {  	[tilespmem:$0x1FED0] =	vst v16  }
0x93: {  	v34 =	vadd.s32 v29, v7;
	[tilespmem:$0x1F6F0] =	vst v24;
	v1 =	vld.idx.msk [tilespmem:v10+s2+$0x0], $0xffff  }
0x94: {  	[tilespmem:$0x40C0] =	vst v34  }
0x95: {  	s7 =	sadd.s32 $0x1000, s3;
	[tilespmem:$0x1FE50] =	vst v0;
	v0 =	vld.idx.msk [tilespmem:v6+s2+$0x0], $0xffff  }
0x96: {  	s8 =	simm.s32 $0x50;
	s25 =	simm.s32 $0x4000;
	s6 =	simm.s32 $0x4100;
	[tilespmem:$0x1F700] =	vst v27  }
0x97: {  	[tilespmem:s6], [sflag:$0x1] =	stream.indirect.gather [hbm4b:s7+s8], $0x80, s25, s8, $0xb8;
	[tilespmem:$0x9500] =	vst v63  }
0x98: {  	s9 =	simm.s32 $0x4080;
	s26 =	simm.s32 $0x6900;
	[tilespmem:$0x1FE40] =	vst v1  }
0x99: {  	[tilespmem:s26], [sflag:$0x1] =	stream.indirect.gather [hbm4b:s7+s8], $0x80, s9, s8, $0xb8;
	[tilespmem:$0x9500] =	vst v63  }
0x9a: {  	s28 =	simm.s32 $0x1;
	v16 =	vmul.u32 $0x80, v5;
	[tilespmem:$0x1FCC0] =	vst v0  }
0x9b: {  	_ =	swait.ge [sflag:s28], $0x2800  }
0x9c: {  	v27 =	vor.u32 $0x50, v16;
	[sflag:s28] =	ssyncset.done $0x0  }
0x9d: {  	v34 =	vor.u32 $0x51, v16;
	[sflag:s28] =	ssyncadd.s32 $0xFFFFD800  }
0x9e: {  	v29 =	vor.u32 $0x52, v16;
	_ =	swait.ge [sflag:s28], $0x2800  }
0x9f: {  	v37 =	vor.u32 $0x53, v16;
	[sflag:s28] =	ssyncset.done $0x0  }
0xa0: {  	v46 =	vor.u32 $0x55, v16;
	[sflag:s28] =	ssyncadd.s32 $0xFFFFD800  }
0xa1: {  	v54 =	vor.u32 $0x56, v16;
	v45 =	vld.idx.msk [tilespmem:v27+s6+$0x0], $0xffff  }
0xa2: {  	v40 =	vld.idx.msk [tilespmem:v34+s6+$0x0], $0xffff  }
0xa3: {  	v7 =	vld.idx.msk [tilespmem:v29+s6+$0x0], $0xffff  }
0xa4: {  	v15 =	vld.idx.msk [tilespmem:v37+s6+$0x0], $0xffff  }
0xa5: {  	v9 =	vld.idx.msk [tilespmem:v46+s6+$0x0], $0xffff  }
0xa6: {  	v6 =	vld.idx.msk [tilespmem:v54+s6+$0x0], $0xffff;
	_ =	sdelay $0x1  }
0xa7: {  	v50 =	vor.u32 $0x57, v16;
	v36 =	vadd.f32 v45, v33  }
0xa8: {  	v58 =	vor.u32 $0x58, v16;
	v39 =	vmul.f32 v7, v7;
	v42 =	vadd.f32 v40, v4  }
0xa9: {  	v43 =	vmul.f32 v15, v15;
	v33 =	vadd.f32 v9, v33;
	v0 =	vmul.f32 v36, v35  }
0xaa: {  	v4 =	vadd.f32 v6, v4;
	v1 =	vmul.f32 $5.000000000e-01, v39;
	v3 =	vmul.f32 v42, v35  }
0xab: {  	v5 =	vmul.f32 $5.000000000e-01, v43;
	v36 =	vsub.f32 v32, v30;
	v39 =	vsub.f32 v31, v28  }
0xac: {  	[tilespmem:$0x1F480] =	vst v50;
	v43 =	vld.idx.msk [tilespmem:v50+s6+$0x0], $0xffff;
	v51 =	vsub.f32 v0, v1;
	v0 =	vadd.f32 v1, v0  }
0xad: {  	v50 =	vld.idx.msk [tilespmem:v58+s6+$0x0], $0xffff;
	v4 =	vmul.f32 v4, v35;
	v56 =	vsub.f32 v3, v5;
	v3 =	vadd.f32 v5, v3  }
0xae: {  	v63 =	vmax.f32 v36, $0.0e+00;
	v13 =	vmax.f32 v39, $0.0e+00;
	v60 =	vmax.f32 v51, v30  }
0xaf: {  	v8 =	vsub.f32 v0, v51;
	v0 =	vmin.f32 v0, v32;
	v24 =	vmax.f32 v56, v28  }
0xb0: {  	v1 =	vsub.f32 v3, v56;
	v3 =	vmin.f32 v3, v31;
	v0 =	vsub.f32 v0, v60  }
0xb1: {  	v61 =	vsub.f32 v3, v24;
	v36 =	vmul.f32 v43, v43;
	v24 =	vmul.f32 v33, v35  }
0xb2: {  	v39 =	vmul.f32 v50, v50;
	v8 =	vmax.f32 v8, $0.0e+00;
	v1 =	vmax.f32 v1, $0.0e+00  }
0xb3: {  	v42 =	vor.u32 $0x850, v16;
	v1 =	vmul.f32 v1, v8;
	v8 =	vmul.f32 v13, v63  }
0xb4: {  	[tilespmem:$0x1F450] =	vst v46;
	v0 =	vmax.f32 v0, $0.0e+00;
	v5 =	vmax.f32 v61, $0.0e+00;
	v33 =	vmul.f32 $5.000000000e-01, v39  }
0xb5: {  	[tilespmem:$0x1F470] =	vst v54;
	v46 =	vor.u32 $0x852, v16;
	v0 =	vmul.f32 v5, v0;
	v5 =	vmul.f32 $5.000000000e-01, v36  }
0xb6: {  	[tilespmem:$0x1F490] =	vst v58;
	v54 =	vor.u32 $0x851, v16;
	v1 =	vadd.f32 v1, v8;
	v58 =	vsub.f32 v4, v33  }
0xb7: {  	v56 =	vor.u32 $0x853, v16;
	v4 =	vadd.f32 v33, v4;
	v51 =	vsub.f32 v24, v5  }
0xb8: {  	[tilespmem:$0x1F4A0] =	vst v42;
	v33 =	vld.idx.msk [tilespmem:v42+s6+$0x0], $0xffff;
	v42 =	vor.u32 $0x855, v16;
	v5 =	vadd.f32 v5, v24;
	v1 =	vsub.f32 v1, v0  }
0xb9: {  	v63 =	vsub.f32 v4, v58;
	v24 =	vmax.f32 v58, v28;
	v4 =	vmin.f32 v4, v31  }
0xba: {  	v61 =	vmin.f32 v5, v32;
	v5 =	vsub.f32 v5, v51;
	v32 =	vld.idx.msk [tilespmem:v46+s6+$0x0], $0xffff;
	v1 =	vadd.f32 $9.999999710e-10, v1  }
0xbb: {  	v60 =	vmax.f32 v51, v30;
	v4 =	vsub.f32 v4, v24;
	v51 =	vor.u32 $0x856, v16  }
0xbc: {  	v31 =	vld.idx.msk [tilespmem:v54+s6+$0x0], $0xffff;
	v13 =	vmax.f32 v63, $0.0e+00;
	v5 =	vmax.f32 v5, $0.0e+00;
	(erf) = vrcp.f32 v1  }
0xbd: {  	[tilespmem:$0x1F4C0] =	vst v46;
	v28 =	vld.idx.msk [tilespmem:v56+s6+$0x0], $0xffff;
	v1 =	vsub.f32 v61, v60;
	v5 =	vmul.f32 v13, v5  }
0xbe: {  	[tilespmem:$0x1F4B0] =	vst v54;
	v46 =	vor.u32 $0x857, v16;
	v54 =	vadd.f32 v33, v62;
	v4 =	vmax.f32 v4, $0.0e+00  }
0xbf: {  	v1 =	vmax.f32 v1, $0.0e+00;
	v58 =	vmul.f32 v32, v32;
	v60 =	vadd.f32 v5, v8;
	v8 =	vld.idx.msk [tilespmem:v42+s6+$0x0], $0xffff  }
0xc0: {  	[tilespmem:$0x1F4D0] =	vst v56;
	v56 =	vor.u32 $0x858, v16;
	v24 =	vld.idx.msk [tilespmem:v51+s6+$0x0], $0xffff;
	v1 =	vmul.f32 v4, v1  }
0xc1: {  	[tilespmem:$0x1F500] =	vst v42;
	v61 =	vmul.f32 v54, v35;
	v63 =	vadd.f32 v31, v26;
	v30 =	vmul.f32 $5.000000000e-01, v58  }
0xc2: {  	v2 =	vor.u32 $0x1052, v16;
	[tilespmem:$0x1F510] =	vst v46;
	v3 =	vmul.f32 v28, v28;
	v42 =	vsub.f32 v60, v1  }
0xc3: {  	v36 =	vmul.f32 v63, v35;
	v4 =	vld.idx.msk [tilespmem:v46+s6+$0x0], $0xffff;
	v60 =	vsub.f32 v22, v20;
	v46 =	vsub.f32 v61, v30  }
0xc4: {  	v39 =	vmul.f32 $5.000000000e-01, v3;
	v5 =	vadd.f32 v30, v61;
	v42 =	vadd.f32 $9.999999710e-10, v42  }
0xc5: {  	[tilespmem:$0x1F520] =	vst v51;
	v3 =	vor.u32 $0x1051, v16;
	v30 =	vld.idx.msk [tilespmem:v56+s6+$0x0], $0xffff;
	v58 =	vadd.f32 v8, v62;
	v26 =	vadd.f32 v24, v26;
	v51 =	vpop (erf)  }
0xc6: {  	v62 =	vor.u32 $0x1050, v16;
	v13 =	vmax.f32 v46, v20;
	v10 =	vmul.f32 v51, v0  }
0xc7: {  	v0 =	vsub.f32 v36, v39;
	v36 =	vadd.f32 v39, v36;
	v51 =	vmin.f32 v5, v22  }
0xc8: {  	(erf) = vrcp.f32 v42;
	v26 =	vmul.f32 v26, v35;
	v39 =	vsub.f32 v51, v13  }
0xc9: {  	[tilespmem:$0x1F530] =	vst v56;
	v13 =	vmul.f32 v4, v4;
	v54 =	vmax.f32 v0, v21;
	v56 =	vmin.f32 v36, v23  }
0xca: {  	v5 =	vsub.f32 v5, v46;
	v42 =	vsub.f32 v56, v54;
	v54 =	vmul.f32 v30, v30  }
0xcb: {  	v0 =	vsub.f32 v36, v0;
	v56 =	vmul.f32 v58, v35;
	v58 =	vmul.f32 $5.000000000e-01, v13  }
0xcc: {  	v5 =	vmax.f32 v5, $0.0e+00;
	v63 =	vmax.f32 v39, $0.0e+00;
	v13 =	vor.u32 $0x1053, v16  }
0xcd: {  	v46 =	vmul.f32 $5.000000000e-01, v54;
	v61 =	vsub.f32 v56, v58;
	v36 =	vadd.f32 v58, v56  }
0xce: {  	v0 =	vmax.f32 v0, $0.0e+00;
	v42 =	vmax.f32 v42, $0.0e+00;
	v54 =	vsub.f32 v23, v21  }
0xcf: {  	v51 =	vsub.f32 v26, v46;
	v20 =	vmax.f32 v61, v20;
	v22 =	vmin.f32 v36, v22  }
0xd0: {  	v26 =	vadd.f32 v46, v26;
	v46 =	vmul.f32 v42, v63;
	v63 =	vsub.f32 v22, v20;
	v22 =	vld.idx.msk [tilespmem:v3+s6+$0x0], $0xffff  }
0xd1: {  	v39 =	vmax.f32 v60, $0.0e+00;
	v0 =	vmul.f32 v0, v5;
	v20 =	vld.idx.msk [tilespmem:v13+s6+$0x0], $0xffff  }
0xd2: {  	v36 =	vsub.f32 v36, v61;
	v54 =	vmax.f32 v54, $0.0e+00;
	v58 =	vmin.f32 v26, v23;
	v23 =	vld.idx.msk [tilespmem:v62+s6+$0x0], $0xffff  }
0xd3: {  	v56 =	vmul.f32 v54, v39;
	v21 =	vmax.f32 v51, v21;
	v51 =	vsub.f32 v26, v51;
	v26 =	vld.idx.msk [tilespmem:v2+s6+$0x0], $0xffff  }
0xd4: {  	v25 =	vshll.u32 v25, $0x1;
	v21 =	vsub.f32 v58, v21  }
0xd5: {  	v36 =	vmax.f32 v36, $0.0e+00;
	v58 =	vmax.f32 v63, $0.0e+00;
	v0 =	vadd.f32 v0, v56  }
0xd6: {  	[tilespmem:$0x1F590] =	vst v2;
	v60 =	vmax.f32 v51, $0.0e+00;
	v51 =	vor.u32 $0x1055, v16;
	v21 =	vmax.f32 v21, $0.0e+00  }
0xd7: {  	[tilespmem:$0x1F580] =	vst v3;
	v36 =	vmul.f32 v60, v36;
	v2 =	vadd.f32 v22, v12;
	v3 =	vmul.f32 v20, v20  }
0xd8: {  	v21 =	vmul.f32 v21, v58;
	v61 =	vadd.f32 v23, v44;
	v63 =	vmul.f32 v26, v26  }
0xd9: {  	v5 =	vadd.f32 v36, v56;
	v36 =	vmul.f32 v2, v35;
	v54 =	vmul.f32 $5.000000000e-01, v3  }
0xda: {  	v0 =	vsub.f32 v0, v46;
	v56 =	vor.u32 $0x1056, v16;
	v39 =	vmul.f32 v61, v35  }
0xdb: {  	v42 =	vmul.f32 $5.000000000e-01, v63;
	v5 =	vsub.f32 v5, v21;
	v61 =	vsub.f32 v36, v54  }
0xdc: {  	v3 =	vor.u32 $0x1057, v16;
	v36 =	vadd.f32 v54, v36;
	v54 =	vadd.f32 $9.999999710e-10, v0  }
0xdd: {  	[tilespmem:$0x1F5A0] =	vst v13;
	v13 =	vpop (erf);
	v2 =	vor.u32 $0x1058, v16;
	v58 =	vsub.f32 v39, v42;
	v39 =	vadd.f32 v42, v39  }
0xde: {  	v42 =	vmul.f32 v13, v1;
	v0 =	vmax.f32 v61, v18;
	v60 =	vmin.f32 v36, v11  }
0xdf: {  	(erf) = vrcp.f32 v54;
	v54 =	vadd.f32 $9.999999710e-10, v5;
	v36 =	vsub.f32 v36, v61  }
0xe0: {  	v13 =	vld.idx.msk [tilespmem:v51+s6+$0x0], $0xffff;
	v1 =	vmax.f32 v58, v17;
	v63 =	vmin.f32 v39, v14;
	v0 =	vsub.f32 v60, v0  }
0xe1: {  	[tilespmem:$0x1F5D0] =	vst v3;
	v5 =	vld.idx.msk [tilespmem:v3+s6+$0x0], $0xffff;
	v60 =	vsub.f32 v39, v58;
	vm0 =	vgt.f32 v42, v10;
	v3 =	vor.u32 $0x54, v16  }
0xe2: {  	v39 =	vld.idx.msk [tilespmem:v2+s6+$0x0], $0xffff;
	v63 =	vsub.f32 v63, v1;
	v10 =	vsel vm0, v42, v10;
	(erf) = vrcp.f32 v54  }
0xe3: {  	[tilespmem:$0x1F5E0] =	vst v56;
	v1 =	vld.idx.msk [tilespmem:v56+s6+$0x0], $0xffff;
	v36 =	vmax.f32 v36, $0.0e+00;
	v9 =	vsel vm0, v9, v45;
	v56 =	vsub.f32 v14, v17  }
0xe4: {  	v6 =	vsel vm0, v6, v40;
	v0 =	vmax.f32 v0, $0.0e+00;
	v61 =	vmax.f32 v63, $0.0e+00  }
0xe5: {  	v63 =	vmax.f32 v60, $0.0e+00;
	v54 =	vadd.f32 v13, v44;
	v0 =	vmul.f32 v0, v61  }
0xe6: {  	[tilespmem:$0x1F930] =	vst v9;
	v60 =	vsub.f32 v11, v18;
	v9 =	vmul.f32 v36, v63;
	v58 =	vmul.f32 v5, v5  }
0xe7: {  	[tilespmem:$0x1FA10] =	vst v10;
	v36 =	vmax.f32 v56, $0.0e+00;
	v61 =	vmul.f32 v39, v39;
	v10 =	vmul.f32 v54, v35  }
0xe8: {  	v44 =	vmax.f32 v60, $0.0e+00;
	v54 =	vor.u32 $0x59, v16;
	v60 =	vor.u32 $0x1851, v16  }
0xe9: {  	v12 =	vadd.f32 v1, v12;
	v36 =	vmul.f32 v44, v36;
	v44 =	vor.u32 $0x1852, v16  }
0xea: {  	v42 =	vmul.f32 $5.000000000e-01, v58;
	v45 =	vmul.f32 $5.000000000e-01, v61;
	v58 =	vsel vm0, v50, v15  }
0xeb: {  	v15 =	vor.u32 $0x1856, v16;
	v12 =	vmul.f32 v12, v35;
	v9 =	vadd.f32 v9, v36  }
0xec: {  	[tilespmem:$0x1F990] =	vst v58;
	v58 =	vimm.s32 $0x0;
	v63 =	vsub.f32 v10, v42;
	v10 =	vadd.f32 v42, v10  }
0xed: {  	[tilespmem:$0x1F5F0] =	vst v2;
	v2 =	vsub.f32 v12, v45;
	v12 =	vadd.f32 v45, v12;
	v45 =	vor.u32 $0x1850, v16  }
0xee: {  	v9 =	vsub.f32 v9, v0;
	v17 =	vmax.f32 v63, v17;
	v14 =	vmin.f32 v10, v14  }
0xef: {  	v10 =	vsub.f32 v10, v63;
	v18 =	vmax.f32 v2, v18;
	v11 =	vmin.f32 v12, v11  }
0xf0: {  	v42 =	vld.idx.msk [tilespmem:v54+s6+$0x0], $0xffff;
	v12 =	vsub.f32 v12, v2;
	v2 =	vor.u32 $0x1853, v16;
	v9 =	vadd.f32 $9.999999710e-10, v9  }
0xf1: {  	v14 =	vsub.f32 v14, v17;
	v61 =	vsub.f32 v11, v18;
	v18 =	vld.idx.msk [tilespmem:v3+s6+$0x0], $0xffff;
	v10 =	vmax.f32 v10, $0.0e+00  }
0xf2: {  	[tilespmem:$0x1F780] =	vst v54;
	v56 =	vpop (erf);
	v63 =	vmax.f32 v12, $0.0e+00;
	v12 =	vsel vm0, v43, v7;
	(erf) = vrcp.f32 v9;
	v9 =	vld.idx.msk [tilespmem:v60+s6+$0x0], $0xffff  }
0xf3: {  	[tilespmem:$0x1F640] =	vst v60;
	v43 =	vmax.f32 v14, $0.0e+00;
	v60 =	vpop (erf);
	v40 =	vmul.f32 v63, v10;
	v11 =	vld.idx.msk [tilespmem:v45+s6+$0x0], $0xffff;
	v54 =	vmax.f32 v61, $0.0e+00  }
0xf4: {  	[tilespmem:$0x1F970] =	vst v12;
	v12 =	vld.idx.msk [tilespmem:v44+s6+$0x0], $0xffff;
	v61 =	vmul.f32 v56, v46;
	v7 =	vmul.f32 v60, v21;
	v63 =	vimm.s32 $0x0  }
0xf5: {  	[tilespmem:$0x1F950] =	vst v6;
	v60 =	vor.u32 $0x854, v16;
	v6 =	vmul.f32 v54, v43;
	v21 =	vsel vm0, $0x1, v63;
	v14 =	vld.idx.msk [tilespmem:v2+s6+$0x0], $0xffff  }
0xf6: {  	[tilespmem:$0x1F770] =	vst v3;
	v63 =	vor.u32 $0x859, v16;
	v3 =	vadd.f32 v40, v36;
	vm1 =	vgt.f32 v7, v61  }
0xf7: {  	v25 =	vor.u32 v21, v25;
	v18 =	vsel vm0, v42, v18;
	v33 =	vsel vm1, v8, v33  }
0xf8: {  	v7 =	vsel vm1, v7, v61;
	v36 =	vsel vm1, v24, v31;
	v4 =	vsel vm1, v4, v32;
	[tilespmem:$0x1F9B0] =	vst v33;
	v33 =	vld [tilespmem:$0x1F3E0]  }
0xf9: {  	[tilespmem:$0x1F7D0] =	vst v60;
	v3 =	vsub.f32 v3, v6;
	v40 =	vadd.f32 v11, v55;
	v42 =	vmul.f32 v12, v12  }
0xfa: {  	[tilespmem:$0x1F9D0] =	vst v36;
	v36 =	vor.u32 $0x1855, v16;
	v24 =	vld.idx.msk [tilespmem:v60+s6+$0x0], $0xffff;
	v60 =	vsub.f32 v52, v19;
	v46 =	vmul.f32 v14, v14  }
0xfb: {  	v3 =	vadd.f32 $9.999999710e-10, v3;
	v50 =	vmul.f32 v40, v35;
	v54 =	vmul.f32 $5.000000000e-01, v42  }
0xfc: {  	[tilespmem:$0x1FA00] =	vst v18;
	v18 =	vld.idx.msk [tilespmem:v15+s6+$0x0], $0xffff;
	v21 =	vmax.f32 v60, $0.0e+00;
	v40 =	vsel vm1, v30, v28;
	v60 =	vshll.u32 v47, $0x1  }
0xfd: {  	(erf) = vrcp.f32 v3;
	v61 =	vpop (erf);
	v43 =	vadd.f32 v9, v33;
	v56 =	vmul.f32 $5.000000000e-01, v46  }
0xfe: {  	[tilespmem:$0x1F9F0] =	vst v4;
	v0 =	vmul.f32 v61, v0;
	v31 =	vsub.f32 v50, v54;
	v4 =	vadd.f32 v54, v50  }
0xff: {  	v54 =	vor.u32 $0x1858, v16;
	v61 =	vsub.f32 v57, v53;
	v3 =	vmul.f32 v43, v35  }
0x100: {  	v46 =	vmax.f32 v31, v19;
	v17 =	vsub.f32 v4, v31;
	v4 =	vmin.f32 v4, v52  }
0x101: {  	[tilespmem:$0x1F690] =	vst v15;
	v28 =	vor.u32 $0x2050, v16;
	v15 =	vadd.f32 v18, v33;
	v4 =	vsub.f32 v4, v46  }
0x102: {  	[tilespmem:$0x1FA30] =	vst v40;
	v40 =	vor.u32 $0x2052, v16;
	v32 =	vsub.f32 v3, v56;
	v3 =	vadd.f32 v56, v3  }
0x103: {  	[tilespmem:$0x1FAB0] =	vst v7;
	v43 =	vor.u32 $0x1857, v16;
	v56 =	vld.idx.msk [tilespmem:v63+s6+$0x0], $0xffff;
	v17 =	vmax.f32 v17, $0.0e+00;
	v4 =	vmax.f32 v4, $0.0e+00  }
0x104: {  	v10 =	vld.idx.msk [tilespmem:v54+s6+$0x0], $0xffff;
	v50 =	vmax.f32 v32, v53;
	v7 =	vsub.f32 v3, v32;
	v3 =	vmin.f32 v3, v57  }
0x105: {  	[tilespmem:$0x1F7E0] =	vst v63;
	v32 =	vmax.f32 v61, $0.0e+00;
	v61 =	vsel vm1, $0x1, v58;
	v63 =	vsub.f32 v3, v50  }
0x106: {  	v3 =	vld.idx.msk [tilespmem:v36+s6+$0x0], $0xffff;
	v30 =	vmul.f32 v32, v21;
	v21 =	vor.u32 v61, v60;
	v7 =	vmax.f32 v7, $0.0e+00;
	v42 =	vpop (erf)  }
0x107: {  	[tilespmem:$0x1F680] =	vst v36;
	v7 =	vmul.f32 v7, v17;
	v46 =	vmul.f32 v42, v6;
	v50 =	vmax.f32 v63, $0.0e+00  }
0x108: {  	[tilespmem:$0x1F6C0] =	vst v54;
	v17 =	vld.idx.msk [tilespmem:v43+s6+$0x0], $0xffff;
	v54 =	vsel vm1, v56, v24;
	v42 =	vor.u32 $0x1059, v16;
	v24 =	vmul.f32 v50, v4  }
0x109: {  	[tilespmem:$0x1FAA0] =	vst v54;
	v36 =	vmul.f32 v10, v10;
	v50 =	vor.u32 $0x2051, v16;
	v54 =	vor.u32 $0x2053, v16  }
0x10a: {  	v56 =	vadd.f32 v7, v30;
	vm14 =	vgt.f32 v46, v0;
	v7 =	vmul.f32 v15, v35  }
0x10b: {  	[tilespmem:$0x1F650] =	vst v2;
	v0 =	vsel vm14, v46, v0;
	v2 =	vadd.f32 v3, v55;
	v31 =	vmul.f32 $5.000000000e-01, v36  }
0x10c: {  	v47 =	vsel vm14, v13, v23;
	v1 =	vsel vm14, v1, v22;
	v63 =	vsub.f32 v56, v24  }
0x10d: {  	v55 =	vsel vm14, v5, v26;
	v33 =	vmul.f32 v17, v17;
	v60 =	vsub.f32 v7, v31  }
0x10e: {  	v8 =	vld.idx.msk [tilespmem:v28+s6+$0x0], $0xffff;
	v36 =	vor.u32 $0x1054, v16;
	[tilespmem:$0x1FB30] =	vst v0;
	v0 =	vadd.f32 $9.999999710e-10, v63;
	v63 =	vadd.f32 v31, v7  }
0x10f: {  	[tilespmem:$0x1F800] =	vst v42;
	v4 =	vmul.f32 v2, v35;
	v26 =	vld.idx.msk [tilespmem:v42+s6+$0x0], $0xffff;
	v42 =	vsel vm14, v39, v20;
	v46 =	vmul.f32 $5.000000000e-01, v33  }
0x110: {  	v7 =	vld.idx.msk [tilespmem:v54+s6+$0x0], $0xffff;
	v31 =	vmax.f32 v60, v53;
	(erf) = vrcp.f32 v0;
	v2 =	vsub.f32 v63, v60  }
0x111: {  	v22 =	vmin.f32 v63, v57;
	v56 =	vsub.f32 v4, v46;
	v61 =	vadd.f32 v46, v4;
	v4 =	vld.idx.msk [tilespmem:v40+s6+$0x0], $0xffff  }
0x112: {  	v6 =	vmovc v38;
	[tilespmem:$0x1FA50] =	vst v47;
	v5 =	vld.idx.msk [tilespmem:v50+s6+$0x0], $0xffff;
	v60 =	vor.u32 $0x2056, v16;
	v46 =	vor.u32 $0x2057, v16;
	v47 =	vsub.f32 v22, v31  }
0x113: {  	[tilespmem:$0x1FA70] =	vst v1;
	v1 =	vsub.f32 v61, v56;
	v0 =	vmin.f32 v61, v52;
	v52 =	vadd.f32 v8, v38;
	v38 =	vld [tilespmem:$0x1F3F0]  }
0x114: {  	v2 =	vmax.f32 v2, $0.0e+00;
	v19 =	vmax.f32 v56, v19;
	v61 =	vor.u32 $0x2055, v16  }
0x115: {  	[tilespmem:$0x1FAD0] =	vst v42;
	v42 =	vld.idx.msk [tilespmem:v29+s26+$0x0], $0xffff;
	v0 =	vsub.f32 v0, v19;
	v19 =	vmul.f32 v7, v7;
	v1 =	vmax.f32 v1, $0.0e+00  }
0x116: {  	[tilespmem:$0x1FA90] =	vst v55;
	v55 =	vor.u32 $0x2058, v16;
	v1 =	vmul.f32 v2, v1;
	v2 =	vld.idx.msk [tilespmem:v36+s6+$0x0], $0xffff;
	v53 =	vmul.f32 v4, v4  }
0x117: {  	[tilespmem:$0x1F7F0] =	vst v36;
	v22 =	vmul.f32 v52, v35;
	v0 =	vmax.f32 v0, $0.0e+00;
	v36 =	vmax.f32 v47, $0.0e+00;
	v13 =	vld.idx.msk [tilespmem:v46+s6+$0x0], $0xffff  }
0x118: {  	[tilespmem:$0x1F710] =	vst v46;
	v46 =	vmul.f32 v36, v0;
	v0 =	vld.idx.msk [tilespmem:v60+s6+$0x0], $0xffff;
	v63 =	vadd.f32 v5, v38;
	v23 =	vmul.f32 $5.000000000e-01, v53  }
0x119: {  	v57 =	vld.idx.msk [tilespmem:v61+s6+$0x0], $0xffff;
	v1 =	vadd.f32 v1, v30  }
0x11a: {  	v32 =	vmul.f32 $5.000000000e-01, v19;
	v31 =	vmul.f32 v63, v35;
	v30 =	vsub.f32 v22, v23  }
0x11b: {  	v20 =	vadd.f32 v23, v22;
	v23 =	vsub.f32 v1, v46  }
0x11c: {  	[tilespmem:$0x1F7B0] =	vst v42;
	v42 =	vmul.f32 v42, v42;
	v2 =	vsel vm14, v26, v2;
	v22 =	vsub.f32 v31, v32  }
0x11d: {  	v1 =	vld.idx.msk [tilespmem:v55+s6+$0x0], $0xffff;
	v19 =	vmul.f32 v13, v13;
	[tilespmem:$0x1FB20] =	vst v2;
	v2 =	vadd.f32 v32, v31;
	v23 =	vadd.f32 $9.999999710e-10, v23  }
0x11e: {  	v47 =	vmax.f32 v30, v59;
	v63 =	vpop (erf);
	v36 =	vadd.f32 v0, v38;
	v26 =	vadd.f32 v57, v6  }
0x11f: {  	v6 =	vmin.f32 v20, v48;
	v24 =	vmul.f32 v63, v24;
	v33 =	vmul.f32 $5.000000000e-01, v19  }
0x120: {  	v20 =	vsub.f32 v20, v30;
	v56 =	vmax.f32 v22, v49;
	v15 =	vmin.f32 v2, v41  }
0x121: {  	v31 =	vsub.f32 v6, v47;
	(erf) = vrcp.f32 v23;
	v2 =	vsub.f32 v2, v22  }
0x122: {  	v6 =	vsub.f32 v48, v59;
	v32 =	vsub.f32 v15, v56;
	v38 =	vmul.f32 v1, v1  }
0x123: {  	v26 =	vmul.f32 v26, v35;
	v56 =	vmul.f32 v36, v35;
	v15 =	vsub.f32 v41, v49  }
0x124: {  	v20 =	vmax.f32 v20, $0.0e+00;
	v31 =	vmax.f32 v31, $0.0e+00;
	v63 =	vmul.f32 $5.000000000e-01, v38  }
0x125: {  	v37 =	vld.idx.msk [tilespmem:v37+s26+$0x0], $0xffff;
	v2 =	vmax.f32 v2, $0.0e+00;
	v22 =	vsub.f32 v26, v33;
	v47 =	vadd.f32 v33, v26  }
0x126: {  	v52 =	vld.idx.msk [tilespmem:v27+s26+$0x0], $0xffff;
	v38 =	vmax.f32 v6, $0.0e+00;
	v39 =	vmax.f32 v15, $0.0e+00;
	v36 =	vsub.f32 v56, v63  }
0x127: {  	[tilespmem:$0x1F740] =	vst v55;
	v26 =	vadd.f32 v63, v56;
	v55 =	vsub.f32 v47, v22;
	v23 =	vmin.f32 v47, v48;
	v47 =	vld [tilespmem:$0x1F400]  }
0x128: {  	v32 =	vmax.f32 v32, $0.0e+00;
	v2 =	vmul.f32 v2, v20;
	v15 =	vmul.f32 v39, v38  }
0x129: {  	v22 =	vmax.f32 v22, v59;
	v56 =	vsub.f32 v26, v36;
	v63 =	vmax.f32 v36, v49;
	v36 =	vld.idx.msk [tilespmem:v34+s26+$0x0], $0xffff  }
0x12a: {  	v31 =	vmul.f32 v32, v31;
	v59 =	vmul.f32 v37, v37;
	v22 =	vsub.f32 v23, v22;
	v49 =	vld [tilespmem:$0x1F410]  }
0x12b: {  	v2 =	vadd.f32 v2, v15;
	v26 =	vmin.f32 v26, v41;
	v19 =	vmax.f32 v55, $0.0e+00  }
0x12c: {  	v6 =	vld [tilespmem:$0x1F420];
	v55 =	vmul.f32 $5.000000000e-01, v42;
	v20 =	vmax.f32 v56, $0.0e+00;
	v41 =	vadd.f32 v52, v47  }
0x12d: {  	v42 =	vld [tilespmem:$0x1F430];
	v38 =	vsub.f32 v26, v63;
	v2 =	vsub.f32 v2, v31;
	v39 =	vpop (erf);
	v19 =	vmul.f32 v20, v19  }
0x12e: {  	v23 =	vmul.f32 v39, v46;
	v46 =	vmax.f32 v22, $0.0e+00;
	v53 =	vmul.f32 v41, v35  }
0x12f: {  	v20 =	vmax.f32 v38, $0.0e+00;
	v2 =	vadd.f32 $9.999999710e-10, v2;
	v56 =	vadd.f32 v36, v49  }
0x130: {  	v39 =	vmul.f32 $5.000000000e-01, v59;
	v63 =	vsub.f32 v53, v55;
	v22 =	vadd.f32 v55, v53  }
0x131: {  	[tilespmem:$0x1F790] =	vst v36;
	v15 =	vadd.f32 v19, v15;
	v19 =	vmul.f32 v20, v46;
	v36 =	vld [tilespmem:$0x1F460];
	v38 =	vmul.f32 v56, v35  }
0x132: {  	v56 =	vmax.f32 v63, v6;
	v59 =	vmin.f32 v22, v42;
	v20 =	vsub.f32 v22, v63;
	v63 =	vld [tilespmem:$0x1F440]  }
0x133: {  	v46 =	vsub.f32 v15, v19;
	v27 =	vsub.f32 v59, v56;
	v56 =	vld [tilespmem:$0x1F470]  }
0x134: {  	v34 =	vor.u32 $0x1854, v16;
	v48 =	vsub.f32 v38, v39  }
0x135: {  	(erf) = vrcp.f32 v2;
	v26 =	vadd.f32 v39, v38;
	v2 =	vadd.f32 $9.999999710e-10, v46;
	v46 =	vld [tilespmem:$0x1F450];
	_ =	sdelay $0x1  }
0x136: {  	v33 =	vld [tilespmem:$0x1F8A0];
	v15 =	vsub.f32 v26, v48;
	v26 =	vmin.f32 v26, v36;
	v41 =	vmax.f32 v48, v63  }
0x137: {  	(erf) = vrcp.f32 v2;
	v2 =	vsub.f32 v26, v41;
	v41 =	vld [tilespmem:$0x1F480]  }
0x138: {  	[tilespmem:$0x1F7C0] =	vst v37;
	v37 =	vld [tilespmem:$0x1FF80]  }
0x139: {  	v32 =	vld.idx.msk [tilespmem:v34+s6+$0x0], $0xffff  }
0x13a: {  	v55 =	vld.idx.msk [tilespmem:v56+s26+$0x0], $0xffff  }
0x13b: {  	vm15 =	vgt.f32 v23, v24;
	v39 =	vor.u32 $0x1859, v16;
	v56 =	vld [tilespmem:$0x1F490]  }
0x13c: {  	[tilespmem:$0x1F810] =	vst v34;
	v34 =	vshll.u32 v33, $0x1;
	v12 =	vsel vm15, v17, v12;
	v20 =	vmax.f32 v20, $0.0e+00;
	v53 =	vld.idx.msk [tilespmem:v46+s26+$0x0], $0xffff  }
0x13d: {  	v15 =	vmax.f32 v15, $0.0e+00;
	v48 =	vsub.f32 v42, v6;
	v59 =	vsub.f32 v36, v63  }
0x13e: {  	v17 =	vsel vm15, v10, v14;
	v38 =	vsel vm14, $0x1, v58;
	v15 =	vmul.f32 v15, v20;
	v26 =	vld [tilespmem:$0x1F4A0]  }
0x13f: {  	v29 =	vmovc v63;
	v63 =	vmax.f32 v48, $0.0e+00;
	v22 =	vmax.f32 v59, $0.0e+00;
	v48 =	vor.u32 v38, v34;
	v33 =	vld.idx.msk [tilespmem:v41+s26+$0x0], $0xffff  }
0x140: {  	v59 =	vmax.f32 v27, $0.0e+00;
	v38 =	vshll.u32 v37, $0x1;
	v46 =	vld.idx.msk [tilespmem:v39+s6+$0x0], $0xffff;
	v20 =	vmul.f32 v22, v63  }
0x141: {  	v37 =	vld [tilespmem:$0x1F4B0];
	v2 =	vmax.f32 v2, $0.0e+00;
	v63 =	vsel vm15, v23, v24;
	v23 =	vadd.f32 v53, v47;
	v47 =	vpop (erf)  }
0x142: {  	v2 =	vmul.f32 v2, v59;
	v15 =	vadd.f32 v15, v20;
	v14 =	vmul.f32 v47, v31;
	v47 =	vld [tilespmem:$0x1F4C0]  }
0x143: {  	v3 =	vsel vm15, v3, v11;
	[tilespmem:$0x1F820] =	vst v39;
	v39 =	vld.idx.msk [tilespmem:v56+s26+$0x0], $0xffff  }
0x144: {  	v11 =	vsel vm15, v18, v9;
	[tilespmem:$0x1FAF0] =	vst v3;
	v22 =	vsub.f32 v15, v2;
	v34 =	vmul.f32 v33, v33  }
0x145: {  	[tilespmem:$0x1FB50] =	vst v12;
	v18 =	vsel vm15, v46, v32;
	v32 =	vadd.f32 v55, v49;
	v41 =	vsel vm15, $0x1, v58  }
0x146: {  	v10 =	vld [tilespmem:$0x1F4E0];
	[tilespmem:$0x1F7A0] =	vst v55;
	v3 =	vadd.f32 $9.999999710e-10, v22;
	v55 =	vpop (erf);
	v9 =	vmul.f32 v23, v35;
	v12 =	vmul.f32 $5.000000000e-01, v34  }
0x147: {  	v30 =	vmovc v6;
	[tilespmem:$0x1FC20] =	vst v17;
	v15 =	vld [tilespmem:$0x1F4F0];
	v27 =	vor.u32 v41, v38;
	v17 =	vmul.f32 v55, v19;
	v41 =	vor.u32 $0x2059, v16  }
0x148: {  	v38 =	vld.idx.msk [tilespmem:v26+s26+$0x0], $0xffff;
	v46 =	vmul.f32 v39, v39;
	v56 =	vsub.f32 v9, v12;
	v59 =	vadd.f32 v12, v9  }
0x149: {  	[tilespmem:$0x1FB10] =	vst v11;
	v37 =	vld.idx.msk [tilespmem:v37+s26+$0x0], $0xffff;
	v11 =	vmul.f32 v32, v35;
	(erf) = vrcp.f32 v3;
	vm4 =	vgt.f32 v17, v14  }
0x14a: {  	v49 =	vmul.f32 $5.000000000e-01, v46;
	v24 =	vmax.f32 v56, v30;
	v3 =	vsub.f32 v59, v56;
	v56 =	vld [tilespmem:$0x1F4D0]  }
0x14b: {  	v19 =	vsel vm4, v57, v8;
	v34 =	vld.idx.msk [tilespmem:v47+s26+$0x0], $0xffff  }
0x14c: {  	[tilespmem:$0x1FD30] =	vst v63;
	v32 =	vld [tilespmem:$0x1F500];
	v30 =	vor.u32 $0x2054, v16;
	v63 =	vsub.f32 v11, v49;
	v11 =	vadd.f32 v49, v11  }
0x14d: {  	[tilespmem:$0x1FB70] =	vst v19;
	v19 =	vld [tilespmem:$0x1F550];
	v23 =	vadd.f32 v38, v10  }
0x14e: {  	v22 =	vld.idx.msk [tilespmem:v41+s6+$0x0], $0xffff;
	v31 =	vmin.f32 v59, v42;
	v42 =	vmax.f32 v63, v29;
	v46 =	vmin.f32 v11, v36  }
0x14f: {  	v59 =	vsel vm4, v17, v14;
	v9 =	vsub.f32 v11, v63;
	v55 =	vsub.f32 v46, v42;
	v46 =	vld [tilespmem:$0x1F510]  }
0x150: {  	v49 =	vsub.f32 v31, v24;
	[tilespmem:$0x1FD60] =	vst v59;
	v59 =	vld [tilespmem:$0x1F530];
	v24 =	vmul.f32 v34, v34  }
0x151: {  	[tilespmem:$0x1FD20] =	vst v18;
	v8 =	vmul.f32 v23, v35;
	v3 =	vmax.f32 v3, $0.0e+00;
	v9 =	vmax.f32 v9, $0.0e+00;
	v18 =	vld.idx.msk [tilespmem:v30+s6+$0x0], $0xffff  }
0x152: {  	v3 =	vmul.f32 v9, v3;
	v9 =	vmul.f32 $5.000000000e-01, v24;
	v36 =	vld.idx.msk [tilespmem:v56+s26+$0x0], $0xffff  }
0x153: {  	v0 =	vsel vm4, v0, v5;
	v23 =	vld [tilespmem:$0x1F570];
	v63 =	vmax.f32 v49, $0.0e+00  }
0x154: {  	v47 =	vpop (erf);
	v17 =	vmax.f32 v55, $0.0e+00;
	v49 =	vsub.f32 v8, v9;
	v55 =	vadd.f32 v9, v8;
	v56 =	vld [tilespmem:$0x1F520]  }
0x155: {  	[tilespmem:$0x1FB90] =	vst v0;
	v6 =	vmul.f32 v47, v2;
	v0 =	vmul.f32 v17, v63;
	v63 =	vld [tilespmem:$0x1F540]  }
0x156: {  	[tilespmem:$0x1F840] =	vst v41;
	v2 =	vld [tilespmem:$0x1F560];
	v3 =	vadd.f32 v3, v20;
	v5 =	vsel vm4, v22, v18;
	v18 =	vsub.f32 v55, v49  }
0x157: {  	v4 =	vsel vm4, v13, v4;
	v26 =	vadd.f32 v37, v15;
	v31 =	vld.idx.msk [tilespmem:v46+s26+$0x0], $0xffff;
	v29 =	vmul.f32 v36, v36  }
0x158: {  	v1 =	vsel vm4, v1, v7;
	[tilespmem:$0x1FBC0] =	vst v4;
	v3 =	vsub.f32 v3, v0;
	v4 =	vmax.f32 v18, $0.0e+00;
	v18 =	vld [tilespmem:$0x1F580]  }
0x159: {  	[tilespmem:$0x1FC70] =	vst v1;
	v41 =	vmul.f32 v26, v35;
	v32 =	vld.idx.msk [tilespmem:v32+s26+$0x0], $0xffff;
	v42 =	vmul.f32 $5.000000000e-01, v29  }
0x15a: {  	[tilespmem:$0x1F830] =	vst v30;
	v30 =	vld.idx.msk [tilespmem:v59+s26+$0x0], $0xffff;
	v3 =	vadd.f32 $9.999999710e-10, v3;
	v17 =	vmax.f32 v49, v63;
	v47 =	vsub.f32 v19, v63  }
0x15b: {  	[tilespmem:$0x1FD50] =	vst v5;
	v5 =	vmin.f32 v55, v19;
	v57 =	vsub.f32 v41, v42;
	v1 =	vadd.f32 v42, v41  }
0x15c: {  	v55 =	vmovc v63;
	v63 =	vsub.f32 v23, v2;
	(erf) = vrcp.f32 v3;
	v22 =	vld.idx.msk [tilespmem:v56+s26+$0x0], $0xffff;
	v26 =	vmul.f32 v31, v31  }
0x15d: {  	v3 =	vsub.f32 v5, v17;
	v17 =	vmovc v23;
	v8 =	vsub.f32 v1, v57;
	v1 =	vmin.f32 v1, v23;
	v23 =	vld [tilespmem:$0x1F590]  }
0x15e: {  	v5 =	vmul.f32 $5.000000000e-01, v26;
	v26 =	vld [tilespmem:$0x1F5A0];
	_ =	sdelay $0x1  }
0x15f: {  	v24 =	vadd.f32 v32, v10;
	v59 =	vld.idx.msk [tilespmem:v18+s26+$0x0], $0xffff  }
0x160: {  	v46 =	vmul.f32 v30, v30;
	v18 =	vld [tilespmem:$0x1F5C0];
	v42 =	vadd.f32 v22, v15  }
0x161: {  	v41 =	vmul.f32 v24, v35  }
0x162: {  	v11 =	vmul.f32 $5.000000000e-01, v46;
	v20 =	vmax.f32 v57, v2;
	v57 =	vld.idx.msk [tilespmem:v62+s26+$0x0], $0xffff;
	v9 =	vmul.f32 v42, v35  }
0x163: {  	v49 =	vmov v19;
	v19 =	vsub.f32 v41, v5;
	v5 =	vadd.f32 v5, v41;
	v15 =	vld [tilespmem:$0x1F5D0]  }
0x164: {  	v10 =	vsub.f32 v1, v20;
	v20 =	vmax.f32 v63, $0.0e+00;
	v24 =	vsub.f32 v9, v11;
	v62 =	vld.idx.msk [tilespmem:v23+s26+$0x0], $0xffff  }
0x165: {  	v41 =	vmin.f32 v5, v49;
	v9 =	vadd.f32 v11, v9;
	v49 =	vadd.f32 v59, v18;
	v63 =	vld.idx.msk [tilespmem:v26+s26+$0x0], $0xffff  }
0x166: {  	v23 =	vld [tilespmem:$0x1F5E0]  }
0x167: {  	v29 =	vmax.f32 v8, $0.0e+00;
	v14 =	vmin.f32 v9, v17;
	v17 =	vmul.f32 v49, v35;
	v49 =	vld [tilespmem:$0x1F5F0]  }
0x168: {  	v4 =	vmul.f32 v29, v4;
	v42 =	vmax.f32 v24, v2;
	v2 =	vld [tilespmem:$0x1F5B0]  }
0x169: {  	v29 =	vmax.f32 v19, v55;
	v5 =	vsub.f32 v5, v19;
	v8 =	vsub.f32 v9, v24  }
0x16a: {  	v7 =	vmax.f32 v47, $0.0e+00;
	v9 =	vsub.f32 v41, v29;
	v29 =	vld.idx.msk [tilespmem:v51+s26+$0x0], $0xffff  }
0x16b: {  	v5 =	vmax.f32 v5, $0.0e+00;
	v24 =	vld [tilespmem:$0x1F8E0];
	v8 =	vmax.f32 v8, $0.0e+00;
	v51 =	vmul.f32 v63, v63  }
0x16c: {  	v7 =	vmul.f32 v20, v7;
	v11 =	vsub.f32 v14, v42;
	v14 =	vld [tilespmem:$0x1F610];
	v5 =	vmul.f32 v8, v5  }
0x16d: {  	v20 =	vpop (erf);
	v26 =	vld.idx.msk [tilespmem:v15+s26+$0x0], $0xffff;
	v46 =	vadd.f32 v57, v2;
	v19 =	vmul.f32 $5.000000000e-01, v51  }
0x16e: {  	v0 =	vmul.f32 v20, v0;
	v56 =	vadd.f32 v5, v7;
	v51 =	vld.idx.msk [tilespmem:v23+s26+$0x0], $0xffff  }
0x16f: {  	v12 =	vmul.f32 v46, v35;
	v46 =	vsub.f32 v17, v19;
	v5 =	vadd.f32 v19, v17;
	v19 =	vld.idx.msk [tilespmem:v49+s26+$0x0], $0xffff  }
0x170: {  	v47 =	vmul.f32 v62, v62;
	v17 =	vld [tilespmem:$0x1F630]  }
0x171: {  	v4 =	vadd.f32 v4, v7;
	vm5 =	vgt.f32 v0, v6;
	v15 =	vld [tilespmem:$0x1F600];
	v7 =	vadd.f32 v29, v2  }
0x172: {  	v42 =	vsel vm4, $0x1, v58;
	v41 =	vshll.u32 v24, $0x1;
	v13 =	vmul.f32 $5.000000000e-01, v47  }
0x173: {  	v41 =	vor.u32 v42, v41;
	v47 =	vmul.f32 v26, v26;
	v7 =	vmul.f32 v7, v35  }
0x174: {  	v20 =	vld [tilespmem:$0x1F620];
	v8 =	vsub.f32 v12, v13;
	v12 =	vadd.f32 v13, v12;
	v55 =	vmax.f32 v46, v14  }
0x175: {  	v58 =	vadd.f32 v51, v18;
	v42 =	vmin.f32 v5, v17;
	v18 =	vmul.f32 v19, v19  }
0x176: {  	v2 =	vmul.f32 $5.000000000e-01, v47;
	v13 =	vmax.f32 v8, v15;
	v1 =	vsub.f32 v42, v55  }
0x177: {  	v55 =	vsub.f32 v12, v8;
	v8 =	vmul.f32 v58, v35;
	v42 =	vmul.f32 $5.000000000e-01, v18  }
0x178: {  	v0 =	vsel vm5, v0, v6;
	v23 =	vsub.f32 v7, v2  }
0x179: {  	v24 =	vmin.f32 v12, v20;
	v12 =	vsub.f32 v8, v42;
	v8 =	vadd.f32 v42, v8  }
0x17a: {  	[tilespmem:$0x1FD70] =	vst v0;
	v2 =	vadd.f32 v2, v7;
	v0 =	vsub.f32 v24, v13;
	v24 =	vmax.f32 v10, $0.0e+00  }
0x17b: {  	v49 =	vsub.f32 v17, v14;
	v10 =	vsub.f32 v8, v12;
	v8 =	vmin.f32 v8, v17;
	v17 =	vld [tilespmem:$0x1F640];
	_ =	sdelay $0x1  }
0x17c: {  	v58 =	vmin.f32 v2, v20  }
0x17d: {  	v2 =	vsub.f32 v2, v23;
	v6 =	vmax.f32 v55, $0.0e+00;
	v55 =	vmax.f32 v23, v15;
	v23 =	vld [tilespmem:$0x1F650];
	_ =	sdelay $0x2  }
0x17e: {  	v45 =	vld.idx.msk [tilespmem:v45+s26+$0x0], $0xffff  }
0x17f: {  	v44 =	vld.idx.msk [tilespmem:v44+s26+$0x0], $0xffff  }
0x180: {  	v7 =	vmax.f32 v49, $0.0e+00;
	v49 =	vld.idx.msk [tilespmem:v17+s26+$0x0], $0xffff  }
0x181: {  	v3 =	vmax.f32 v3, $0.0e+00;
	v47 =	vsub.f32 v20, v15;
	v5 =	vsub.f32 v5, v46;
	v17 =	vld [tilespmem:$0x1F660]  }
0x182: {  	v0 =	vmax.f32 v0, $0.0e+00;
	v18 =	vmul.f32 v24, v3  }
0x183: {  	v5 =	vmax.f32 v5, $0.0e+00;
	v3 =	vmax.f32 v47, $0.0e+00;
	v24 =	vmax.f32 v9, $0.0e+00;
	v46 =	vld.idx.msk [tilespmem:v23+s26+$0x0], $0xffff  }
0x184: {  	v3 =	vmul.f32 v7, v3;
	v2 =	vmax.f32 v2, $0.0e+00;
	v5 =	vmul.f32 v5, v6  }
0x185: {  	v6 =	vsub.f32 v58, v55;
	v42 =	vmax.f32 v11, $0.0e+00;
	v55 =	vmul.f32 v44, v44  }
0x186: {  	v13 =	vmul.f32 v42, v24;
	v20 =	vmax.f32 v10, $0.0e+00;
	v47 =	vadd.f32 v45, v17  }
0x187: {  	v1 =	vmax.f32 v1, $0.0e+00;
	v2 =	vmul.f32 v20, v2;
	v23 =	vmul.f32 $5.000000000e-01, v55  }
0x188: {  	v15 =	vld [tilespmem:$0x1F670];
	v58 =	vsub.f32 v4, v18;
	v42 =	vmul.f32 v46, v46;
	v20 =	vmul.f32 v47, v35  }
0x189: {  	v7 =	vld [tilespmem:$0x1F6B0];
	v12 =	vmax.f32 v12, v14;
	v14 =	vmul.f32 v1, v0;
	v10 =	vadd.f32 v5, v3  }
0x18a: {  	v0 =	vsub.f32 v20, v23;
	v1 =	vadd.f32 v23, v20;
	v20 =	vmul.f32 $5.000000000e-01, v42;
	v42 =	vld [tilespmem:$0x1F680]  }
0x18b: {  	v2 =	vadd.f32 v2, v3;
	v3 =	vadd.f32 $9.999999710e-10, v58;
	v58 =	vld [tilespmem:$0x1F6C0]  }
0x18c: {  	v11 =	vld [tilespmem:$0x1F690]  }
0x18d: {  	v55 =	vld [tilespmem:$0x1F6A0];
	v24 =	vadd.f32 v49, v15  }
0x18e: {  	v8 =	vsub.f32 v8, v12;
	v56 =	vsub.f32 v56, v13  }
0x18f: {  	(erf) = vrcp.f32 v3;
	v47 =	vmul.f32 v24, v35  }
0x190: {  	v4 =	vld [tilespmem:$0x1F6D0];
	v3 =	vadd.f32 $9.999999710e-10, v56;
	v24 =	vmax.f32 v8, $0.0e+00;
	v23 =	vmax.f32 v6, $0.0e+00  }
0x191: {  	v12 =	vmul.f32 v24, v23;
	v23 =	vld.idx.msk [tilespmem:v43+s26+$0x0], $0xffff;
	v6 =	vsub.f32 v47, v20;
	v8 =	vadd.f32 v20, v47  }
0x192: {  	v47 =	vsub.f32 v10, v14;
	v20 =	vmax.f32 v0, v55;
	v24 =	vld.idx.msk [tilespmem:v42+s26+$0x0], $0xffff;
	v42 =	vmin.f32 v1, v7  }
0x193: {  	(erf) = vrcp.f32 v3;
	v2 =	vsub.f32 v2, v12;
	v3 =	vsub.f32 v42, v20;
	v20 =	vld.idx.msk [tilespmem:v58+s26+$0x0], $0xffff  }
0x194: {  	v43 =	vld.idx.msk [tilespmem:v11+s26+$0x0], $0xffff;
	v47 =	vadd.f32 $9.999999710e-10, v47  }
0x195: {  	v2 =	vadd.f32 $9.999999710e-10, v2  }
0x196: {  	v0 =	vsub.f32 v1, v0;
	(erf) = vrcp.f32 v47;
	v47 =	vmul.f32 v23, v23  }
0x197: {  	v5 =	vld [tilespmem:$0x1F6E0];
	(erf) = vrcp.f32 v2;
	v42 =	vsel vm5, v53, v52;
	v17 =	vadd.f32 v24, v17  }
0x198: {  	v2 =	vmul.f32 $5.000000000e-01, v47;
	v47 =	vsub.f32 v8, v6;
	[tilespmem:$0x1FBF0] =	vst v42;
	v42 =	vmul.f32 v20, v20  }
0x199: {  	v9 =	vmax.f32 v6, v4;
	v53 =	vmul.f32 v17, v35;
	v17 =	vadd.f32 v43, v15  }
0x19a: {  	v0 =	vmax.f32 v0, $0.0e+00;
	v52 =	vld.idx.msk [tilespmem:v28+s26+$0x0], $0xffff;
	v1 =	vmax.f32 v47, $0.0e+00;
	v58 =	vmul.f32 $5.000000000e-01, v42  }
0x19b: {  	v56 =	vmul.f32 v17, v35;
	v17 =	vld.idx.msk [tilespmem:v40+s26+$0x0], $0xffff;
	v40 =	vsub.f32 v53, v2;
	v2 =	vadd.f32 v2, v53  }
0x19c: {  	v11 =	vmin.f32 v8, v5;
	v6 =	vsub.f32 v7, v55;
	v28 =	vld.idx.msk [tilespmem:v50+s26+$0x0], $0xffff;
	v50 =	vmul.f32 v1, v0  }
0x19d: {  	v0 =	vsub.f32 v56, v58;
	v1 =	vadd.f32 v58, v56;
	v42 =	vmin.f32 v2, v7;
	v7 =	vld [tilespmem:$0x1F6F0]  }
0x19e: {  	v10 =	vsub.f32 v11, v9;
	v53 =	vld.idx.msk [tilespmem:v54+s26+$0x0], $0xffff  }
0x19f: {  	v47 =	vmax.f32 v0, v4;
	v11 =	vmin.f32 v1, v5  }
0x1a0: {  	v10 =	vmax.f32 v10, $0.0e+00;
	v3 =	vmax.f32 v3, $0.0e+00;
	v56 =	vsub.f32 v11, v47;
	v47 =	vld [tilespmem:$0x1F700]  }
0x1a1: {  	v9 =	vmul.f32 v10, v3;
	v54 =	vsub.f32 v5, v4;
	v15 =	vmax.f32 v40, v55  }
0x1a2: {  	v10 =	vsub.f32 v42, v15;
	v15 =	vmul.f32 v17, v17;
	v3 =	vadd.f32 v52, v7  }
0x1a3: {  	v40 =	vsub.f32 v2, v40;
	v58 =	vmax.f32 v54, $0.0e+00;
	v11 =	vmul.f32 v53, v53  }
0x1a4: {  	v42 =	vmax.f32 v6, $0.0e+00;
	v15 =	vmul.f32 $5.000000000e-01, v15;
	v2 =	vmul.f32 v3, v35  }
0x1a5: {  	v0 =	vsub.f32 v1, v0;
	v5 =	vmul.f32 v58, v42;
	v8 =	vadd.f32 v28, v47  }
0x1a6: {  	v42 =	vld [tilespmem:$0x1F710];
	v11 =	vmul.f32 $5.000000000e-01, v11;
	v54 =	vsub.f32 v2, v15;
	v3 =	vadd.f32 v15, v2  }
0x1a7: {  	v15 =	vld.idx.msk [tilespmem:v61+s26+$0x0], $0xffff;
	v61 =	vmax.f32 v40, $0.0e+00;
	v2 =	vmax.f32 v0, $0.0e+00;
	v1 =	vmul.f32 v8, v35  }
0x1a8: {  	v58 =	vmul.f32 v2, v61;
	v2 =	vld [tilespmem:$0x1F720]  }
0x1a9: {  	v6 =	vsub.f32 v1, v11;
	v4 =	vadd.f32 v11, v1;
	v1 =	vld [tilespmem:$0x1F730];
	_ =	sdelay $0x4  }
0x1aa: {  	v11 =	vld.idx.msk [tilespmem:v42+s26+$0x0], $0xffff;
	v55 =	vmax.f32 v54, v2;
	v42 =	vmin.f32 v3, v1  }
0x1ab: {  	v61 =	vsub.f32 v42, v55;
	v55 =	vld [tilespmem:$0x1F740]  }
0x1ac: {  	v0 =	vld [tilespmem:$0x1F760]  }
0x1ad: {  	v8 =	vld.idx.msk [tilespmem:v60+s26+$0x0], $0xffff  }
0x1ae: {  	v60 =	vld [tilespmem:$0x1F750];
	_ =	sdelay $0x4  }
0x1af: {  	v10 =	vmax.f32 v10, $0.0e+00;
	v42 =	vmin.f32 v4, v0;
	v40 =	vld.idx.msk [tilespmem:v55+s26+$0x0], $0xffff;
	v55 =	vmax.f32 v6, v60  }
0x1b0: {  	v56 =	vmax.f32 v56, $0.0e+00;
	v3 =	vsub.f32 v3, v54;
	v55 =	vsub.f32 v42, v55  }
0x1b1: {  	v4 =	vsub.f32 v4, v6;
	v42 =	vmul.f32 v56, v10;
	v10 =	vadd.f32 v50, v5  }
0x1b2: {  	v50 =	vmax.f32 v61, $0.0e+00;
	v61 =	vadd.f32 v15, v7;
	v55 =	vmax.f32 v55, $0.0e+00  }
0x1b3: {  	v7 =	vmul.f32 v55, v50;
	v50 =	vadd.f32 v8, v47;
	v47 =	vmul.f32 v11, v11  }
0x1b4: {  	v3 =	vmax.f32 v3, $0.0e+00;
	v54 =	vmul.f32 v61, v35;
	v61 =	vmul.f32 v40, v40  }
0x1b5: {  	v4 =	vmax.f32 v4, $0.0e+00;
	v6 =	vmul.f32 v50, v35;
	v50 =	vmul.f32 $5.000000000e-01, v47  }
0x1b6: {  	v47 =	vsub.f32 v1, v2;
	v35 =	vsub.f32 v0, v60;
	v55 =	vmul.f32 $5.000000000e-01, v61  }
0x1b7: {  	v3 =	vmul.f32 v4, v3;
	v61 =	vsub.f32 v54, v50;
	v4 =	vadd.f32 v50, v54  }
0x1b8: {  	v47 =	vmax.f32 v47, $0.0e+00;
	v35 =	vmax.f32 v35, $0.0e+00;
	v50 =	vsub.f32 v6, v55  }
0x1b9: {  	v56 =	vld [tilespmem:$0x1F780];
	v54 =	vmul.f32 v35, v47;
	v47 =	vmax.f32 v61, v2;
	v2 =	vmin.f32 v4, v1  }
0x1ba: {  	v6 =	vadd.f32 v55, v6;
	v55 =	vsub.f32 v2, v47;
	v47 =	vld [tilespmem:$0x1F770];
	_ =	sdelay $0x3  }
0x1bb: {  	v4 =	vsub.f32 v4, v61;
	v35 =	vmax.f32 v50, v60;
	v50 =	vsub.f32 v6, v50;
	_ =	sdelay $0x1  }
0x1bc: {  	v4 =	vmax.f32 v4, $0.0e+00;
	v50 =	vmax.f32 v50, $0.0e+00  }
0x1bd: {  	v4 =	vmul.f32 v50, v4;
	v50 =	vld.idx.msk [tilespmem:v56+s26+$0x0], $0xffff  }
0x1be: {  	v5 =	vadd.f32 v58, v5;
	v58 =	vld.idx.msk [tilespmem:v47+s26+$0x0], $0xffff;
	_ =	sdelay $0x2  }
0x1bf: {  	v61 =	vld [tilespmem:$0x1F7A0]  }
0x1c0: {  	v10 =	vsub.f32 v10, v9;
	v60 =	vld [tilespmem:$0x1F790]  }
0x1c1: {  	v6 =	vmin.f32 v6, v0;
	v50 =	vsel vm5, v50, v58;
	v58 =	vld [tilespmem:$0x1F7D0]  }
0x1c2: {  	v10 =	vadd.f32 $9.999999710e-10, v10;
	v6 =	vsub.f32 v6, v35;
	_ =	sdelay $0x1  }
0x1c3: {  	(erf) = vrcp.f32 v10;
	v10 =	vld [tilespmem:$0x1F7B0];
	v55 =	vmax.f32 v55, $0.0e+00;
	v6 =	vmax.f32 v6, $0.0e+00  }
0x1c4: {  	v3 =	vadd.f32 v3, v54;
	v6 =	vmul.f32 v6, v55;
	v55 =	vsel vm5, v61, v60;
	v60 =	vld [tilespmem:$0x1F7E0]  }
0x1c5: {  	v5 =	vsub.f32 v5, v42;
	v4 =	vadd.f32 v4, v54;
	v47 =	vld [tilespmem:$0x1F7C0]  }
0x1c6: {  	vm10 =	vne.s32 v21, v25;
	v3 =	vsub.f32 v3, v7;
	v35 =	vpop (erf)  }
0x1c7: {  	vm2 =	vne.s32 v48, v25;
	v5 =	vadd.f32 $9.999999710e-10, v5;
	v54 =	vpop (erf);
	v4 =	vsub.f32 v4, v6  }
0x1c8: {  	v56 =	vsel vm5, v33, v10;
	v3 =	vadd.f32 $9.999999710e-10, v3;
	v10 =	vmul.f32 v54, v13;
	v13 =	vld.idx.msk [tilespmem:v58+s26+$0x0], $0xffff  }
0x1c9: {  	(erf) = vrcp.f32 v5;
	v5 =	vmul.f32 v35, v18;
	v4 =	vadd.f32 $9.999999710e-10, v4;
	v58 =	vld [tilespmem:$0x1F800]  }
0x1ca: {  	vm1 =	vmand vm10, vm2;
	(erf) = vrcp.f32 v3;
	v18 =	vpop (erf);
	v39 =	vsel vm5, v39, v47;
	v47 =	vld [tilespmem:$0x1FF90]  }
0x1cb: {  	vm11 =	vne.s32 v27, v25;
	vm6 =	vgt.f32 v10, v5;
	(erf) = vrcp.f32 v4;
	[tilespmem:$0x1FD80] =	vst v50;
	v50 =	vpop (erf)  }
0x1cc: {  	v54 =	vld [tilespmem:$0x1F7F0];
	v35 =	vsel vm6, v10, v5;
	v4 =	vmul.f32 v18, v14;
	v5 =	vmul.f32 v50, v12  }
0x1cd: {  	vm1 =	vmand vm1, vm11;
	v3 =	vld.idx.msk [tilespmem:v60+s26+$0x0], $0xffff  }
0x1ce: {  	vm12 =	vne.s32 v41, v25;
	v0 =	vimm.s32 $0x0;
	v50 =	vld [tilespmem:$0x1FFA0];
	vm7 =	vgt.f32 v5, v4  }
0x1cf: {  	v2 =	vsel vm5, $0x1, v0;
	v61 =	vshll.u32 v47, $0x1;
	v59 =	vsel vm7, v51, v59;
	v51 =	vld [tilespmem:$0x1F810]  }
0x1d0: {  	v33 =	vor.u32 v2, v61;
	v61 =	vsel vm6, v32, v38;
	v38 =	vsel vm7, v26, v62;
	v26 =	vld [tilespmem:$0x1FFB0]  }
0x1d1: {  	vm15 =	vne.s32 v48, v21;
	vm1 =	vmand vm1, vm12;
	v1 =	vimm.s32 $0x0;
	v14 =	vld.idx.msk [tilespmem:v58+s26+$0x0], $0xffff  }
0x1d2: {  	v10 =	vsel vm6, v22, v37;
	v31 =	vsel vm6, v31, v34;
	v18 =	vimm.s32 $0x0;
	v58 =	vld [tilespmem:$0x1F820]  }
0x1d3: {  	[tilespmem:$0x1FDB0] =	vst v35;
	v35 =	vpop (erf);
	v32 =	vsel vm6, v30, v36;
	v30 =	vsel vm6, $0x1, v0;
	v60 =	vshll.u32 v50, $0x1  }
0x1d4: {  	v37 =	vpop (erf);
	v36 =	vsel vm7, v5, v4;
	vm13 =	vne.s32 v33, v25;
	v22 =	vor.u32 v30, v60  }
0x1d5: {  	v4 =	vmul.f32 v37, v42;
	vm1 =	vmand vm1, vm13;
	vm14 =	vne.s32 v22, v25  }
0x1d6: {  	vm12 =	vne.s32 v22, v48;
	v62 =	vshll.u32 v26, $0x1;
	vm1 =	vmand vm1, vm14  }
0x1d7: {  	v12 =	vld.idx.msk [tilespmem:v54+s26+$0x0], $0xffff;
	v34 =	vsel vm6, v3, v13;
	v13 =	vsel vm7, v29, v57;
	v3 =	vmul.f32 v35, v9  }
0x1d8: {  	v42 =	vld [tilespmem:$0x1FF70];
	[tilespmem:$0x1FDD0] =	vst v38;
	v57 =	vsel vm7, v19, v63;
	v63 =	vsel vm7, $0x1, v1;
	v29 =	vpop (erf);
	vm6 =	vne.s32 v27, v21  }
0x1d9: {  	v19 =	vimm.s32 $0x0;
	[tilespmem:$0x1FDF0] =	vst v57;
	v57 =	vor.u32 v63, v62;
	v38 =	vmul.f32 v29, v7;
	v54 =	vld.idx.msk [tilespmem:v51+s26+$0x0], $0xffff  }
0x1da: {  	vm2 =	vmand vm15, vm6;
	vm6 =	vne.s32 v41, v48;
	v7 =	vimm.s32 $0x0;
	v60 =	vld.idx.msk [tilespmem:v58+s26+$0x0], $0xffff  }
0x1db: {  	[tilespmem:$0x1FEA0] =	vst v36;
	vm8 =	vgt.f32 v4, v3;
	vm3 =	vne.s32 v57, v25;
	vm10 =	vne.s32 v57, v21  }
0x1dc: {  	[tilespmem:$0x1FDA0] =	vst v34;
	v36 =	vpop (erf);
	vm13 =	vne.s32 v57, v48;
	v30 =	vsel vm8, v4, v3;
	v34 =	vsel vm8, v24, v45  }
0x1dd: {  	v5 =	vld [tilespmem:$0x1F840];
	v35 =	vsel vm8, v43, v49;
	v37 =	vsel vm8, v23, v44;
	v3 =	vmul.f32 v36, v6  }
0x1de: {  	v45 =	vsel vm8, v20, v46;
	v46 =	vshll.u32 v42, $0x1;
	v49 =	vsel vm8, $0x1, v1;
	[tilespmem:$0x1FE10] =	vst v34;
	v34 =	vld [tilespmem:$0x1F890]  }
0x1df: {  	vm1 =	vmand vm1, vm3;
	vm3 =	vne.s32 v27, v48;
	v51 =	vsel vm8, v60, v54;
	v54 =	vld [tilespmem:$0x1F830]  }
0x1e0: {  	v36 =	vimm.s32 $0x0;
	[tilespmem:$0x1FE30] =	vst v35;
	v24 =	vor.u32 v49, v46;
	v35 =	vld [tilespmem:$0x1F8A0];
	vm9 =	vgt.f32 v3, v38  }
0x1e1: {  	[tilespmem:$0x1FEF0] =	vst v30;
	vm6 =	vmand vm3, vm6;
	vm3 =	vne.s32 v57, v27;
	v63 =	vsel vm9, v40, v53;
	v40 =	vld [tilespmem:$0x1FFC0]  }
0x1e2: {  	[tilespmem:$0x1FEC0] =	vst v45;
	v30 =	vimm.s32 $0x0;
	v45 =	vimm.s32 $0x0;
	v62 =	vsel vm9, v11, v17;
	v11 =	vld [tilespmem:$0x1F870]  }
0x1e3: {  	vm5 =	vne.s32 v24, v25;
	vm11 =	vne.s32 v24, v21;
	v0 =	vsel vm9, v3, v38;
	v38 =	vld [tilespmem:$0x1F880]  }
0x1e4: {  	vm14 =	vne.s32 v24, v48;
	v43 =	vsel vm9, v15, v52;
	v28 =	vsel vm9, v8, v28  }
0x1e5: {  	v1 =	vsel vm9, $0x1, v1;
	v14 =	vsel vm7, v14, v12;
	vm7 =	vne.s32 v41, v21  }
0x1e6: {  	v53 =	vmul.u32 $0x50, v47;
	[tilespmem:$0x1FF10] =	vst v0;
	v0 =	vld.idx.msk [tilespmem:v5+s26+$0x0], $0xffff;
	vm2 =	vmand vm2, vm7;
	vm7 =	vne.s32 v33, v48  }
0x1e7: {  	v15 =	vmul.u32 $0x50, v34;
	v17 =	vmul.u32 $0x50, v35;
	v6 =	vshll.u32 v40, $0x1;
	v58 =	vld.idx.msk [tilespmem:v54+s26+$0x0], $0xffff  }
0x1e8: {  	[tilespmem:$0x1FE90] =	vst v14;
	v14 =	vmul.u32 $0x50, v38;
	v12 =	vor.u32 v1, v6;
	v1 =	vtrunc.f32 v11;
	v60 =	vld [tilespmem:$0x1F8E0]  }
0x1e9: {  	v6 =	vmul.u32 $0x50, v50;
	v11 =	vmul.u32 $0x50, v26;
	vm0 =	vne.s32 v12, v25  }
0x1ea: {  	vm4 =	vne.s32 v12, v21;
	vm15 =	vne.s32 v12, v48;
	vm8 =	vne.s32 v33, v21  }
0x1eb: {  	v8 =	vld [tilespmem:$0x1F850];
	v25 =	vimm.s32 $0x0;
	vm2 =	vmand vm2, vm8;
	vm8 =	vmand vm1, vm5  }
0x1ec: {  	vm1 =	vne.s32 v12, v27;
	v0 =	vsel vm9, v0, v58;
	vm9 =	vne.s32 v22, v21  }
0x1ed: {  	v9 =	vld [tilespmem:$0x1F860];
	v44 =	vmul.u32 $0x50, v60;
	v58 =	vimm.s32 $0x0;
	vm5 =	vmand vm2, vm9  }
0x1ee: {  	[tilespmem:$0x1FF00] =	vst v0;
	vm2 =	vne.s32 v24, v27;
	v0 =	vsel vm1, $0xFFFFFFFF, v7;
	v7 =	vcvt.f32.s32 v1  }
0x1ef: {  	v20 =	vld [tilespmem:$0x1F8B0];
	vm9 =	vmand vm5, vm10;
	vm10 =	vmand vm6, vm7;
	vm6 =	vne.s32 v41, v27  }
0x1f0: {  	vm7 =	vne.s32 v33, v27;
	vm5 =	vne.s32 v22, v27;
	[tilespmem:$0x1F8D0] =	vst v0;
	v0 =	vtrunc.f32 v8  }
0x1f1: {  	[tilespmem:$0x1FE70] =	vst v37;
	v21 =	vld [tilespmem:$0x1FF80];
	vm11 =	vmand vm9, vm11;
	vm1 =	vmand vm10, vm12;
	v37 =	vcvt.f32.s32 v0  }
0x1f2: {  	v0 =	vtrunc.f32 v9;
	v48 =	vadd.s32 v7, v17;
	vm12 =	vne.s32 v33, v41  }
0x1f3: {  	vm9 =	vmand vm1, vm13;
	v5 =	vcvt.f32.s32 v0;
	vm13 =	vne.s32 v22, v41  }
0x1f4: {  	vm1 =	vne.s32 v24, v41;
	v0 =	vtrunc.f32 v20;
	vm10 =	vmand vm9, vm14  }
0x1f5: {  	vm14 =	vmand vm8, vm0;
	vm8 =	vmand vm11, vm4;
	v49 =	vadd.s32 v37, v14  }
0x1f6: {  	v27 =	vld [tilespmem:$0x1F8C0];
	vm0 =	vne.s32 v57, v41;
	v46 =	vcvt.f32.s32 v0;
	v23 =	vmul.u32 $0x50, v21  }
0x1f7: {  	vm11 =	vne.s32 v38, v35;
	vm12 =	vmand vm12, vm13;
	vm13 =	vne.s32 v35, v21  }
0x1f8: {  	[tilespmem:$0x1FEE0] =	vst v51;
	v51 =	vld [tilespmem:$0x1F8F0];
	v3 =	vsel vm8, $0xFFFFFFFF, v18;
	vm9 =	vmand vm10, vm15;
	v14 =	vadd.s32 v5, v15  }
0x1f9: {  	vm4 =	vne.s32 v49, v48;
	vm10 =	vmand vm6, vm7;
	vm0 =	vmand vm12, vm0  }
0x1fa: {  	v4 =	vld [tilespmem:$0x1F900];
	[tilespmem:$0x1FBA0] =	vst v3;
	v3 =	vsel vm9, $0xFFFFFFFF, v19;
	vm8 =	vne.s32 v14, v48;
	vm9 =	vne.s32 v12, v41  }
0x1fb: {  	v9 =	vadd.s32 v46, v23;
	v0 =	vtrunc.f32 v27;
	vm0 =	vmand vm0, vm1  }
0x1fc: {  	v29 =	vld [tilespmem:$0x1F8D0];
	vm15 =	vmand vm4, vm8;
	vm4 =	vmand vm10, vm5;
	vm10 =	vne.s32 v34, v35  }
0x1fd: {  	v8 =	vld [tilespmem:$0x1F910];
	vm8 =	vne.s32 v14, v9;
	v41 =	vcvt.f32.s32 v0;
	v0 =	vtrunc.f32 v51  }
0x1fe: {  	vm5 =	vmand vm11, vm10;
	vm3 =	vmand vm4, vm3;
	vm11 =	vne.s32 v49, v9  }
0x1ff: {  	vm10 =	vne.s32 v48, v9;
	v52 =	vcvt.f32.s32 v0;
	v0 =	vtrunc.f32 v4  }
0x200: {  	vm4 =	vne.s32 v24, v22;
	v1 =	vsel vm5, $0xFFFFFFFF, v25;
	vm2 =	vmand vm3, vm2  }
0x201: {  	vm3 =	vmand vm11, vm8;
	vm11 =	vnez.u8 v29;
	v54 =	vadd.s32 v41, v44  }
0x202: {  	v20 =	vld [tilespmem:$0x1F930];
	v51 =	vcvt.f32.s32 v0;
	v0 =	vtrunc.f32 v8;
	vm2 =	vmand vm2, vm11  }
0x203: {  	v19 =	vld [tilespmem:$0x1F920];
	vm8 =	vmand vm10, vm3;
	vm10 =	vne.s32 v38, v21;
	vm11 =	vne.s32 v34, v21  }
0x204: {  	vm5 =	vne.s32 v49, v54;
	vm6 =	vne.s32 v14, v54;
	vm7 =	vne.s32 v48, v54  }
0x205: {  	[tilespmem:$0x1FCD0] =	vst v1;
	v44 =	vadd.s32 v52, v53;
	v15 =	vcvt.f32.s32 v0;
	v1 =	vsel vm2, $0xFFFFFFFF, v30  }
0x206: {  	vm2 =	vmand vm10, vm11;
	vm1 =	vmand vm5, vm6;
	vm10 =	vne.s32 v38, v60  }
0x207: {  	vm11 =	vne.s32 v34, v60;
	vm12 =	vne.s32 v49, v44;
	vm3 =	vne.s32 v54, v44  }
0x208: {  	vm5 =	vne.s32 v60, v47;
	v18 =	vadd.s32 v51, v6;
	v0 =	vsub.f32 v20, v19  }
0x209: {  	[tilespmem:$0x1FCE0] =	vst v1;
	v1 =	vsel vm8, $0xFFFFFFFF, v36;
	vm2 =	vmand vm13, vm2;
	vm1 =	vmand vm7, vm1  }
0x20a: {  	v27 =	vld [tilespmem:$0x1F980];
	vm8 =	vne.s32 v9, v54;
	vm13 =	vmand vm0, vm9;
	vm0 =	vmand vm10, vm11  }
0x20b: {  	v29 =	vld [tilespmem:$0x1F990];
	vm9 =	vne.s32 v35, v60;
	vm10 =	vne.s32 v22, v33;
	vm11 =	vne.s32 v57, v33  }
0x20c: {  	[tilespmem:$0x1FF40] =	vst v52;
	vm6 =	vne.s32 v14, v18;
	vm7 =	vne.s32 v12, v22;
	v52 =	vadd.s32 v15, v11  }
0x20d: {  	[tilespmem:$0x1FCF0] =	vst v1;
	v1 =	vsel vm2, $0xFFFFFFFF, v45;
	vm8 =	vmand vm8, vm1;
	vm0 =	vmand vm9, vm0  }
0x20e: {  	vm1 =	vmand vm10, vm11;
	vm10 =	vne.s32 v21, v60;
	vm11 =	vne.s32 v24, v33  }
0x20f: {  	v0 =	vmul.f32 v0, v0;
	[tilespmem:$0x1FD00] =	vst v1;
	v1 =	vsel vm8, $0xFFFFFFFF, v58;
	vm8 =	vne.s32 v14, v44  }
0x210: {  	v2 =	vsub.f32 v29, v27;
	vm9 =	vmand vm12, vm8;
	vm8 =	vne.s32 v48, v44  }
0x211: {  	vm12 =	vmand vm10, vm0;
	vm0 =	vmand vm1, vm11;
	vm10 =	vne.s32 v9, v44  }
0x212: {  	vm11 =	vne.s32 v38, v47;
	vm9 =	vmand vm8, vm9;
	vm8 =	vne.s32 v34, v47  }
0x213: {  	vm1 =	vmand vm10, vm9;
	vm9 =	vmand vm11, vm8;
	vm10 =	vne.s32 v35, v47  }
0x214: {  	vm11 =	vne.s32 v21, v47;
	vm8 =	vne.s32 v12, v33;
	vm2 =	vmand vm10, vm9  }
0x215: {  	vm8 =	vmand vm0, vm8;
	vm10 =	vmand vm3, vm1;
	vm9 =	vne.s32 v57, v22  }
0x216: {  	v23 =	vld [tilespmem:$0x1F960];
	vm3 =	vne.s32 v24, v57;
	vm2 =	vmand vm11, vm2;
	vm0 =	vmand vm9, vm4  }
0x217: {  	v25 =	vld [tilespmem:$0x1F970];
	vm9 =	vne.s32 v48, v18;
	vm11 =	vmand vm5, vm2;
	vm5 =	vne.s32 v49, v18  }
0x218: {  	[tilespmem:$0x1FF50] =	vst v41;
	v41 =	vld [tilespmem:$0x1F9D0];
	vm4 =	vne.s32 v9, v18;
	vm7 =	vmand vm0, vm7;
	vm1 =	vmand vm5, vm6  }
0x219: {  	v8 =	vld [tilespmem:$0x1FAA0];
	vm2 =	vne.s32 v38, v50;
	vm5 =	vne.s32 v54, v18;
	vm9 =	vmand vm9, vm1  }
0x21a: {  	v30 =	vld [tilespmem:$0x1F9A0];
	vm6 =	vne.s32 v44, v18;
	vm0 =	vmand vm4, vm9;
	vm9 =	vne.s32 v34, v50  }
0x21b: {  	v19 =	vld [tilespmem:$0x1F9F0];
	vm0 =	vmand vm5, vm0;
	vm4 =	vmand vm2, vm9;
	vm5 =	vne.s32 v35, v50  }
0x21c: {  	v22 =	vld [tilespmem:$0x1F950];
	vm9 =	vne.s32 v21, v50;
	vm2 =	vne.s32 v60, v50;
	vm6 =	vmand vm6, vm0  }
0x21d: {  	v17 =	vmovc v21;
	v21 =	vld [tilespmem:$0x1F940];
	vm0 =	vmand vm5, vm4;
	vm4 =	vne.s32 v49, v52;
	vm5 =	vne.s32 v14, v52  }
0x21e: {  	v20 =	vld [tilespmem:$0x1FA10];
	vm0 =	vmand vm9, vm0;
	vm1 =	vmand vm4, vm5;
	vm9 =	vne.s32 v48, v52  }
0x21f: {  	v33 =	vld [tilespmem:$0x1F9B0];
	vm5 =	vne.s32 v47, v50;
	vm0 =	vmand vm2, vm0;
	vm1 =	vmand vm9, vm1  }
0x220: {  	v36 =	vld [tilespmem:$0x1F9C0];
	vm9 =	vne.s32 v9, v52;
	vm2 =	vne.s32 v12, v57;
	vm5 =	vmand vm5, vm0  }
0x221: {  	v11 =	vld [tilespmem:$0x1FAC0];
	vm4 =	vmand vm9, vm1;
	vm9 =	vne.s32 v54, v52;
	vm1 =	vne.s32 v38, v26  }
0x222: {  	v27 =	vld [tilespmem:$0x1FA60];
	[tilespmem:$0x1FD10] =	vst v1;
	vm0 =	vne.s32 v34, v26;
	vm2 =	vmand vm3, vm2;
	v1 =	vsub.f32 v22, v21  }
0x223: {  	v29 =	vld [tilespmem:$0x1FA70];
	vm3 =	vmand vm9, vm4;
	vm0 =	vmand vm1, vm0;
	vm4 =	vne.s32 v35, v26  }
0x224: {  	[tilespmem:$0x1FBD0] =	vst v3;
	v3 =	vsub.f32 v33, v30;
	v30 =	vld [tilespmem:$0x1FA80];
	vm9 =	vne.s32 v17, v26;
	vm0 =	vmand vm4, vm0  }
0x225: {  	v17 =	vld [tilespmem:$0x1F9E0];
	v1 =	vmul.f32 v1, v1;
	vm0 =	vmand vm9, vm0;
	vm9 =	vne.s32 v60, v26  }
0x226: {  	v4 =	vsub.f32 v41, v36;
	v33 =	vld [tilespmem:$0x1FA90];
	vm0 =	vmand vm9, vm0  }
0x227: {  	vm9 =	vne.s32 v47, v26;
	v0 =	vadd.f32 v1, v0;
	v1 =	vsub.f32 v25, v23;
	v25 =	vld [tilespmem:$0x1FA40]  }
0x228: {  	vm0 =	vmand vm9, vm0;
	vm9 =	vne.s32 v50, v26;
	v26 =	vld [tilespmem:$0x1FA50]  }
0x229: {  	v53 =	vmul.f32 v3, v3;
	v57 =	vmul.f32 v4, v4;
	v21 =	vld [tilespmem:$0x1FA20]  }
0x22a: {  	v45 =	vmul.f32 v2, v2;
	v23 =	vld [tilespmem:$0x1FA30];
	v2 =	vsub.f32 v19, v17  }
0x22b: {  	v58 =	vadd.f32 v57, v53;
	v22 =	vld [tilespmem:$0x1FA00]  }
0x22c: {  	v41 =	vld [tilespmem:$0x1FB20];
	v19 =	vsub.f32 v33, v30;
	v1 =	vmul.f32 v1, v1;
	v2 =	vmul.f32 v2, v2  }
0x22d: {  	v17 =	vsub.f32 v29, v27;
	v29 =	vld [tilespmem:$0x1FB40];
	v6 =	vsub.f32 v26, v25  }
0x22e: {  	v0 =	vadd.f32 v0, v1;
	v1 =	vadd.f32 v58, v2;
	v58 =	vmul.f32 v19, v19;
	v19 =	vld [tilespmem:$0x1FAE0]  }
0x22f: {  	v17 =	vmul.f32 v17, v17;
	v4 =	vsub.f32 v23, v21;
	v21 =	vld [tilespmem:$0x1FAF0];
	v6 =	vmul.f32 v6, v6  }
0x230: {  	v3 =	vsub.f32 v22, v20;
	v23 =	vld [tilespmem:$0x1FB00]  }
0x231: {  	v0 =	vadd.f32 v0, v45;
	v57 =	vadd.f32 v17, v6;
	v17 =	vld [tilespmem:$0x1FAD0]  }
0x232: {  	v25 =	vld [tilespmem:$0x1FB10]  }
0x233: {  	v3 =	vmul.f32 v3, v3;
	v0 =	vmul.f32 $5.000000000e+00, v0;
	v6 =	vld [tilespmem:$0x1FAB0]  }
0x234: {  	v36 =	vimm.f32 $1.000000000e+00;
	vm0 =	vmand vm9, vm0;
	vm9 =	veq.s32 v49, v14;
	v26 =	vld [tilespmem:$0x1FB30]  }
0x235: {  	v30 =	vld [tilespmem:$0x1FB50];
	v50 =	vsel vm9, $0x0, v36;
	v0 =	vadd.f32 v0, v3  }
0x236: {  	vm9 =	veq.s32 v38, v34;
	[tilespmem:$0x1FF30] =	vst v50;
	v3 =	vsub.f32 v17, v11  }
0x237: {  	v50 =	vld [tilespmem:$0x1FB60];
	v53 =	vmul.f32 v4, v4;
	v4 =	vsub.f32 v21, v19;
	[tilespmem:$0x1FF20] =	vst v0;
	v0 =	vadd.f32 v57, v58  }
0x238: {  	v21 =	vld [tilespmem:$0x1FB80];
	v2 =	vsub.f32 v8, v6;
	v6 =	vsub.f32 v25, v23;
	v3 =	vmul.f32 v3, v3  }
0x239: {  	v1 =	vadd.f32 v1, v53;
	v27 =	vsub.f32 v41, v26;
	v26 =	vld [tilespmem:$0x1FBB0];
	v4 =	vmul.f32 v4, v4  }
0x23a: {  	v57 =	vld [tilespmem:$0x1FB70];
	v6 =	vmul.f32 v6, v6;
	v0 =	vadd.f32 v0, v3;
	v3 =	vsub.f32 v30, v29  }
0x23b: {  	v45 =	vsel vm9, $0x0, v36;
	vm9 =	veq.s32 v12, v24;
	v1 =	vmul.f32 $5.000000000e+00, v1;
	v23 =	vld [tilespmem:$0x1FB90]  }
0x23c: {  	v25 =	vld [tilespmem:$0x1FBA0];
	v2 =	vmul.f32 v2, v2;
	v33 =	vadd.f32 v6, v4;
	v3 =	vmul.f32 v3, v3  }
0x23d: {  	v58 =	vsel vm9, $0x0, v36;
	v36 =	vmul.f32 v27, v27;
	v11 =	vld [tilespmem:$0x1FC30];
	v47 =	vmul.f32 $5.000000000e+00, v0  }
0x23e: {  	v53 =	vadd.f32 v1, v2;
	v1 =	vadd.f32 v33, v3;
	v33 =	vld [tilespmem:$0x1FBE0]  }
0x23f: {  	v4 =	vadd.f32 v47, v36;
	v47 =	vld [tilespmem:$0x1FC00]  }
0x240: {  	v36 =	vld [tilespmem:$0x1FBF0]  }
0x241: {  	v12 =	vsub.f32 v57, v50;
	v50 =	vld [tilespmem:$0x1FC10]  }
0x242: {  	v29 =	vld [tilespmem:$0x1FBC0]  }
0x243: {  	v17 =	vmul.f32 v12, v12;
	v12 =	vsub.f32 v56, v11;
	v11 =	vld [tilespmem:$0x1FC80]  }
0x244: {  	v24 =	vsub.f32 v23, v21;
	v21 =	vsub.f32 v55, v47;
	v55 =	vld [tilespmem:$0x1FC20]  }
0x245: {  	vm1 =	vne.s32 v44, v52;
	v20 =	vsub.f32 v36, v33;
	v33 =	vld [tilespmem:$0x1FC40]  }
0x246: {  	vm1 =	vmand vm1, vm3;
	vm3 =	vne.s32 v18, v52;
	v36 =	vld [tilespmem:$0x1FC50]  }
0x247: {  	vm1 =	vmand vm3, vm1;
	v27 =	vimm.f32 $0.0e+00;
	v30 =	vld [tilespmem:$0x1FBD0];
	v19 =	vmul.f32 v24, v24  }
0x248: {  	v6 =	vsel vm14, $0x3F800000, v27;
	vm9 =	vnez.u8 v25;
	v56 =	vld [tilespmem:$0x1FC70];
	v2 =	vsub.f32 v29, v26  }
0x249: {  	v17 =	vadd.f32 v19, v17;
	v20 =	vmul.f32 v20, v20;
	v24 =	vsub.f32 v55, v50;
	v55 =	vld [tilespmem:$0x1FC60]  }
0x24a: {  	v21 =	vmul.f32 v21, v21;
	v50 =	vmul.f32 v12, v12;
	v12 =	vsub.f32 v31, v11;
	v31 =	vld [tilespmem:$0x1FC90]  }
0x24b: {  	v57 =	vmul.f32 v2, v2;
	v26 =	vsub.f32 v61, v33;
	v29 =	vsub.f32 v10, v36;
	v33 =	vld [tilespmem:$0x1FCA0]  }
0x24c: {  	v0 =	vsel vm9, $0x3F800000, v27;
	vm14 =	vnez.u8 v30;
	v47 =	vadd.f32 v21, v20  }
0x24d: {  	v30 =	vadd.f32 v17, v57;
	v57 =	vmul.f32 v26, v26;
	v61 =	vmul.f32 v29, v29  }
0x24e: {  	v3 =	vsel vm14, $0x3F800000, v27;
	v2 =	vsel vm15, $0x3F800000, v27;
	v26 =	vadd.f32 v47, v50;
	v47 =	vld [tilespmem:$0x1FCC0]  }
0x24f: {  	v10 =	vmul.f32 v12, v12;
	v12 =	vimm.s32 $0x0;
	v21 =	vadd.f32 v61, v57  }
0x250: {  	v20 =	vsub.f32 v56, v55;
	v17 =	vtrunc.f32 v31;
	v36 =	vsub.f32 v39, v33;
	v39 =	vld [tilespmem:$0x1FCB0]  }
0x251: {  	v55 =	vmul.f32 v24, v24;
	v56 =	vmul.u32 $0x50, v42;
	v31 =	vld [tilespmem:$0x1FCD0];
	v33 =	vmul.u32 $0x50, v40  }
0x252: {  	v40 =	vsel vm8, $0x3F800000, v27;
	v25 =	vcvt.f32.s32 v17;
	v20 =	vmul.f32 v20, v20  }
0x253: {  	v10 =	vadd.f32 v21, v10;
	v19 =	vtrunc.f32 v47;
	v57 =	vmul.f32 v36, v36  }
0x254: {  	v47 =	vsel vm0, $0x3F800000, v27;
	v50 =	vcvt.f32.s32 v19;
	v42 =	vadd.f32 v30, v20  }
0x255: {  	v21 =	vadd.f32 v26, v57;
	v30 =	vsel vm11, $0x3F800000, v27;
	v17 =	vsub.f32 v32, v39  }
0x256: {  	v32 =	vadd.s32 v25, v56;
	vm15 =	vnez.u8 v31;
	v39 =	vadd.f32 v1, v55  }
0x257: {  	v36 =	vadd.s32 v50, v33;
	v56 =	vimm.s32 $0x0;
	vm9 =	vne.s32 v49, v32  }
0x258: {  	v57 =	vld [tilespmem:$0x1FCF0];
	vm14 =	vne.s32 v14, v32;
	vm8 =	vne.s32 v54, v36;
	vm11 =	vne.s32 v44, v36  }
0x259: {  	vm0 =	vne.s32 v32, v36;
	v61 =	vmul.f32 v17, v17;
	v17 =	vsel vm15, $0x3F800000, v27  }
0x25a: {  	v55 =	vld [tilespmem:$0x1FCE0];
	vm3 =	vmand vm9, vm14;
	vm9 =	vne.s32 v49, v36;
	v49 =	vsel vm12, $0x3F800000, v27  }
0x25b: {  	vm12 =	vne.s32 v54, v32;
	v54 =	vsel vm5, $0x3F800000, v27;
	vm5 =	vne.s32 v18, v36  }
0x25c: {  	v1 =	vsel vm9, $0xFFFFFFFF, v56;
	vm9 =	vne.s32 v14, v36;
	v10 =	vadd.f32 v10, v61;
	v61 =	vld [tilespmem:$0x1FD00]  }
0x25d: {  	v11 =	vld [tilespmem:$0x1FD10];
	v14 =	vimm.s32 $0x0;
	[tilespmem:$0x1FFD0] =	vst v1;
	vm14 =	vnez.u8 v57;
	v1 =	vsel vm8, $0xFFFFFFFF, v12  }
0x25e: {  	vm8 =	vne.s32 v44, v32;
	v44 =	vsel vm6, $0x3F800000, v27;
	vm6 =	vne.s32 v18, v32  }
0x25f: {  	vm15 =	vnez.u8 v55;
	v26 =	vsel vm14, $0x3F800000, v27;
	vm14 =	vne.s32 v48, v32  }
0x260: {  	v18 =	vld [tilespmem:$0x1FD30];
	[tilespmem:$0x1FFE0] =	vst v1;
	v1 =	vsel vm11, $0xFFFFFFFF, v14;
	v14 =	vsel vm2, $0x3F800000, v27;
	vm2 =	vne.s32 v52, v32  }
0x261: {  	v23 =	vsel vm15, $0x3F800000, v27;
	[tilespmem:$0x1FFF0] =	vst v1;
	v1 =	vld [tilespmem:$0x1FD20];
	vm15 =	vnez.u8 v61;
	v61 =	vsel vm13, $0x3F800000, v27  }
0x262: {  	vm13 =	vnez.u8 v11;
	v20 =	vsel vm15, $0x3F800000, v27;
	vm15 =	vne.s32 v9, v32;
	v32 =	vld [tilespmem:$0x1FD40]  }
0x263: {  	vm4 =	vne.s32 v48, v36;
	v48 =	vsel vm13, $0x3F800000, v27;
	vm13 =	vne.s32 v9, v36;
	v9 =	vld [tilespmem:$0x1FD50]  }
0x264: {  	v57 =	vsel vm1, $0x3F800000, v27;
	vm1 =	vne.s32 v52, v36;
	v36 =	vld [tilespmem:$0x1FD60];
	_ =	sdelay $0x2  }
0x265: {  	v56 =	vld [tilespmem:$0x1FD70];
	v19 =	vsub.f32 v1, v18  }
0x266: {  	v18 =	vld [tilespmem:$0x1FD80]  }
0x267: {  	[tilespmem:$0x1FF60] =	vst v50;
	v13 =	vsub.f32 v13, v32;
	v50 =	vsub.f32 v9, v36;
	v32 =	vmul.f32 v19, v19;
	v19 =	vld [tilespmem:$0x1FD90]  }
0x268: {  	v36 =	vld [tilespmem:$0x1FDC0]  }
0x269: {  	v29 =	vmul.f32 v50, v50;
	v50 =	vld [tilespmem:$0x1FDD0];
	_ =	sdelay $0x1  }
0x26a: {  	v31 =	vld [tilespmem:$0x1FDB0]  }
0x26b: {  	v55 =	vsub.f32 v59, v19;
	v19 =	vld [tilespmem:$0x1FDA0]  }
0x26c: {  	v42 =	vmul.f32 $5.000000000e+00, v42;
	v12 =	vsub.f32 v18, v56  }
0x26d: {  	v11 =	vld [tilespmem:$0x1FE40];
	v13 =	vmul.f32 v13, v13;
	v59 =	vsub.f32 v50, v36;
	v55 =	vmul.f32 v55, v55  }
0x26e: {  	v29 =	vadd.f32 v42, v29;
	v42 =	vld [tilespmem:$0x1FDE0]  }
0x26f: {  	v52 =	vmul.f32 v12, v12;
	v50 =	vld [tilespmem:$0x1FDF0];
	v13 =	vadd.f32 v55, v13;
	v12 =	vmul.f32 v59, v59  }
0x270: {  	v36 =	vld [tilespmem:$0x1FE70];
	v56 =	vsub.f32 v19, v31  }
0x271: {  	v21 =	vmul.f32 $5.000000000e+00, v21;
	v13 =	vadd.f32 v13, v12;
	v12 =	vld [tilespmem:$0x1FE50]  }
0x272: {  	v10 =	vmul.f32 $5.000000000e+00, v10;
	v55 =	vld [tilespmem:$0x1FE10];
	v56 =	vmul.f32 v56, v56  }
0x273: {  	v59 =	vld [tilespmem:$0x1FE30];
	v31 =	vor.u32 $0x800, v16  }
0x274: {  	v52 =	vadd.f32 v21, v52;
	v21 =	vadd.f32 v10, v56;
	v10 =	vadd.s32 v31, v51;
	v51 =	vld [tilespmem:$0x1FE00]  }
0x275: {  	v43 =	vsub.f32 v43, v11;
	v56 =	vld [tilespmem:$0x1FE20]  }
0x276: {  	v39 =	vmul.f32 $5.000000000e+00, v39;
	v5 =	vadd.s32 v31, v5;
	v31 =	vld [tilespmem:$0x1FE60];
	v11 =	vsub.f32 v28, v12  }
0x277: {  	v43 =	vmul.f32 v43, v43  }
0x278: {  	v32 =	vadd.f32 v39, v32;
	v39 =	vsub.f32 v50, v42;
	v50 =	vld [tilespmem:$0x1FE80];
	v11 =	vmul.f32 v11, v11  }
0x279: {  	v12 =	vld [tilespmem:$0x1FE90];
	v42 =	vsub.f32 v55, v51  }
0x27a: {  	v51 =	vsub.f32 v59, v56;
	v11 =	vadd.f32 v11, v43;
	v43 =	vld [tilespmem:$0x1FEA0]  }
0x27b: {  	v39 =	vmul.f32 v39, v39;
	v55 =	vsub.f32 v36, v31  }
0x27c: {  	v56 =	vld [tilespmem:$0x1FED0];
	v42 =	vmul.f32 v42, v42;
	v51 =	vmul.f32 v51, v51  }
0x27d: {  	v13 =	vadd.f32 v13, v39;
	v36 =	vmul.f32 v55, v55;
	v55 =	vld [tilespmem:$0x1FEC0]  }
0x27e: {  	v59 =	vsub.f32 v62, v50;
	v62 =	vadd.f32 v51, v42;
	v51 =	vld [tilespmem:$0x1FEB0]  }
0x27f: {  	v50 =	vsub.f32 v12, v43  }
0x280: {  	v13 =	vmul.f32 $5.000000000e+00, v13  }
0x281: {  	v31 =	vmul.f32 v59, v59;
	v39 =	vadd.f32 v62, v36;
	v62 =	vmul.f32 v50, v50  }
0x282: {  	v59 =	vsub.f32 v63, v56;
	v63 =	vor.u32 $0x1000, v16;
	v43 =	vor.u32 $0x5A, v16  }
0x283: {  	v42 =	vsub.f32 v55, v51;
	v50 =	vadd.f32 v13, v62;
	v13 =	vadd.s32 v63, v15;
	v15 =	vld [tilespmem:$0x1FEE0]  }
0x284: {  	v37 =	vadd.s32 v16, v37;
	v41 =	vmul.f32 v41, v41;
	v62 =	vld [tilespmem:$0x1FEF0]  }
0x285: {  	v24 =	vsel vm7, $0x3F800000, v27;
	v33 =	vsel vm10, $0x3F800000, v27;
	v42 =	vmul.f32 v42, v42  }
0x286: {  	v11 =	vadd.f32 v11, v31;
	v36 =	vld [tilespmem:$0x1FF00];
	v28 =	vmul.f32 v59, v59;
	v51 =	vor.u32 $0x85A, v16  }
0x287: {  	vm3 =	vmand vm14, vm3;
	v59 =	vadd.f32 v39, v42;
	v39 =	vadd.s32 v63, v7;
	v63 =	vld [tilespmem:$0x1FF10]  }
0x288: {  	vm3 =	vmand vm15, vm3;
	v55 =	vor.u32 $0x1800, v16;
	v56 =	vld.idx.msk [tilespmem:v43+s6+$0x0], $0xffff;
	v7 =	vadd.f32 v11, v28  }
0x289: {  	vm3 =	vmand vm12, vm3;
	v46 =	vadd.s32 v55, v46;
	v11 =	vld.idx.msk [tilespmem:v37+s6+$0x0], $0xffff;
	v28 =	vsub.f32 v15, v62  }
0x28a: {  	v37 =	vmul.f32 v22, v22;
	v22 =	vmul.f32 $5.000000000e+00, v7;
	v7 =	vadd.s32 v55, v25;
	v55 =	vld [tilespmem:$0x1FF20]  }
0x28b: {  	vm3 =	vmand vm8, vm3;
	v31 =	vmul.f32 $5.000000000e+00, v59;
	v62 =	vld.idx.msk [tilespmem:v51+s6+$0x0], $0xffff;
	v28 =	vmul.f32 v28, v28  }
0x28c: {  	vm3 =	vmand vm6, vm3;
	v32 =	vmul.f32 v23, v32;
	v42 =	vld.idx.msk [tilespmem:v5+s6+$0x0], $0xffff;
	v5 =	vsub.f32 v36, v63  }
0x28d: {  	v63 =	vor.u32 $0x105A, v16;
	v25 =	vadd.f32 v31, v28;
	v28 =	vmul.f32 v8, v8  }
0x28e: {  	v11 =	vadd.f32 $0.0e+00, v11;
	v31 =	vmul.f32 v6, v37;
	v37 =	vmul.f32 v0, v53  }
0x28f: {  	v5 =	vmul.f32 v5, v5;
	v59 =	vmul.f32 v6, v55;
	v6 =	vadd.f32 v0, v6  }
0x290: {  	v8 =	vmul.f32 v62, v45;
	v0 =	vmul.f32 v0, v28;
	v28 =	vadd.f32 $0.0e+00, v56  }
0x291: {  	v62 =	vmul.f32 v3, v4;
	v5 =	vadd.f32 v22, v5;
	v22 =	vadd.f32 $0.0e+00, v59;
	v59 =	vld [tilespmem:$0x1FF30]  }
0x292: {  	v6 =	vadd.f32 v6, v3;
	v3 =	vmul.f32 v3, v41;
	v41 =	vadd.f32 $1.000000000e+00, v45;
	v56 =	vld.idx.msk [tilespmem:v63+s6+$0x0], $0xffff  }
0x293: {  	v21 =	vmul.f32 v24, v21;
	v31 =	vadd.f32 v0, v31;
	v4 =	vadd.f32 v8, v28;
	v28 =	vld.idx.msk [tilespmem:v39+s6+$0x0], $0xffff  }
0x294: {  	v53 =	vor.u32 $0x185A, v16;
	v22 =	vadd.f32 v22, v37;
	v6 =	vadd.f32 v6, v23  }
0x295: {  	v45 =	vmul.f32 v61, v29;
	v0 =	vor.u32 $0x205A, v16;
	v3 =	vadd.f32 v31, v3  }
0x296: {  	v22 =	vadd.f32 v22, v62;
	v6 =	vadd.f32 v6, v61;
	v42 =	vmul.f32 v42, v59  }
0x297: {  	v55 =	vld [tilespmem:$0x1FF50];
	v62 =	vmul.f32 v1, v1;
	v56 =	vmul.f32 v56, v17;
	v17 =	vadd.f32 v17, v41  }
0x298: {  	v28 =	vmul.f32 v28, v2;
	v6 =	vadd.f32 v6, v40;
	v11 =	vadd.f32 v42, v11;
	v42 =	vld [tilespmem:$0x1FF40]  }
0x299: {  	v39 =	vld.idx.msk [tilespmem:v53+s6+$0x0], $0xffff;
	v22 =	vadd.f32 v22, v32;
	v32 =	vmul.f32 v9, v9;
	v4 =	vadd.f32 v56, v4  }
0x29a: {  	v31 =	vld.idx.msk [tilespmem:v46+s6+$0x0], $0xffff;
	v9 =	vmul.f32 v19, v19;
	v17 =	vadd.f32 v20, v17;
	v6 =	vadd.f32 v6, v24  }
0x29b: {  	v56 =	vld.idx.msk [tilespmem:v0+s6+$0x0], $0xffff;
	v22 =	vadd.f32 v22, v45;
	v45 =	vmul.f32 v15, v15;
	v11 =	vadd.f32 v28, v11  }
0x29c: {  	v28 =	vmul.f32 v61, v32;
	v17 =	vadd.f32 v49, v17;
	v6 =	vadd.f32 v6, v14  }
0x29d: {  	v10 =	vld.idx.msk [tilespmem:v10+s26+$0x0], $0xffff;
	v61 =	vmul.f32 v40, v52;
	v37 =	vadd.s32 v16, v42;
	v16 =	vor.u32 $0x2000, v16  }
0x29e: {  	v52 =	vld [tilespmem:$0x1FFD0];
	v17 =	vadd.f32 v30, v17;
	v6 =	vadd.f32 v6, v58;
	v8 =	vadd.s32 v16, v55  }
0x29f: {  	v55 =	vadd.f32 $1.000000000e+00, v59;
	v59 =	vmul.f32 v23, v62;
	v62 =	vmul.f32 v39, v20  }
0x2a0: {  	vm2 =	vmand vm2, vm3;
	v39 =	vmul.f32 v31, v26;
	v46 =	vmul.f32 v56, v49  }
0x2a1: {  	v43 =	vld.idx.msk [tilespmem:v43+s26+$0x0], $0xffff;
	v56 =	vmul.f32 v18, v18;
	v17 =	vadd.f32 v54, v17;
	v6 =	vadd.f32 $1.000000000e+00, v6  }
0x2a2: {  	v32 =	vld.idx.msk [tilespmem:v13+s26+$0x0], $0xffff;
	v31 =	vmul.f32 v10, v44;
	v2 =	vadd.f32 v2, v55;
	v3 =	vadd.f32 v3, v59  }
0x2a3: {  	vm12 =	vnez.u8 v52;
	v4 =	vadd.f32 v62, v4;
	v11 =	vadd.f32 v39, v11;
	v59 =	vld.idx.msk [tilespmem:v51+s26+$0x0], $0xffff  }
0x2a4: {  	v62 =	vadd.f32 v22, v61;
	v22 =	vmul.f32 v24, v9;
	v39 =	vld [tilespmem:$0x1FF60];
	vm9 =	vmand vm12, vm9  }
0x2a5: {  	v51 =	vld [tilespmem:$0x1FFC0];
	v41 =	vadd.f32 v47, v17;
	vm4 =	vmand vm4, vm9;
	v42 =	vadd.f32 v26, v2  }
0x2a6: {  	v3 =	vadd.f32 v3, v28;
	v28 =	vmul.f32 v40, v56;
	v2 =	vmul.f32 v43, v30  }
0x2a7: {  	v55 =	vld.idx.msk [tilespmem:v37+s26+$0x0], $0xffff;
	v4 =	vadd.f32 v46, v4;
	v30 =	vmul.f32 v12, v12;
	v43 =	vmul.f32 v32, v57  }
0x2a8: {  	v46 =	vmul.f32 v58, v25;
	vm4 =	vmand vm13, vm4;
	v8 =	vld.idx.msk [tilespmem:v8+s6+$0x0], $0xffff;
	v1 =	vadd.f32 v48, v42  }
0x2a9: {  	v3 =	vadd.f32 v3, v28;
	v2 =	vadd.f32 v2, v4;
	v28 =	vld.idx.msk [tilespmem:v63+s26+$0x0], $0xffff;
	v20 =	vmul.f32 v14, v30  }
0x2aa: {  	v42 =	vld [tilespmem:$0x1FF70];
	v29 =	vmul.f32 v59, v54;
	v40 =	vadd.s32 v16, v39;
	vm11 =	vne.s32 v38, v51  }
0x2ab: {  	vm10 =	vne.s32 v34, v51;
	vm12 =	vne.s32 v35, v51;
	v1 =	vadd.f32 v33, v1  }
0x2ac: {  	v3 =	vadd.f32 v3, v22;
	vm10 =	vmand vm11, vm10;
	vm11 =	vne.s32 v60, v51  }
0x2ad: {  	v26 =	vmul.f32 v55, v33;
	v2 =	vadd.f32 v29, v2;
	v33 =	vmul.f32 v14, v50  }
0x2ae: {  	v50 =	vld [tilespmem:$0x1FFB0];
	vm10 =	vmand vm12, vm10;
	v8 =	vmul.f32 v8, v48;
	v1 =	vadd.f32 v44, v1  }
0x2af: {  	v3 =	vadd.f32 v3, v20;
	v44 =	vld [tilespmem:$0x1FF80];
	v37 =	vmul.f32 v28, v47;
	vm15 =	vne.s32 v38, v42  }
0x2b0: {  	v48 =	vld [tilespmem:$0x1FFA0];
	vm14 =	vne.s32 v34, v42;
	v8 =	vadd.f32 v8, v11;
	v11 =	vadd.f32 v62, v21  }
0x2b1: {  	v7 =	vld.idx.msk [tilespmem:v7+s26+$0x0], $0xffff;
	vm7 =	vmand vm15, vm14;
	vm15 =	vne.s32 v35, v42;
	v1 =	vadd.f32 v57, v1  }
0x2b2: {  	v47 =	vld [tilespmem:$0x1FF90];
	v57 =	vmul.f32 v36, v36;
	v2 =	vadd.f32 v37, v2;
	vm7 =	vmand vm15, vm7  }
0x2b3: {  	vm15 =	vne.s32 v60, v42;
	v4 =	vadd.f32 v26, v8;
	v11 =	vadd.f32 v11, v33  }
0x2b4: {  	v8 =	vmul.f32 v58, v45;
	vm13 =	vne.s32 v50, v51;
	v58 =	vsel vm2, $0x3F800000, v27  }
0x2b5: {  	v54 =	vld [tilespmem:$0x1FFE0];
	vm14 =	vne.s32 v44, v42;
	vm9 =	vne.s32 v44, v51;
	vm12 =	vne.s32 v48, v51  }
0x2b6: {  	v60 =	vmul.f32 v7, v58;
	v1 =	vadd.f32 v58, v1;
	v4 =	vadd.f32 v31, v4  }
0x2b7: {  	v55 =	vld [tilespmem:$0x1FFF0];
	vm7 =	vmand vm14, vm7;
	vm14 =	vne.s32 v47, v42;
	v9 =	vadd.f32 v11, v46  }
0x2b8: {  	v3 =	vadd.f32 v3, v8;
	vm9 =	vmand vm9, vm10;
	vm7 =	vmand vm15, vm7  }
0x2b9: {  	vm10 =	vne.s32 v42, v51;
	vm15 =	vne.s32 v48, v42;
	vm7 =	vmand vm14, vm7  }
0x2ba: {  	vm14 =	vne.s32 v50, v42;
	vm7 =	vmand vm15, vm7;
	vm15 =	vnez.u8 v54  }
0x2bb: {  	v49 =	vld.idx.msk [tilespmem:v53+s26+$0x0], $0xffff;
	vm7 =	vmand vm14, vm7;
	vm4 =	vmand vm15, vm4;
	vm14 =	vmand vm11, vm9  }
0x2bc: {  	vm15 =	vnez.u8 v55;
	v53 =	vsel vm7, $0x3F800000, v27;
	vm7 =	vne.s32 v47, v51  }
0x2bd: {  	v0 =	vld.idx.msk [tilespmem:v0+s26+$0x0], $0xffff;
	v4 =	vadd.f32 v43, v4;
	vm4 =	vmand vm15, vm4;
	vm9 =	vmand vm7, vm14  }
0x2be: {  	v56 =	vld.idx.msk [tilespmem:v40+s26+$0x0], $0xffff;
	v5 =	vadd.f32 v9, v5;
	vm11 =	vmand vm5, vm4;
	vm14 =	vmand vm12, vm9  }
0x2bf: {  	v3 =	vadd.f32 v3, v57;
	vm1 =	vmand vm1, vm11;
	vm15 =	vmand vm13, vm14  }
0x2c0: {  	[tilespmem:$0x9100] =	vst v6;
	v8 =	vmul.f32 v49, v53;
	vm0 =	vmand vm0, vm1;
	vm3 =	vmand vm10, vm15  }
0x2c1: {  	[tilespmem:$0x9480] =	vst v27;
	v10 =	vadd.f32 v53, v41;
	v62 =	vsel vm0, $0x3F800000, v27;
	v59 =	vsel vm3, $0x3F800000, v27  }
0x2c2: {  	[tilespmem:$0x9180] =	vst v5;
	v2 =	vadd.f32 v8, v2;
	v1 =	vadd.f32 v62, v1;
	v0 =	vmul.f32 v0, v59  }
0x2c3: {  	v4 =	vadd.f32 v60, v4;
	[tilespmem:$0x9200] =	vst v3;
	v63 =	vmul.f32 v56, v62;
	v61 =	vadd.f32 v59, v10  }
0x2c4: {  	[tilespmem:$0x9380] =	vst v1;
	v0 =	vadd.f32 v0, v2  }
0x2c5: {  	[tilespmem:$0x9280] =	vst v61;
	v2 =	vadd.f32 v63, v4  }
0x2c6: {  	s29 =	sadd.s32 $0x1A000, s3;
	s30 =	sshll.u32 s1, $0x7;
	[tilespmem:$0x9300] =	vst v0  }
0x2c7: {  	s31 =	simm.s32 $0x9100;
	s3 =	sadd.s32 s29, s30;
	[tilespmem:$0x9400] =	vst v2  }
0x2c8: {  	[hbm4b:s3+s2] =	stream.linear.scatter [tilespmem:s31], [sflag:$0x2], $0x400, $0x38;
	[tilespmem:$0x9500] =	vst v63  }
0x2c9: {  	_ =	swait.ge [sflag:s24], $0x400  }
0x2ca: {  	[sflag:s24] =	ssyncset.done $0x0  }
0x2cb: {  	[sflag:s24] =	ssyncadd.s32 $0xFFFFFC00  }
.LBB2_2:
0x2cc: {  	_ =	sfence.sel $0x180000  }
0x2cd: {  	[bflag:$0x0] =	sbarrier.arrive $0xFFFF  }
0x2ce: {  	p0 =	sne.s32 s1, $0x0;
	_ =	strace $0x90000047  }
0x2cf: {  	s0 =	sadd.s32 @!p0 $0x100000, s0;
	[bflag:$0x2] =	sbarrier.arrive $0xFFFF  }
0x2d0: {  	[sflag:s0] =	ssyncadd.tile.s32 @!p0 $0x1;
	_ =	shalt  }
.Lfunc_end2:
_tile_overlayer_lowered:
.L_overlay_start_2:
0x2d1: {  	(tag) =	ssettag $0x2  }
0x2d2: {  	s0 =	rddreg [dreg:$0x0];
	s2 =	stileid.u32  }
0x2d3: {  	s1 =	rddreg [dreg:$0x1];
	p0 =	sne.s32 s2, $0x0  }
0x2d4: {  	s3 =	rddreg [dreg:$0x2];
	[bflag:$0x3] =	sbarrier.arrive $0xFFFF;
	s2 =	simm.s32 @!p0 $0x1C02  }
0x2d5: {  	[timem:s3], [sflag:s2] =	dma.local @!p0 [hbm:s0], s1  }
0x2d6: {  	s0 =	simm.s32 @!p0 $0x2  }
0x2d7: {  	_ =	swait.ge @!p0 [sflag:s0], s1  }
0x2d8: {  	s1 =	ssub.s32 @!p0 $0x0, s1;
	[sflag:s0] =	ssyncset.done @!p0 $0x0  }
0x2d9: {  	[sflag:s0] =	ssyncadd.s32 @!p0 s1  }
0x2da: {  	[bflag:$0x3] =	sbarrier.arrive $0xFFFF  }
0x2db: {  	_ =	shalt  }

</sc_bundles>
